<compile_context>
chip_gen: v7x
topology: tpu7x:2x2x1
jax: 0.10.2.dev20260603
libtpu: 0.0.44.dev20260713+nightly
codegen_flags: <defaults>
</compile_context>

<pallas_src>
import functools

import jax
import jax.numpy as jnp
from jax import lax
from jax.experimental import pallas as pl
from jax.experimental.pallas import tpu as pltpu
from jax.experimental.pallas import tpu_sc as plsc

N = 10000
E = 320000
NC = 2
NS = 16
NW = NC * NS
K = 80
CH_X2 = 252
CH_ES = 128
RING = 4
TRASH = N
RPT = 624
LO_BASE = NS * RPT
LO = N - LO_BASE
BN_EPS = 1e-5

_sds = jax.ShapeDtypeStruct


def _mesh():
    return plsc.VectorSubcoreMesh(core_axis_name="c", subcore_axis_name="s",
                                  num_cores=NC, num_subcores=NS)


def _make_prop(C, CH, TR):
    @functools.partial(
        pl.kernel,
        out_type=_sds((NC, N, C), jnp.float32),
        mesh=_mesh(),
        scratch_types=[
            pltpu.VMEM((CH, K), jnp.int32),
            pltpu.VMEM((CH, K), jnp.int32),
            pltpu.VMEM((RING, K, C), jnp.float32),
            pltpu.VMEM_SHARED((N + 8, C), jnp.float32),
            [pltpu.SemaphoreType.DMA] * RING,
            [pltpu.SemaphoreType.DMA] * RING,
        ],
        compiler_params=pltpu.CompilerParams(use_tc_tiling_on_sc=False),
    )
    def prop(z_hbm, zeros_hbm, row_hbm, col_hbm, out_hbm,
             rowv, colv, gbuf, acc, gsems, ssems):
        cid = lax.axis_index("c")
        sid = lax.axis_index("s")
        wid = cid * NS + sid
        base = sid * RPT
        pltpu.sync_copy(zeros_hbm.at[pl.ds(base, RPT)], acc.at[pl.ds(base, RPT)])

        @pl.when(sid == 0)
        def _():
            pltpu.sync_copy(zeros_hbm.at[pl.ds(LO_BASE, LO)],
                            acc.at[pl.ds(LO_BASE, LO)])

        pltpu.sync_copy(row_hbm.at[wid], rowv)
        pltpu.sync_copy(col_hbm.at[wid], colv)
        plsc.subcore_barrier()

        rounds = CH // RING
        for s in range(RING):
            pltpu.async_copy(z_hbm.at[rowv.at[s]], gbuf.at[s], gsems[s])

        def round_fn(r, carry):
            j0 = r * RING
            for s in range(RING):
                pltpu.make_async_copy(z_hbm.at[rowv.at[j0 + s]],
                                      gbuf.at[s], gsems[s]).wait()
                pltpu.async_copy(gbuf.at[s], acc.at[colv.at[j0 + s]],
                                 ssems[s], add=True)

            @pl.when(r < rounds - 1)
            def _():
                for s in range(RING):
                    pltpu.make_async_copy(gbuf.at[s], acc.at[colv.at[j0 + s]],
                                          ssems[s]).wait()
                    pltpu.async_copy(z_hbm.at[rowv.at[j0 + RING + s]],
                                     gbuf.at[s], gsems[s])
            return carry

        lax.fori_loop(0, rounds, round_fn, 0)
        for s in range(RING):
            pltpu.make_async_copy(gbuf.at[s], acc.at[colv.at[CH - RING + s]],
                                  ssems[s]).wait()

        plsc.subcore_barrier()
        pltpu.sync_copy(acc.at[pl.ds(base, RPT)], out_hbm.at[cid, pl.ds(base, RPT)])

        @pl.when(sid == 0)
        def _():
            pltpu.sync_copy(acc.at[pl.ds(LO_BASE, LO)],
                            out_hbm.at[cid, pl.ds(LO_BASE, LO)])

    return prop


_prop64x2 = _make_prop(64, CH_X2, 2 * N)
_prop64 = _make_prop(64, CH_ES, N)


@functools.partial(
    pl.kernel,
    out_type=_sds((NC, N, 16), jnp.float32),
    mesh=_mesh(),
    scratch_types=[
        pltpu.VMEM((CH_ES, K), jnp.int32),
        pltpu.VMEM((K, 16), jnp.float32),
        pltpu.VMEM_SHARED((N + 8, 16), jnp.float32),
        pltpu.SemaphoreType.DMA,
    ],
    compiler_params=pltpu.CompilerParams(use_tc_tiling_on_sc=False),
)
def _deg_kernel(ones_hbm, zeros_hbm, col_hbm, out_hbm, colv, obuf, acc, ssem):
    cid = lax.axis_index("c")
    sid = lax.axis_index("s")
    wid = cid * NS + sid
    base = sid * RPT
    pltpu.sync_copy(zeros_hbm.at[pl.ds(base, RPT)], acc.at[pl.ds(base, RPT)])

    @pl.when(sid == 0)
    def _():
        pltpu.sync_copy(zeros_hbm.at[pl.ds(LO_BASE, LO)],
                        acc.at[pl.ds(LO_BASE, LO)])

    pltpu.sync_copy(ones_hbm, obuf)
    pltpu.sync_copy(col_hbm.at[wid], colv)
    plsc.subcore_barrier()

    def step(j, carry):
        pltpu.async_copy(obuf, acc.at[colv.at[j]], ssem, add=True)
        return carry

    lax.fori_loop(0, CH_ES, step, 0)

    def drain(j, carry):
        pltpu.make_async_copy(obuf, acc.at[colv.at[j]], ssem).wait()
        return carry

    lax.fori_loop(0, CH_ES, drain, 0)
    plsc.subcore_barrier()
    pltpu.sync_copy(acc.at[pl.ds(base, RPT)], out_hbm.at[cid, pl.ds(base, RPT)])

    @pl.when(sid == 0)
    def _():
        pltpu.sync_copy(acc.at[pl.ds(LO_BASE, LO)],
                        out_hbm.at[cid, pl.ds(LO_BASE, LO)])


R = 2000
G = N // R


def _full(shape):
    return pl.BlockSpec(shape, lambda i: tuple(0 for _ in shape))


def _rows(c):
    return pl.BlockSpec((R, c), lambda i: (i, 0))


def _halves():
    return pl.BlockSpec((2, R, 64), lambda i: (0, i, 0))


def _tc_prep(degp, x, w00, b00):
    def body(degp_r, x_r, w_r, b_r, dis_r, z1s_r, xw0_r):
        deg = degp_r[0, :, 0:1] + degp_r[1, :, 0:1] + 1.0
        dis = lax.rsqrt(deg)
        dis_r[...] = dis
        z1 = x_r[...] * dis
        z1s_r[0] = z1[:, :64]
        z1s_r[1] = z1[:, 64:]
        xw0_r[...] = jnp.dot(x_r[...], w_r[...],
                             preferred_element_type=jnp.float32) + b_r[...]

    return pl.pallas_call(
        body,
        grid=(G,),
        in_specs=[pl.BlockSpec((2, R, 16), lambda i: (0, i, 0)),
                  _rows(128), _full((128, 128)), _full((1, 128))],
        out_specs=[_rows(1), _halves(), _rows(128)],
        out_shape=[_sds((N, 1), jnp.float32),
                   _sds((2, N, 64), jnp.float32),
                   _sds((N, 128), jnp.float32)],
    )(degp, x, w00, b00)


def _tc_combine_a(pa, z1s, dis):
    def body(pa_r, z1s_r, dis_r, p1_r, z2s_r):
        dis_v = dis_r[...]
        acat = jnp.concatenate([pa_r[0] + z1s_r[0], pa_r[1] + z1s_r[1]], axis=1)
        p1 = dis_v * acat
        p1_r[...] = p1
        z2 = dis_v * p1
        z2s_r[0] = z2[:, :64]
        z2s_r[1] = z2[:, 64:]

    return pl.pallas_call(
        body,
        grid=(G,),
        in_specs=[_halves(), _halves(), _rows(1)],
        out_specs=[_rows(128), _halves()],
        out_shape=[_sds((N, 128), jnp.float32), _sds((2, N, 64), jnp.float32)],
    )(pa, z1s, dis)


def _tc_big(pb, z2s, dis, p1, xw0, w01, b01, w02, b02,
            bn_g, bn_b, bn_rm, bn_rv, w10, b10, w12):
    def body(pb_r, z2s_r, dis_r, p1_r, xw0_r, w01_r, b01_r, w02_r, b02_r,
             g_r, be_r, rm_r, rv_r, w10_r, b10_r, w12_r, hw0_r, z3s_r):
        dis_v = dis_r[...]
        p2 = dis_v * jnp.concatenate([pb_r[0] + z2s_r[0], pb_r[1] + z2s_r[1]],
                                     axis=1)
        o2 = jnp.dot(p1_r[...], w01_r[...],
                     preferred_element_type=jnp.float32) + b01_r[...]
        o3 = jnp.dot(p2, w02_r[...],
                     preferred_element_type=jnp.float32) + b02_r[...]
        hcat = jnp.concatenate([xw0_r[...], o2, o3], axis=1)
        scale = g_r[...] * lax.rsqrt(rv_r[...] + BN_EPS)
        shift = be_r[...] - rm_r[...] * scale
        h = jnp.maximum(hcat * scale + shift, 0.0)
        hw0_r[...] = jnp.dot(h, w10_r[...],
                             preferred_element_type=jnp.float32) + b10_r[...]
        z3 = dis_v * jnp.dot(h, w12_r[...], preferred_element_type=jnp.float32)
        z3s_r[0] = z3[:, :64]
        z3s_r[1] = z3[:, 64:]

    return pl.pallas_call(
        body,
        grid=(G,),
        in_specs=[_halves(), _halves(), _rows(1), _rows(128), _rows(128),
                  _full((128, 128)), _full((1, 128)),
                  _full((128, 128)), _full((1, 128)),
                  _full((1, 384)), _full((1, 384)), _full((1, 384)), _full((1, 384)),
                  _full((384, 64)), _full((1, 64)), _full((384, 128))],
        out_specs=[_rows(64), _halves()],
        out_shape=[_sds((N, 64), jnp.float32), _sds((2, N, 64), jnp.float32)],
    )(pb, z2s, dis, p1, xw0, w01, b01, w02, b02,
      bn_g, bn_b, bn_rm, bn_rv, w10, b10, w12)


def _tc_mid(pc, z3s, dis, b11):
    def body(pc_r, z3s_r, dis_r, b11_r, v1b_r, z4_r):
        dis_v = dis_r[...]
        v1b_r[...] = dis_v * (pc_r[0] + z3s_r[0]) + b11_r[...]
        z4_r[...] = dis_v * (dis_v * (pc_r[1] + z3s_r[1]))

    return pl.pallas_call(
        body,
        grid=(G,),
        in_specs=[_halves(), _halves(), _rows(1), _full((1, 64))],
        out_specs=[_rows(64), _rows(64)],
        out_shape=[_sds((N, 64), jnp.float32), _sds((N, 64), jnp.float32)],
    )(pc, z3s, dis, b11)


def _tc_final(pd, z4, dis, hw0, v1b, b12):
    def body(pd_r, z4_r, dis_r, hw0_r, v1b_r, b12_r, out_r):
        w2 = dis_r[...] * (pd_r[0] + pd_r[1] + z4_r[...]) + b12_r[...]
        g = jnp.concatenate([hw0_r[...], v1b_r[...], w2], axis=1)
        m = jnp.max(g, axis=1, keepdims=True)
        e = jnp.exp(g - m)
        s = jnp.sum(e, axis=1, keepdims=True)
        out_r[...] = g - m - jnp.log(s)

    return pl.pallas_call(
        body,
        grid=(G,),
        in_specs=[_halves(), _rows(64), _rows(1), _rows(64), _rows(64),
                  _full((1, 64))],
        out_specs=_rows(192),
        out_shape=_sds((N, 192), jnp.float32),
    )(pd, z4, dis, hw0, v1b, b12)


def kernel(x, edge_index, W0_0, b0_0, W0_1, b0_1, W0_2, b0_2,
           bn_gamma, bn_beta, bn_rm, bn_rv,
           W1_0, b1_0, W1_1, b1_1, W1_2, b1_2):
    row = edge_index[0]
    col = edge_index[1]
    pad_x2 = NS * CH_X2 * K - E
    pad_es = NW * CH_ES * K - E
    r16 = jnp.concatenate(
        [row.reshape(NS, E // NS),
         jnp.zeros((NS, pad_x2 // NS), jnp.int32)], axis=1).reshape(NS, CH_X2, K)
    c16 = jnp.concatenate(
        [col.reshape(NS, E // NS),
         jnp.full((NS, pad_x2 // NS), TRASH, jnp.int32)], axis=1).reshape(NS, CH_X2, K)
    row_x2 = jnp.concatenate([r16, r16 + N], axis=0)
    col_x2 = jnp.concatenate([c16, c16], axis=0)
    row_es = jnp.concatenate(
        [row.reshape(NW, E // NW),
         jnp.zeros((NW, pad_es // NW), jnp.int32)], axis=1).reshape(NW, CH_ES, K)
    col_es = jnp.concatenate(
        [col.reshape(NW, E // NW),
         jnp.full((NW, pad_es // NW), TRASH, jnp.int32)], axis=1).reshape(NW, CH_ES, K)

    ones16 = jnp.ones((K, 16), jnp.float32)
    zeros16 = jnp.zeros((N, 16), jnp.float32)
    zeros64 = jnp.zeros((N, 64), jnp.float32)

    b1_1r = b1_1.reshape(1, 64)
    b1_2r = b1_2.reshape(1, 64)
    w12 = jnp.concatenate([W1_1, W1_2], axis=1)
    bn4 = [p.reshape(1, 384) for p in (bn_gamma, bn_beta, bn_rm, bn_rv)]

    degp = _deg_kernel(ones16, zeros16, col_es)
    dis, z1s, xw0 = _tc_prep(degp, x, W0_0, b0_0.reshape(1, 128))

    pa = _prop64x2(z1s.reshape(2 * N, 64), zeros64, row_x2, col_x2)
    p1, z2s = _tc_combine_a(pa, z1s, dis)

    pb = _prop64x2(z2s.reshape(2 * N, 64), zeros64, row_x2, col_x2)
    hw0, z3s = _tc_big(pb, z2s, dis, p1, xw0, W0_1, b0_1.reshape(1, 128),
                       W0_2, b0_2.reshape(1, 128), *bn4,
                       W1_0, b1_0.reshape(1, 64), w12)

    pc = _prop64x2(z3s.reshape(2 * N, 64), zeros64, row_x2, col_x2)
    v1b, z4 = _tc_mid(pc, z3s, dis, b1_1r)

    pd = _prop64(z4, zeros64, row_es, col_es)
    return _tc_final(pd, z4, dis, hw0, v1b, b1_2r)

# --- scband reference (transcript-rebuilt; emitter-appended) ---
"""Pipeline reference for scband-mix-hop-14370960572521 (READ-ONLY COPY).

The authoritative reference and input builder live on the scoring server;
editing this copy changes nothing except your own understanding.
"""

import jax, jax.numpy as jnp
import numpy as np

N = 10000
E = 320000
IN_C = 128
HID = 128
OUT_C = 64
BN_EPS = 1e-5


def _glorot(key, shape):
    fan_in, fan_out = shape
    lim = (6.0 / (fan_in + fan_out)) ** 0.5
    return jax.random.uniform(key, shape, jnp.float32, -lim, lim)


def setup_inputs(seed: int = 0) -> dict:
    key = jax.random.key(seed)
    ks = jax.random.split(key, 16)
    inp = {}
    inp['x'] = jax.random.normal(ks[0], (N, IN_C), jnp.float32)
    inp['edge_index'] = jax.random.randint(ks[1], (2, E), 0, N, dtype=jnp.int32)
    # MixHopConv layer 0: powers [0,1,2], Linear(IN_C, HID) each
    inp['W0_0'] = _glorot(ks[2], (IN_C, HID)); inp['b0_0'] = jnp.zeros((HID,), jnp.float32)
    inp['W0_1'] = _glorot(ks[3], (IN_C, HID)); inp['b0_1'] = jnp.zeros((HID,), jnp.float32)
    inp['W0_2'] = _glorot(ks[4], (IN_C, HID)); inp['b0_2'] = jnp.zeros((HID,), jnp.float32)
    # BatchNorm1d(HID*3), eval mode (running stats)
    inp['bn_gamma'] = jnp.ones((3 * HID,), jnp.float32)
    inp['bn_beta'] = jnp.zeros((3 * HID,), jnp.float32)
    inp['bn_rm'] = jnp.zeros((3 * HID,), jnp.float32)
    inp['bn_rv'] = jnp.ones((3 * HID,), jnp.float32)
    # MixHopConv layer 1: powers [0,1,2], Linear(3*HID, OUT_C) each
    inp['W1_0'] = _glorot(ks[5], (3 * HID, OUT_C)); inp['b1_0'] = jnp.zeros((OUT_C,), jnp.float32)
    inp['W1_1'] = _glorot(ks[6], (3 * HID, OUT_C)); inp['b1_1'] = jnp.zeros((OUT_C,), jnp.float32)
    inp['W1_2'] = _glorot(ks[7], (3 * HID, OUT_C)); inp['b1_2'] = jnp.zeros((OUT_C,), jnp.float32)
    return inp


def _gcn_norm(edge_index, num_nodes):
    # gcn_norm with add_self_loops=True, edge_weight=1
    loop = jnp.arange(num_nodes, dtype=edge_index.dtype)
    row = jnp.concatenate([edge_index[0], loop])
    col = jnp.concatenate([edge_index[1], loop])
    w = jnp.ones(row.shape[0], jnp.float32)
    deg = jnp.zeros((num_nodes,), jnp.float32).at[col].add(w)
    dis = jnp.where(deg > 0, jax.lax.rsqrt(jnp.maximum(deg, 1e-12)), 0.0)
    norm = dis[row] * w * dis[col]
    return row, col, norm


def _propagate(x, row, col, norm, num_nodes):
    msg = x[row] * norm[:, None]
    return jnp.zeros((num_nodes, x.shape[1]), x.dtype).at[col].add(msg)


def _mixhop_conv(x, row, col, norm, Ws, bs):
    num_nodes = x.shape[0]
    outs = [x @ Ws[0] + bs[0]]
    h = x
    for W, b in zip(Ws[1:], bs[1:]):
        h = _propagate(h, row, col, norm, num_nodes)
        outs.append(h @ W + b)
    return jnp.concatenate(outs, axis=-1)


def reference(x, edge_index, W0_0, b0_0, W0_1, b0_1, W0_2, b0_2,
              bn_gamma, bn_beta, bn_rm, bn_rv,
              W1_0, b1_0, W1_1, b1_1, W1_2, b1_2):
    row, col, norm = _gcn_norm(edge_index, x.shape[0])
    h = _mixhop_conv(x, row, col, norm, [W0_0, W0_1, W0_2], [b0_0, b0_1, b0_2])
    # BatchNorm1d in eval mode (running stats), dropout inactive in eval
    h = (h - bn_rm) * jax.lax.rsqrt(bn_rv + BN_EPS) * bn_gamma + bn_beta
    h = jax.nn.relu(h)
    h = _mixhop_conv(h, row, col, norm, [W1_0, W1_1, W1_2], [b1_0, b1_1, b1_2])
    return jax.nn.log_softmax(h, axis=1)

if __name__ == "__main__":
    import jax
    _d = setup_inputs()
    print(jax.jit(kernel)(*tuple(_d.values())))

</pallas_src>

<mosaic_0001>
#map = affine_map<(d0, d1) -> (0, 0)>
#map1 = affine_map<(d0, d1) -> (0, 0, 0)>
module attributes {stable_mosaic.version = 14 : i64} {
  func.func @prop(%arg0: i32, %arg1: i32, %arg2: memref<20000x64xf32, #tpu.memory_space<hbm>>, %arg3: memref<10000x64xf32, #tpu.memory_space<hbm>>, %arg4: memref<32x252x80xi32, #tpu.memory_space<hbm>>, %arg5: memref<32x252x80xi32, #tpu.memory_space<hbm>>, %arg6: memref<2x10000x64xf32, #tpu.memory_space<hbm>>, %arg7: memref<252x80xi32, #tpu.memory_space<vmem>>, %arg8: memref<252x80xi32, #tpu.memory_space<vmem>>, %arg9: memref<4x80x64xf32, #tpu.memory_space<vmem>>, %arg10: memref<10008x64xf32, #tpu.memory_space<vmem_shared>>, %arg11: memref<!tpu.dma_semaphore, #tpu.memory_space<semaphore_mem>>, %arg12: memref<!tpu.dma_semaphore, #tpu.memory_space<semaphore_mem>>, %arg13: memref<!tpu.dma_semaphore, #tpu.memory_space<semaphore_mem>>, %arg14: memref<!tpu.dma_semaphore, #tpu.memory_space<semaphore_mem>>, %arg15: memref<!tpu.dma_semaphore, #tpu.memory_space<semaphore_mem>>, %arg16: memref<!tpu.dma_semaphore, #tpu.memory_space<semaphore_mem>>, %arg17: memref<!tpu.dma_semaphore, #tpu.memory_space<semaphore_mem>>, %arg18: memref<!tpu.dma_semaphore, #tpu.memory_space<semaphore_mem>>) attributes {dimension_semantics = [#tpu.dimension_semantics<core_parallel>, #tpu.dimension_semantics<subcore_parallel>], iteration_bounds = array<i64: 2, 16>, scalar_prefetch = 0 : i64, scratch_operands = 12 : i64, tpu.core_type = #tpu.core_type<sc_vector_subcore>, window_params = [{transform_indices = #map}, {transform_indices = #map}, {transform_indices = #map1}, {transform_indices = #map1}, {transform_indices = #map1}]} {
    %mul3A = arith.constant 16 : i32
    %mul3A_0 = arith.muli %arg0, %mul3A : i32
    %add3A = arith.addi %mul3A_0, %arg1 : i32
    %mul3A_1 = arith.constant 624 : i32
    %mul3A_2 = arith.muli %arg1, %mul3A_1 : i32
    "tpu.region"() ({
      %run_scoped3A = tpu.sem_alloc : memref<!tpu.dma_semaphore, #tpu.memory_space<semaphore_mem>>
      %dma_start3A_110 = arith.constant 0 : i32
      %dma_start3A_111 = tpu.memref_slice %arg10[%mul3A_2, %dma_start3A_110] : memref<10008x64xf32, #tpu.memory_space<vmem_shared>> -> memref<624x64xf32, #tpu.memory_space<vmem_shared>>
      %dma_start3A_112 = arith.constant 0 : i32
      %dma_start3A_113 = tpu.memref_slice %arg3[%mul3A_2, %dma_start3A_112] : memref<10000x64xf32, #tpu.memory_space<hbm>> -> memref<624x64xf32, #tpu.memory_space<hbm>>
      tpu.enqueue_dma source(%dma_start3A_113 : memref<624x64xf32, #tpu.memory_space<hbm>>) target(%dma_start3A_111 : memref<624x64xf32, #tpu.memory_space<vmem_shared>>) target_semaphore(%run_scoped3A : memref<!tpu.dma_semaphore, #tpu.memory_space<semaphore_mem>>)
      %dma_wait3A_114 = arith.constant 0 : i32
      %dma_wait3A_115 = tpu.memref_slice %arg10[%mul3A_2, %dma_wait3A_114] : memref<10008x64xf32, #tpu.memory_space<vmem_shared>> -> memref<624x64xf32, #tpu.memory_space<vmem_shared>>
      %dma_wait3A_116 = arith.constant 0 : i32
      %dma_wait3A_117 = tpu.memref_slice %arg3[%mul3A_2, %dma_wait3A_116] : memref<10000x64xf32, #tpu.memory_space<hbm>> -> memref<624x64xf32, #tpu.memory_space<hbm>>
      tpu.wait_dma2 semaphore(%run_scoped3A : memref<!tpu.dma_semaphore, #tpu.memory_space<semaphore_mem>>) src(%dma_wait3A_117 : memref<624x64xf32, #tpu.memory_space<hbm>>) dst(%dma_wait3A_115 : memref<624x64xf32, #tpu.memory_space<vmem_shared>>)
      tpu.yield
    }) : () -> ()
    %eq3A = arith.constant 0 : i32
    %eq3A_3 = arith.cmpi eq, %arg1, %eq3A : i32
    %convert_element_type3A = arith.extui %eq3A_3 : i1 to i32
    %cond3A = arith.constant 0 : i32
    %cond3A_4 = arith.cmpi ne, %convert_element_type3A, %cond3A : i32
    scf.if %cond3A_4 {
      "tpu.region"() ({
        %run_scoped3A = tpu.sem_alloc : memref<!tpu.dma_semaphore, #tpu.memory_space<semaphore_mem>>
        %dma_start3A_110 = arith.constant 9984 : i32
        %dma_start3A_111 = arith.constant 0 : i32
        %dma_start3A_112 = tpu.memref_slice %arg10[%dma_start3A_110, %dma_start3A_111] : memref<10008x64xf32, #tpu.memory_space<vmem_shared>> -> memref<16x64xf32, #tpu.memory_space<vmem_shared>>
        %dma_start3A_113 = arith.constant 9984 : i32
        %dma_start3A_114 = arith.constant 0 : i32
        %dma_start3A_115 = tpu.memref_slice %arg3[%dma_start3A_113, %dma_start3A_114] : memref<10000x64xf32, #tpu.memory_space<hbm>> -> memref<16x64xf32, #tpu.memory_space<hbm>>
        tpu.enqueue_dma source(%dma_start3A_115 : memref<16x64xf32, #tpu.memory_space<hbm>>) target(%dma_start3A_112 : memref<16x64xf32, #tpu.memory_space<vmem_shared>>) target_semaphore(%run_scoped3A : memref<!tpu.dma_semaphore, #tpu.memory_space<semaphore_mem>>)
        %dma_wait3A_116 = arith.constant 9984 : i32
        %dma_wait3A_117 = arith.constant 0 : i32
        %dma_wait3A_118 = tpu.memref_slice %arg10[%dma_wait3A_116, %dma_wait3A_117] : memref<10008x64xf32, #tpu.memory_space<vmem_shared>> -> memref<16x64xf32, #tpu.memory_space<vmem_shared>>
        %dma_wait3A_119 = arith.constant 9984 : i32
        %dma_wait3A_120 = arith.constant 0 : i32
        %dma_wait3A_121 = tpu.memref_slice %arg3[%dma_wait3A_119, %dma_wait3A_120] : memref<10000x64xf32, #tpu.memory_space<hbm>> -> memref<16x64xf32, #tpu.memory_space<hbm>>
        tpu.wait_dma2 semaphore(%run_scoped3A : memref<!tpu.dma_semaphore, #tpu.memory_space<semaphore_mem>>) src(%dma_wait3A_121 : memref<16x64xf32, #tpu.memory_space<hbm>>) dst(%dma_wait3A_118 : memref<16x64xf32, #tpu.memory_space<vmem_shared>>)
        tpu.yield
      }) : () -> ()
    } else {
    }
    "tpu.region"() ({
      %run_scoped3A = tpu.sem_alloc : memref<!tpu.dma_semaphore, #tpu.memory_space<semaphore_mem>>
      %dma_start3A_110 = arith.constant 0 : i32
      %dma_start3A_111 = arith.constant 0 : i32
      %dma_start3A_112 = tpu.memref_slice %arg4[%add3A, %dma_start3A_110, %dma_start3A_111] : memref<32x252x80xi32, #tpu.memory_space<hbm>> -> memref<1x252x80xi32, #tpu.memory_space<hbm>>
      %dma_start3A_113 = tpu.memref_squeeze %dma_start3A_112 : memref<1x252x80xi32, #tpu.memory_space<hbm>> -> memref<252x80xi32, #tpu.memory_space<hbm>>
      %dma_start3A_114 = arith.constant 0 : i32
      %dma_start3A_115 = arith.constant 0 : i32
      %dma_start3A_116 = tpu.memref_slice %arg4[%add3A, %dma_start3A_114, %dma_start3A_115] : memref<32x252x80xi32, #tpu.memory_space<hbm>> -> memref<1x252x80xi32, #tpu.memory_space<hbm>>
      %dma_start3A_117 = tpu.memref_squeeze %dma_start3A_116 : memref<1x252x80xi32, #tpu.memory_space<hbm>> -> memref<252x80xi32, #tpu.memory_space<hbm>>
      tpu.enqueue_dma source(%dma_start3A_117 : memref<252x80xi32, #tpu.memory_space<hbm>>) target(%arg7 : memref<252x80xi32, #tpu.memory_space<vmem>>) target_semaphore(%run_scoped3A : memref<!tpu.dma_semaphore, #tpu.memory_space<semaphore_mem>>)
      %dma_wait3A_118 = arith.constant 0 : i32
      %dma_wait3A_119 = arith.constant 0 : i32
      %dma_wait3A_120 = tpu.memref_slice %arg4[%add3A, %dma_wait3A_118, %dma_wait3A_119] : memref<32x252x80xi32, #tpu.memory_space<hbm>> -> memref<1x252x80xi32, #tpu.memory_space<hbm>>
      %dma_wait3A_121 = tpu.memref_squeeze %dma_wait3A_120 : memref<1x252x80xi32, #tpu.memory_space<hbm>> -> memref<252x80xi32, #tpu.memory_space<hbm>>
      %dma_wait3A_122 = arith.constant 0 : i32
      %dma_wait3A_123 = arith.constant 0 : i32
      %dma_wait3A_124 = tpu.memref_slice %arg4[%add3A, %dma_wait3A_122, %dma_wait3A_123] : memref<32x252x80xi32, #tpu.memory_space<hbm>> -> memref<1x252x80xi32, #tpu.memory_space<hbm>>
      %dma_wait3A_125 = tpu.memref_squeeze %dma_wait3A_124 : memref<1x252x80xi32, #tpu.memory_space<hbm>> -> memref<252x80xi32, #tpu.memory_space<hbm>>
      tpu.wait_dma2 semaphore(%run_scoped3A : memref<!tpu.dma_semaphore, #tpu.memory_space<semaphore_mem>>) src(%dma_wait3A_125 : memref<252x80xi32, #tpu.memory_space<hbm>>) dst(%arg7 : memref<252x80xi32, #tpu.memory_space<vmem>>)
      tpu.yield
    }) : () -> ()
    "tpu.region"() ({
      %run_scoped3A = tpu.sem_alloc : memref<!tpu.dma_semaphore, #tpu.memory_space<semaphore_mem>>
      %dma_start3A_110 = arith.constant 0 : i32
      %dma_start3A_111 = arith.constant 0 : i32
      %dma_start3A_112 = tpu.memref_slice %arg5[%add3A, %dma_start3A_110, %dma_start3A_111] : memref<32x252x80xi32, #tpu.memory_space<hbm>> -> memref<1x252x80xi32, #tpu.memory_space<hbm>>
      %dma_start3A_113 = tpu.memref_squeeze %dma_start3A_112 : memref<1x252x80xi32, #tpu.memory_space<hbm>> -> memref<252x80xi32, #tpu.memory_space<hbm>>
      %dma_start3A_114 = arith.constant 0 : i32
      %dma_start3A_115 = arith.constant 0 : i32
      %dma_start3A_116 = tpu.memref_slice %arg5[%add3A, %dma_start3A_114, %dma_start3A_115] : memref<32x252x80xi32, #tpu.memory_space<hbm>> -> memref<1x252x80xi32, #tpu.memory_space<hbm>>
      %dma_start3A_117 = tpu.memref_squeeze %dma_start3A_116 : memref<1x252x80xi32, #tpu.memory_space<hbm>> -> memref<252x80xi32, #tpu.memory_space<hbm>>
      tpu.enqueue_dma source(%dma_start3A_117 : memref<252x80xi32, #tpu.memory_space<hbm>>) target(%arg8 : memref<252x80xi32, #tpu.memory_space<vmem>>) target_semaphore(%run_scoped3A : memref<!tpu.dma_semaphore, #tpu.memory_space<semaphore_mem>>)
      %dma_wait3A_118 = arith.constant 0 : i32
      %dma_wait3A_119 = arith.constant 0 : i32
      %dma_wait3A_120 = tpu.memref_slice %arg5[%add3A, %dma_wait3A_118, %dma_wait3A_119] : memref<32x252x80xi32, #tpu.memory_space<hbm>> -> memref<1x252x80xi32, #tpu.memory_space<hbm>>
      %dma_wait3A_121 = tpu.memref_squeeze %dma_wait3A_120 : memref<1x252x80xi32, #tpu.memory_space<hbm>> -> memref<252x80xi32, #tpu.memory_space<hbm>>
      %dma_wait3A_122 = arith.constant 0 : i32
      %dma_wait3A_123 = arith.constant 0 : i32
      %dma_wait3A_124 = tpu.memref_slice %arg5[%add3A, %dma_wait3A_122, %dma_wait3A_123] : memref<32x252x80xi32, #tpu.memory_space<hbm>> -> memref<1x252x80xi32, #tpu.memory_space<hbm>>
      %dma_wait3A_125 = tpu.memref_squeeze %dma_wait3A_124 : memref<1x252x80xi32, #tpu.memory_space<hbm>> -> memref<252x80xi32, #tpu.memory_space<hbm>>
      tpu.wait_dma2 semaphore(%run_scoped3A : memref<!tpu.dma_semaphore, #tpu.memory_space<semaphore_mem>>) src(%dma_wait3A_125 : memref<252x80xi32, #tpu.memory_space<hbm>>) dst(%arg8 : memref<252x80xi32, #tpu.memory_space<vmem>>)
      tpu.yield
    }) : () -> ()
    %barrier3A = arith.constant 0 : index
    tpu.barrier barrier_id(%barrier3A)
    %dma_start3A = arith.constant 0 : i32
    %dma_start3A_5 = arith.constant 0 : i32
    %dma_start3A_6 = arith.constant 0 : i32
    %dma_start3A_7 = arith.constant 0 : i32
    %dma_start3A_8 = tpu.memref_slice %arg9[%dma_start3A_5, %dma_start3A_6, %dma_start3A_7] : memref<4x80x64xf32, #tpu.memory_space<vmem>> -> memref<1x80x64xf32, #tpu.memory_space<vmem>>
    %dma_start3A_9 = tpu.memref_squeeze %dma_start3A_8 : memref<1x80x64xf32, #tpu.memory_space<vmem>> -> memref<80x64xf32, #tpu.memory_space<vmem>>
    %dma_start3A_10 = arith.constant 0 : i32
    %dma_start3A_11 = tpu.memref_slice %arg7[%dma_start3A, %dma_start3A_10] : memref<252x80xi32, #tpu.memory_space<vmem>> -> memref<1x80xi32, #tpu.memory_space<vmem>>
    %dma_start3A_12 = tpu.memref_squeeze %dma_start3A_11 : memref<1x80xi32, #tpu.memory_space<vmem>> -> memref<80xi32, #tpu.memory_space<vmem>>
    %dma_start3A_13 = arith.constant 0 : i32
    %dma_start3A_14 = arith.constant 0 : i32
    %dma_start3A_15 = tpu.memref_slice %arg2[%dma_start3A_13, %dma_start3A_14] : memref<20000x64xf32, #tpu.memory_space<hbm>> -> memref<20000x64xf32, #tpu.memory_space<hbm>>
    tpu.enqueue_indirect_dma source(%dma_start3A_15 : memref<20000x64xf32, #tpu.memory_space<hbm>>) target(%dma_start3A_9 : memref<80x64xf32, #tpu.memory_space<vmem>>) offsets(%dma_start3A_12 : memref<80xi32, #tpu.memory_space<vmem>>) semaphore(%arg11 : memref<!tpu.dma_semaphore, #tpu.memory_space<semaphore_mem>>)
    %dma_start3A_16 = arith.constant 1 : i32
    %dma_start3A_17 = arith.constant 1 : i32
    %dma_start3A_18 = arith.constant 0 : i32
    %dma_start3A_19 = arith.constant 0 : i32
    %dma_start3A_20 = tpu.memref_slice %arg9[%dma_start3A_17, %dma_start3A_18, %dma_start3A_19] : memref<4x80x64xf32, #tpu.memory_space<vmem>> -> memref<1x80x64xf32, #tpu.memory_space<vmem>>
    %dma_start3A_21 = tpu.memref_squeeze %dma_start3A_20 : memref<1x80x64xf32, #tpu.memory_space<vmem>> -> memref<80x64xf32, #tpu.memory_space<vmem>>
    %dma_start3A_22 = arith.constant 0 : i32
    %dma_start3A_23 = tpu.memref_slice %arg7[%dma_start3A_16, %dma_start3A_22] : memref<252x80xi32, #tpu.memory_space<vmem>> -> memref<1x80xi32, #tpu.memory_space<vmem>>
    %dma_start3A_24 = tpu.memref_squeeze %dma_start3A_23 : memref<1x80xi32, #tpu.memory_space<vmem>> -> memref<80xi32, #tpu.memory_space<vmem>>
    %dma_start3A_25 = arith.constant 0 : i32
    %dma_start3A_26 = arith.constant 0 : i32
    %dma_start3A_27 = tpu.memref_slice %arg2[%dma_start3A_25, %dma_start3A_26] : memref<20000x64xf32, #tpu.memory_space<hbm>> -> memref<20000x64xf32, #tpu.memory_space<hbm>>
    tpu.enqueue_indirect_dma source(%dma_start3A_27 : memref<20000x64xf32, #tpu.memory_space<hbm>>) target(%dma_start3A_21 : memref<80x64xf32, #tpu.memory_space<vmem>>) offsets(%dma_start3A_24 : memref<80xi32, #tpu.memory_space<vmem>>) semaphore(%arg12 : memref<!tpu.dma_semaphore, #tpu.memory_space<semaphore_mem>>)
    %dma_start3A_28 = arith.constant 2 : i32
    %dma_start3A_29 = arith.constant 2 : i32
    %dma_start3A_30 = arith.constant 0 : i32
    %dma_start3A_31 = arith.constant 0 : i32
    %dma_start3A_32 = tpu.memref_slice %arg9[%dma_start3A_29, %dma_start3A_30, %dma_start3A_31] : memref<4x80x64xf32, #tpu.memory_space<vmem>> -> memref<1x80x64xf32, #tpu.memory_space<vmem>>
    %dma_start3A_33 = tpu.memref_squeeze %dma_start3A_32 : memref<1x80x64xf32, #tpu.memory_space<vmem>> -> memref<80x64xf32, #tpu.memory_space<vmem>>
    %dma_start3A_34 = arith.constant 0 : i32
    %dma_start3A_35 = tpu.memref_slice %arg7[%dma_start3A_28, %dma_start3A_34] : memref<252x80xi32, #tpu.memory_space<vmem>> -> memref<1x80xi32, #tpu.memory_space<vmem>>
    %dma_start3A_36 = tpu.memref_squeeze %dma_start3A_35 : memref<1x80xi32, #tpu.memory_space<vmem>> -> memref<80xi32, #tpu.memory_space<vmem>>
    %dma_start3A_37 = arith.constant 0 : i32
    %dma_start3A_38 = arith.constant 0 : i32
    %dma_start3A_39 = tpu.memref_slice %arg2[%dma_start3A_37, %dma_start3A_38] : memref<20000x64xf32, #tpu.memory_space<hbm>> -> memref<20000x64xf32, #tpu.memory_space<hbm>>
    tpu.enqueue_indirect_dma source(%dma_start3A_39 : memref<20000x64xf32, #tpu.memory_space<hbm>>) target(%dma_start3A_33 : memref<80x64xf32, #tpu.memory_space<vmem>>) offsets(%dma_start3A_36 : memref<80xi32, #tpu.memory_space<vmem>>) semaphore(%arg13 : memref<!tpu.dma_semaphore, #tpu.memory_space<semaphore_mem>>)
    %dma_start3A_40 = arith.constant 3 : i32
    %dma_start3A_41 = arith.constant 3 : i32
    %dma_start3A_42 = arith.constant 0 : i32
    %dma_start3A_43 = arith.constant 0 : i32
    %dma_start3A_44 = tpu.memref_slice %arg9[%dma_start3A_41, %dma_start3A_42, %dma_start3A_43] : memref<4x80x64xf32, #tpu.memory_space<vmem>> -> memref<1x80x64xf32, #tpu.memory_space<vmem>>
    %dma_start3A_45 = tpu.memref_squeeze %dma_start3A_44 : memref<1x80x64xf32, #tpu.memory_space<vmem>> -> memref<80x64xf32, #tpu.memory_space<vmem>>
    %dma_start3A_46 = arith.constant 0 : i32
    %dma_start3A_47 = tpu.memref_slice %arg7[%dma_start3A_40, %dma_start3A_46] : memref<252x80xi32, #tpu.memory_space<vmem>> -> memref<1x80xi32, #tpu.memory_space<vmem>>
    %dma_start3A_48 = tpu.memref_squeeze %dma_start3A_47 : memref<1x80xi32, #tpu.memory_space<vmem>> -> memref<80xi32, #tpu.memory_space<vmem>>
    %dma_start3A_49 = arith.constant 0 : i32
    %dma_start3A_50 = arith.constant 0 : i32
    %dma_start3A_51 = tpu.memref_slice %arg2[%dma_start3A_49, %dma_start3A_50] : memref<20000x64xf32, #tpu.memory_space<hbm>> -> memref<20000x64xf32, #tpu.memory_space<hbm>>
    tpu.enqueue_indirect_dma source(%dma_start3A_51 : memref<20000x64xf32, #tpu.memory_space<hbm>>) target(%dma_start3A_45 : memref<80x64xf32, #tpu.memory_space<vmem>>) offsets(%dma_start3A_48 : memref<80xi32, #tpu.memory_space<vmem>>) semaphore(%arg14 : memref<!tpu.dma_semaphore, #tpu.memory_space<semaphore_mem>>)
    %scan3A = arith.constant 0 : i32
    %scan3A_52 = arith.constant 0 : i32
    %scan3A_53 = arith.constant 63 : i32
    %scan3A_54 = arith.addi %scan3A_52, %scan3A_53 : i32
    %scan3A_55 = arith.constant 1 : i32
    scf.for %scan3A_110 = %scan3A_52 to %scan3A_54 step %scan3A_55  : i32 {
      %mul3A_111 = arith.constant 4 : i32
      %mul3A_112 = arith.muli %scan3A_110, %mul3A_111 : i32
      %add3A_113 = arith.constant 0 : i32
      %add3A_114 = arith.addi %mul3A_112, %add3A_113 : i32
      %dma_wait3A_115 = arith.constant 0 : i32
      %dma_wait3A_116 = arith.constant 0 : i32
      %dma_wait3A_117 = arith.constant 0 : i32
      %dma_wait3A_118 = tpu.memref_slice %arg9[%dma_wait3A_115, %dma_wait3A_116, %dma_wait3A_117] : memref<4x80x64xf32, #tpu.memory_space<vmem>> -> memref<1x80x64xf32, #tpu.memory_space<vmem>>
      %dma_wait3A_119 = tpu.memref_squeeze %dma_wait3A_118 : memref<1x80x64xf32, #tpu.memory_space<vmem>> -> memref<80x64xf32, #tpu.memory_space<vmem>>
      %dma_wait3A_120 = arith.constant 0 : i32
      %dma_wait3A_121 = tpu.memref_slice %arg7[%add3A_114, %dma_wait3A_120] : memref<252x80xi32, #tpu.memory_space<vmem>> -> memref<1x80xi32, #tpu.memory_space<vmem>>
      %dma_wait3A_122 = tpu.memref_squeeze %dma_wait3A_121 : memref<1x80xi32, #tpu.memory_space<vmem>> -> memref<80xi32, #tpu.memory_space<vmem>>
      %dma_wait3A_123 = arith.constant 0 : i32
      %dma_wait3A_124 = arith.constant 0 : i32
      %dma_wait3A_125 = tpu.memref_slice %arg2[%dma_wait3A_123, %dma_wait3A_124] : memref<20000x64xf32, #tpu.memory_space<hbm>> -> memref<20000x64xf32, #tpu.memory_space<hbm>>
      tpu.wait_indirect_dma semaphore(%arg11 : memref<!tpu.dma_semaphore, #tpu.memory_space<semaphore_mem>>) src(%dma_wait3A_125 : memref<20000x64xf32, #tpu.memory_space<hbm>>) dst(%dma_wait3A_119 : memref<80x64xf32, #tpu.memory_space<vmem>>)
      %add3A_126 = arith.constant 0 : i32
      %add3A_127 = arith.addi %mul3A_112, %add3A_126 : i32
      %dma_start3A_128 = arith.constant 0 : i32
      %dma_start3A_129 = arith.constant 0 : i32
      %dma_start3A_130 = arith.constant 0 : i32
      %dma_start3A_131 = tpu.memref_slice %arg9[%dma_start3A_128, %dma_start3A_129, %dma_start3A_130] : memref<4x80x64xf32, #tpu.memory_space<vmem>> -> memref<1x80x64xf32, #tpu.memory_space<vmem>>
      %dma_start3A_132 = tpu.memref_squeeze %dma_start3A_131 : memref<1x80x64xf32, #tpu.memory_space<vmem>> -> memref<80x64xf32, #tpu.memory_space<vmem>>
      %dma_start3A_133 = arith.constant 0 : i32
      %dma_start3A_134 = tpu.memref_slice %arg8[%add3A_127, %dma_start3A_133] : memref<252x80xi32, #tpu.memory_space<vmem>> -> memref<1x80xi32, #tpu.memory_space<vmem>>
      %dma_start3A_135 = tpu.memref_squeeze %dma_start3A_134 : memref<1x80xi32, #tpu.memory_space<vmem>> -> memref<80xi32, #tpu.memory_space<vmem>>
      %dma_start3A_136 = arith.constant 0 : i32
      %dma_start3A_137 = arith.constant 0 : i32
      %dma_start3A_138 = tpu.memref_slice %arg10[%dma_start3A_136, %dma_start3A_137] : memref<10008x64xf32, #tpu.memory_space<vmem_shared>> -> memref<10008x64xf32, #tpu.memory_space<vmem_shared>>
      tpu.enqueue_indirect_dma source(%dma_start3A_132 : memref<80x64xf32, #tpu.memory_space<vmem>>) target(%dma_start3A_138 : memref<10008x64xf32, #tpu.memory_space<vmem_shared>>) offsets(%dma_start3A_135 : memref<80xi32, #tpu.memory_space<vmem>>) semaphore(%arg15 : memref<!tpu.dma_semaphore, #tpu.memory_space<semaphore_mem>>) {add = true}
      %add3A_139 = arith.constant 1 : i32
      %add3A_140 = arith.addi %mul3A_112, %add3A_139 : i32
      %dma_wait3A_141 = arith.constant 1 : i32
      %dma_wait3A_142 = arith.constant 0 : i32
      %dma_wait3A_143 = arith.constant 0 : i32
      %dma_wait3A_144 = tpu.memref_slice %arg9[%dma_wait3A_141, %dma_wait3A_142, %dma_wait3A_143] : memref<4x80x64xf32, #tpu.memory_space<vmem>> -> memref<1x80x64xf32, #tpu.memory_space<vmem>>
      %dma_wait3A_145 = tpu.memref_squeeze %dma_wait3A_144 : memref<1x80x64xf32, #tpu.memory_space<vmem>> -> memref<80x64xf32, #tpu.memory_space<vmem>>
      %dma_wait3A_146 = arith.constant 0 : i32
      %dma_wait3A_147 = tpu.memref_slice %arg7[%add3A_140, %dma_wait3A_146] : memref<252x80xi32, #tpu.memory_space<vmem>> -> memref<1x80xi32, #tpu.memory_space<vmem>>
      %dma_wait3A_148 = tpu.memref_squeeze %dma_wait3A_147 : memref<1x80xi32, #tpu.memory_space<vmem>> -> memref<80xi32, #tpu.memory_space<vmem>>
      %dma_wait3A_149 = arith.constant 0 : i32
      %dma_wait3A_150 = arith.constant 0 : i32
      %dma_wait3A_151 = tpu.memref_slice %arg2[%dma_wait3A_149, %dma_wait3A_150] : memref<20000x64xf32, #tpu.memory_space<hbm>> -> memref<20000x64xf32, #tpu.memory_space<hbm>>
      tpu.wait_indirect_dma semaphore(%arg12 : memref<!tpu.dma_semaphore, #tpu.memory_space<semaphore_mem>>) src(%dma_wait3A_151 : memref<20000x64xf32, #tpu.memory_space<hbm>>) dst(%dma_wait3A_145 : memref<80x64xf32, #tpu.memory_space<vmem>>)
      %add3A_152 = arith.constant 1 : i32
      %add3A_153 = arith.addi %mul3A_112, %add3A_152 : i32
      %dma_start3A_154 = arith.constant 1 : i32
      %dma_start3A_155 = arith.constant 0 : i32
      %dma_start3A_156 = arith.constant 0 : i32
      %dma_start3A_157 = tpu.memref_slice %arg9[%dma_start3A_154, %dma_start3A_155, %dma_start3A_156] : memref<4x80x64xf32, #tpu.memory_space<vmem>> -> memref<1x80x64xf32, #tpu.memory_space<vmem>>
      %dma_start3A_158 = tpu.memref_squeeze %dma_start3A_157 : memref<1x80x64xf32, #tpu.memory_space<vmem>> -> memref<80x64xf32, #tpu.memory_space<vmem>>
      %dma_start3A_159 = arith.constant 0 : i32
      %dma_start3A_160 = tpu.memref_slice %arg8[%add3A_153, %dma_start3A_159] : memref<252x80xi32, #tpu.memory_space<vmem>> -> memref<1x80xi32, #tpu.memory_space<vmem>>
      %dma_start3A_161 = tpu.memref_squeeze %dma_start3A_160 : memref<1x80xi32, #tpu.memory_space<vmem>> -> memref<80xi32, #tpu.memory_space<vmem>>
      %dma_start3A_162 = arith.constant 0 : i32
      %dma_start3A_163 = arith.constant 0 : i32
      %dma_start3A_164 = tpu.memref_slice %arg10[%dma_start3A_162, %dma_start3A_163] : memref<10008x64xf32, #tpu.memory_space<vmem_shared>> -> memref<10008x64xf32, #tpu.memory_space<vmem_shared>>
      tpu.enqueue_indirect_dma source(%dma_start3A_158 : memref<80x64xf32, #tpu.memory_space<vmem>>) target(%dma_start3A_164 : memref<10008x64xf32, #tpu.memory_space<vmem_shared>>) offsets(%dma_start3A_161 : memref<80xi32, #tpu.memory_space<vmem>>) semaphore(%arg16 : memref<!tpu.dma_semaphore, #tpu.memory_space<semaphore_mem>>) {add = true}
      %add3A_165 = arith.constant 2 : i32
      %add3A_166 = arith.addi %mul3A_112, %add3A_165 : i32
      %dma_wait3A_167 = arith.constant 2 : i32
      %dma_wait3A_168 = arith.constant 0 : i32
      %dma_wait3A_169 = arith.constant 0 : i32
      %dma_wait3A_170 = tpu.memref_slice %arg9[%dma_wait3A_167, %dma_wait3A_168, %dma_wait3A_169] : memref<4x80x64xf32, #tpu.memory_space<vmem>> -> memref<1x80x64xf32, #tpu.memory_space<vmem>>
      %dma_wait3A_171 = tpu.memref_squeeze %dma_wait3A_170 : memref<1x80x64xf32, #tpu.memory_space<vmem>> -> memref<80x64xf32, #tpu.memory_space<vmem>>
      %dma_wait3A_172 = arith.constant 0 : i32
      %dma_wait3A_173 = tpu.memref_slice %arg7[%add3A_166, %dma_wait3A_172] : memref<252x80xi32, #tpu.memory_space<vmem>> -> memref<1x80xi32, #tpu.memory_space<vmem>>
      %dma_wait3A_174 = tpu.memref_squeeze %dma_wait3A_173 : memref<1x80xi32, #tpu.memory_space<vmem>> -> memref<80xi32, #tpu.memory_space<vmem>>
      %dma_wait3A_175 = arith.constant 0 : i32
      %dma_wait3A_176 = arith.constant 0 : i32
      %dma_wait3A_177 = tpu.memref_slice %arg2[%dma_wait3A_175, %dma_wait3A_176] : memref<20000x64xf32, #tpu.memory_space<hbm>> -> memref<20000x64xf32, #tpu.memory_space<hbm>>
      tpu.wait_indirect_dma semaphore(%arg13 : memref<!tpu.dma_semaphore, #tpu.memory_space<semaphore_mem>>) src(%dma_wait3A_177 : memref<20000x64xf32, #tpu.memory_space<hbm>>) dst(%dma_wait3A_171 : memref<80x64xf32, #tpu.memory_space<vmem>>)
      %add3A_178 = arith.constant 2 : i32
      %add3A_179 = arith.addi %mul3A_112, %add3A_178 : i32
      %dma_start3A_180 = arith.constant 2 : i32
      %dma_start3A_181 = arith.constant 0 : i32
      %dma_start3A_182 = arith.constant 0 : i32
      %dma_start3A_183 = tpu.memref_slice %arg9[%dma_start3A_180, %dma_start3A_181, %dma_start3A_182] : memref<4x80x64xf32, #tpu.memory_space<vmem>> -> memref<1x80x64xf32, #tpu.memory_space<vmem>>
      %dma_start3A_184 = tpu.memref_squeeze %dma_start3A_183 : memref<1x80x64xf32, #tpu.memory_space<vmem>> -> memref<80x64xf32, #tpu.memory_space<vmem>>
      %dma_start3A_185 = arith.constant 0 : i32
      %dma_start3A_186 = tpu.memref_slice %arg8[%add3A_179, %dma_start3A_185] : memref<252x80xi32, #tpu.memory_space<vmem>> -> memref<1x80xi32, #tpu.memory_space<vmem>>
      %dma_start3A_187 = tpu.memref_squeeze %dma_start3A_186 : memref<1x80xi32, #tpu.memory_space<vmem>> -> memref<80xi32, #tpu.memory_space<vmem>>
      %dma_start3A_188 = arith.constant 0 : i32
      %dma_start3A_189 = arith.constant 0 : i32
      %dma_start3A_190 = tpu.memref_slice %arg10[%dma_start3A_188, %dma_start3A_189] : memref<10008x64xf32, #tpu.memory_space<vmem_shared>> -> memref<10008x64xf32, #tpu.memory_space<vmem_shared>>
      tpu.enqueue_indirect_dma source(%dma_start3A_184 : memref<80x64xf32, #tpu.memory_space<vmem>>) target(%dma_start3A_190 : memref<10008x64xf32, #tpu.memory_space<vmem_shared>>) offsets(%dma_start3A_187 : memref<80xi32, #tpu.memory_space<vmem>>) semaphore(%arg17 : memref<!tpu.dma_semaphore, #tpu.memory_space<semaphore_mem>>) {add = true}
      %add3A_191 = arith.constant 3 : i32
      %add3A_192 = arith.addi %mul3A_112, %add3A_191 : i32
      %dma_wait3A_193 = arith.constant 3 : i32
      %dma_wait3A_194 = arith.constant 0 : i32
      %dma_wait3A_195 = arith.constant 0 : i32
      %dma_wait3A_196 = tpu.memref_slice %arg9[%dma_wait3A_193, %dma_wait3A_194, %dma_wait3A_195] : memref<4x80x64xf32, #tpu.memory_space<vmem>> -> memref<1x80x64xf32, #tpu.memory_space<vmem>>
      %dma_wait3A_197 = tpu.memref_squeeze %dma_wait3A_196 : memref<1x80x64xf32, #tpu.memory_space<vmem>> -> memref<80x64xf32, #tpu.memory_space<vmem>>
      %dma_wait3A_198 = arith.constant 0 : i32
      %dma_wait3A_199 = tpu.memref_slice %arg7[%add3A_192, %dma_wait3A_198] : memref<252x80xi32, #tpu.memory_space<vmem>> -> memref<1x80xi32, #tpu.memory_space<vmem>>
      %dma_wait3A_200 = tpu.memref_squeeze %dma_wait3A_199 : memref<1x80xi32, #tpu.memory_space<vmem>> -> memref<80xi32, #tpu.memory_space<vmem>>
      %dma_wait3A_201 = arith.constant 0 : i32
      %dma_wait3A_202 = arith.constant 0 : i32
      %dma_wait3A_203 = tpu.memref_slice %arg2[%dma_wait3A_201, %dma_wait3A_202] : memref<20000x64xf32, #tpu.memory_space<hbm>> -> memref<20000x64xf32, #tpu.memory_space<hbm>>
      tpu.wait_indirect_dma semaphore(%arg14 : memref<!tpu.dma_semaphore, #tpu.memory_space<semaphore_mem>>) src(%dma_wait3A_203 : memref<20000x64xf32, #tpu.memory_space<hbm>>) dst(%dma_wait3A_197 : memref<80x64xf32, #tpu.memory_space<vmem>>)
      %add3A_204 = arith.constant 3 : i32
      %add3A_205 = arith.addi %mul3A_112, %add3A_204 : i32
      %dma_start3A_206 = arith.constant 3 : i32
      %dma_start3A_207 = arith.constant 0 : i32
      %dma_start3A_208 = arith.constant 0 : i32
      %dma_start3A_209 = tpu.memref_slice %arg9[%dma_start3A_206, %dma_start3A_207, %dma_start3A_208] : memref<4x80x64xf32, #tpu.memory_space<vmem>> -> memref<1x80x64xf32, #tpu.memory_space<vmem>>
      %dma_start3A_210 = tpu.memref_squeeze %dma_start3A_209 : memref<1x80x64xf32, #tpu.memory_space<vmem>> -> memref<80x64xf32, #tpu.memory_space<vmem>>
      %dma_start3A_211 = arith.constant 0 : i32
      %dma_start3A_212 = tpu.memref_slice %arg8[%add3A_205, %dma_start3A_211] : memref<252x80xi32, #tpu.memory_space<vmem>> -> memref<1x80xi32, #tpu.memory_space<vmem>>
      %dma_start3A_213 = tpu.memref_squeeze %dma_start3A_212 : memref<1x80xi32, #tpu.memory_space<vmem>> -> memref<80xi32, #tpu.memory_space<vmem>>
      %dma_start3A_214 = arith.constant 0 : i32
      %dma_start3A_215 = arith.constant 0 : i32
      %dma_start3A_216 = tpu.memref_slice %arg10[%dma_start3A_214, %dma_start3A_215] : memref<10008x64xf32, #tpu.memory_space<vmem_shared>> -> memref<10008x64xf32, #tpu.memory_space<vmem_shared>>
      tpu.enqueue_indirect_dma source(%dma_start3A_210 : memref<80x64xf32, #tpu.memory_space<vmem>>) target(%dma_start3A_216 : memref<10008x64xf32, #tpu.memory_space<vmem_shared>>) offsets(%dma_start3A_213 : memref<80xi32, #tpu.memory_space<vmem>>) semaphore(%arg18 : memref<!tpu.dma_semaphore, #tpu.memory_space<semaphore_mem>>) {add = true}
      %lt3A = arith.constant 62 : i32
      %lt3A_217 = arith.cmpi slt, %scan3A_110, %lt3A : i32
      %convert_element_type3A_218 = arith.extui %lt3A_217 : i1 to i32
      %cond3A_219 = arith.constant 0 : i32
      %cond3A_220 = arith.cmpi ne, %convert_element_type3A_218, %cond3A_219 : i32
      scf.if %cond3A_220 {
        %add3A_221 = arith.constant 0 : i32
        %add3A_222 = arith.addi %mul3A_112, %add3A_221 : i32
        %dma_wait3A_223 = arith.constant 0 : i32
        %dma_wait3A_224 = arith.constant 0 : i32
        %dma_wait3A_225 = arith.constant 0 : i32
        %dma_wait3A_226 = tpu.memref_slice %arg9[%dma_wait3A_223, %dma_wait3A_224, %dma_wait3A_225] : memref<4x80x64xf32, #tpu.memory_space<vmem>> -> memref<1x80x64xf32, #tpu.memory_space<vmem>>
        %dma_wait3A_227 = tpu.memref_squeeze %dma_wait3A_226 : memref<1x80x64xf32, #tpu.memory_space<vmem>> -> memref<80x64xf32, #tpu.memory_space<vmem>>
        %dma_wait3A_228 = arith.constant 0 : i32
        %dma_wait3A_229 = tpu.memref_slice %arg8[%add3A_222, %dma_wait3A_228] : memref<252x80xi32, #tpu.memory_space<vmem>> -> memref<1x80xi32, #tpu.memory_space<vmem>>
        %dma_wait3A_230 = tpu.memref_squeeze %dma_wait3A_229 : memref<1x80xi32, #tpu.memory_space<vmem>> -> memref<80xi32, #tpu.memory_space<vmem>>
        %dma_wait3A_231 = arith.constant 0 : i32
        %dma_wait3A_232 = arith.constant 0 : i32
        %dma_wait3A_233 = tpu.memref_slice %arg10[%dma_wait3A_231, %dma_wait3A_232] : memref<10008x64xf32, #tpu.memory_space<vmem_shared>> -> memref<10008x64xf32, #tpu.memory_space<vmem_shared>>
        tpu.wait_indirect_dma semaphore(%arg15 : memref<!tpu.dma_semaphore, #tpu.memory_space<semaphore_mem>>) src(%dma_wait3A_227 : memref<80x64xf32, #tpu.memory_space<vmem>>) dst(%dma_wait3A_233 : memref<10008x64xf32, #tpu.memory_space<vmem_shared>>)
        %add3A_234 = arith.constant 4 : i32
        %add3A_235 = arith.addi %mul3A_112, %add3A_234 : i32
        %add3A_236 = arith.constant 0 : i32
        %add3A_237 = arith.addi %add3A_235, %add3A_236 : i32
        %dma_start3A_238 = arith.constant 0 : i32
        %dma_start3A_239 = arith.constant 0 : i32
        %dma_start3A_240 = arith.constant 0 : i32
        %dma_start3A_241 = tpu.memref_slice %arg9[%dma_start3A_238, %dma_start3A_239, %dma_start3A_240] : memref<4x80x64xf32, #tpu.memory_space<vmem>> -> memref<1x80x64xf32, #tpu.memory_space<vmem>>
        %dma_start3A_242 = tpu.memref_squeeze %dma_start3A_241 : memref<1x80x64xf32, #tpu.memory_space<vmem>> -> memref<80x64xf32, #tpu.memory_space<vmem>>
        %dma_start3A_243 = arith.constant 0 : i32
        %dma_start3A_244 = tpu.memref_slice %arg7[%add3A_237, %dma_start3A_243] : memref<252x80xi32, #tpu.memory_space<vmem>> -> memref<1x80xi32, #tpu.memory_space<vmem>>
        %dma_start3A_245 = tpu.memref_squeeze %dma_start3A_244 : memref<1x80xi32, #tpu.memory_space<vmem>> -> memref<80xi32, #tpu.memory_space<vmem>>
        %dma_start3A_246 = arith.constant 0 : i32
        %dma_start3A_247 = arith.constant 0 : i32
        %dma_start3A_248 = tpu.memref_slice %arg2[%dma_start3A_246, %dma_start3A_247] : memref<20000x64xf32, #tpu.memory_space<hbm>> -> memref<20000x64xf32, #tpu.memory_space<hbm>>
        tpu.enqueue_indirect_dma source(%dma_start3A_248 : memref<20000x64xf32, #tpu.memory_space<hbm>>) target(%dma_start3A_242 : memref<80x64xf32, #tpu.memory_space<vmem>>) offsets(%dma_start3A_245 : memref<80xi32, #tpu.memory_space<vmem>>) semaphore(%arg11 : memref<!tpu.dma_semaphore, #tpu.memory_space<semaphore_mem>>)
        %add3A_249 = arith.constant 1 : i32
        %add3A_250 = arith.addi %mul3A_112, %add3A_249 : i32
        %dma_wait3A_251 = arith.constant 1 : i32
        %dma_wait3A_252 = arith.constant 0 : i32
        %dma_wait3A_253 = arith.constant 0 : i32
        %dma_wait3A_254 = tpu.memref_slice %arg9[%dma_wait3A_251, %dma_wait3A_252, %dma_wait3A_253] : memref<4x80x64xf32, #tpu.memory_space<vmem>> -> memref<1x80x64xf32, #tpu.memory_space<vmem>>
        %dma_wait3A_255 = tpu.memref_squeeze %dma_wait3A_254 : memref<1x80x64xf32, #tpu.memory_space<vmem>> -> memref<80x64xf32, #tpu.memory_space<vmem>>
        %dma_wait3A_256 = arith.constant 0 : i32
        %dma_wait3A_257 = tpu.memref_slice %arg8[%add3A_250, %dma_wait3A_256] : memref<252x80xi32, #tpu.memory_space<vmem>> -> memref<1x80xi32, #tpu.memory_space<vmem>>
        %dma_wait3A_258 = tpu.memref_squeeze %dma_wait3A_257 : memref<1x80xi32, #tpu.memory_space<vmem>> -> memref<80xi32, #tpu.memory_space<vmem>>
        %dma_wait3A_259 = arith.constant 0 : i32
        %dma_wait3A_260 = arith.constant 0 : i32
        %dma_wait3A_261 = tpu.memref_slice %arg10[%dma_wait3A_259, %dma_wait3A_260] : memref<10008x64xf32, #tpu.memory_space<vmem_shared>> -> memref<10008x64xf32, #tpu.memory_space<vmem_shared>>
        tpu.wait_indirect_dma semaphore(%arg16 : memref<!tpu.dma_semaphore, #tpu.memory_space<semaphore_mem>>) src(%dma_wait3A_255 : memref<80x64xf32, #tpu.memory_space<vmem>>) dst(%dma_wait3A_261 : memref<10008x64xf32, #tpu.memory_space<vmem_shared>>)
        %add3A_262 = arith.constant 4 : i32
        %add3A_263 = arith.addi %mul3A_112, %add3A_262 : i32
        %add3A_264 = arith.constant 1 : i32
        %add3A_265 = arith.addi %add3A_263, %add3A_264 : i32
        %dma_start3A_266 = arith.constant 1 : i32
        %dma_start3A_267 = arith.constant 0 : i32
        %dma_start3A_268 = arith.constant 0 : i32
        %dma_start3A_269 = tpu.memref_slice %arg9[%dma_start3A_266, %dma_start3A_267, %dma_start3A_268] : memref<4x80x64xf32, #tpu.memory_space<vmem>> -> memref<1x80x64xf32, #tpu.memory_space<vmem>>
        %dma_start3A_270 = tpu.memref_squeeze %dma_start3A_269 : memref<1x80x64xf32, #tpu.memory_space<vmem>> -> memref<80x64xf32, #tpu.memory_space<vmem>>
        %dma_start3A_271 = arith.constant 0 : i32
        %dma_start3A_272 = tpu.memref_slice %arg7[%add3A_265, %dma_start3A_271] : memref<252x80xi32, #tpu.memory_space<vmem>> -> memref<1x80xi32, #tpu.memory_space<vmem>>
        %dma_start3A_273 = tpu.memref_squeeze %dma_start3A_272 : memref<1x80xi32, #tpu.memory_space<vmem>> -> memref<80xi32, #tpu.memory_space<vmem>>
        %dma_start3A_274 = arith.constant 0 : i32
        %dma_start3A_275 = arith.constant 0 : i32
        %dma_start3A_276 = tpu.memref_slice %arg2[%dma_start3A_274, %dma_start3A_275] : memref<20000x64xf32, #tpu.memory_space<hbm>> -> memref<20000x64xf32, #tpu.memory_space<hbm>>
        tpu.enqueue_indirect_dma source(%dma_start3A_276 : memref<20000x64xf32, #tpu.memory_space<hbm>>) target(%dma_start3A_270 : memref<80x64xf32, #tpu.memory_space<vmem>>) offsets(%dma_start3A_273 : memref<80xi32, #tpu.memory_space<vmem>>) semaphore(%arg12 : memref<!tpu.dma_semaphore, #tpu.memory_space<semaphore_mem>>)
        %add3A_277 = arith.constant 2 : i32
        %add3A_278 = arith.addi %mul3A_112, %add3A_277 : i32
        %dma_wait3A_279 = arith.constant 2 : i32
        %dma_wait3A_280 = arith.constant 0 : i32
        %dma_wait3A_281 = arith.constant 0 : i32
        %dma_wait3A_282 = tpu.memref_slice %arg9[%dma_wait3A_279, %dma_wait3A_280, %dma_wait3A_281] : memref<4x80x64xf32, #tpu.memory_space<vmem>> -> memref<1x80x64xf32, #tpu.memory_space<vmem>>
        %dma_wait3A_283 = tpu.memref_squeeze %dma_wait3A_282 : memref<1x80x64xf32, #tpu.memory_space<vmem>> -> memref<80x64xf32, #tpu.memory_space<vmem>>
        %dma_wait3A_284 = arith.constant 0 : i32
        %dma_wait3A_285 = tpu.memref_slice %arg8[%add3A_278, %dma_wait3A_284] : memref<252x80xi32, #tpu.memory_space<vmem>> -> memref<1x80xi32, #tpu.memory_space<vmem>>
        %dma_wait3A_286 = tpu.memref_squeeze %dma_wait3A_285 : memref<1x80xi32, #tpu.memory_space<vmem>> -> memref<80xi32, #tpu.memory_space<vmem>>
        %dma_wait3A_287 = arith.constant 0 : i32
        %dma_wait3A_288 = arith.constant 0 : i32
        %dma_wait3A_289 = tpu.memref_slice %arg10[%dma_wait3A_287, %dma_wait3A_288] : memref<10008x64xf32, #tpu.memory_space<vmem_shared>> -> memref<10008x64xf32, #tpu.memory_space<vmem_shared>>
        tpu.wait_indirect_dma semaphore(%arg17 : memref<!tpu.dma_semaphore, #tpu.memory_space<semaphore_mem>>) src(%dma_wait3A_283 : memref<80x64xf32, #tpu.memory_space<vmem>>) dst(%dma_wait3A_289 : memref<10008x64xf32, #tpu.memory_space<vmem_shared>>)
        %add3A_290 = arith.constant 4 : i32
        %add3A_291 = arith.addi %mul3A_112, %add3A_290 : i32
        %add3A_292 = arith.constant 2 : i32
        %add3A_293 = arith.addi %add3A_291, %add3A_292 : i32
        %dma_start3A_294 = arith.constant 2 : i32
        %dma_start3A_295 = arith.constant 0 : i32
        %dma_start3A_296 = arith.constant 0 : i32
        %dma_start3A_297 = tpu.memref_slice %arg9[%dma_start3A_294, %dma_start3A_295, %dma_start3A_296] : memref<4x80x64xf32, #tpu.memory_space<vmem>> -> memref<1x80x64xf32, #tpu.memory_space<vmem>>
        %dma_start3A_298 = tpu.memref_squeeze %dma_start3A_297 : memref<1x80x64xf32, #tpu.memory_space<vmem>> -> memref<80x64xf32, #tpu.memory_space<vmem>>
        %dma_start3A_299 = arith.constant 0 : i32
        %dma_start3A_300 = tpu.memref_slice %arg7[%add3A_293, %dma_start3A_299] : memref<252x80xi32, #tpu.memory_space<vmem>> -> memref<1x80xi32, #tpu.memory_space<vmem>>
        %dma_start3A_301 = tpu.memref_squeeze %dma_start3A_300 : memref<1x80xi32, #tpu.memory_space<vmem>> -> memref<80xi32, #tpu.memory_space<vmem>>
        %dma_start3A_302 = arith.constant 0 : i32
        %dma_start3A_303 = arith.constant 0 : i32
        %dma_start3A_304 = tpu.memref_slice %arg2[%dma_start3A_302, %dma_start3A_303] : memref<20000x64xf32, #tpu.memory_space<hbm>> -> memref<20000x64xf32, #tpu.memory_space<hbm>>
        tpu.enqueue_indirect_dma source(%dma_start3A_304 : memref<20000x64xf32, #tpu.memory_space<hbm>>) target(%dma_start3A_298 : memref<80x64xf32, #tpu.memory_space<vmem>>) offsets(%dma_start3A_301 : memref<80xi32, #tpu.memory_space<vmem>>) semaphore(%arg13 : memref<!tpu.dma_semaphore, #tpu.memory_space<semaphore_mem>>)
        %add3A_305 = arith.constant 3 : i32
        %add3A_306 = arith.addi %mul3A_112, %add3A_305 : i32
        %dma_wait3A_307 = arith.constant 3 : i32
        %dma_wait3A_308 = arith.constant 0 : i32
        %dma_wait3A_309 = arith.constant 0 : i32
        %dma_wait3A_310 = tpu.memref_slice %arg9[%dma_wait3A_307, %dma_wait3A_308, %dma_wait3A_309] : memref<4x80x64xf32, #tpu.memory_space<vmem>> -> memref<1x80x64xf32, #tpu.memory_space<vmem>>
        %dma_wait3A_311 = tpu.memref_squeeze %dma_wait3A_310 : memref<1x80x64xf32, #tpu.memory_space<vmem>> -> memref<80x64xf32, #tpu.memory_space<vmem>>
        %dma_wait3A_312 = arith.constant 0 : i32
        %dma_wait3A_313 = tpu.memref_slice %arg8[%add3A_306, %dma_wait3A_312] : memref<252x80xi32, #tpu.memory_space<vmem>> -> memref<1x80xi32, #tpu.memory_space<vmem>>
        %dma_wait3A_314 = tpu.memref_squeeze %dma_wait3A_313 : memref<1x80xi32, #tpu.memory_space<vmem>> -> memref<80xi32, #tpu.memory_space<vmem>>
        %dma_wait3A_315 = arith.constant 0 : i32
        %dma_wait3A_316 = arith.constant 0 : i32
        %dma_wait3A_317 = tpu.memref_slice %arg10[%dma_wait3A_315, %dma_wait3A_316] : memref<10008x64xf32, #tpu.memory_space<vmem_shared>> -> memref<10008x64xf32, #tpu.memory_space<vmem_shared>>
        tpu.wait_indirect_dma semaphore(%arg18 : memref<!tpu.dma_semaphore, #tpu.memory_space<semaphore_mem>>) src(%dma_wait3A_311 : memref<80x64xf32, #tpu.memory_space<vmem>>) dst(%dma_wait3A_317 : memref<10008x64xf32, #tpu.memory_space<vmem_shared>>)
        %add3A_318 = arith.constant 4 : i32
        %add3A_319 = arith.addi %mul3A_112, %add3A_318 : i32
        %add3A_320 = arith.constant 3 : i32
        %add3A_321 = arith.addi %add3A_319, %add3A_320 : i32
        %dma_start3A_322 = arith.constant 3 : i32
        %dma_start3A_323 = arith.constant 0 : i32
        %dma_start3A_324 = arith.constant 0 : i32
        %dma_start3A_325 = tpu.memref_slice %arg9[%dma_start3A_322, %dma_start3A_323, %dma_start3A_324] : memref<4x80x64xf32, #tpu.memory_space<vmem>> -> memref<1x80x64xf32, #tpu.memory_space<vmem>>
        %dma_start3A_326 = tpu.memref_squeeze %dma_start3A_325 : memref<1x80x64xf32, #tpu.memory_space<vmem>> -> memref<80x64xf32, #tpu.memory_space<vmem>>
        %dma_start3A_327 = arith.constant 0 : i32
        %dma_start3A_328 = tpu.memref_slice %arg7[%add3A_321, %dma_start3A_327] : memref<252x80xi32, #tpu.memory_space<vmem>> -> memref<1x80xi32, #tpu.memory_space<vmem>>
        %dma_start3A_329 = tpu.memref_squeeze %dma_start3A_328 : memref<1x80xi32, #tpu.memory_space<vmem>> -> memref<80xi32, #tpu.memory_space<vmem>>
        %dma_start3A_330 = arith.constant 0 : i32
        %dma_start3A_331 = arith.constant 0 : i32
        %dma_start3A_332 = tpu.memref_slice %arg2[%dma_start3A_330, %dma_start3A_331] : memref<20000x64xf32, #tpu.memory_space<hbm>> -> memref<20000x64xf32, #tpu.memory_space<hbm>>
        tpu.enqueue_indirect_dma source(%dma_start3A_332 : memref<20000x64xf32, #tpu.memory_space<hbm>>) target(%dma_start3A_326 : memref<80x64xf32, #tpu.memory_space<vmem>>) offsets(%dma_start3A_329 : memref<80xi32, #tpu.memory_space<vmem>>) semaphore(%arg14 : memref<!tpu.dma_semaphore, #tpu.memory_space<semaphore_mem>>)
      } else {
      }
    }
    %scan3A_56 = arith.constant 63 : i32
    %dma_wait3A = arith.constant 0 : i32
    %dma_wait3A_57 = arith.constant 248 : i32
    %dma_wait3A_58 = arith.constant 0 : i32
    %dma_wait3A_59 = arith.constant 0 : i32
    %dma_wait3A_60 = tpu.memref_slice %arg9[%dma_wait3A, %dma_wait3A_58, %dma_wait3A_59] : memref<4x80x64xf32, #tpu.memory_space<vmem>> -> memref<1x80x64xf32, #tpu.memory_space<vmem>>
    %dma_wait3A_61 = tpu.memref_squeeze %dma_wait3A_60 : memref<1x80x64xf32, #tpu.memory_space<vmem>> -> memref<80x64xf32, #tpu.memory_space<vmem>>
    %dma_wait3A_62 = arith.constant 0 : i32
    %dma_wait3A_63 = tpu.memref_slice %arg8[%dma_wait3A_57, %dma_wait3A_62] : memref<252x80xi32, #tpu.memory_space<vmem>> -> memref<1x80xi32, #tpu.memory_space<vmem>>
    %dma_wait3A_64 = tpu.memref_squeeze %dma_wait3A_63 : memref<1x80xi32, #tpu.memory_space<vmem>> -> memref<80xi32, #tpu.memory_space<vmem>>
    %dma_wait3A_65 = arith.constant 0 : i32
    %dma_wait3A_66 = arith.constant 0 : i32
    %dma_wait3A_67 = tpu.memref_slice %arg10[%dma_wait3A_65, %dma_wait3A_66] : memref<10008x64xf32, #tpu.memory_space<vmem_shared>> -> memref<10008x64xf32, #tpu.memory_space<vmem_shared>>
    tpu.wait_indirect_dma semaphore(%arg15 : memref<!tpu.dma_semaphore, #tpu.memory_space<semaphore_mem>>) src(%dma_wait3A_61 : memref<80x64xf32, #tpu.memory_space<vmem>>) dst(%dma_wait3A_67 : memref<10008x64xf32, #tpu.memory_space<vmem_shared>>)
    %dma_wait3A_68 = arith.constant 1 : i32
    %dma_wait3A_69 = arith.constant 249 : i32
    %dma_wait3A_70 = arith.constant 0 : i32
    %dma_wait3A_71 = arith.constant 0 : i32
    %dma_wait3A_72 = tpu.memref_slice %arg9[%dma_wait3A_68, %dma_wait3A_70, %dma_wait3A_71] : memref<4x80x64xf32, #tpu.memory_space<vmem>> -> memref<1x80x64xf32, #tpu.memory_space<vmem>>
    %dma_wait3A_73 = tpu.memref_squeeze %dma_wait3A_72 : memref<1x80x64xf32, #tpu.memory_space<vmem>> -> memref<80x64xf32, #tpu.memory_space<vmem>>
    %dma_wait3A_74 = arith.constant 0 : i32
    %dma_wait3A_75 = tpu.memref_slice %arg8[%dma_wait3A_69, %dma_wait3A_74] : memref<252x80xi32, #tpu.memory_space<vmem>> -> memref<1x80xi32, #tpu.memory_space<vmem>>
    %dma_wait3A_76 = tpu.memref_squeeze %dma_wait3A_75 : memref<1x80xi32, #tpu.memory_space<vmem>> -> memref<80xi32, #tpu.memory_space<vmem>>
    %dma_wait3A_77 = arith.constant 0 : i32
    %dma_wait3A_78 = arith.constant 0 : i32
    %dma_wait3A_79 = tpu.memref_slice %arg10[%dma_wait3A_77, %dma_wait3A_78] : memref<10008x64xf32, #tpu.memory_space<vmem_shared>> -> memref<10008x64xf32, #tpu.memory_space<vmem_shared>>
    tpu.wait_indirect_dma semaphore(%arg16 : memref<!tpu.dma_semaphore, #tpu.memory_space<semaphore_mem>>) src(%dma_wait3A_73 : memref<80x64xf32, #tpu.memory_space<vmem>>) dst(%dma_wait3A_79 : memref<10008x64xf32, #tpu.memory_space<vmem_shared>>)
    %dma_wait3A_80 = arith.constant 2 : i32
    %dma_wait3A_81 = arith.constant 250 : i32
    %dma_wait3A_82 = arith.constant 0 : i32
    %dma_wait3A_83 = arith.constant 0 : i32
    %dma_wait3A_84 = tpu.memref_slice %arg9[%dma_wait3A_80, %dma_wait3A_82, %dma_wait3A_83] : memref<4x80x64xf32, #tpu.memory_space<vmem>> -> memref<1x80x64xf32, #tpu.memory_space<vmem>>
    %dma_wait3A_85 = tpu.memref_squeeze %dma_wait3A_84 : memref<1x80x64xf32, #tpu.memory_space<vmem>> -> memref<80x64xf32, #tpu.memory_space<vmem>>
    %dma_wait3A_86 = arith.constant 0 : i32
    %dma_wait3A_87 = tpu.memref_slice %arg8[%dma_wait3A_81, %dma_wait3A_86] : memref<252x80xi32, #tpu.memory_space<vmem>> -> memref<1x80xi32, #tpu.memory_space<vmem>>
    %dma_wait3A_88 = tpu.memref_squeeze %dma_wait3A_87 : memref<1x80xi32, #tpu.memory_space<vmem>> -> memref<80xi32, #tpu.memory_space<vmem>>
    %dma_wait3A_89 = arith.constant 0 : i32
    %dma_wait3A_90 = arith.constant 0 : i32
    %dma_wait3A_91 = tpu.memref_slice %arg10[%dma_wait3A_89, %dma_wait3A_90] : memref<10008x64xf32, #tpu.memory_space<vmem_shared>> -> memref<10008x64xf32, #tpu.memory_space<vmem_shared>>
    tpu.wait_indirect_dma semaphore(%arg17 : memref<!tpu.dma_semaphore, #tpu.memory_space<semaphore_mem>>) src(%dma_wait3A_85 : memref<80x64xf32, #tpu.memory_space<vmem>>) dst(%dma_wait3A_91 : memref<10008x64xf32, #tpu.memory_space<vmem_shared>>)
    %dma_wait3A_92 = arith.constant 3 : i32
    %dma_wait3A_93 = arith.constant 251 : i32
    %dma_wait3A_94 = arith.constant 0 : i32
    %dma_wait3A_95 = arith.constant 0 : i32
    %dma_wait3A_96 = tpu.memref_slice %arg9[%dma_wait3A_92, %dma_wait3A_94, %dma_wait3A_95] : memref<4x80x64xf32, #tpu.memory_space<vmem>> -> memref<1x80x64xf32, #tpu.memory_space<vmem>>
    %dma_wait3A_97 = tpu.memref_squeeze %dma_wait3A_96 : memref<1x80x64xf32, #tpu.memory_space<vmem>> -> memref<80x64xf32, #tpu.memory_space<vmem>>
    %dma_wait3A_98 = arith.constant 0 : i32
    %dma_wait3A_99 = tpu.memref_slice %arg8[%dma_wait3A_93, %dma_wait3A_98] : memref<252x80xi32, #tpu.memory_space<vmem>> -> memref<1x80xi32, #tpu.memory_space<vmem>>
    %dma_wait3A_100 = tpu.memref_squeeze %dma_wait3A_99 : memref<1x80xi32, #tpu.memory_space<vmem>> -> memref<80xi32, #tpu.memory_space<vmem>>
    %dma_wait3A_101 = arith.constant 0 : i32
    %dma_wait3A_102 = arith.constant 0 : i32
    %dma_wait3A_103 = tpu.memref_slice %arg10[%dma_wait3A_101, %dma_wait3A_102] : memref<10008x64xf32, #tpu.memory_space<vmem_shared>> -> memref<10008x64xf32, #tpu.memory_space<vmem_shared>>
    tpu.wait_indirect_dma semaphore(%arg18 : memref<!tpu.dma_semaphore, #tpu.memory_space<semaphore_mem>>) src(%dma_wait3A_97 : memref<80x64xf32, #tpu.memory_space<vmem>>) dst(%dma_wait3A_103 : memref<10008x64xf32, #tpu.memory_space<vmem_shared>>)
    %barrier3A_104 = arith.constant 0 : index
    tpu.barrier barrier_id(%barrier3A_104)
    "tpu.region"() ({
      %run_scoped3A = tpu.sem_alloc : memref<!tpu.dma_semaphore, #tpu.memory_space<semaphore_mem>>
      %dma_start3A_110 = arith.constant 0 : i32
      %dma_start3A_111 = tpu.memref_slice %arg6[%arg0, %mul3A_2, %dma_start3A_110] : memref<2x10000x64xf32, #tpu.memory_space<hbm>> -> memref<1x624x64xf32, #tpu.memory_space<hbm>>
      %dma_start3A_112 = tpu.memref_squeeze %dma_start3A_111 : memref<1x624x64xf32, #tpu.memory_space<hbm>> -> memref<624x64xf32, #tpu.memory_space<hbm>>
      %dma_start3A_113 = arith.constant 0 : i32
      %dma_start3A_114 = tpu.memref_slice %arg10[%mul3A_2, %dma_start3A_113] : memref<10008x64xf32, #tpu.memory_space<vmem_shared>> -> memref<624x64xf32, #tpu.memory_space<vmem_shared>>
      tpu.enqueue_dma source(%dma_start3A_114 : memref<624x64xf32, #tpu.memory_space<vmem_shared>>) target(%dma_start3A_112 : memref<624x64xf32, #tpu.memory_space<hbm>>) target_semaphore(%run_scoped3A : memref<!tpu.dma_semaphore, #tpu.memory_space<semaphore_mem>>)
      %dma_wait3A_115 = arith.constant 0 : i32
      %dma_wait3A_116 = tpu.memref_slice %arg6[%arg0, %mul3A_2, %dma_wait3A_115] : memref<2x10000x64xf32, #tpu.memory_space<hbm>> -> memref<1x624x64xf32, #tpu.memory_space<hbm>>
      %dma_wait3A_117 = tpu.memref_squeeze %dma_wait3A_116 : memref<1x624x64xf32, #tpu.memory_space<hbm>> -> memref<624x64xf32, #tpu.memory_space<hbm>>
      %dma_wait3A_118 = arith.constant 0 : i32
      %dma_wait3A_119 = tpu.memref_slice %arg10[%mul3A_2, %dma_wait3A_118] : memref<10008x64xf32, #tpu.memory_space<vmem_shared>> -> memref<624x64xf32, #tpu.memory_space<vmem_shared>>
      tpu.wait_dma2 semaphore(%run_scoped3A : memref<!tpu.dma_semaphore, #tpu.memory_space<semaphore_mem>>) src(%dma_wait3A_119 : memref<624x64xf32, #tpu.memory_space<vmem_shared>>) dst(%dma_wait3A_117 : memref<624x64xf32, #tpu.memory_space<hbm>>)
      tpu.yield
    }) : () -> ()
    %eq3A_105 = arith.constant 0 : i32
    %eq3A_106 = arith.cmpi eq, %arg1, %eq3A_105 : i32
    %convert_element_type3A_107 = arith.extui %eq3A_106 : i1 to i32
    %cond3A_108 = arith.constant 0 : i32
    %cond3A_109 = arith.cmpi ne, %convert_element_type3A_107, %cond3A_108 : i32
    scf.if %cond3A_109 {
      "tpu.region"() ({
        %run_scoped3A = tpu.sem_alloc : memref<!tpu.dma_semaphore, #tpu.memory_space<semaphore_mem>>
        %dma_start3A_110 = arith.constant 9984 : i32
        %dma_start3A_111 = arith.constant 0 : i32
        %dma_start3A_112 = tpu.memref_slice %arg6[%arg0, %dma_start3A_110, %dma_start3A_111] : memref<2x10000x64xf32, #tpu.memory_space<hbm>> -> memref<1x16x64xf32, #tpu.memory_space<hbm>>
        %dma_start3A_113 = tpu.memref_squeeze %dma_start3A_112 : memref<1x16x64xf32, #tpu.memory_space<hbm>> -> memref<16x64xf32, #tpu.memory_space<hbm>>
        %dma_start3A_114 = arith.constant 9984 : i32
        %dma_start3A_115 = arith.constant 0 : i32
        %dma_start3A_116 = tpu.memref_slice %arg10[%dma_start3A_114, %dma_start3A_115] : memref<10008x64xf32, #tpu.memory_space<vmem_shared>> -> memref<16x64xf32, #tpu.memory_space<vmem_shared>>
        tpu.enqueue_dma source(%dma_start3A_116 : memref<16x64xf32, #tpu.memory_space<vmem_shared>>) target(%dma_start3A_113 : memref<16x64xf32, #tpu.memory_space<hbm>>) target_semaphore(%run_scoped3A : memref<!tpu.dma_semaphore, #tpu.memory_space<semaphore_mem>>)
        %dma_wait3A_117 = arith.constant 9984 : i32
        %dma_wait3A_118 = arith.constant 0 : i32
        %dma_wait3A_119 = tpu.memref_slice %arg6[%arg0, %dma_wait3A_117, %dma_wait3A_118] : memref<2x10000x64xf32, #tpu.memory_space<hbm>> -> memref<1x16x64xf32, #tpu.memory_space<hbm>>
        %dma_wait3A_120 = tpu.memref_squeeze %dma_wait3A_119 : memref<1x16x64xf32, #tpu.memory_space<hbm>> -> memref<16x64xf32, #tpu.memory_space<hbm>>
        %dma_wait3A_121 = arith.constant 9984 : i32
        %dma_wait3A_122 = arith.constant 0 : i32
        %dma_wait3A_123 = tpu.memref_slice %arg10[%dma_wait3A_121, %dma_wait3A_122] : memref<10008x64xf32, #tpu.memory_space<vmem_shared>> -> memref<16x64xf32, #tpu.memory_space<vmem_shared>>
        tpu.wait_dma2 semaphore(%run_scoped3A : memref<!tpu.dma_semaphore, #tpu.memory_space<semaphore_mem>>) src(%dma_wait3A_123 : memref<16x64xf32, #tpu.memory_space<vmem_shared>>) dst(%dma_wait3A_120 : memref<16x64xf32, #tpu.memory_space<hbm>>)
        tpu.yield
      }) : () -> ()
    } else {
    }
    return
  }
}

#map = affine_map<(d0, d1) -> (0, 0)>
#map1 = affine_map<(d0, d1) -> (0, 0, 0)>
module attributes {stable_mosaic.version = 14 : i64} {
  func.func @prop(%arg0: i32, %arg1: i32, %arg2: memref<20000x64xf32, #tpu.memory_space<hbm>>, %arg3: memref<10000x64xf32, #tpu.memory_space<hbm>>, %arg4: memref<32x252x80xi32, #tpu.memory_space<hbm>>, %arg5: memref<32x252x80xi32, #tpu.memory_space<hbm>>, %arg6: memref<2x10000x64xf32, #tpu.memory_space<hbm>>, %arg7: memref<252x80xi32, #tpu.memory_space<vmem>>, %arg8: memref<252x80xi32, #tpu.memory_space<vmem>>, %arg9: memref<4x80x64xf32, #tpu.memory_space<vmem>>, %arg10: memref<10008x64xf32, #tpu.memory_space<vmem_shared>>, %arg11: memref<!tpu.dma_semaphore, #tpu.memory_space<semaphore_mem>>, %arg12: memref<!tpu.dma_semaphore, #tpu.memory_space<semaphore_mem>>, %arg13: memref<!tpu.dma_semaphore, #tpu.memory_space<semaphore_mem>>, %arg14: memref<!tpu.dma_semaphore, #tpu.memory_space<semaphore_mem>>, %arg15: memref<!tpu.dma_semaphore, #tpu.memory_space<semaphore_mem>>, %arg16: memref<!tpu.dma_semaphore, #tpu.memory_space<semaphore_mem>>, %arg17: memref<!tpu.dma_semaphore, #tpu.memory_space<semaphore_mem>>, %arg18: memref<!tpu.dma_semaphore, #tpu.memory_space<semaphore_mem>>) attributes {dimension_semantics = [#tpu.dimension_semantics<core_parallel>, #tpu.dimension_semantics<subcore_parallel>], iteration_bounds = array<i64: 2, 16>, scalar_prefetch = 0 : i64, scratch_operands = 12 : i64, tpu.core_type = #tpu.core_type<sc_vector_subcore>, window_params = [{transform_indices = #map}, {transform_indices = #map}, {transform_indices = #map1}, {transform_indices = #map1}, {transform_indices = #map1}]} {
    %mul3A = arith.constant 16 : i32
    %mul3A_0 = arith.muli %arg0, %mul3A : i32
    %add3A = arith.addi %mul3A_0, %arg1 : i32
    %mul3A_1 = arith.constant 624 : i32
    %mul3A_2 = arith.muli %arg1, %mul3A_1 : i32
    "tpu.region"() ({
      %run_scoped3A = tpu.sem_alloc : memref<!tpu.dma_semaphore, #tpu.memory_space<semaphore_mem>>
      %dma_start3A_110 = arith.constant 0 : i32
      %dma_start3A_111 = tpu.memref_slice %arg10[%mul3A_2, %dma_start3A_110] : memref<10008x64xf32, #tpu.memory_space<vmem_shared>> -> memref<624x64xf32, #tpu.memory_space<vmem_shared>>
      %dma_start3A_112 = arith.constant 0 : i32
      %dma_start3A_113 = tpu.memref_slice %arg3[%mul3A_2, %dma_start3A_112] : memref<10000x64xf32, #tpu.memory_space<hbm>> -> memref<624x64xf32, #tpu.memory_space<hbm>>
      tpu.enqueue_dma source(%dma_start3A_113 : memref<624x64xf32, #tpu.memory_space<hbm>>) target(%dma_start3A_111 : memref<624x64xf32, #tpu.memory_space<vmem_shared>>) target_semaphore(%run_scoped3A : memref<!tpu.dma_semaphore, #tpu.memory_space<semaphore_mem>>)
      %dma_wait3A_114 = arith.constant 0 : i32
      %dma_wait3A_115 = tpu.memref_slice %arg10[%mul3A_2, %dma_wait3A_114] : memref<10008x64xf32, #tpu.memory_space<vmem_shared>> -> memref<624x64xf32, #tpu.memory_space<vmem_shared>>
      %dma_wait3A_116 = arith.constant 0 : i32
      %dma_wait3A_117 = tpu.memref_slice %arg3[%mul3A_2, %dma_wait3A_116] : memref<10000x64xf32, #tpu.memory_space<hbm>> -> memref<624x64xf32, #tpu.memory_space<hbm>>
      tpu.wait_dma2 semaphore(%run_scoped3A : memref<!tpu.dma_semaphore, #tpu.memory_space<semaphore_mem>>) src(%dma_wait3A_117 : memref<624x64xf32, #tpu.memory_space<hbm>>) dst(%dma_wait3A_115 : memref<624x64xf32, #tpu.memory_space<vmem_shared>>)
      tpu.yield
    }) : () -> ()
    %eq3A = arith.constant 0 : i32
    %eq3A_3 = arith.cmpi eq, %arg1, %eq3A : i32
    %convert_element_type3A = arith.extui %eq3A_3 : i1 to i32
    %cond3A = arith.constant 0 : i32
    %cond3A_4 = arith.cmpi ne, %convert_element_type3A, %cond3A : i32
    scf.if %cond3A_4 {
      "tpu.region"() ({
        %run_scoped3A = tpu.sem_alloc : memref<!tpu.dma_semaphore, #tpu.memory_space<semaphore_mem>>
        %dma_start3A_110 = arith.constant 9984 : i32
        %dma_start3A_111 = arith.constant 0 : i32
        %dma_start3A_112 = tpu.memref_slice %arg10[%dma_start3A_110, %dma_start3A_111] : memref<10008x64xf32, #tpu.memory_space<vmem_shared>> -> memref<16x64xf32, #tpu.memory_space<vmem_shared>>
        %dma_start3A_113 = arith.constant 9984 : i32
        %dma_start3A_114 = arith.constant 0 : i32
        %dma_start3A_115 = tpu.memref_slice %arg3[%dma_start3A_113, %dma_start3A_114] : memref<10000x64xf32, #tpu.memory_space<hbm>> -> memref<16x64xf32, #tpu.memory_space<hbm>>
        tpu.enqueue_dma source(%dma_start3A_115 : memref<16x64xf32, #tpu.memory_space<hbm>>) target(%dma_start3A_112 : memref<16x64xf32, #tpu.memory_space<vmem_shared>>) target_semaphore(%run_scoped3A : memref<!tpu.dma_semaphore, #tpu.memory_space<semaphore_mem>>)
        %dma_wait3A_116 = arith.constant 9984 : i32
        %dma_wait3A_117 = arith.constant 0 : i32
        %dma_wait3A_118 = tpu.memref_slice %arg10[%dma_wait3A_116, %dma_wait3A_117] : memref<10008x64xf32, #tpu.memory_space<vmem_shared>> -> memref<16x64xf32, #tpu.memory_space<vmem_shared>>
        %dma_wait3A_119 = arith.constant 9984 : i32
        %dma_wait3A_120 = arith.constant 0 : i32
        %dma_wait3A_121 = tpu.memref_slice %arg3[%dma_wait3A_119, %dma_wait3A_120] : memref<10000x64xf32, #tpu.memory_space<hbm>> -> memref<16x64xf32, #tpu.memory_space<hbm>>
        tpu.wait_dma2 semaphore(%run_scoped3A : memref<!tpu.dma_semaphore, #tpu.memory_space<semaphore_mem>>) src(%dma_wait3A_121 : memref<16x64xf32, #tpu.memory_space<hbm>>) dst(%dma_wait3A_118 : memref<16x64xf32, #tpu.memory_space<vmem_shared>>)
        tpu.yield
      }) : () -> ()
    } else {
    }
    "tpu.region"() ({
      %run_scoped3A = tpu.sem_alloc : memref<!tpu.dma_semaphore, #tpu.memory_space<semaphore_mem>>
      %dma_start3A_110 = arith.constant 0 : i32
      %dma_start3A_111 = arith.constant 0 : i32
      %dma_start3A_112 = tpu.memref_slice %arg4[%add3A, %dma_start3A_110, %dma_start3A_111] : memref<32x252x80xi32, #tpu.memory_space<hbm>> -> memref<1x252x80xi32, #tpu.memory_space<hbm>>
      %dma_start3A_113 = tpu.memref_squeeze %dma_start3A_112 : memref<1x252x80xi32, #tpu.memory_space<hbm>> -> memref<252x80xi32, #tpu.memory_space<hbm>>
      %dma_start3A_114 = arith.constant 0 : i32
      %dma_start3A_115 = arith.constant 0 : i32
      %dma_start3A_116 = tpu.memref_slice %arg4[%add3A, %dma_start3A_114, %dma_start3A_115] : memref<32x252x80xi32, #tpu.memory_space<hbm>> -> memref<1x252x80xi32, #tpu.memory_space<hbm>>
      %dma_start3A_117 = tpu.memref_squeeze %dma_start3A_116 : memref<1x252x80xi32, #tpu.memory_space<hbm>> -> memref<252x80xi32, #tpu.memory_space<hbm>>
      tpu.enqueue_dma source(%dma_start3A_117 : memref<252x80xi32, #tpu.memory_space<hbm>>) target(%arg7 : memref<252x80xi32, #tpu.memory_space<vmem>>) target_semaphore(%run_scoped3A : memref<!tpu.dma_semaphore, #tpu.memory_space<semaphore_mem>>)
      %dma_wait3A_118 = arith.constant 0 : i32
      %dma_wait3A_119 = arith.constant 0 : i32
      %dma_wait3A_120 = tpu.memref_slice %arg4[%add3A, %dma_wait3A_118, %dma_wait3A_119] : memref<32x252x80xi32, #tpu.memory_space<hbm>> -> memref<1x252x80xi32, #tpu.memory_space<hbm>>
      %dma_wait3A_121 = tpu.memref_squeeze %dma_wait3A_120 : memref<1x252x80xi32, #tpu.memory_space<hbm>> -> memref<252x80xi32, #tpu.memory_space<hbm>>
      %dma_wait3A_122 = arith.constant 0 : i32
      %dma_wait3A_123 = arith.constant 0 : i32
      %dma_wait3A_124 = tpu.memref_slice %arg4[%add3A, %dma_wait3A_122, %dma_wait3A_123] : memref<32x252x80xi32, #tpu.memory_space<hbm>> -> memref<1x252x80xi32, #tpu.memory_space<hbm>>
      %dma_wait3A_125 = tpu.memref_squeeze %dma_wait3A_124 : memref<1x252x80xi32, #tpu.memory_space<hbm>> -> memref<252x80xi32, #tpu.memory_space<hbm>>
      tpu.wait_dma2 semaphore(%run_scoped3A : memref<!tpu.dma_semaphore, #tpu.memory_space<semaphore_mem>>) src(%dma_wait3A_125 : memref<252x80xi32, #tpu.memory_space<hbm>>) dst(%arg7 : memref<252x80xi32, #tpu.memory_space<vmem>>)
      tpu.yield
    }) : () -> ()
    "tpu.region"() ({
      %run_scoped3A = tpu.sem_alloc : memref<!tpu.dma_semaphore, #tpu.memory_space<semaphore_mem>>
      %dma_start3A_110 = arith.constant 0 : i32
      %dma_start3A_111 = arith.constant 0 : i32
      %dma_start3A_112 = tpu.memref_slice %arg5[%add3A, %dma_start3A_110, %dma_start3A_111] : memref<32x252x80xi32, #tpu.memory_space<hbm>> -> memref<1x252x80xi32, #tpu.memory_space<hbm>>
      %dma_start3A_113 = tpu.memref_squeeze %dma_start3A_112 : memref<1x252x80xi32, #tpu.memory_space<hbm>> -> memref<252x80xi32, #tpu.memory_space<hbm>>
      %dma_start3A_114 = arith.constant 0 : i32
      %dma_start3A_115 = arith.constant 0 : i32
      %dma_start3A_116 = tpu.memref_slice %arg5[%add3A, %dma_start3A_114, %dma_start3A_115] : memref<32x252x80xi32, #tpu.memory_space<hbm>> -> memref<1x252x80xi32, #tpu.memory_space<hbm>>
      %dma_start3A_117 = tpu.memref_squeeze %dma_start3A_116 : memref<1x252x80xi32, #tpu.memory_space<hbm>> -> memref<252x80xi32, #tpu.memory_space<hbm>>
      tpu.enqueue_dma source(%dma_start3A_117 : memref<252x80xi32, #tpu.memory_space<hbm>>) target(%arg8 : memref<252x80xi32, #tpu.memory_space<vmem>>) target_semaphore(%run_scoped3A : memref<!tpu.dma_semaphore, #tpu.memory_space<semaphore_mem>>)
      %dma_wait3A_118 = arith.constant 0 : i32
      %dma_wait3A_119 = arith.constant 0 : i32
      %dma_wait3A_120 = tpu.memref_slice %arg5[%add3A, %dma_wait3A_118, %dma_wait3A_119] : memref<32x252x80xi32, #tpu.memory_space<hbm>> -> memref<1x252x80xi32, #tpu.memory_space<hbm>>
      %dma_wait3A_121 = tpu.memref_squeeze %dma_wait3A_120 : memref<1x252x80xi32, #tpu.memory_space<hbm>> -> memref<252x80xi32, #tpu.memory_space<hbm>>
      %dma_wait3A_122 = arith.constant 0 : i32
      %dma_wait3A_123 = arith.constant 0 : i32
      %dma_wait3A_124 = tpu.memref_slice %arg5[%add3A, %dma_wait3A_122, %dma_wait3A_123] : memref<32x252x80xi32, #tpu.memory_space<hbm>> -> memref<1x252x80xi32, #tpu.memory_space<hbm>>
      %dma_wait3A_125 = tpu.memref_squeeze %dma_wait3A_124 : memref<1x252x80xi32, #tpu.memory_space<hbm>> -> memref<252x80xi32, #tpu.memory_space<hbm>>
      tpu.wait_dma2 semaphore(%run_scoped3A : memref<!tpu.dma_semaphore, #tpu.memory_space<semaphore_mem>>) src(%dma_wait3A_125 : memref<252x80xi32, #tpu.memory_space<hbm>>) dst(%arg8 : memref<252x80xi32, #tpu.memory_space<vmem>>)
      tpu.yield
    }) : () -> ()
    %barrier3A = arith.constant 0 : index
    tpu.barrier barrier_id(%barrier3A)
    %dma_start3A = arith.constant 0 : i32
    %dma_start3A_5 = arith.constant 0 : i32
    %dma_start3A_6 = arith.constant 0 : i32
    %dma_start3A_7 = arith.constant 0 : i32
    %dma_start3A_8 = tpu.memref_slice %arg9[%dma_start3A_5, %dma_start3A_6, %dma_start3A_7] : memref<4x80x64xf32, #tpu.memory_space<vmem>> -> memref<1x80x64xf32, #tpu.memory_space<vmem>>
    %dma_start3A_9 = tpu.memref_squeeze %dma_start3A_8 : memref<1x80x64xf32, #tpu.memory_space<vmem>> -> memref<80x64xf32, #tpu.memory_space<vmem>>
    %dma_start3A_10 = arith.constant 0 : i32
    %dma_start3A_11 = tpu.memref_slice %arg7[%dma_start3A, %dma_start3A_10] : memref<252x80xi32, #tpu.memory_space<vmem>> -> memref<1x80xi32, #tpu.memory_space<vmem>>
    %dma_start3A_12 = tpu.memref_squeeze %dma_start3A_11 : memref<1x80xi32, #tpu.memory_space<vmem>> -> memref<80xi32, #tpu.memory_space<vmem>>
    %dma_start3A_13 = arith.constant 0 : i32
    %dma_start3A_14 = arith.constant 0 : i32
    %dma_start3A_15 = tpu.memref_slice %arg2[%dma_start3A_13, %dma_start3A_14] : memref<20000x64xf32, #tpu.memory_space<hbm>> -> memref<20000x64xf32, #tpu.memory_space<hbm>>
    tpu.enqueue_indirect_dma source(%dma_start3A_15 : memref<20000x64xf32, #tpu.memory_space<hbm>>) target(%dma_start3A_9 : memref<80x64xf32, #tpu.memory_space<vmem>>) offsets(%dma_start3A_12 : memref<80xi32, #tpu.memory_space<vmem>>) semaphore(%arg11 : memref<!tpu.dma_semaphore, #tpu.memory_space<semaphore_mem>>)
    %dma_start3A_16 = arith.constant 1 : i32
    %dma_start3A_17 = arith.constant 1 : i32
    %dma_start3A_18 = arith.constant 0 : i32
    %dma_start3A_19 = arith.constant 0 : i32
    %dma_start3A_20 = tpu.memref_slice %arg9[%dma_start3A_17, %dma_start3A_18, %dma_start3A_19] : memref<4x80x64xf32, #tpu.memory_space<vmem>> -> memref<1x80x64xf32, #tpu.memory_space<vmem>>
    %dma_start3A_21 = tpu.memref_squeeze %dma_start3A_20 : memref<1x80x64xf32, #tpu.memory_space<vmem>> -> memref<80x64xf32, #tpu.memory_space<vmem>>
    %dma_start3A_22 = arith.constant 0 : i32
    %dma_start3A_23 = tpu.memref_slice %arg7[%dma_start3A_16, %dma_start3A_22] : memref<252x80xi32, #tpu.memory_space<vmem>> -> memref<1x80xi32, #tpu.memory_space<vmem>>
    %dma_start3A_24 = tpu.memref_squeeze %dma_start3A_23 : memref<1x80xi32, #tpu.memory_space<vmem>> -> memref<80xi32, #tpu.memory_space<vmem>>
    %dma_start3A_25 = arith.constant 0 : i32
    %dma_start3A_26 = arith.constant 0 : i32
    %dma_start3A_27 = tpu.memref_slice %arg2[%dma_start3A_25, %dma_start3A_26] : memref<20000x64xf32, #tpu.memory_space<hbm>> -> memref<20000x64xf32, #tpu.memory_space<hbm>>
    tpu.enqueue_indirect_dma source(%dma_start3A_27 : memref<20000x64xf32, #tpu.memory_space<hbm>>) target(%dma_start3A_21 : memref<80x64xf32, #tpu.memory_space<vmem>>) offsets(%dma_start3A_24 : memref<80xi32, #tpu.memory_space<vmem>>) semaphore(%arg12 : memref<!tpu.dma_semaphore, #tpu.memory_space<semaphore_mem>>)
    %dma_start3A_28 = arith.constant 2 : i32
    %dma_start3A_29 = arith.constant 2 : i32
    %dma_start3A_30 = arith.constant 0 : i32
    %dma_start3A_31 = arith.constant 0 : i32
    %dma_start3A_32 = tpu.memref_slice %arg9[%dma_start3A_29, %dma_start3A_30, %dma_start3A_31] : memref<4x80x64xf32, #tpu.memory_space<vmem>> -> memref<1x80x64xf32, #tpu.memory_space<vmem>>
    %dma_start3A_33 = tpu.memref_squeeze %dma_start3A_32 : memref<1x80x64xf32, #tpu.memory_space<vmem>> -> memref<80x64xf32, #tpu.memory_space<vmem>>
    %dma_start3A_34 = arith.constant 0 : i32
    %dma_start3A_35 = tpu.memref_slice %arg7[%dma_start3A_28, %dma_start3A_34] : memref<252x80xi32, #tpu.memory_space<vmem>> -> memref<1x80xi32, #tpu.memory_space<vmem>>
    %dma_start3A_36 = tpu.memref_squeeze %dma_start3A_35 : memref<1x80xi32, #tpu.memory_space<vmem>> -> memref<80xi32, #tpu.memory_space<vmem>>
    %dma_start3A_37 = arith.constant 0 : i32
    %dma_start3A_38 = arith.constant 0 : i32
    %dma_start3A_39 = tpu.memref_slice %arg2[%dma_start3A_37, %dma_start3A_38] : memref<20000x64xf32, #tpu.memory_space<hbm>> -> memref<20000x64xf32, #tpu.memory_space<hbm>>
    tpu.enqueue_indirect_dma source(%dma_start3A_39 : memref<20000x64xf32, #tpu.memory_space<hbm>>) target(%dma_start3A_33 : memref<80x64xf32, #tpu.memory_space<vmem>>) offsets(%dma_start3A_36 : memref<80xi32, #tpu.memory_space<vmem>>) semaphore(%arg13 : memref<!tpu.dma_semaphore, #tpu.memory_space<semaphore_mem>>)
    %dma_start3A_40 = arith.constant 3 : i32
    %dma_start3A_41 = arith.constant 3 : i32
    %dma_start3A_42 = arith.constant 0 : i32
    %dma_start3A_43 = arith.constant 0 : i32
    %dma_start3A_44 = tpu.memref_slice %arg9[%dma_start3A_41, %dma_start3A_42, %dma_start3A_43] : memref<4x80x64xf32, #tpu.memory_space<vmem>> -> memref<1x80x64xf32, #tpu.memory_space<vmem>>
    %dma_start3A_45 = tpu.memref_squeeze %dma_start3A_44 : memref<1x80x64xf32, #tpu.memory_space<vmem>> -> memref<80x64xf32, #tpu.memory_space<vmem>>
    %dma_start3A_46 = arith.constant 0 : i32
    %dma_start3A_47 = tpu.memref_slice %arg7[%dma_start3A_40, %dma_start3A_46] : memref<252x80xi32, #tpu.memory_space<vmem>> -> memref<1x80xi32, #tpu.memory_space<vmem>>
    %dma_start3A_48 = tpu.memref_squeeze %dma_start3A_47 : memref<1x80xi32, #tpu.memory_space<vmem>> -> memref<80xi32, #tpu.memory_space<vmem>>
    %dma_start3A_49 = arith.constant 0 : i32
    %dma_start3A_50 = arith.constant 0 : i32
    %dma_start3A_51 = tpu.memref_slice %arg2[%dma_start3A_49, %dma_start3A_50] : memref<20000x64xf32, #tpu.memory_space<hbm>> -> memref<20000x64xf32, #tpu.memory_space<hbm>>
    tpu.enqueue_indirect_dma source(%dma_start3A_51 : memref<20000x64xf32, #tpu.memory_space<hbm>>) target(%dma_start3A_45 : memref<80x64xf32, #tpu.memory_space<vmem>>) offsets(%dma_start3A_48 : memref<80xi32, #tpu.memory_space<vmem>>) semaphore(%arg14 : memref<!tpu.dma_semaphore, #tpu.memory_space<semaphore_mem>>)
    %scan3A = arith.constant 0 : i32
    %scan3A_52 = arith.constant 0 : i32
    %scan3A_53 = arith.constant 63 : i32
    %scan3A_54 = arith.addi %scan3A_52, %scan3A_53 : i32
    %scan3A_55 = arith.constant 1 : i32
    scf.for %scan3A_110 = %scan3A_52 to %scan3A_54 step %scan3A_55  : i32 {
      %mul3A_111 = arith.constant 4 : i32
      %mul3A_112 = arith.muli %scan3A_110, %mul3A_111 : i32
      %add3A_113 = arith.constant 0 : i32
      %add3A_114 = arith.addi %mul3A_112, %add3A_113 : i32
      %dma_wait3A_115 = arith.constant 0 : i32
      %dma_wait3A_116 = arith.constant 0 : i32
      %dma_wait3A_117 = arith.constant 0 : i32
      %dma_wait3A_118 = tpu.memref_slice %arg9[%dma_wait3A_115, %dma_wait3A_116, %dma_wait3A_117] : memref<4x80x64xf32, #tpu.memory_space<vmem>> -> memref<1x80x64xf32, #tpu.memory_space<vmem>>
      %dma_wait3A_119 = tpu.memref_squeeze %dma_wait3A_118 : memref<1x80x64xf32, #tpu.memory_space<vmem>> -> memref<80x64xf32, #tpu.memory_space<vmem>>
      %dma_wait3A_120 = arith.constant 0 : i32
      %dma_wait3A_121 = tpu.memref_slice %arg7[%add3A_114, %dma_wait3A_120] : memref<252x80xi32, #tpu.memory_space<vmem>> -> memref<1x80xi32, #tpu.memory_space<vmem>>
      %dma_wait3A_122 = tpu.memref_squeeze %dma_wait3A_121 : memref<1x80xi32, #tpu.memory_space<vmem>> -> memref<80xi32, #tpu.memory_space<vmem>>
      %dma_wait3A_123 = arith.constant 0 : i32
      %dma_wait3A_124 = arith.constant 0 : i32
      %dma_wait3A_125 = tpu.memref_slice %arg2[%dma_wait3A_123, %dma_wait3A_124] : memref<20000x64xf32, #tpu.memory_space<hbm>> -> memref<20000x64xf32, #tpu.memory_space<hbm>>
      tpu.wait_indirect_dma semaphore(%arg11 : memref<!tpu.dma_semaphore, #tpu.memory_space<semaphore_mem>>) src(%dma_wait3A_125 : memref<20000x64xf32, #tpu.memory_space<hbm>>) dst(%dma_wait3A_119 : memref<80x64xf32, #tpu.memory_space<vmem>>)
      %add3A_126 = arith.constant 0 : i32
      %add3A_127 = arith.addi %mul3A_112, %add3A_126 : i32
      %dma_start3A_128 = arith.constant 0 : i32
      %dma_start3A_129 = arith.constant 0 : i32
      %dma_start3A_130 = arith.constant 0 : i32
      %dma_start3A_131 = tpu.memref_slice %arg9[%dma_start3A_128, %dma_start3A_129, %dma_start3A_130] : memref<4x80x64xf32, #tpu.memory_space<vmem>> -> memref<1x80x64xf32, #tpu.memory_space<vmem>>
      %dma_start3A_132 = tpu.memref_squeeze %dma_start3A_131 : memref<1x80x64xf32, #tpu.memory_space<vmem>> -> memref<80x64xf32, #tpu.memory_space<vmem>>
      %dma_start3A_133 = arith.constant 0 : i32
      %dma_start3A_134 = tpu.memref_slice %arg8[%add3A_127, %dma_start3A_133] : memref<252x80xi32, #tpu.memory_space<vmem>> -> memref<1x80xi32, #tpu.memory_space<vmem>>
      %dma_start3A_135 = tpu.memref_squeeze %dma_start3A_134 : memref<1x80xi32, #tpu.memory_space<vmem>> -> memref<80xi32, #tpu.memory_space<vmem>>
      %dma_start3A_136 = arith.constant 0 : i32
      %dma_start3A_137 = arith.constant 0 : i32
      %dma_start3A_138 = tpu.memref_slice %arg10[%dma_start3A_136, %dma_start3A_137] : memref<10008x64xf32, #tpu.memory_space<vmem_shared>> -> memref<10008x64xf32, #tpu.memory_space<vmem_shared>>
      tpu.enqueue_indirect_dma source(%dma_start3A_132 : memref<80x64xf32, #tpu.memory_space<vmem>>) target(%dma_start3A_138 : memref<10008x64xf32, #tpu.memory_space<vmem_shared>>) offsets(%dma_start3A_135 : memref<80xi32, #tpu.memory_space<vmem>>) semaphore(%arg15 : memref<!tpu.dma_semaphore, #tpu.memory_space<semaphore_mem>>) {add = true}
      %add3A_139 = arith.constant 1 : i32
      %add3A_140 = arith.addi %mul3A_112, %add3A_139 : i32
      %dma_wait3A_141 = arith.constant 1 : i32
      %dma_wait3A_142 = arith.constant 0 : i32
      %dma_wait3A_143 = arith.constant 0 : i32
      %dma_wait3A_144 = tpu.memref_slice %arg9[%dma_wait3A_141, %dma_wait3A_142, %dma_wait3A_143] : memref<4x80x64xf32, #tpu.memory_space<vmem>> -> memref<1x80x64xf32, #tpu.memory_space<vmem>>
      %dma_wait3A_145 = tpu.memref_squeeze %dma_wait3A_144 : memref<1x80x64xf32, #tpu.memory_space<vmem>> -> memref<80x64xf32, #tpu.memory_space<vmem>>
      %dma_wait3A_146 = arith.constant 0 : i32
      %dma_wait3A_147 = tpu.memref_slice %arg7[%add3A_140, %dma_wait3A_146] : memref<252x80xi32, #tpu.memory_space<vmem>> -> memref<1x80xi32, #tpu.memory_space<vmem>>
      %dma_wait3A_148 = tpu.memref_squeeze %dma_wait3A_147 : memref<1x80xi32, #tpu.memory_space<vmem>> -> memref<80xi32, #tpu.memory_space<vmem>>
      %dma_wait3A_149 = arith.constant 0 : i32
      %dma_wait3A_150 = arith.constant 0 : i32
      %dma_wait3A_151 = tpu.memref_slice %arg2[%dma_wait3A_149, %dma_wait3A_150] : memref<20000x64xf32, #tpu.memory_space<hbm>> -> memref<20000x64xf32, #tpu.memory_space<hbm>>
      tpu.wait_indirect_dma semaphore(%arg12 : memref<!tpu.dma_semaphore, #tpu.memory_space<semaphore_mem>>) src(%dma_wait3A_151 : memref<20000x64xf32, #tpu.memory_space<hbm>>) dst(%dma_wait3A_145 : memref<80x64xf32, #tpu.memory_space<vmem>>)
      %add3A_152 = arith.constant 1 : i32
      %add3A_153 = arith.addi %mul3A_112, %add3A_152 : i32
      %dma_start3A_154 = arith.constant 1 : i32
      %dma_start3A_155 = arith.constant 0 : i32
      %dma_start3A_156 = arith.constant 0 : i32
      %dma_start3A_157 = tpu.memref_slice %arg9[%dma_start3A_154, %dma_start3A_155, %dma_start3A_156] : memref<4x80x64xf32, #tpu.memory_space<vmem>> -> memref<1x80x64xf32, #tpu.memory_space<vmem>>
      %dma_start3A_158 = tpu.memref_squeeze %dma_start3A_157 : memref<1x80x64xf32, #tpu.memory_space<vmem>> -> memref<80x64xf32, #tpu.memory_space<vmem>>
      %dma_start3A_159 = arith.constant 0 : i32
      %dma_start3A_160 = tpu.memref_slice %arg8[%add3A_153, %dma_start3A_159] : memref<252x80xi32, #tpu.memory_space<vmem>> -> memref<1x80xi32, #tpu.memory_space<vmem>>
      %dma_start3A_161 = tpu.memref_squeeze %dma_start3A_160 : memref<1x80xi32, #tpu.memory_space<vmem>> -> memref<80xi32, #tpu.memory_space<vmem>>
      %dma_start3A_162 = arith.constant 0 : i32
      %dma_start3A_163 = arith.constant 0 : i32
      %dma_start3A_164 = tpu.memref_slice %arg10[%dma_start3A_162, %dma_start3A_163] : memref<10008x64xf32, #tpu.memory_space<vmem_shared>> -> memref<10008x64xf32, #tpu.memory_space<vmem_shared>>
      tpu.enqueue_indirect_dma source(%dma_start3A_158 : memref<80x64xf32, #tpu.memory_space<vmem>>) target(%dma_start3A_164 : memref<10008x64xf32, #tpu.memory_space<vmem_shared>>) offsets(%dma_start3A_161 : memref<80xi32, #tpu.memory_space<vmem>>) semaphore(%arg16 : memref<!tpu.dma_semaphore, #tpu.memory_space<semaphore_mem>>) {add = true}
      %add3A_165 = arith.constant 2 : i32
      %add3A_166 = arith.addi %mul3A_112, %add3A_165 : i32
      %dma_wait3A_167 = arith.constant 2 : i32
      %dma_wait3A_168 = arith.constant 0 : i32
      %dma_wait3A_169 = arith.constant 0 : i32
      %dma_wait3A_170 = tpu.memref_slice %arg9[%dma_wait3A_167, %dma_wait3A_168, %dma_wait3A_169] : memref<4x80x64xf32, #tpu.memory_space<vmem>> -> memref<1x80x64xf32, #tpu.memory_space<vmem>>
      %dma_wait3A_171 = tpu.memref_squeeze %dma_wait3A_170 : memref<1x80x64xf32, #tpu.memory_space<vmem>> -> memref<80x64xf32, #tpu.memory_space<vmem>>
      %dma_wait3A_172 = arith.constant 0 : i32
      %dma_wait3A_173 = tpu.memref_slice %arg7[%add3A_166, %dma_wait3A_172] : memref<252x80xi32, #tpu.memory_space<vmem>> -> memref<1x80xi32, #tpu.memory_space<vmem>>
      %dma_wait3A_174 = tpu.memref_squeeze %dma_wait3A_173 : memref<1x80xi32, #tpu.memory_space<vmem>> -> memref<80xi32, #tpu.memory_space<vmem>>
      %dma_wait3A_175 = arith.constant 0 : i32
      %dma_wait3A_176 = arith.constant 0 : i32
      %dma_wait3A_177 = tpu.memref_slice %arg2[%dma_wait3A_175, %dma_wait3A_176] : memref<20000x64xf32, #tpu.memory_space<hbm>> -> memref<20000x64xf32, #tpu.memory_space<hbm>>
      tpu.wait_indirect_dma semaphore(%arg13 : memref<!tpu.dma_semaphore, #tpu.memory_space<semaphore_mem>>) src(%dma_wait3A_177 : memref<20000x64xf32, #tpu.memory_space<hbm>>) dst(%dma_wait3A_171 : memref<80x64xf32, #tpu.memory_space<vmem>>)
      %add3A_178 = arith.constant 2 : i32
      %add3A_179 = arith.addi %mul3A_112, %add3A_178 : i32
      %dma_start3A_180 = arith.constant 2 : i32
      %dma_start3A_181 = arith.constant 0 : i32
      %dma_start3A_182 = arith.constant 0 : i32
      %dma_start3A_183 = tpu.memref_slice %arg9[%dma_start3A_180, %dma_start3A_181, %dma_start3A_182] : memref<4x80x64xf32, #tpu.memory_space<vmem>> -> memref<1x80x64xf32, #tpu.memory_space<vmem>>
      %dma_start3A_184 = tpu.memref_squeeze %dma_start3A_183 : memref<1x80x64xf32, #tpu.memory_space<vmem>> -> memref<80x64xf32, #tpu.memory_space<vmem>>
      %dma_start3A_185 = arith.constant 0 : i32
      %dma_start3A_186 = tpu.memref_slice %arg8[%add3A_179, %dma_start3A_185] : memref<252x80xi32, #tpu.memory_space<vmem>> -> memref<1x80xi32, #tpu.memory_space<vmem>>
      %dma_start3A_187 = tpu.memref_squeeze %dma_start3A_186 : memref<1x80xi32, #tpu.memory_space<vmem>> -> memref<80xi32, #tpu.memory_space<vmem>>
      %dma_start3A_188 = arith.constant 0 : i32
      %dma_start3A_189 = arith.constant 0 : i32
      %dma_start3A_190 = tpu.memref_slice %arg10[%dma_start3A_188, %dma_start3A_189] : memref<10008x64xf32, #tpu.memory_space<vmem_shared>> -> memref<10008x64xf32, #tpu.memory_space<vmem_shared>>
      tpu.enqueue_indirect_dma source(%dma_start3A_184 : memref<80x64xf32, #tpu.memory_space<vmem>>) target(%dma_start3A_190 : memref<10008x64xf32, #tpu.memory_space<vmem_shared>>) offsets(%dma_start3A_187 : memref<80xi32, #tpu.memory_space<vmem>>) semaphore(%arg17 : memref<!tpu.dma_semaphore, #tpu.memory_space<semaphore_mem>>) {add = true}
      %add3A_191 = arith.constant 3 : i32
      %add3A_192 = arith.addi %mul3A_112, %add3A_191 : i32
      %dma_wait3A_193 = arith.constant 3 : i32
      %dma_wait3A_194 = arith.constant 0 : i32
      %dma_wait3A_195 = arith.constant 0 : i32
      %dma_wait3A_196 = tpu.memref_slice %arg9[%dma_wait3A_193, %dma_wait3A_194, %dma_wait3A_195] : memref<4x80x64xf32, #tpu.memory_space<vmem>> -> memref<1x80x64xf32, #tpu.memory_space<vmem>>
      %dma_wait3A_197 = tpu.memref_squeeze %dma_wait3A_196 : memref<1x80x64xf32, #tpu.memory_space<vmem>> -> memref<80x64xf32, #tpu.memory_space<vmem>>
      %dma_wait3A_198 = arith.constant 0 : i32
      %dma_wait3A_199 = tpu.memref_slice %arg7[%add3A_192, %dma_wait3A_198] : memref<252x80xi32, #tpu.memory_space<vmem>> -> memref<1x80xi32, #tpu.memory_space<vmem>>
      %dma_wait3A_200 = tpu.memref_squeeze %dma_wait3A_199 : memref<1x80xi32, #tpu.memory_space<vmem>> -> memref<80xi32, #tpu.memory_space<vmem>>
      %dma_wait3A_201 = arith.constant 0 : i32
      %dma_wait3A_202 = arith.constant 0 : i32
      %dma_wait3A_203 = tpu.memref_slice %arg2[%dma_wait3A_201, %dma_wait3A_202] : memref<20000x64xf32, #tpu.memory_space<hbm>> -> memref<20000x64xf32, #tpu.memory_space<hbm>>
      tpu.wait_indirect_dma semaphore(%arg14 : memref<!tpu.dma_semaphore, #tpu.memory_space<semaphore_mem>>) src(%dma_wait3A_203 : memref<20000x64xf32, #tpu.memory_space<hbm>>) dst(%dma_wait3A_197 : memref<80x64xf32, #tpu.memory_space<vmem>>)
      %add3A_204 = arith.constant 3 : i32
      %add3A_205 = arith.addi %mul3A_112, %add3A_204 : i32
      %dma_start3A_206 = arith.constant 3 : i32
      %dma_start3A_207 = arith.constant 0 : i32
      %dma_start3A_208 = arith.constant 0 : i32
      %dma_start3A_209 = tpu.memref_slice %arg9[%dma_start3A_206, %dma_start3A_207, %dma_start3A_208] : memref<4x80x64xf32, #tpu.memory_space<vmem>> -> memref<1x80x64xf32, #tpu.memory_space<vmem>>
      %dma_start3A_210 = tpu.memref_squeeze %dma_start3A_209 : memref<1x80x64xf32, #tpu.memory_space<vmem>> -> memref<80x64xf32, #tpu.memory_space<vmem>>
      %dma_start3A_211 = arith.constant 0 : i32
      %dma_start3A_212 = tpu.memref_slice %arg8[%add3A_205, %dma_start3A_211] : memref<252x80xi32, #tpu.memory_space<vmem>> -> memref<1x80xi32, #tpu.memory_space<vmem>>
      %dma_start3A_213 = tpu.memref_squeeze %dma_start3A_212 : memref<1x80xi32, #tpu.memory_space<vmem>> -> memref<80xi32, #tpu.memory_space<vmem>>
      %dma_start3A_214 = arith.constant 0 : i32
      %dma_start3A_215 = arith.constant 0 : i32
      %dma_start3A_216 = tpu.memref_slice %arg10[%dma_start3A_214, %dma_start3A_215] : memref<10008x64xf32, #tpu.memory_space<vmem_shared>> -> memref<10008x64xf32, #tpu.memory_space<vmem_shared>>
      tpu.enqueue_indirect_dma source(%dma_start3A_210 : memref<80x64xf32, #tpu.memory_space<vmem>>) target(%dma_start3A_216 : memref<10008x64xf32, #tpu.memory_space<vmem_shared>>) offsets(%dma_start3A_213 : memref<80xi32, #tpu.memory_space<vmem>>) semaphore(%arg18 : memref<!tpu.dma_semaphore, #tpu.memory_space<semaphore_mem>>) {add = true}
      %lt3A = arith.constant 62 : i32
      %lt3A_217 = arith.cmpi slt, %scan3A_110, %lt3A : i32
      %convert_element_type3A_218 = arith.extui %lt3A_217 : i1 to i32
      %cond3A_219 = arith.constant 0 : i32
      %cond3A_220 = arith.cmpi ne, %convert_element_type3A_218, %cond3A_219 : i32
      scf.if %cond3A_220 {
        %add3A_221 = arith.constant 0 : i32
        %add3A_222 = arith.addi %mul3A_112, %add3A_221 : i32
        %dma_wait3A_223 = arith.constant 0 : i32
        %dma_wait3A_224 = arith.constant 0 : i32
        %dma_wait3A_225 = arith.constant 0 : i32
        %dma_wait3A_226 = tpu.memref_slice %arg9[%dma_wait3A_223, %dma_wait3A_224, %dma_wait3A_225] : memref<4x80x64xf32, #tpu.memory_space<vmem>> -> memref<1x80x64xf32, #tpu.memory_space<vmem>>
        %dma_wait3A_227 = tpu.memref_squeeze %dma_wait3A_226 : memref<1x80x64xf32, #tpu.memory_space<vmem>> -> memref<80x64xf32, #tpu.memory_space<vmem>>
        %dma_wait3A_228 = arith.constant 0 : i32
        %dma_wait3A_229 = tpu.memref_slice %arg8[%add3A_222, %dma_wait3A_228] : memref<252x80xi32, #tpu.memory_space<vmem>> -> memref<1x80xi32, #tpu.memory_space<vmem>>
        %dma_wait3A_230 = tpu.memref_squeeze %dma_wait3A_229 : memref<1x80xi32, #tpu.memory_space<vmem>> -> memref<80xi32, #tpu.memory_space<vmem>>
        %dma_wait3A_231 = arith.constant 0 : i32
        %dma_wait3A_232 = arith.constant 0 : i32
        %dma_wait3A_233 = tpu.memref_slice %arg10[%dma_wait3A_231, %dma_wait3A_232] : memref<10008x64xf32, #tpu.memory_space<vmem_shared>> -> memref<10008x64xf32, #tpu.memory_space<vmem_shared>>
        tpu.wait_indirect_dma semaphore(%arg15 : memref<!tpu.dma_semaphore, #tpu.memory_space<semaphore_mem>>) src(%dma_wait3A_227 : memref<80x64xf32, #tpu.memory_space<vmem>>) dst(%dma_wait3A_233 : memref<10008x64xf32, #tpu.memory_space<vmem_shared>>)
        %add3A_234 = arith.constant 4 : i32
        %add3A_235 = arith.addi %mul3A_112, %add3A_234 : i32
        %add3A_236 = arith.constant 0 : i32
        %add3A_237 = arith.addi %add3A_235, %add3A_236 : i32
        %dma_start3A_238 = arith.constant 0 : i32
        %dma_start3A_239 = arith.constant 0 : i32
        %dma_start3A_240 = arith.constant 0 : i32
        %dma_start3A_241 = tpu.memref_slice %arg9[%dma_start3A_238, %dma_start3A_239, %dma_start3A_240] : memref<4x80x64xf32, #tpu.memory_space<vmem>> -> memref<1x80x64xf32, #tpu.memory_space<vmem>>
        %dma_start3A_242 = tpu.memref_squeeze %dma_start3A_241 : memref<1x80x64xf32, #tpu.memory_space<vmem>> -> memref<80x64xf32, #tpu.memory_space<vmem>>
        %dma_start3A_243 = arith.constant 0 : i32
        %dma_start3A_244 = tpu.memref_slice %arg7[%add3A_237, %dma_start3A_243] : memref<252x80xi32, #tpu.memory_space<vmem>> -> memref<1x80xi32, #tpu.memory_space<vmem>>
        %dma_start3A_245 = tpu.memref_squeeze %dma_start3A_244 : memref<1x80xi32, #tpu.memory_space<vmem>> -> memref<80xi32, #tpu.memory_space<vmem>>
        %dma_start3A_246 = arith.constant 0 : i32
        %dma_start3A_247 = arith.constant 0 : i32
        %dma_start3A_248 = tpu.memref_slice %arg2[%dma_start3A_246, %dma_start3A_247] : memref<20000x64xf32, #tpu.memory_space<hbm>> -> memref<20000x64xf32, #tpu.memory_space<hbm>>
        tpu.enqueue_indirect_dma source(%dma_start3A_248 : memref<20000x64xf32, #tpu.memory_space<hbm>>) target(%dma_start3A_242 : memref<80x64xf32, #tpu.memory_space<vmem>>) offsets(%dma_start3A_245 : memref<80xi32, #tpu.memory_space<vmem>>) semaphore(%arg11 : memref<!tpu.dma_semaphore, #tpu.memory_space<semaphore_mem>>)
        %add3A_249 = arith.constant 1 : i32
        %add3A_250 = arith.addi %mul3A_112, %add3A_249 : i32
        %dma_wait3A_251 = arith.constant 1 : i32
        %dma_wait3A_252 = arith.constant 0 : i32
        %dma_wait3A_253 = arith.constant 0 : i32
        %dma_wait3A_254 = tpu.memref_slice %arg9[%dma_wait3A_251, %dma_wait3A_252, %dma_wait3A_253] : memref<4x80x64xf32, #tpu.memory_space<vmem>> -> memref<1x80x64xf32, #tpu.memory_space<vmem>>
        %dma_wait3A_255 = tpu.memref_squeeze %dma_wait3A_254 : memref<1x80x64xf32, #tpu.memory_space<vmem>> -> memref<80x64xf32, #tpu.memory_space<vmem>>
        %dma_wait3A_256 = arith.constant 0 : i32
        %dma_wait3A_257 = tpu.memref_slice %arg8[%add3A_250, %dma_wait3A_256] : memref<252x80xi32, #tpu.memory_space<vmem>> -> memref<1x80xi32, #tpu.memory_space<vmem>>
        %dma_wait3A_258 = tpu.memref_squeeze %dma_wait3A_257 : memref<1x80xi32, #tpu.memory_space<vmem>> -> memref<80xi32, #tpu.memory_space<vmem>>
        %dma_wait3A_259 = arith.constant 0 : i32
        %dma_wait3A_260 = arith.constant 0 : i32
        %dma_wait3A_261 = tpu.memref_slice %arg10[%dma_wait3A_259, %dma_wait3A_260] : memref<10008x64xf32, #tpu.memory_space<vmem_shared>> -> memref<10008x64xf32, #tpu.memory_space<vmem_shared>>
        tpu.wait_indirect_dma semaphore(%arg16 : memref<!tpu.dma_semaphore, #tpu.memory_space<semaphore_mem>>) src(%dma_wait3A_255 : memref<80x64xf32, #tpu.memory_space<vmem>>) dst(%dma_wait3A_261 : memref<10008x64xf32, #tpu.memory_space<vmem_shared>>)
        %add3A_262 = arith.constant 4 : i32
        %add3A_263 = arith.addi %mul3A_112, %add3A_262 : i32
        %add3A_264 = arith.constant 1 : i32
        %add3A_265 = arith.addi %add3A_263, %add3A_264 : i32
        %dma_start3A_266 = arith.constant 1 : i32
        %dma_start3A_267 = arith.constant 0 : i32
        %dma_start3A_268 = arith.constant 0 : i32
        %dma_start3A_269 = tpu.memref_slice %arg9[%dma_start3A_266, %dma_start3A_267, %dma_start3A_268] : memref<4x80x64xf32, #tpu.memory_space<vmem>> -> memref<1x80x64xf32, #tpu.memory_space<vmem>>
        %dma_start3A_270 = tpu.memref_squeeze %dma_start3A_269 : memref<1x80x64xf32, #tpu.memory_space<vmem>> -> memref<80x64xf32, #tpu.memory_space<vmem>>
        %dma_start3A_271 = arith.constant 0 : i32
        %dma_start3A_272 = tpu.memref_slice %arg7[%add3A_265, %dma_start3A_271] : memref<252x80xi32, #tpu.memory_space<vmem>> -> memref<1x80xi32, #tpu.memory_space<vmem>>
        %dma_start3A_273 = tpu.memref_squeeze %dma_start3A_272 : memref<1x80xi32, #tpu.memory_space<vmem>> -> memref<80xi32, #tpu.memory_space<vmem>>
        %dma_start3A_274 = arith.constant 0 : i32
        %dma_start3A_275 = arith.constant 0 : i32
        %dma_start3A_276 = tpu.memref_slice %arg2[%dma_start3A_274, %dma_start3A_275] : memref<20000x64xf32, #tpu.memory_space<hbm>> -> memref<20000x64xf32, #tpu.memory_space<hbm>>
        tpu.enqueue_indirect_dma source(%dma_start3A_276 : memref<20000x64xf32, #tpu.memory_space<hbm>>) target(%dma_start3A_270 : memref<80x64xf32, #tpu.memory_space<vmem>>) offsets(%dma_start3A_273 : memref<80xi32, #tpu.memory_space<vmem>>) semaphore(%arg12 : memref<!tpu.dma_semaphore, #tpu.memory_space<semaphore_mem>>)
        %add3A_277 = arith.constant 2 : i32
        %add3A_278 = arith.addi %mul3A_112, %add3A_277 : i32
        %dma_wait3A_279 = arith.constant 2 : i32
        %dma_wait3A_280 = arith.constant 0 : i32
        %dma_wait3A_281 = arith.constant 0 : i32
        %dma_wait3A_282 = tpu.memref_slice %arg9[%dma_wait3A_279, %dma_wait3A_280, %dma_wait3A_281] : memref<4x80x64xf32, #tpu.memory_space<vmem>> -> memref<1x80x64xf32, #tpu.memory_space<vmem>>
        %dma_wait3A_283 = tpu.memref_squeeze %dma_wait3A_282 : memref<1x80x64xf32, #tpu.memory_space<vmem>> -> memref<80x64xf32, #tpu.memory_space<vmem>>
        %dma_wait3A_284 = arith.constant 0 : i32
        %dma_wait3A_285 = tpu.memref_slice %arg8[%add3A_278, %dma_wait3A_284] : memref<252x80xi32, #tpu.memory_space<vmem>> -> memref<1x80xi32, #tpu.memory_space<vmem>>
        %dma_wait3A_286 = tpu.memref_squeeze %dma_wait3A_285 : memref<1x80xi32, #tpu.memory_space<vmem>> -> memref<80xi32, #tpu.memory_space<vmem>>
        %dma_wait3A_287 = arith.constant 0 : i32
        %dma_wait3A_288 = arith.constant 0 : i32
        %dma_wait3A_289 = tpu.memref_slice %arg10[%dma_wait3A_287, %dma_wait3A_288] : memref<10008x64xf32, #tpu.memory_space<vmem_shared>> -> memref<10008x64xf32, #tpu.memory_space<vmem_shared>>
        tpu.wait_indirect_dma semaphore(%arg17 : memref<!tpu.dma_semaphore, #tpu.memory_space<semaphore_mem>>) src(%dma_wait3A_283 : memref<80x64xf32, #tpu.memory_space<vmem>>) dst(%dma_wait3A_289 : memref<10008x64xf32, #tpu.memory_space<vmem_shared>>)
        %add3A_290 = arith.constant 4 : i32
        %add3A_291 = arith.addi %mul3A_112, %add3A_290 : i32
        %add3A_292 = arith.constant 2 : i32
        %add3A_293 = arith.addi %add3A_291, %add3A_292 : i32
        %dma_start3A_294 = arith.constant 2 : i32
        %dma_start3A_295 = arith.constant 0 : i32
        %dma_start3A_296 = arith.constant 0 : i32
        %dma_start3A_297 = tpu.memref_slice %arg9[%dma_start3A_294, %dma_start3A_295, %dma_start3A_296] : memref<4x80x64xf32, #tpu.memory_space<vmem>> -> memref<1x80x64xf32, #tpu.memory_space<vmem>>
        %dma_start3A_298 = tpu.memref_squeeze %dma_start3A_297 : memref<1x80x64xf32, #tpu.memory_space<vmem>> -> memref<80x64xf32, #tpu.memory_space<vmem>>
        %dma_start3A_299 = arith.constant 0 : i32
        %dma_start3A_300 = tpu.memref_slice %arg7[%add3A_293, %dma_start3A_299] : memref<252x80xi32, #tpu.memory_space<vmem>> -> memref<1x80xi32, #tpu.memory_space<vmem>>
        %dma_start3A_301 = tpu.memref_squeeze %dma_start3A_300 : memref<1x80xi32, #tpu.memory_space<vmem>> -> memref<80xi32, #tpu.memory_space<vmem>>
        %dma_start3A_302 = arith.constant 0 : i32
        %dma_start3A_303 = arith.constant 0 : i32
        %dma_start3A_304 = tpu.memref_slice %arg2[%dma_start3A_302, %dma_start3A_303] : memref<20000x64xf32, #tpu.memory_space<hbm>> -> memref<20000x64xf32, #tpu.memory_space<hbm>>
        tpu.enqueue_indirect_dma source(%dma_start3A_304 : memref<20000x64xf32, #tpu.memory_space<hbm>>) target(%dma_start3A_298 : memref<80x64xf32, #tpu.memory_space<vmem>>) offsets(%dma_start3A_301 : memref<80xi32, #tpu.memory_space<vmem>>) semaphore(%arg13 : memref<!tpu.dma_semaphore, #tpu.memory_space<semaphore_mem>>)
        %add3A_305 = arith.constant 3 : i32
        %add3A_306 = arith.addi %mul3A_112, %add3A_305 : i32
        %dma_wait3A_307 = arith.constant 3 : i32
        %dma_wait3A_308 = arith.constant 0 : i32
        %dma_wait3A_309 = arith.constant 0 : i32
        %dma_wait3A_310 = tpu.memref_slice %arg9[%dma_wait3A_307, %dma_wait3A_308, %dma_wait3A_309] : memref<4x80x64xf32, #tpu.memory_space<vmem>> -> memref<1x80x64xf32, #tpu.memory_space<vmem>>
        %dma_wait3A_311 = tpu.memref_squeeze %dma_wait3A_310 : memref<1x80x64xf32, #tpu.memory_space<vmem>> -> memref<80x64xf32, #tpu.memory_space<vmem>>
        %dma_wait3A_312 = arith.constant 0 : i32
        %dma_wait3A_313 = tpu.memref_slice %arg8[%add3A_306, %dma_wait3A_312] : memref<252x80xi32, #tpu.memory_space<vmem>> -> memref<1x80xi32, #tpu.memory_space<vmem>>
        %dma_wait3A_314 = tpu.memref_squeeze %dma_wait3A_313 : memref<1x80xi32, #tpu.memory_space<vmem>> -> memref<80xi32, #tpu.memory_space<vmem>>
        %dma_wait3A_315 = arith.constant 0 : i32
        %dma_wait3A_316 = arith.constant 0 : i32
        %dma_wait3A_317 = tpu.memref_slice %arg10[%dma_wait3A_315, %dma_wait3A_316] : memref<10008x64xf32, #tpu.memory_space<vmem_shared>> -> memref<10008x64xf32, #tpu.memory_space<vmem_shared>>
        tpu.wait_indirect_dma semaphore(%arg18 : memref<!tpu.dma_semaphore, #tpu.memory_space<semaphore_mem>>) src(%dma_wait3A_311 : memref<80x64xf32, #tpu.memory_space<vmem>>) dst(%dma_wait3A_317 : memref<10008x64xf32, #tpu.memory_space<vmem_shared>>)
        %add3A_318 = arith.constant 4 : i32
        %add3A_319 = arith.addi %mul3A_112, %add3A_318 : i32
        %add3A_320 = arith.constant 3 : i32
        %add3A_321 = arith.addi %add3A_319, %add3A_320 : i32
        %dma_start3A_322 = arith.constant 3 : i32
        %dma_start3A_323 = arith.constant 0 : i32
        %dma_start3A_324 = arith.constant 0 : i32
        %dma_start3A_325 = tpu.memref_slice %arg9[%dma_start3A_322, %dma_start3A_323, %dma_start3A_324] : memref<4x80x64xf32, #tpu.memory_space<vmem>> -> memref<1x80x64xf32, #tpu.memory_space<vmem>>
        %dma_start3A_326 = tpu.memref_squeeze %dma_start3A_325 : memref<1x80x64xf32, #tpu.memory_space<vmem>> -> memref<80x64xf32, #tpu.memory_space<vmem>>
        %dma_start3A_327 = arith.constant 0 : i32
        %dma_start3A_328 = tpu.memref_slice %arg7[%add3A_321, %dma_start3A_327] : memref<252x80xi32, #tpu.memory_space<vmem>> -> memref<1x80xi32, #tpu.memory_space<vmem>>
        %dma_start3A_329 = tpu.memref_squeeze %dma_start3A_328 : memref<1x80xi32, #tpu.memory_space<vmem>> -> memref<80xi32, #tpu.memory_space<vmem>>
        %dma_start3A_330 = arith.constant 0 : i32
        %dma_start3A_331 = arith.constant 0 : i32
        %dma_start3A_332 = tpu.memref_slice %arg2[%dma_start3A_330, %dma_start3A_331] : memref<20000x64xf32, #tpu.memory_space<hbm>> -> memref<20000x64xf32, #tpu.memory_space<hbm>>
        tpu.enqueue_indirect_dma source(%dma_start3A_332 : memref<20000x64xf32, #tpu.memory_space<hbm>>) target(%dma_start3A_326 : memref<80x64xf32, #tpu.memory_space<vmem>>) offsets(%dma_start3A_329 : memref<80xi32, #tpu.memory_space<vmem>>) semaphore(%arg14 : memref<!tpu.dma_semaphore, #tpu.memory_space<semaphore_mem>>)
      } else {
      }
    }
    %scan3A_56 = arith.constant 63 : i32
    %dma_wait3A = arith.constant 0 : i32
    %dma_wait3A_57 = arith.constant 248 : i32
    %dma_wait3A_58 = arith.constant 0 : i32
    %dma_wait3A_59 = arith.constant 0 : i32
    %dma_wait3A_60 = tpu.memref_slice %arg9[%dma_wait3A, %dma_wait3A_58, %dma_wait3A_59] : memref<4x80x64xf32, #tpu.memory_space<vmem>> -> memref<1x80x64xf32, #tpu.memory_space<vmem>>
    %dma_wait3A_61 = tpu.memref_squeeze %dma_wait3A_60 : memref<1x80x64xf32, #tpu.memory_space<vmem>> -> memref<80x64xf32, #tpu.memory_space<vmem>>
    %dma_wait3A_62 = arith.constant 0 : i32
    %dma_wait3A_63 = tpu.memref_slice %arg8[%dma_wait3A_57, %dma_wait3A_62] : memref<252x80xi32, #tpu.memory_space<vmem>> -> memref<1x80xi32, #tpu.memory_space<vmem>>
    %dma_wait3A_64 = tpu.memref_squeeze %dma_wait3A_63 : memref<1x80xi32, #tpu.memory_space<vmem>> -> memref<80xi32, #tpu.memory_space<vmem>>
    %dma_wait3A_65 = arith.constant 0 : i32
    %dma_wait3A_66 = arith.constant 0 : i32
    %dma_wait3A_67 = tpu.memref_slice %arg10[%dma_wait3A_65, %dma_wait3A_66] : memref<10008x64xf32, #tpu.memory_space<vmem_shared>> -> memref<10008x64xf32, #tpu.memory_space<vmem_shared>>
    tpu.wait_indirect_dma semaphore(%arg15 : memref<!tpu.dma_semaphore, #tpu.memory_space<semaphore_mem>>) src(%dma_wait3A_61 : memref<80x64xf32, #tpu.memory_space<vmem>>) dst(%dma_wait3A_67 : memref<10008x64xf32, #tpu.memory_space<vmem_shared>>)
    %dma_wait3A_68 = arith.constant 1 : i32
    %dma_wait3A_69 = arith.constant 249 : i32
    %dma_wait3A_70 = arith.constant 0 : i32
    %dma_wait3A_71 = arith.constant 0 : i32
    %dma_wait3A_72 = tpu.memref_slice %arg9[%dma_wait3A_68, %dma_wait3A_70, %dma_wait3A_71] : memref<4x80x64xf32, #tpu.memory_space<vmem>> -> memref<1x80x64xf32, #tpu.memory_space<vmem>>
    %dma_wait3A_73 = tpu.memref_squeeze %dma_wait3A_72 : memref<1x80x64xf32, #tpu.memory_space<vmem>> -> memref<80x64xf32, #tpu.memory_space<vmem>>
    %dma_wait3A_74 = arith.constant 0 : i32
    %dma_wait3A_75 = tpu.memref_slice %arg8[%dma_wait3A_69, %dma_wait3A_74] : memref<252x80xi32, #tpu.memory_space<vmem>> -> memref<1x80xi32, #tpu.memory_space<vmem>>
    %dma_wait3A_76 = tpu.memref_squeeze %dma_wait3A_75 : memref<1x80xi32, #tpu.memory_space<vmem>> -> memref<80xi32, #tpu.memory_space<vmem>>
    %dma_wait3A_77 = arith.constant 0 : i32
    %dma_wait3A_78 = arith.constant 0 : i32
    %dma_wait3A_79 = tpu.memref_slice %arg10[%dma_wait3A_77, %dma_wait3A_78] : memref<10008x64xf32, #tpu.memory_space<vmem_shared>> -> memref<10008x64xf32, #tpu.memory_space<vmem_shared>>
    tpu.wait_indirect_dma semaphore(%arg16 : memref<!tpu.dma_semaphore, #tpu.memory_space<semaphore_mem>>) src(%dma_wait3A_73 : memref<80x64xf32, #tpu.memory_space<vmem>>) dst(%dma_wait3A_79 : memref<10008x64xf32, #tpu.memory_space<vmem_shared>>)
    %dma_wait3A_80 = arith.constant 2 : i32
    %dma_wait3A_81 = arith.constant 250 : i32
    %dma_wait3A_82 = arith.constant 0 : i32
    %dma_wait3A_83 = arith.constant 0 : i32
    %dma_wait3A_84 = tpu.memref_slice %arg9[%dma_wait3A_80, %dma_wait3A_82, %dma_wait3A_83] : memref<4x80x64xf32, #tpu.memory_space<vmem>> -> memref<1x80x64xf32, #tpu.memory_space<vmem>>
    %dma_wait3A_85 = tpu.memref_squeeze %dma_wait3A_84 : memref<1x80x64xf32, #tpu.memory_space<vmem>> -> memref<80x64xf32, #tpu.memory_space<vmem>>
    %dma_wait3A_86 = arith.constant 0 : i32
    %dma_wait3A_87 = tpu.memref_slice %arg8[%dma_wait3A_81, %dma_wait3A_86] : memref<252x80xi32, #tpu.memory_space<vmem>> -> memref<1x80xi32, #tpu.memory_space<vmem>>
    %dma_wait3A_88 = tpu.memref_squeeze %dma_wait3A_87 : memref<1x80xi32, #tpu.memory_space<vmem>> -> memref<80xi32, #tpu.memory_space<vmem>>
    %dma_wait3A_89 = arith.constant 0 : i32
    %dma_wait3A_90 = arith.constant 0 : i32
    %dma_wait3A_91 = tpu.memref_slice %arg10[%dma_wait3A_89, %dma_wait3A_90] : memref<10008x64xf32, #tpu.memory_space<vmem_shared>> -> memref<10008x64xf32, #tpu.memory_space<vmem_shared>>
    tpu.wait_indirect_dma semaphore(%arg17 : memref<!tpu.dma_semaphore, #tpu.memory_space<semaphore_mem>>) src(%dma_wait3A_85 : memref<80x64xf32, #tpu.memory_space<vmem>>) dst(%dma_wait3A_91 : memref<10008x64xf32, #tpu.memory_space<vmem_shared>>)
    %dma_wait3A_92 = arith.constant 3 : i32
    %dma_wait3A_93 = arith.constant 251 : i32
    %dma_wait3A_94 = arith.constant 0 : i32
    %dma_wait3A_95 = arith.constant 0 : i32
    %dma_wait3A_96 = tpu.memref_slice %arg9[%dma_wait3A_92, %dma_wait3A_94, %dma_wait3A_95] : memref<4x80x64xf32, #tpu.memory_space<vmem>> -> memref<1x80x64xf32, #tpu.memory_space<vmem>>
    %dma_wait3A_97 = tpu.memref_squeeze %dma_wait3A_96 : memref<1x80x64xf32, #tpu.memory_space<vmem>> -> memref<80x64xf32, #tpu.memory_space<vmem>>
    %dma_wait3A_98 = arith.constant 0 : i32
    %dma_wait3A_99 = tpu.memref_slice %arg8[%dma_wait3A_93, %dma_wait3A_98] : memref<252x80xi32, #tpu.memory_space<vmem>> -> memref<1x80xi32, #tpu.memory_space<vmem>>
    %dma_wait3A_100 = tpu.memref_squeeze %dma_wait3A_99 : memref<1x80xi32, #tpu.memory_space<vmem>> -> memref<80xi32, #tpu.memory_space<vmem>>
    %dma_wait3A_101 = arith.constant 0 : i32
    %dma_wait3A_102 = arith.constant 0 : i32
    %dma_wait3A_103 = tpu.memref_slice %arg10[%dma_wait3A_101, %dma_wait3A_102] : memref<10008x64xf32, #tpu.memory_space<vmem_shared>> -> memref<10008x64xf32, #tpu.memory_space<vmem_shared>>
    tpu.wait_indirect_dma semaphore(%arg18 : memref<!tpu.dma_semaphore, #tpu.memory_space<semaphore_mem>>) src(%dma_wait3A_97 : memref<80x64xf32, #tpu.memory_space<vmem>>) dst(%dma_wait3A_103 : memref<10008x64xf32, #tpu.memory_space<vmem_shared>>)
    %barrier3A_104 = arith.constant 0 : index
    tpu.barrier barrier_id(%barrier3A_104)
    "tpu.region"() ({
      %run_scoped3A = tpu.sem_alloc : memref<!tpu.dma_semaphore, #tpu.memory_space<semaphore_mem>>
      %dma_start3A_110 = arith.constant 0 : i32
      %dma_start3A_111 = tpu.memref_slice %arg6[%arg0, %mul3A_2, %dma_start3A_110] : memref<2x10000x64xf32, #tpu.memory_space<hbm>> -> memref<1x624x64xf32, #tpu.memory_space<hbm>>
      %dma_start3A_112 = tpu.memref_squeeze %dma_start3A_111 : memref<1x624x64xf32, #tpu.memory_space<hbm>> -> memref<624x64xf32, #tpu.memory_space<hbm>>
      %dma_start3A_113 = arith.constant 0 : i32
      %dma_start3A_114 = tpu.memref_slice %arg10[%mul3A_2, %dma_start3A_113] : memref<10008x64xf32, #tpu.memory_space<vmem_shared>> -> memref<624x64xf32, #tpu.memory_space<vmem_shared>>
      tpu.enqueue_dma source(%dma_start3A_114 : memref<624x64xf32, #tpu.memory_space<vmem_shared>>) target(%dma_start3A_112 : memref<624x64xf32, #tpu.memory_space<hbm>>) target_semaphore(%run_scoped3A : memref<!tpu.dma_semaphore, #tpu.memory_space<semaphore_mem>>)
      %dma_wait3A_115 = arith.constant 0 : i32
      %dma_wait3A_116 = tpu.memref_slice %arg6[%arg0, %mul3A_2, %dma_wait3A_115] : memref<2x10000x64xf32, #tpu.memory_space<hbm>> -> memref<1x624x64xf32, #tpu.memory_space<hbm>>
      %dma_wait3A_117 = tpu.memref_squeeze %dma_wait3A_116 : memref<1x624x64xf32, #tpu.memory_space<hbm>> -> memref<624x64xf32, #tpu.memory_space<hbm>>
      %dma_wait3A_118 = arith.constant 0 : i32
      %dma_wait3A_119 = tpu.memref_slice %arg10[%mul3A_2, %dma_wait3A_118] : memref<10008x64xf32, #tpu.memory_space<vmem_shared>> -> memref<624x64xf32, #tpu.memory_space<vmem_shared>>
      tpu.wait_dma2 semaphore(%run_scoped3A : memref<!tpu.dma_semaphore, #tpu.memory_space<semaphore_mem>>) src(%dma_wait3A_119 : memref<624x64xf32, #tpu.memory_space<vmem_shared>>) dst(%dma_wait3A_117 : memref<624x64xf32, #tpu.memory_space<hbm>>)
      tpu.yield
    }) : () -> ()
    %eq3A_105 = arith.constant 0 : i32
    %eq3A_106 = arith.cmpi eq, %arg1, %eq3A_105 : i32
    %convert_element_type3A_107 = arith.extui %eq3A_106 : i1 to i32
    %cond3A_108 = arith.constant 0 : i32
    %cond3A_109 = arith.cmpi ne, %convert_element_type3A_107, %cond3A_108 : i32
    scf.if %cond3A_109 {
      "tpu.region"() ({
        %run_scoped3A = tpu.sem_alloc : memref<!tpu.dma_semaphore, #tpu.memory_space<semaphore_mem>>
        %dma_start3A_110 = arith.constant 9984 : i32
        %dma_start3A_111 = arith.constant 0 : i32
        %dma_start3A_112 = tpu.memref_slice %arg6[%arg0, %dma_start3A_110, %dma_start3A_111] : memref<2x10000x64xf32, #tpu.memory_space<hbm>> -> memref<1x16x64xf32, #tpu.memory_space<hbm>>
        %dma_start3A_113 = tpu.memref_squeeze %dma_start3A_112 : memref<1x16x64xf32, #tpu.memory_space<hbm>> -> memref<16x64xf32, #tpu.memory_space<hbm>>
        %dma_start3A_114 = arith.constant 9984 : i32
        %dma_start3A_115 = arith.constant 0 : i32
        %dma_start3A_116 = tpu.memref_slice %arg10[%dma_start3A_114, %dma_start3A_115] : memref<10008x64xf32, #tpu.memory_space<vmem_shared>> -> memref<16x64xf32, #tpu.memory_space<vmem_shared>>
        tpu.enqueue_dma source(%dma_start3A_116 : memref<16x64xf32, #tpu.memory_space<vmem_shared>>) target(%dma_start3A_113 : memref<16x64xf32, #tpu.memory_space<hbm>>) target_semaphore(%run_scoped3A : memref<!tpu.dma_semaphore, #tpu.memory_space<semaphore_mem>>)
        %dma_wait3A_117 = arith.constant 9984 : i32
        %dma_wait3A_118 = arith.constant 0 : i32
        %dma_wait3A_119 = tpu.memref_slice %arg6[%arg0, %dma_wait3A_117, %dma_wait3A_118] : memref<2x10000x64xf32, #tpu.memory_space<hbm>> -> memref<1x16x64xf32, #tpu.memory_space<hbm>>
        %dma_wait3A_120 = tpu.memref_squeeze %dma_wait3A_119 : memref<1x16x64xf32, #tpu.memory_space<hbm>> -> memref<16x64xf32, #tpu.memory_space<hbm>>
        %dma_wait3A_121 = arith.constant 9984 : i32
        %dma_wait3A_122 = arith.constant 0 : i32
        %dma_wait3A_123 = tpu.memref_slice %arg10[%dma_wait3A_121, %dma_wait3A_122] : memref<10008x64xf32, #tpu.memory_space<vmem_shared>> -> memref<16x64xf32, #tpu.memory_space<vmem_shared>>
        tpu.wait_dma2 semaphore(%run_scoped3A : memref<!tpu.dma_semaphore, #tpu.memory_space<semaphore_mem>>) src(%dma_wait3A_123 : memref<16x64xf32, #tpu.memory_space<vmem_shared>>) dst(%dma_wait3A_120 : memref<16x64xf32, #tpu.memory_space<hbm>>)
        tpu.yield
      }) : () -> ()
    } else {
    }
    return
  }
}

#map = affine_map<(d0, d1) -> (0, 0)>
#map1 = affine_map<(d0, d1) -> (0, 0, 0)>
module attributes {stable_mosaic.version = 14 : i64} {
  func.func @_deg_kernel(%arg0: i32, %arg1: i32, %arg2: memref<80x16xf32, #tpu.memory_space<hbm>>, %arg3: memref<10000x16xf32, #tpu.memory_space<hbm>>, %arg4: memref<32x128x80xi32, #tpu.memory_space<hbm>>, %arg5: memref<2x10000x16xf32, #tpu.memory_space<hbm>>, %arg6: memref<128x80xi32, #tpu.memory_space<vmem>>, %arg7: memref<80x16xf32, #tpu.memory_space<vmem>>, %arg8: memref<10008x16xf32, #tpu.memory_space<vmem_shared>>, %arg9: memref<!tpu.dma_semaphore, #tpu.memory_space<semaphore_mem>>) attributes {dimension_semantics = [#tpu.dimension_semantics<core_parallel>, #tpu.dimension_semantics<subcore_parallel>], iteration_bounds = array<i64: 2, 16>, scalar_prefetch = 0 : i64, scratch_operands = 4 : i64, tpu.core_type = #tpu.core_type<sc_vector_subcore>, window_params = [{transform_indices = #map}, {transform_indices = #map}, {transform_indices = #map1}, {transform_indices = #map1}]} {
    %mul3A = arith.constant 16 : i32
    %mul3A_0 = arith.muli %arg0, %mul3A : i32
    %add3A = arith.addi %mul3A_0, %arg1 : i32
    %mul3A_1 = arith.constant 624 : i32
    %mul3A_2 = arith.muli %arg1, %mul3A_1 : i32
    "tpu.region"() ({
      %run_scoped3A = tpu.sem_alloc : memref<!tpu.dma_semaphore, #tpu.memory_space<semaphore_mem>>
      %dma_start3A = arith.constant 0 : i32
      %dma_start3A_22 = tpu.memref_slice %arg8[%mul3A_2, %dma_start3A] : memref<10008x16xf32, #tpu.memory_space<vmem_shared>> -> memref<624x16xf32, #tpu.memory_space<vmem_shared>>
      %dma_start3A_23 = arith.constant 0 : i32
      %dma_start3A_24 = tpu.memref_slice %arg3[%mul3A_2, %dma_start3A_23] : memref<10000x16xf32, #tpu.memory_space<hbm>> -> memref<624x16xf32, #tpu.memory_space<hbm>>
      tpu.enqueue_dma source(%dma_start3A_24 : memref<624x16xf32, #tpu.memory_space<hbm>>) target(%dma_start3A_22 : memref<624x16xf32, #tpu.memory_space<vmem_shared>>) target_semaphore(%run_scoped3A : memref<!tpu.dma_semaphore, #tpu.memory_space<semaphore_mem>>)
      %dma_wait3A = arith.constant 0 : i32
      %dma_wait3A_25 = tpu.memref_slice %arg8[%mul3A_2, %dma_wait3A] : memref<10008x16xf32, #tpu.memory_space<vmem_shared>> -> memref<624x16xf32, #tpu.memory_space<vmem_shared>>
      %dma_wait3A_26 = arith.constant 0 : i32
      %dma_wait3A_27 = tpu.memref_slice %arg3[%mul3A_2, %dma_wait3A_26] : memref<10000x16xf32, #tpu.memory_space<hbm>> -> memref<624x16xf32, #tpu.memory_space<hbm>>
      tpu.wait_dma2 semaphore(%run_scoped3A : memref<!tpu.dma_semaphore, #tpu.memory_space<semaphore_mem>>) src(%dma_wait3A_27 : memref<624x16xf32, #tpu.memory_space<hbm>>) dst(%dma_wait3A_25 : memref<624x16xf32, #tpu.memory_space<vmem_shared>>)
      tpu.yield
    }) : () -> ()
    %eq3A = arith.constant 0 : i32
    %eq3A_3 = arith.cmpi eq, %arg1, %eq3A : i32
    %convert_element_type3A = arith.extui %eq3A_3 : i1 to i32
    %cond3A = arith.constant 0 : i32
    %cond3A_4 = arith.cmpi ne, %convert_element_type3A, %cond3A : i32
    scf.if %cond3A_4 {
      "tpu.region"() ({
        %run_scoped3A = tpu.sem_alloc : memref<!tpu.dma_semaphore, #tpu.memory_space<semaphore_mem>>
        %dma_start3A = arith.constant 9984 : i32
        %dma_start3A_22 = arith.constant 0 : i32
        %dma_start3A_23 = tpu.memref_slice %arg8[%dma_start3A, %dma_start3A_22] : memref<10008x16xf32, #tpu.memory_space<vmem_shared>> -> memref<16x16xf32, #tpu.memory_space<vmem_shared>>
        %dma_start3A_24 = arith.constant 9984 : i32
        %dma_start3A_25 = arith.constant 0 : i32
        %dma_start3A_26 = tpu.memref_slice %arg3[%dma_start3A_24, %dma_start3A_25] : memref<10000x16xf32, #tpu.memory_space<hbm>> -> memref<16x16xf32, #tpu.memory_space<hbm>>
        tpu.enqueue_dma source(%dma_start3A_26 : memref<16x16xf32, #tpu.memory_space<hbm>>) target(%dma_start3A_23 : memref<16x16xf32, #tpu.memory_space<vmem_shared>>) target_semaphore(%run_scoped3A : memref<!tpu.dma_semaphore, #tpu.memory_space<semaphore_mem>>)
        %dma_wait3A = arith.constant 9984 : i32
        %dma_wait3A_27 = arith.constant 0 : i32
        %dma_wait3A_28 = tpu.memref_slice %arg8[%dma_wait3A, %dma_wait3A_27] : memref<10008x16xf32, #tpu.memory_space<vmem_shared>> -> memref<16x16xf32, #tpu.memory_space<vmem_shared>>
        %dma_wait3A_29 = arith.constant 9984 : i32
        %dma_wait3A_30 = arith.constant 0 : i32
        %dma_wait3A_31 = tpu.memref_slice %arg3[%dma_wait3A_29, %dma_wait3A_30] : memref<10000x16xf32, #tpu.memory_space<hbm>> -> memref<16x16xf32, #tpu.memory_space<hbm>>
        tpu.wait_dma2 semaphore(%run_scoped3A : memref<!tpu.dma_semaphore, #tpu.memory_space<semaphore_mem>>) src(%dma_wait3A_31 : memref<16x16xf32, #tpu.memory_space<hbm>>) dst(%dma_wait3A_28 : memref<16x16xf32, #tpu.memory_space<vmem_shared>>)
        tpu.yield
      }) : () -> ()
    } else {
    }
    "tpu.region"() ({
      %run_scoped3A = tpu.sem_alloc : memref<!tpu.dma_semaphore, #tpu.memory_space<semaphore_mem>>
      tpu.enqueue_dma source(%arg2 : memref<80x16xf32, #tpu.memory_space<hbm>>) target(%arg7 : memref<80x16xf32, #tpu.memory_space<vmem>>) target_semaphore(%run_scoped3A : memref<!tpu.dma_semaphore, #tpu.memory_space<semaphore_mem>>)
      tpu.wait_dma2 semaphore(%run_scoped3A : memref<!tpu.dma_semaphore, #tpu.memory_space<semaphore_mem>>) src(%arg2 : memref<80x16xf32, #tpu.memory_space<hbm>>) dst(%arg7 : memref<80x16xf32, #tpu.memory_space<vmem>>)
      tpu.yield
    }) : () -> ()
    "tpu.region"() ({
      %run_scoped3A = tpu.sem_alloc : memref<!tpu.dma_semaphore, #tpu.memory_space<semaphore_mem>>
      %dma_start3A = arith.constant 0 : i32
      %dma_start3A_22 = arith.constant 0 : i32
      %dma_start3A_23 = tpu.memref_slice %arg4[%add3A, %dma_start3A, %dma_start3A_22] : memref<32x128x80xi32, #tpu.memory_space<hbm>> -> memref<1x128x80xi32, #tpu.memory_space<hbm>>
      %dma_start3A_24 = tpu.memref_squeeze %dma_start3A_23 : memref<1x128x80xi32, #tpu.memory_space<hbm>> -> memref<128x80xi32, #tpu.memory_space<hbm>>
      %dma_start3A_25 = arith.constant 0 : i32
      %dma_start3A_26 = arith.constant 0 : i32
      %dma_start3A_27 = tpu.memref_slice %arg4[%add3A, %dma_start3A_25, %dma_start3A_26] : memref<32x128x80xi32, #tpu.memory_space<hbm>> -> memref<1x128x80xi32, #tpu.memory_space<hbm>>
      %dma_start3A_28 = tpu.memref_squeeze %dma_start3A_27 : memref<1x128x80xi32, #tpu.memory_space<hbm>> -> memref<128x80xi32, #tpu.memory_space<hbm>>
      tpu.enqueue_dma source(%dma_start3A_28 : memref<128x80xi32, #tpu.memory_space<hbm>>) target(%arg6 : memref<128x80xi32, #tpu.memory_space<vmem>>) target_semaphore(%run_scoped3A : memref<!tpu.dma_semaphore, #tpu.memory_space<semaphore_mem>>)
      %dma_wait3A = arith.constant 0 : i32
      %dma_wait3A_29 = arith.constant 0 : i32
      %dma_wait3A_30 = tpu.memref_slice %arg4[%add3A, %dma_wait3A, %dma_wait3A_29] : memref<32x128x80xi32, #tpu.memory_space<hbm>> -> memref<1x128x80xi32, #tpu.memory_space<hbm>>
      %dma_wait3A_31 = tpu.memref_squeeze %dma_wait3A_30 : memref<1x128x80xi32, #tpu.memory_space<hbm>> -> memref<128x80xi32, #tpu.memory_space<hbm>>
      %dma_wait3A_32 = arith.constant 0 : i32
      %dma_wait3A_33 = arith.constant 0 : i32
      %dma_wait3A_34 = tpu.memref_slice %arg4[%add3A, %dma_wait3A_32, %dma_wait3A_33] : memref<32x128x80xi32, #tpu.memory_space<hbm>> -> memref<1x128x80xi32, #tpu.memory_space<hbm>>
      %dma_wait3A_35 = tpu.memref_squeeze %dma_wait3A_34 : memref<1x128x80xi32, #tpu.memory_space<hbm>> -> memref<128x80xi32, #tpu.memory_space<hbm>>
      tpu.wait_dma2 semaphore(%run_scoped3A : memref<!tpu.dma_semaphore, #tpu.memory_space<semaphore_mem>>) src(%dma_wait3A_35 : memref<128x80xi32, #tpu.memory_space<hbm>>) dst(%arg6 : memref<128x80xi32, #tpu.memory_space<vmem>>)
      tpu.yield
    }) : () -> ()
    %barrier3A = arith.constant 0 : index
    tpu.barrier barrier_id(%barrier3A)
    %scan3A = arith.constant 0 : i32
    %scan3A_5 = arith.constant 0 : i32
    %scan3A_6 = arith.constant 128 : i32
    %scan3A_7 = arith.addi %scan3A_5, %scan3A_6 : i32
    %scan3A_8 = arith.constant 1 : i32
    scf.for %scan3A_22 = %scan3A_5 to %scan3A_7 step %scan3A_8  : i32 {
      %dma_start3A = arith.constant 0 : i32
      %dma_start3A_23 = tpu.memref_slice %arg6[%scan3A_22, %dma_start3A] : memref<128x80xi32, #tpu.memory_space<vmem>> -> memref<1x80xi32, #tpu.memory_space<vmem>>
      %dma_start3A_24 = tpu.memref_squeeze %dma_start3A_23 : memref<1x80xi32, #tpu.memory_space<vmem>> -> memref<80xi32, #tpu.memory_space<vmem>>
      %dma_start3A_25 = arith.constant 0 : i32
      %dma_start3A_26 = arith.constant 0 : i32
      %dma_start3A_27 = tpu.memref_slice %arg8[%dma_start3A_25, %dma_start3A_26] : memref<10008x16xf32, #tpu.memory_space<vmem_shared>> -> memref<10008x16xf32, #tpu.memory_space<vmem_shared>>
      tpu.enqueue_indirect_dma source(%arg7 : memref<80x16xf32, #tpu.memory_space<vmem>>) target(%dma_start3A_27 : memref<10008x16xf32, #tpu.memory_space<vmem_shared>>) offsets(%dma_start3A_24 : memref<80xi32, #tpu.memory_space<vmem>>) semaphore(%arg9 : memref<!tpu.dma_semaphore, #tpu.memory_space<semaphore_mem>>) {add = true}
    }
    %scan3A_9 = arith.constant 128 : i32
    %scan3A_10 = arith.constant 0 : i32
    %scan3A_11 = arith.constant 0 : i32
    %scan3A_12 = arith.constant 128 : i32
    %scan3A_13 = arith.addi %scan3A_11, %scan3A_12 : i32
    %scan3A_14 = arith.constant 1 : i32
    scf.for %scan3A_22 = %scan3A_11 to %scan3A_13 step %scan3A_14  : i32 {
      %dma_wait3A = arith.constant 0 : i32
      %dma_wait3A_23 = tpu.memref_slice %arg6[%scan3A_22, %dma_wait3A] : memref<128x80xi32, #tpu.memory_space<vmem>> -> memref<1x80xi32, #tpu.memory_space<vmem>>
      %dma_wait3A_24 = tpu.memref_squeeze %dma_wait3A_23 : memref<1x80xi32, #tpu.memory_space<vmem>> -> memref<80xi32, #tpu.memory_space<vmem>>
      %dma_wait3A_25 = arith.constant 0 : i32
      %dma_wait3A_26 = arith.constant 0 : i32
      %dma_wait3A_27 = tpu.memref_slice %arg8[%dma_wait3A_25, %dma_wait3A_26] : memref<10008x16xf32, #tpu.memory_space<vmem_shared>> -> memref<10008x16xf32, #tpu.memory_space<vmem_shared>>
      tpu.wait_indirect_dma semaphore(%arg9 : memref<!tpu.dma_semaphore, #tpu.memory_space<semaphore_mem>>) src(%arg7 : memref<80x16xf32, #tpu.memory_space<vmem>>) dst(%dma_wait3A_27 : memref<10008x16xf32, #tpu.memory_space<vmem_shared>>)
    }
    %scan3A_15 = arith.constant 128 : i32
    %barrier3A_16 = arith.constant 0 : index
    tpu.barrier barrier_id(%barrier3A_16)
    "tpu.region"() ({
      %run_scoped3A = tpu.sem_alloc : memref<!tpu.dma_semaphore, #tpu.memory_space<semaphore_mem>>
      %dma_start3A = arith.constant 0 : i32
      %dma_start3A_22 = tpu.memref_slice %arg5[%arg0, %mul3A_2, %dma_start3A] : memref<2x10000x16xf32, #tpu.memory_space<hbm>> -> memref<1x624x16xf32, #tpu.memory_space<hbm>>
      %dma_start3A_23 = tpu.memref_squeeze %dma_start3A_22 : memref<1x624x16xf32, #tpu.memory_space<hbm>> -> memref<624x16xf32, #tpu.memory_space<hbm>>
      %dma_start3A_24 = arith.constant 0 : i32
      %dma_start3A_25 = tpu.memref_slice %arg8[%mul3A_2, %dma_start3A_24] : memref<10008x16xf32, #tpu.memory_space<vmem_shared>> -> memref<624x16xf32, #tpu.memory_space<vmem_shared>>
      tpu.enqueue_dma source(%dma_start3A_25 : memref<624x16xf32, #tpu.memory_space<vmem_shared>>) target(%dma_start3A_23 : memref<624x16xf32, #tpu.memory_space<hbm>>) target_semaphore(%run_scoped3A : memref<!tpu.dma_semaphore, #tpu.memory_space<semaphore_mem>>)
      %dma_wait3A = arith.constant 0 : i32
      %dma_wait3A_26 = tpu.memref_slice %arg5[%arg0, %mul3A_2, %dma_wait3A] : memref<2x10000x16xf32, #tpu.memory_space<hbm>> -> memref<1x624x16xf32, #tpu.memory_space<hbm>>
      %dma_wait3A_27 = tpu.memref_squeeze %dma_wait3A_26 : memref<1x624x16xf32, #tpu.memory_space<hbm>> -> memref<624x16xf32, #tpu.memory_space<hbm>>
      %dma_wait3A_28 = arith.constant 0 : i32
      %dma_wait3A_29 = tpu.memref_slice %arg8[%mul3A_2, %dma_wait3A_28] : memref<10008x16xf32, #tpu.memory_space<vmem_shared>> -> memref<624x16xf32, #tpu.memory_space<vmem_shared>>
      tpu.wait_dma2 semaphore(%run_scoped3A : memref<!tpu.dma_semaphore, #tpu.memory_space<semaphore_mem>>) src(%dma_wait3A_29 : memref<624x16xf32, #tpu.memory_space<vmem_shared>>) dst(%dma_wait3A_27 : memref<624x16xf32, #tpu.memory_space<hbm>>)
      tpu.yield
    }) : () -> ()
    %eq3A_17 = arith.constant 0 : i32
    %eq3A_18 = arith.cmpi eq, %arg1, %eq3A_17 : i32
    %convert_element_type3A_19 = arith.extui %eq3A_18 : i1 to i32
    %cond3A_20 = arith.constant 0 : i32
    %cond3A_21 = arith.cmpi ne, %convert_element_type3A_19, %cond3A_20 : i32
    scf.if %cond3A_21 {
      "tpu.region"() ({
        %run_scoped3A = tpu.sem_alloc : memref<!tpu.dma_semaphore, #tpu.memory_space<semaphore_mem>>
        %dma_start3A = arith.constant 9984 : i32
        %dma_start3A_22 = arith.constant 0 : i32
        %dma_start3A_23 = tpu.memref_slice %arg5[%arg0, %dma_start3A, %dma_start3A_22] : memref<2x10000x16xf32, #tpu.memory_space<hbm>> -> memref<1x16x16xf32, #tpu.memory_space<hbm>>
        %dma_start3A_24 = tpu.memref_squeeze %dma_start3A_23 : memref<1x16x16xf32, #tpu.memory_space<hbm>> -> memref<16x16xf32, #tpu.memory_space<hbm>>
        %dma_start3A_25 = arith.constant 9984 : i32
        %dma_start3A_26 = arith.constant 0 : i32
        %dma_start3A_27 = tpu.memref_slice %arg8[%dma_start3A_25, %dma_start3A_26] : memref<10008x16xf32, #tpu.memory_space<vmem_shared>> -> memref<16x16xf32, #tpu.memory_space<vmem_shared>>
        tpu.enqueue_dma source(%dma_start3A_27 : memref<16x16xf32, #tpu.memory_space<vmem_shared>>) target(%dma_start3A_24 : memref<16x16xf32, #tpu.memory_space<hbm>>) target_semaphore(%run_scoped3A : memref<!tpu.dma_semaphore, #tpu.memory_space<semaphore_mem>>)
        %dma_wait3A = arith.constant 9984 : i32
        %dma_wait3A_28 = arith.constant 0 : i32
        %dma_wait3A_29 = tpu.memref_slice %arg5[%arg0, %dma_wait3A, %dma_wait3A_28] : memref<2x10000x16xf32, #tpu.memory_space<hbm>> -> memref<1x16x16xf32, #tpu.memory_space<hbm>>
        %dma_wait3A_30 = tpu.memref_squeeze %dma_wait3A_29 : memref<1x16x16xf32, #tpu.memory_space<hbm>> -> memref<16x16xf32, #tpu.memory_space<hbm>>
        %dma_wait3A_31 = arith.constant 9984 : i32
        %dma_wait3A_32 = arith.constant 0 : i32
        %dma_wait3A_33 = tpu.memref_slice %arg8[%dma_wait3A_31, %dma_wait3A_32] : memref<10008x16xf32, #tpu.memory_space<vmem_shared>> -> memref<16x16xf32, #tpu.memory_space<vmem_shared>>
        tpu.wait_dma2 semaphore(%run_scoped3A : memref<!tpu.dma_semaphore, #tpu.memory_space<semaphore_mem>>) src(%dma_wait3A_33 : memref<16x16xf32, #tpu.memory_space<vmem_shared>>) dst(%dma_wait3A_30 : memref<16x16xf32, #tpu.memory_space<hbm>>)
        tpu.yield
      }) : () -> ()
    } else {
    }
    return
  }
}

#map = affine_map<(d0, d1) -> (0, 0)>
#map1 = affine_map<(d0, d1) -> (0, 0, 0)>
module attributes {stable_mosaic.version = 14 : i64} {
  func.func @prop(%arg0: i32, %arg1: i32, %arg2: memref<20000x64xf32, #tpu.memory_space<hbm>>, %arg3: memref<10000x64xf32, #tpu.memory_space<hbm>>, %arg4: memref<32x252x80xi32, #tpu.memory_space<hbm>>, %arg5: memref<32x252x80xi32, #tpu.memory_space<hbm>>, %arg6: memref<2x10000x64xf32, #tpu.memory_space<hbm>>, %arg7: memref<252x80xi32, #tpu.memory_space<vmem>>, %arg8: memref<252x80xi32, #tpu.memory_space<vmem>>, %arg9: memref<4x80x64xf32, #tpu.memory_space<vmem>>, %arg10: memref<10008x64xf32, #tpu.memory_space<vmem_shared>>, %arg11: memref<!tpu.dma_semaphore, #tpu.memory_space<semaphore_mem>>, %arg12: memref<!tpu.dma_semaphore, #tpu.memory_space<semaphore_mem>>, %arg13: memref<!tpu.dma_semaphore, #tpu.memory_space<semaphore_mem>>, %arg14: memref<!tpu.dma_semaphore, #tpu.memory_space<semaphore_mem>>, %arg15: memref<!tpu.dma_semaphore, #tpu.memory_space<semaphore_mem>>, %arg16: memref<!tpu.dma_semaphore, #tpu.memory_space<semaphore_mem>>, %arg17: memref<!tpu.dma_semaphore, #tpu.memory_space<semaphore_mem>>, %arg18: memref<!tpu.dma_semaphore, #tpu.memory_space<semaphore_mem>>) attributes {dimension_semantics = [#tpu.dimension_semantics<core_parallel>, #tpu.dimension_semantics<subcore_parallel>], iteration_bounds = array<i64: 2, 16>, scalar_prefetch = 0 : i64, scratch_operands = 12 : i64, tpu.core_type = #tpu.core_type<sc_vector_subcore>, window_params = [{transform_indices = #map}, {transform_indices = #map}, {transform_indices = #map1}, {transform_indices = #map1}, {transform_indices = #map1}]} {
    %mul3A = arith.constant 16 : i32
    %mul3A_0 = arith.muli %arg0, %mul3A : i32
    %add3A = arith.addi %mul3A_0, %arg1 : i32
    %mul3A_1 = arith.constant 624 : i32
    %mul3A_2 = arith.muli %arg1, %mul3A_1 : i32
    "tpu.region"() ({
      %run_scoped3A = tpu.sem_alloc : memref<!tpu.dma_semaphore, #tpu.memory_space<semaphore_mem>>
      %dma_start3A_110 = arith.constant 0 : i32
      %dma_start3A_111 = tpu.memref_slice %arg10[%mul3A_2, %dma_start3A_110] : memref<10008x64xf32, #tpu.memory_space<vmem_shared>> -> memref<624x64xf32, #tpu.memory_space<vmem_shared>>
      %dma_start3A_112 = arith.constant 0 : i32
      %dma_start3A_113 = tpu.memref_slice %arg3[%mul3A_2, %dma_start3A_112] : memref<10000x64xf32, #tpu.memory_space<hbm>> -> memref<624x64xf32, #tpu.memory_space<hbm>>
      tpu.enqueue_dma source(%dma_start3A_113 : memref<624x64xf32, #tpu.memory_space<hbm>>) target(%dma_start3A_111 : memref<624x64xf32, #tpu.memory_space<vmem_shared>>) target_semaphore(%run_scoped3A : memref<!tpu.dma_semaphore, #tpu.memory_space<semaphore_mem>>)
      %dma_wait3A_114 = arith.constant 0 : i32
      %dma_wait3A_115 = tpu.memref_slice %arg10[%mul3A_2, %dma_wait3A_114] : memref<10008x64xf32, #tpu.memory_space<vmem_shared>> -> memref<624x64xf32, #tpu.memory_space<vmem_shared>>
      %dma_wait3A_116 = arith.constant 0 : i32
      %dma_wait3A_117 = tpu.memref_slice %arg3[%mul3A_2, %dma_wait3A_116] : memref<10000x64xf32, #tpu.memory_space<hbm>> -> memref<624x64xf32, #tpu.memory_space<hbm>>
      tpu.wait_dma2 semaphore(%run_scoped3A : memref<!tpu.dma_semaphore, #tpu.memory_space<semaphore_mem>>) src(%dma_wait3A_117 : memref<624x64xf32, #tpu.memory_space<hbm>>) dst(%dma_wait3A_115 : memref<624x64xf32, #tpu.memory_space<vmem_shared>>)
      tpu.yield
    }) : () -> ()
    %eq3A = arith.constant 0 : i32
    %eq3A_3 = arith.cmpi eq, %arg1, %eq3A : i32
    %convert_element_type3A = arith.extui %eq3A_3 : i1 to i32
    %cond3A = arith.constant 0 : i32
    %cond3A_4 = arith.cmpi ne, %convert_element_type3A, %cond3A : i32
    scf.if %cond3A_4 {
      "tpu.region"() ({
        %run_scoped3A = tpu.sem_alloc : memref<!tpu.dma_semaphore, #tpu.memory_space<semaphore_mem>>
        %dma_start3A_110 = arith.constant 9984 : i32
        %dma_start3A_111 = arith.constant 0 : i32
        %dma_start3A_112 = tpu.memref_slice %arg10[%dma_start3A_110, %dma_start3A_111] : memref<10008x64xf32, #tpu.memory_space<vmem_shared>> -> memref<16x64xf32, #tpu.memory_space<vmem_shared>>
        %dma_start3A_113 = arith.constant 9984 : i32
        %dma_start3A_114 = arith.constant 0 : i32
        %dma_start3A_115 = tpu.memref_slice %arg3[%dma_start3A_113, %dma_start3A_114] : memref<10000x64xf32, #tpu.memory_space<hbm>> -> memref<16x64xf32, #tpu.memory_space<hbm>>
        tpu.enqueue_dma source(%dma_start3A_115 : memref<16x64xf32, #tpu.memory_space<hbm>>) target(%dma_start3A_112 : memref<16x64xf32, #tpu.memory_space<vmem_shared>>) target_semaphore(%run_scoped3A : memref<!tpu.dma_semaphore, #tpu.memory_space<semaphore_mem>>)
        %dma_wait3A_116 = arith.constant 9984 : i32
        %dma_wait3A_117 = arith.constant 0 : i32
        %dma_wait3A_118 = tpu.memref_slice %arg10[%dma_wait3A_116, %dma_wait3A_117] : memref<10008x64xf32, #tpu.memory_space<vmem_shared>> -> memref<16x64xf32, #tpu.memory_space<vmem_shared>>
        %dma_wait3A_119 = arith.constant 9984 : i32
        %dma_wait3A_120 = arith.constant 0 : i32
        %dma_wait3A_121 = tpu.memref_slice %arg3[%dma_wait3A_119, %dma_wait3A_120] : memref<10000x64xf32, #tpu.memory_space<hbm>> -> memref<16x64xf32, #tpu.memory_space<hbm>>
        tpu.wait_dma2 semaphore(%run_scoped3A : memref<!tpu.dma_semaphore, #tpu.memory_space<semaphore_mem>>) src(%dma_wait3A_121 : memref<16x64xf32, #tpu.memory_space<hbm>>) dst(%dma_wait3A_118 : memref<16x64xf32, #tpu.memory_space<vmem_shared>>)
        tpu.yield
      }) : () -> ()
    } else {
    }
    "tpu.region"() ({
      %run_scoped3A = tpu.sem_alloc : memref<!tpu.dma_semaphore, #tpu.memory_space<semaphore_mem>>
      %dma_start3A_110 = arith.constant 0 : i32
      %dma_start3A_111 = arith.constant 0 : i32
      %dma_start3A_112 = tpu.memref_slice %arg4[%add3A, %dma_start3A_110, %dma_start3A_111] : memref<32x252x80xi32, #tpu.memory_space<hbm>> -> memref<1x252x80xi32, #tpu.memory_space<hbm>>
      %dma_start3A_113 = tpu.memref_squeeze %dma_start3A_112 : memref<1x252x80xi32, #tpu.memory_space<hbm>> -> memref<252x80xi32, #tpu.memory_space<hbm>>
      %dma_start3A_114 = arith.constant 0 : i32
      %dma_start3A_115 = arith.constant 0 : i32
      %dma_start3A_116 = tpu.memref_slice %arg4[%add3A, %dma_start3A_114, %dma_start3A_115] : memref<32x252x80xi32, #tpu.memory_space<hbm>> -> memref<1x252x80xi32, #tpu.memory_space<hbm>>
      %dma_start3A_117 = tpu.memref_squeeze %dma_start3A_116 : memref<1x252x80xi32, #tpu.memory_space<hbm>> -> memref<252x80xi32, #tpu.memory_space<hbm>>
      tpu.enqueue_dma source(%dma_start3A_117 : memref<252x80xi32, #tpu.memory_space<hbm>>) target(%arg7 : memref<252x80xi32, #tpu.memory_space<vmem>>) target_semaphore(%run_scoped3A : memref<!tpu.dma_semaphore, #tpu.memory_space<semaphore_mem>>)
      %dma_wait3A_118 = arith.constant 0 : i32
      %dma_wait3A_119 = arith.constant 0 : i32
      %dma_wait3A_120 = tpu.memref_slice %arg4[%add3A, %dma_wait3A_118, %dma_wait3A_119] : memref<32x252x80xi32, #tpu.memory_space<hbm>> -> memref<1x252x80xi32, #tpu.memory_space<hbm>>
      %dma_wait3A_121 = tpu.memref_squeeze %dma_wait3A_120 : memref<1x252x80xi32, #tpu.memory_space<hbm>> -> memref<252x80xi32, #tpu.memory_space<hbm>>
      %dma_wait3A_122 = arith.constant 0 : i32
      %dma_wait3A_123 = arith.constant 0 : i32
      %dma_wait3A_124 = tpu.memref_slice %arg4[%add3A, %dma_wait3A_122, %dma_wait3A_123] : memref<32x252x80xi32, #tpu.memory_space<hbm>> -> memref<1x252x80xi32, #tpu.memory_space<hbm>>
      %dma_wait3A_125 = tpu.memref_squeeze %dma_wait3A_124 : memref<1x252x80xi32, #tpu.memory_space<hbm>> -> memref<252x80xi32, #tpu.memory_space<hbm>>
      tpu.wait_dma2 semaphore(%run_scoped3A : memref<!tpu.dma_semaphore, #tpu.memory_space<semaphore_mem>>) src(%dma_wait3A_125 : memref<252x80xi32, #tpu.memory_space<hbm>>) dst(%arg7 : memref<252x80xi32, #tpu.memory_space<vmem>>)
      tpu.yield
    }) : () -> ()
    "tpu.region"() ({
      %run_scoped3A = tpu.sem_alloc : memref<!tpu.dma_semaphore, #tpu.memory_space<semaphore_mem>>
      %dma_start3A_110 = arith.constant 0 : i32
      %dma_start3A_111 = arith.constant 0 : i32
      %dma_start3A_112 = tpu.memref_slice %arg5[%add3A, %dma_start3A_110, %dma_start3A_111] : memref<32x252x80xi32, #tpu.memory_space<hbm>> -> memref<1x252x80xi32, #tpu.memory_space<hbm>>
      %dma_start3A_113 = tpu.memref_squeeze %dma_start3A_112 : memref<1x252x80xi32, #tpu.memory_space<hbm>> -> memref<252x80xi32, #tpu.memory_space<hbm>>
      %dma_start3A_114 = arith.constant 0 : i32
      %dma_start3A_115 = arith.constant 0 : i32
      %dma_start3A_116 = tpu.memref_slice %arg5[%add3A, %dma_start3A_114, %dma_start3A_115] : memref<32x252x80xi32, #tpu.memory_space<hbm>> -> memref<1x252x80xi32, #tpu.memory_space<hbm>>
      %dma_start3A_117 = tpu.memref_squeeze %dma_start3A_116 : memref<1x252x80xi32, #tpu.memory_space<hbm>> -> memref<252x80xi32, #tpu.memory_space<hbm>>
      tpu.enqueue_dma source(%dma_start3A_117 : memref<252x80xi32, #tpu.memory_space<hbm>>) target(%arg8 : memref<252x80xi32, #tpu.memory_space<vmem>>) target_semaphore(%run_scoped3A : memref<!tpu.dma_semaphore, #tpu.memory_space<semaphore_mem>>)
      %dma_wait3A_118 = arith.constant 0 : i32
      %dma_wait3A_119 = arith.constant 0 : i32
      %dma_wait3A_120 = tpu.memref_slice %arg5[%add3A, %dma_wait3A_118, %dma_wait3A_119] : memref<32x252x80xi32, #tpu.memory_space<hbm>> -> memref<1x252x80xi32, #tpu.memory_space<hbm>>
      %dma_wait3A_121 = tpu.memref_squeeze %dma_wait3A_120 : memref<1x252x80xi32, #tpu.memory_space<hbm>> -> memref<252x80xi32, #tpu.memory_space<hbm>>
      %dma_wait3A_122 = arith.constant 0 : i32
      %dma_wait3A_123 = arith.constant 0 : i32
      %dma_wait3A_124 = tpu.memref_slice %arg5[%add3A, %dma_wait3A_122, %dma_wait3A_123] : memref<32x252x80xi32, #tpu.memory_space<hbm>> -> memref<1x252x80xi32, #tpu.memory_space<hbm>>
      %dma_wait3A_125 = tpu.memref_squeeze %dma_wait3A_124 : memref<1x252x80xi32, #tpu.memory_space<hbm>> -> memref<252x80xi32, #tpu.memory_space<hbm>>
      tpu.wait_dma2 semaphore(%run_scoped3A : memref<!tpu.dma_semaphore, #tpu.memory_space<semaphore_mem>>) src(%dma_wait3A_125 : memref<252x80xi32, #tpu.memory_space<hbm>>) dst(%arg8 : memref<252x80xi32, #tpu.memory_space<vmem>>)
      tpu.yield
    }) : () -> ()
    %barrier3A = arith.constant 0 : index
    tpu.barrier barrier_id(%barrier3A)
    %dma_start3A = arith.constant 0 : i32
    %dma_start3A_5 = arith.constant 0 : i32
    %dma_start3A_6 = arith.constant 0 : i32
    %dma_start3A_7 = arith.constant 0 : i32
    %dma_start3A_8 = tpu.memref_slice %arg9[%dma_start3A_5, %dma_start3A_6, %dma_start3A_7] : memref<4x80x64xf32, #tpu.memory_space<vmem>> -> memref<1x80x64xf32, #tpu.memory_space<vmem>>
    %dma_start3A_9 = tpu.memref_squeeze %dma_start3A_8 : memref<1x80x64xf32, #tpu.memory_space<vmem>> -> memref<80x64xf32, #tpu.memory_space<vmem>>
    %dma_start3A_10 = arith.constant 0 : i32
    %dma_start3A_11 = tpu.memref_slice %arg7[%dma_start3A, %dma_start3A_10] : memref<252x80xi32, #tpu.memory_space<vmem>> -> memref<1x80xi32, #tpu.memory_space<vmem>>
    %dma_start3A_12 = tpu.memref_squeeze %dma_start3A_11 : memref<1x80xi32, #tpu.memory_space<vmem>> -> memref<80xi32, #tpu.memory_space<vmem>>
    %dma_start3A_13 = arith.constant 0 : i32
    %dma_start3A_14 = arith.constant 0 : i32
    %dma_start3A_15 = tpu.memref_slice %arg2[%dma_start3A_13, %dma_start3A_14] : memref<20000x64xf32, #tpu.memory_space<hbm>> -> memref<20000x64xf32, #tpu.memory_space<hbm>>
    tpu.enqueue_indirect_dma source(%dma_start3A_15 : memref<20000x64xf32, #tpu.memory_space<hbm>>) target(%dma_start3A_9 : memref<80x64xf32, #tpu.memory_space<vmem>>) offsets(%dma_start3A_12 : memref<80xi32, #tpu.memory_space<vmem>>) semaphore(%arg11 : memref<!tpu.dma_semaphore, #tpu.memory_space<semaphore_mem>>)
    %dma_start3A_16 = arith.constant 1 : i32
    %dma_start3A_17 = arith.constant 1 : i32
    %dma_start3A_18 = arith.constant 0 : i32
    %dma_start3A_19 = arith.constant 0 : i32
    %dma_start3A_20 = tpu.memref_slice %arg9[%dma_start3A_17, %dma_start3A_18, %dma_start3A_19] : memref<4x80x64xf32, #tpu.memory_space<vmem>> -> memref<1x80x64xf32, #tpu.memory_space<vmem>>
    %dma_start3A_21 = tpu.memref_squeeze %dma_start3A_20 : memref<1x80x64xf32, #tpu.memory_space<vmem>> -> memref<80x64xf32, #tpu.memory_space<vmem>>
    %dma_start3A_22 = arith.constant 0 : i32
    %dma_start3A_23 = tpu.memref_slice %arg7[%dma_start3A_16, %dma_start3A_22] : memref<252x80xi32, #tpu.memory_space<vmem>> -> memref<1x80xi32, #tpu.memory_space<vmem>>
    %dma_start3A_24 = tpu.memref_squeeze %dma_start3A_23 : memref<1x80xi32, #tpu.memory_space<vmem>> -> memref<80xi32, #tpu.memory_space<vmem>>
    %dma_start3A_25 = arith.constant 0 : i32
    %dma_start3A_26 = arith.constant 0 : i32
    %dma_start3A_27 = tpu.memref_slice %arg2[%dma_start3A_25, %dma_start3A_26] : memref<20000x64xf32, #tpu.memory_space<hbm>> -> memref<20000x64xf32, #tpu.memory_space<hbm>>
    tpu.enqueue_indirect_dma source(%dma_start3A_27 : memref<20000x64xf32, #tpu.memory_space<hbm>>) target(%dma_start3A_21 : memref<80x64xf32, #tpu.memory_space<vmem>>) offsets(%dma_start3A_24 : memref<80xi32, #tpu.memory_space<vmem>>) semaphore(%arg12 : memref<!tpu.dma_semaphore, #tpu.memory_space<semaphore_mem>>)
    %dma_start3A_28 = arith.constant 2 : i32
    %dma_start3A_29 = arith.constant 2 : i32
    %dma_start3A_30 = arith.constant 0 : i32
    %dma_start3A_31 = arith.constant 0 : i32
    %dma_start3A_32 = tpu.memref_slice %arg9[%dma_start3A_29, %dma_start3A_30, %dma_start3A_31] : memref<4x80x64xf32, #tpu.memory_space<vmem>> -> memref<1x80x64xf32, #tpu.memory_space<vmem>>
    %dma_start3A_33 = tpu.memref_squeeze %dma_start3A_32 : memref<1x80x64xf32, #tpu.memory_space<vmem>> -> memref<80x64xf32, #tpu.memory_space<vmem>>
    %dma_start3A_34 = arith.constant 0 : i32
    %dma_start3A_35 = tpu.memref_slice %arg7[%dma_start3A_28, %dma_start3A_34] : memref<252x80xi32, #tpu.memory_space<vmem>> -> memref<1x80xi32, #tpu.memory_space<vmem>>
    %dma_start3A_36 = tpu.memref_squeeze %dma_start3A_35 : memref<1x80xi32, #tpu.memory_space<vmem>> -> memref<80xi32, #tpu.memory_space<vmem>>
    %dma_start3A_37 = arith.constant 0 : i32
    %dma_start3A_38 = arith.constant 0 : i32
    %dma_start3A_39 = tpu.memref_slice %arg2[%dma_start3A_37, %dma_start3A_38] : memref<20000x64xf32, #tpu.memory_space<hbm>> -> memref<20000x64xf32, #tpu.memory_space<hbm>>
    tpu.enqueue_indirect_dma source(%dma_start3A_39 : memref<20000x64xf32, #tpu.memory_space<hbm>>) target(%dma_start3A_33 : memref<80x64xf32, #tpu.memory_space<vmem>>) offsets(%dma_start3A_36 : memref<80xi32, #tpu.memory_space<vmem>>) semaphore(%arg13 : memref<!tpu.dma_semaphore, #tpu.memory_space<semaphore_mem>>)
    %dma_start3A_40 = arith.constant 3 : i32
    %dma_start3A_41 = arith.constant 3 : i32
    %dma_start3A_42 = arith.constant 0 : i32
    %dma_start3A_43 = arith.constant 0 : i32
    %dma_start3A_44 = tpu.memref_slice %arg9[%dma_start3A_41, %dma_start3A_42, %dma_start3A_43] : memref<4x80x64xf32, #tpu.memory_space<vmem>> -> memref<1x80x64xf32, #tpu.memory_space<vmem>>
    %dma_start3A_45 = tpu.memref_squeeze %dma_start3A_44 : memref<1x80x64xf32, #tpu.memory_space<vmem>> -> memref<80x64xf32, #tpu.memory_space<vmem>>
    %dma_start3A_46 = arith.constant 0 : i32
    %dma_start3A_47 = tpu.memref_slice %arg7[%dma_start3A_40, %dma_start3A_46] : memref<252x80xi32, #tpu.memory_space<vmem>> -> memref<1x80xi32, #tpu.memory_space<vmem>>
    %dma_start3A_48 = tpu.memref_squeeze %dma_start3A_47 : memref<1x80xi32, #tpu.memory_space<vmem>> -> memref<80xi32, #tpu.memory_space<vmem>>
    %dma_start3A_49 = arith.constant 0 : i32
    %dma_start3A_50 = arith.constant 0 : i32
    %dma_start3A_51 = tpu.memref_slice %arg2[%dma_start3A_49, %dma_start3A_50] : memref<20000x64xf32, #tpu.memory_space<hbm>> -> memref<20000x64xf32, #tpu.memory_space<hbm>>
    tpu.enqueue_indirect_dma source(%dma_start3A_51 : memref<20000x64xf32, #tpu.memory_space<hbm>>) target(%dma_start3A_45 : memref<80x64xf32, #tpu.memory_space<vmem>>) offsets(%dma_start3A_48 : memref<80xi32, #tpu.memory_space<vmem>>) semaphore(%arg14 : memref<!tpu.dma_semaphore, #tpu.memory_space<semaphore_mem>>)
    %scan3A = arith.constant 0 : i32
    %scan3A_52 = arith.constant 0 : i32
    %scan3A_53 = arith.constant 63 : i32
    %scan3A_54 = arith.addi %scan3A_52, %scan3A_53 : i32
    %scan3A_55 = arith.constant 1 : i32
    scf.for %scan3A_110 = %scan3A_52 to %scan3A_54 step %scan3A_55  : i32 {
      %mul3A_111 = arith.constant 4 : i32
      %mul3A_112 = arith.muli %scan3A_110, %mul3A_111 : i32
      %add3A_113 = arith.constant 0 : i32
      %add3A_114 = arith.addi %mul3A_112, %add3A_113 : i32
      %dma_wait3A_115 = arith.constant 0 : i32
      %dma_wait3A_116 = arith.constant 0 : i32
      %dma_wait3A_117 = arith.constant 0 : i32
      %dma_wait3A_118 = tpu.memref_slice %arg9[%dma_wait3A_115, %dma_wait3A_116, %dma_wait3A_117] : memref<4x80x64xf32, #tpu.memory_space<vmem>> -> memref<1x80x64xf32, #tpu.memory_space<vmem>>
      %dma_wait3A_119 = tpu.memref_squeeze %dma_wait3A_118 : memref<1x80x64xf32, #tpu.memory_space<vmem>> -> memref<80x64xf32, #tpu.memory_space<vmem>>
      %dma_wait3A_120 = arith.constant 0 : i32
      %dma_wait3A_121 = tpu.memref_slice %arg7[%add3A_114, %dma_wait3A_120] : memref<252x80xi32, #tpu.memory_space<vmem>> -> memref<1x80xi32, #tpu.memory_space<vmem>>
      %dma_wait3A_122 = tpu.memref_squeeze %dma_wait3A_121 : memref<1x80xi32, #tpu.memory_space<vmem>> -> memref<80xi32, #tpu.memory_space<vmem>>
      %dma_wait3A_123 = arith.constant 0 : i32
      %dma_wait3A_124 = arith.constant 0 : i32
      %dma_wait3A_125 = tpu.memref_slice %arg2[%dma_wait3A_123, %dma_wait3A_124] : memref<20000x64xf32, #tpu.memory_space<hbm>> -> memref<20000x64xf32, #tpu.memory_space<hbm>>
      tpu.wait_indirect_dma semaphore(%arg11 : memref<!tpu.dma_semaphore, #tpu.memory_space<semaphore_mem>>) src(%dma_wait3A_125 : memref<20000x64xf32, #tpu.memory_space<hbm>>) dst(%dma_wait3A_119 : memref<80x64xf32, #tpu.memory_space<vmem>>)
      %add3A_126 = arith.constant 0 : i32
      %add3A_127 = arith.addi %mul3A_112, %add3A_126 : i32
      %dma_start3A_128 = arith.constant 0 : i32
      %dma_start3A_129 = arith.constant 0 : i32
      %dma_start3A_130 = arith.constant 0 : i32
      %dma_start3A_131 = tpu.memref_slice %arg9[%dma_start3A_128, %dma_start3A_129, %dma_start3A_130] : memref<4x80x64xf32, #tpu.memory_space<vmem>> -> memref<1x80x64xf32, #tpu.memory_space<vmem>>
      %dma_start3A_132 = tpu.memref_squeeze %dma_start3A_131 : memref<1x80x64xf32, #tpu.memory_space<vmem>> -> memref<80x64xf32, #tpu.memory_space<vmem>>
      %dma_start3A_133 = arith.constant 0 : i32
      %dma_start3A_134 = tpu.memref_slice %arg8[%add3A_127, %dma_start3A_133] : memref<252x80xi32, #tpu.memory_space<vmem>> -> memref<1x80xi32, #tpu.memory_space<vmem>>
      %dma_start3A_135 = tpu.memref_squeeze %dma_start3A_134 : memref<1x80xi32, #tpu.memory_space<vmem>> -> memref<80xi32, #tpu.memory_space<vmem>>
      %dma_start3A_136 = arith.constant 0 : i32
      %dma_start3A_137 = arith.constant 0 : i32
      %dma_start3A_138 = tpu.memref_slice %arg10[%dma_start3A_136, %dma_start3A_137] : memref<10008x64xf32, #tpu.memory_space<vmem_shared>> -> memref<10008x64xf32, #tpu.memory_space<vmem_shared>>
      tpu.enqueue_indirect_dma source(%dma_start3A_132 : memref<80x64xf32, #tpu.memory_space<vmem>>) target(%dma_start3A_138 : memref<10008x64xf32, #tpu.memory_space<vmem_shared>>) offsets(%dma_start3A_135 : memref<80xi32, #tpu.memory_space<vmem>>) semaphore(%arg15 : memref<!tpu.dma_semaphore, #tpu.memory_space<semaphore_mem>>) {add = true}
      %add3A_139 = arith.constant 1 : i32
      %add3A_140 = arith.addi %mul3A_112, %add3A_139 : i32
      %dma_wait3A_141 = arith.constant 1 : i32
      %dma_wait3A_142 = arith.constant 0 : i32
      %dma_wait3A_143 = arith.constant 0 : i32
      %dma_wait3A_144 = tpu.memref_slice %arg9[%dma_wait3A_141, %dma_wait3A_142, %dma_wait3A_143] : memref<4x80x64xf32, #tpu.memory_space<vmem>> -> memref<1x80x64xf32, #tpu.memory_space<vmem>>
      %dma_wait3A_145 = tpu.memref_squeeze %dma_wait3A_144 : memref<1x80x64xf32, #tpu.memory_space<vmem>> -> memref<80x64xf32, #tpu.memory_space<vmem>>
      %dma_wait3A_146 = arith.constant 0 : i32
      %dma_wait3A_147 = tpu.memref_slice %arg7[%add3A_140, %dma_wait3A_146] : memref<252x80xi32, #tpu.memory_space<vmem>> -> memref<1x80xi32, #tpu.memory_space<vmem>>
      %dma_wait3A_148 = tpu.memref_squeeze %dma_wait3A_147 : memref<1x80xi32, #tpu.memory_space<vmem>> -> memref<80xi32, #tpu.memory_space<vmem>>
      %dma_wait3A_149 = arith.constant 0 : i32
      %dma_wait3A_150 = arith.constant 0 : i32
      %dma_wait3A_151 = tpu.memref_slice %arg2[%dma_wait3A_149, %dma_wait3A_150] : memref<20000x64xf32, #tpu.memory_space<hbm>> -> memref<20000x64xf32, #tpu.memory_space<hbm>>
      tpu.wait_indirect_dma semaphore(%arg12 : memref<!tpu.dma_semaphore, #tpu.memory_space<semaphore_mem>>) src(%dma_wait3A_151 : memref<20000x64xf32, #tpu.memory_space<hbm>>) dst(%dma_wait3A_145 : memref<80x64xf32, #tpu.memory_space<vmem>>)
      %add3A_152 = arith.constant 1 : i32
      %add3A_153 = arith.addi %mul3A_112, %add3A_152 : i32
      %dma_start3A_154 = arith.constant 1 : i32
      %dma_start3A_155 = arith.constant 0 : i32
      %dma_start3A_156 = arith.constant 0 : i32
      %dma_start3A_157 = tpu.memref_slice %arg9[%dma_start3A_154, %dma_start3A_155, %dma_start3A_156] : memref<4x80x64xf32, #tpu.memory_space<vmem>> -> memref<1x80x64xf32, #tpu.memory_space<vmem>>
      %dma_start3A_158 = tpu.memref_squeeze %dma_start3A_157 : memref<1x80x64xf32, #tpu.memory_space<vmem>> -> memref<80x64xf32, #tpu.memory_space<vmem>>
      %dma_start3A_159 = arith.constant 0 : i32
      %dma_start3A_160 = tpu.memref_slice %arg8[%add3A_153, %dma_start3A_159] : memref<252x80xi32, #tpu.memory_space<vmem>> -> memref<1x80xi32, #tpu.memory_space<vmem>>
      %dma_start3A_161 = tpu.memref_squeeze %dma_start3A_160 : memref<1x80xi32, #tpu.memory_space<vmem>> -> memref<80xi32, #tpu.memory_space<vmem>>
      %dma_start3A_162 = arith.constant 0 : i32
      %dma_start3A_163 = arith.constant 0 : i32
      %dma_start3A_164 = tpu.memref_slice %arg10[%dma_start3A_162, %dma_start3A_163] : memref<10008x64xf32, #tpu.memory_space<vmem_shared>> -> memref<10008x64xf32, #tpu.memory_space<vmem_shared>>
      tpu.enqueue_indirect_dma source(%dma_start3A_158 : memref<80x64xf32, #tpu.memory_space<vmem>>) target(%dma_start3A_164 : memref<10008x64xf32, #tpu.memory_space<vmem_shared>>) offsets(%dma_start3A_161 : memref<80xi32, #tpu.memory_space<vmem>>) semaphore(%arg16 : memref<!tpu.dma_semaphore, #tpu.memory_space<semaphore_mem>>) {add = true}
      %add3A_165 = arith.constant 2 : i32
      %add3A_166 = arith.addi %mul3A_112, %add3A_165 : i32
      %dma_wait3A_167 = arith.constant 2 : i32
      %dma_wait3A_168 = arith.constant 0 : i32
      %dma_wait3A_169 = arith.constant 0 : i32
      %dma_wait3A_170 = tpu.memref_slice %arg9[%dma_wait3A_167, %dma_wait3A_168, %dma_wait3A_169] : memref<4x80x64xf32, #tpu.memory_space<vmem>> -> memref<1x80x64xf32, #tpu.memory_space<vmem>>
      %dma_wait3A_171 = tpu.memref_squeeze %dma_wait3A_170 : memref<1x80x64xf32, #tpu.memory_space<vmem>> -> memref<80x64xf32, #tpu.memory_space<vmem>>
      %dma_wait3A_172 = arith.constant 0 : i32
      %dma_wait3A_173 = tpu.memref_slice %arg7[%add3A_166, %dma_wait3A_172] : memref<252x80xi32, #tpu.memory_space<vmem>> -> memref<1x80xi32, #tpu.memory_space<vmem>>
      %dma_wait3A_174 = tpu.memref_squeeze %dma_wait3A_173 : memref<1x80xi32, #tpu.memory_space<vmem>> -> memref<80xi32, #tpu.memory_space<vmem>>
      %dma_wait3A_175 = arith.constant 0 : i32
      %dma_wait3A_176 = arith.constant 0 : i32
      %dma_wait3A_177 = tpu.memref_slice %arg2[%dma_wait3A_175, %dma_wait3A_176] : memref<20000x64xf32, #tpu.memory_space<hbm>> -> memref<20000x64xf32, #tpu.memory_space<hbm>>
      tpu.wait_indirect_dma semaphore(%arg13 : memref<!tpu.dma_semaphore, #tpu.memory_space<semaphore_mem>>) src(%dma_wait3A_177 : memref<20000x64xf32, #tpu.memory_space<hbm>>) dst(%dma_wait3A_171 : memref<80x64xf32, #tpu.memory_space<vmem>>)
      %add3A_178 = arith.constant 2 : i32
      %add3A_179 = arith.addi %mul3A_112, %add3A_178 : i32
      %dma_start3A_180 = arith.constant 2 : i32
      %dma_start3A_181 = arith.constant 0 : i32
      %dma_start3A_182 = arith.constant 0 : i32
      %dma_start3A_183 = tpu.memref_slice %arg9[%dma_start3A_180, %dma_start3A_181, %dma_start3A_182] : memref<4x80x64xf32, #tpu.memory_space<vmem>> -> memref<1x80x64xf32, #tpu.memory_space<vmem>>
      %dma_start3A_184 = tpu.memref_squeeze %dma_start3A_183 : memref<1x80x64xf32, #tpu.memory_space<vmem>> -> memref<80x64xf32, #tpu.memory_space<vmem>>
      %dma_start3A_185 = arith.constant 0 : i32
      %dma_start3A_186 = tpu.memref_slice %arg8[%add3A_179, %dma_start3A_185] : memref<252x80xi32, #tpu.memory_space<vmem>> -> memref<1x80xi32, #tpu.memory_space<vmem>>
      %dma_start3A_187 = tpu.memref_squeeze %dma_start3A_186 : memref<1x80xi32, #tpu.memory_space<vmem>> -> memref<80xi32, #tpu.memory_space<vmem>>
      %dma_start3A_188 = arith.constant 0 : i32
      %dma_start3A_189 = arith.constant 0 : i32
      %dma_start3A_190 = tpu.memref_slice %arg10[%dma_start3A_188, %dma_start3A_189] : memref<10008x64xf32, #tpu.memory_space<vmem_shared>> -> memref<10008x64xf32, #tpu.memory_space<vmem_shared>>
      tpu.enqueue_indirect_dma source(%dma_start3A_184 : memref<80x64xf32, #tpu.memory_space<vmem>>) target(%dma_start3A_190 : memref<10008x64xf32, #tpu.memory_space<vmem_shared>>) offsets(%dma_start3A_187 : memref<80xi32, #tpu.memory_space<vmem>>) semaphore(%arg17 : memref<!tpu.dma_semaphore, #tpu.memory_space<semaphore_mem>>) {add = true}
      %add3A_191 = arith.constant 3 : i32
      %add3A_192 = arith.addi %mul3A_112, %add3A_191 : i32
      %dma_wait3A_193 = arith.constant 3 : i32
      %dma_wait3A_194 = arith.constant 0 : i32
      %dma_wait3A_195 = arith.constant 0 : i32
      %dma_wait3A_196 = tpu.memref_slice %arg9[%dma_wait3A_193, %dma_wait3A_194, %dma_wait3A_195] : memref<4x80x64xf32, #tpu.memory_space<vmem>> -> memref<1x80x64xf32, #tpu.memory_space<vmem>>
      %dma_wait3A_197 = tpu.memref_squeeze %dma_wait3A_196 : memref<1x80x64xf32, #tpu.memory_space<vmem>> -> memref<80x64xf32, #tpu.memory_space<vmem>>
      %dma_wait3A_198 = arith.constant 0 : i32
      %dma_wait3A_199 = tpu.memref_slice %arg7[%add3A_192, %dma_wait3A_198] : memref<252x80xi32, #tpu.memory_space<vmem>> -> memref<1x80xi32, #tpu.memory_space<vmem>>
      %dma_wait3A_200 = tpu.memref_squeeze %dma_wait3A_199 : memref<1x80xi32, #tpu.memory_space<vmem>> -> memref<80xi32, #tpu.memory_space<vmem>>
      %dma_wait3A_201 = arith.constant 0 : i32
      %dma_wait3A_202 = arith.constant 0 : i32
      %dma_wait3A_203 = tpu.memref_slice %arg2[%dma_wait3A_201, %dma_wait3A_202] : memref<20000x64xf32, #tpu.memory_space<hbm>> -> memref<20000x64xf32, #tpu.memory_space<hbm>>
      tpu.wait_indirect_dma semaphore(%arg14 : memref<!tpu.dma_semaphore, #tpu.memory_space<semaphore_mem>>) src(%dma_wait3A_203 : memref<20000x64xf32, #tpu.memory_space<hbm>>) dst(%dma_wait3A_197 : memref<80x64xf32, #tpu.memory_space<vmem>>)
      %add3A_204 = arith.constant 3 : i32
      %add3A_205 = arith.addi %mul3A_112, %add3A_204 : i32
      %dma_start3A_206 = arith.constant 3 : i32
      %dma_start3A_207 = arith.constant 0 : i32
      %dma_start3A_208 = arith.constant 0 : i32
      %dma_start3A_209 = tpu.memref_slice %arg9[%dma_start3A_206, %dma_start3A_207, %dma_start3A_208] : memref<4x80x64xf32, #tpu.memory_space<vmem>> -> memref<1x80x64xf32, #tpu.memory_space<vmem>>
      %dma_start3A_210 = tpu.memref_squeeze %dma_start3A_209 : memref<1x80x64xf32, #tpu.memory_space<vmem>> -> memref<80x64xf32, #tpu.memory_space<vmem>>
      %dma_start3A_211 = arith.constant 0 : i32
      %dma_start3A_212 = tpu.memref_slice %arg8[%add3A_205, %dma_start3A_211] : memref<252x80xi32, #tpu.memory_space<vmem>> -> memref<1x80xi32, #tpu.memory_space<vmem>>
      %dma_start3A_213 = tpu.memref_squeeze %dma_start3A_212 : memref<1x80xi32, #tpu.memory_space<vmem>> -> memref<80xi32, #tpu.memory_space<vmem>>
      %dma_start3A_214 = arith.constant 0 : i32
      %dma_start3A_215 = arith.constant 0 : i32
      %dma_start3A_216 = tpu.memref_slice %arg10[%dma_start3A_214, %dma_start3A_215] : memref<10008x64xf32, #tpu.memory_space<vmem_shared>> -> memref<10008x64xf32, #tpu.memory_space<vmem_shared>>
      tpu.enqueue_indirect_dma source(%dma_start3A_210 : memref<80x64xf32, #tpu.memory_space<vmem>>) target(%dma_start3A_216 : memref<10008x64xf32, #tpu.memory_space<vmem_shared>>) offsets(%dma_start3A_213 : memref<80xi32, #tpu.memory_space<vmem>>) semaphore(%arg18 : memref<!tpu.dma_semaphore, #tpu.memory_space<semaphore_mem>>) {add = true}
      %lt3A = arith.constant 62 : i32
      %lt3A_217 = arith.cmpi slt, %scan3A_110, %lt3A : i32
      %convert_element_type3A_218 = arith.extui %lt3A_217 : i1 to i32
      %cond3A_219 = arith.constant 0 : i32
      %cond3A_220 = arith.cmpi ne, %convert_element_type3A_218, %cond3A_219 : i32
      scf.if %cond3A_220 {
        %add3A_221 = arith.constant 0 : i32
        %add3A_222 = arith.addi %mul3A_112, %add3A_221 : i32
        %dma_wait3A_223 = arith.constant 0 : i32
        %dma_wait3A_224 = arith.constant 0 : i32
        %dma_wait3A_225 = arith.constant 0 : i32
        %dma_wait3A_226 = tpu.memref_slice %arg9[%dma_wait3A_223, %dma_wait3A_224, %dma_wait3A_225] : memref<4x80x64xf32, #tpu.memory_space<vmem>> -> memref<1x80x64xf32, #tpu.memory_space<vmem>>
        %dma_wait3A_227 = tpu.memref_squeeze %dma_wait3A_226 : memref<1x80x64xf32, #tpu.memory_space<vmem>> -> memref<80x64xf32, #tpu.memory_space<vmem>>
        %dma_wait3A_228 = arith.constant 0 : i32
        %dma_wait3A_229 = tpu.memref_slice %arg8[%add3A_222, %dma_wait3A_228] : memref<252x80xi32, #tpu.memory_space<vmem>> -> memref<1x80xi32, #tpu.memory_space<vmem>>
        %dma_wait3A_230 = tpu.memref_squeeze %dma_wait3A_229 : memref<1x80xi32, #tpu.memory_space<vmem>> -> memref<80xi32, #tpu.memory_space<vmem>>
        %dma_wait3A_231 = arith.constant 0 : i32
        %dma_wait3A_232 = arith.constant 0 : i32
        %dma_wait3A_233 = tpu.memref_slice %arg10[%dma_wait3A_231, %dma_wait3A_232] : memref<10008x64xf32, #tpu.memory_space<vmem_shared>> -> memref<10008x64xf32, #tpu.memory_space<vmem_shared>>
        tpu.wait_indirect_dma semaphore(%arg15 : memref<!tpu.dma_semaphore, #tpu.memory_space<semaphore_mem>>) src(%dma_wait3A_227 : memref<80x64xf32, #tpu.memory_space<vmem>>) dst(%dma_wait3A_233 : memref<10008x64xf32, #tpu.memory_space<vmem_shared>>)
        %add3A_234 = arith.constant 4 : i32
        %add3A_235 = arith.addi %mul3A_112, %add3A_234 : i32
        %add3A_236 = arith.constant 0 : i32
        %add3A_237 = arith.addi %add3A_235, %add3A_236 : i32
        %dma_start3A_238 = arith.constant 0 : i32
        %dma_start3A_239 = arith.constant 0 : i32
        %dma_start3A_240 = arith.constant 0 : i32
        %dma_start3A_241 = tpu.memref_slice %arg9[%dma_start3A_238, %dma_start3A_239, %dma_start3A_240] : memref<4x80x64xf32, #tpu.memory_space<vmem>> -> memref<1x80x64xf32, #tpu.memory_space<vmem>>
        %dma_start3A_242 = tpu.memref_squeeze %dma_start3A_241 : memref<1x80x64xf32, #tpu.memory_space<vmem>> -> memref<80x64xf32, #tpu.memory_space<vmem>>
        %dma_start3A_243 = arith.constant 0 : i32
        %dma_start3A_244 = tpu.memref_slice %arg7[%add3A_237, %dma_start3A_243] : memref<252x80xi32, #tpu.memory_space<vmem>> -> memref<1x80xi32, #tpu.memory_space<vmem>>
        %dma_start3A_245 = tpu.memref_squeeze %dma_start3A_244 : memref<1x80xi32, #tpu.memory_space<vmem>> -> memref<80xi32, #tpu.memory_space<vmem>>
        %dma_start3A_246 = arith.constant 0 : i32
        %dma_start3A_247 = arith.constant 0 : i32
        %dma_start3A_248 = tpu.memref_slice %arg2[%dma_start3A_246, %dma_start3A_247] : memref<20000x64xf32, #tpu.memory_space<hbm>> -> memref<20000x64xf32, #tpu.memory_space<hbm>>
        tpu.enqueue_indirect_dma source(%dma_start3A_248 : memref<20000x64xf32, #tpu.memory_space<hbm>>) target(%dma_start3A_242 : memref<80x64xf32, #tpu.memory_space<vmem>>) offsets(%dma_start3A_245 : memref<80xi32, #tpu.memory_space<vmem>>) semaphore(%arg11 : memref<!tpu.dma_semaphore, #tpu.memory_space<semaphore_mem>>)
        %add3A_249 = arith.constant 1 : i32
        %add3A_250 = arith.addi %mul3A_112, %add3A_249 : i32
        %dma_wait3A_251 = arith.constant 1 : i32
        %dma_wait3A_252 = arith.constant 0 : i32
        %dma_wait3A_253 = arith.constant 0 : i32
        %dma_wait3A_254 = tpu.memref_slice %arg9[%dma_wait3A_251, %dma_wait3A_252, %dma_wait3A_253] : memref<4x80x64xf32, #tpu.memory_space<vmem>> -> memref<1x80x64xf32, #tpu.memory_space<vmem>>
        %dma_wait3A_255 = tpu.memref_squeeze %dma_wait3A_254 : memref<1x80x64xf32, #tpu.memory_space<vmem>> -> memref<80x64xf32, #tpu.memory_space<vmem>>
        %dma_wait3A_256 = arith.constant 0 : i32
        %dma_wait3A_257 = tpu.memref_slice %arg8[%add3A_250, %dma_wait3A_256] : memref<252x80xi32, #tpu.memory_space<vmem>> -> memref<1x80xi32, #tpu.memory_space<vmem>>
        %dma_wait3A_258 = tpu.memref_squeeze %dma_wait3A_257 : memref<1x80xi32, #tpu.memory_space<vmem>> -> memref<80xi32, #tpu.memory_space<vmem>>
        %dma_wait3A_259 = arith.constant 0 : i32
        %dma_wait3A_260 = arith.constant 0 : i32
        %dma_wait3A_261 = tpu.memref_slice %arg10[%dma_wait3A_259, %dma_wait3A_260] : memref<10008x64xf32, #tpu.memory_space<vmem_shared>> -> memref<10008x64xf32, #tpu.memory_space<vmem_shared>>
        tpu.wait_indirect_dma semaphore(%arg16 : memref<!tpu.dma_semaphore, #tpu.memory_space<semaphore_mem>>) src(%dma_wait3A_255 : memref<80x64xf32, #tpu.memory_space<vmem>>) dst(%dma_wait3A_261 : memref<10008x64xf32, #tpu.memory_space<vmem_shared>>)
        %add3A_262 = arith.constant 4 : i32
        %add3A_263 = arith.addi %mul3A_112, %add3A_262 : i32
        %add3A_264 = arith.constant 1 : i32
        %add3A_265 = arith.addi %add3A_263, %add3A_264 : i32
        %dma_start3A_266 = arith.constant 1 : i32
        %dma_start3A_267 = arith.constant 0 : i32
        %dma_start3A_268 = arith.constant 0 : i32
        %dma_start3A_269 = tpu.memref_slice %arg9[%dma_start3A_266, %dma_start3A_267, %dma_start3A_268] : memref<4x80x64xf32, #tpu.memory_space<vmem>> -> memref<1x80x64xf32, #tpu.memory_space<vmem>>
        %dma_start3A_270 = tpu.memref_squeeze %dma_start3A_269 : memref<1x80x64xf32, #tpu.memory_space<vmem>> -> memref<80x64xf32, #tpu.memory_space<vmem>>
        %dma_start3A_271 = arith.constant 0 : i32
        %dma_start3A_272 = tpu.memref_slice %arg7[%add3A_265, %dma_start3A_271] : memref<252x80xi32, #tpu.memory_space<vmem>> -> memref<1x80xi32, #tpu.memory_space<vmem>>
        %dma_start3A_273 = tpu.memref_squeeze %dma_start3A_272 : memref<1x80xi32, #tpu.memory_space<vmem>> -> memref<80xi32, #tpu.memory_space<vmem>>
        %dma_start3A_274 = arith.constant 0 : i32
        %dma_start3A_275 = arith.constant 0 : i32
        %dma_start3A_276 = tpu.memref_slice %arg2[%dma_start3A_274, %dma_start3A_275] : memref<20000x64xf32, #tpu.memory_space<hbm>> -> memref<20000x64xf32, #tpu.memory_space<hbm>>
        tpu.enqueue_indirect_dma source(%dma_start3A_276 : memref<20000x64xf32, #tpu.memory_space<hbm>>) target(%dma_start3A_270 : memref<80x64xf32, #tpu.memory_space<vmem>>) offsets(%dma_start3A_273 : memref<80xi32, #tpu.memory_space<vmem>>) semaphore(%arg12 : memref<!tpu.dma_semaphore, #tpu.memory_space<semaphore_mem>>)
        %add3A_277 = arith.constant 2 : i32
        %add3A_278 = arith.addi %mul3A_112, %add3A_277 : i32
        %dma_wait3A_279 = arith.constant 2 : i32
        %dma_wait3A_280 = arith.constant 0 : i32
        %dma_wait3A_281 = arith.constant 0 : i32
        %dma_wait3A_282 = tpu.memref_slice %arg9[%dma_wait3A_279, %dma_wait3A_280, %dma_wait3A_281] : memref<4x80x64xf32, #tpu.memory_space<vmem>> -> memref<1x80x64xf32, #tpu.memory_space<vmem>>
        %dma_wait3A_283 = tpu.memref_squeeze %dma_wait3A_282 : memref<1x80x64xf32, #tpu.memory_space<vmem>> -> memref<80x64xf32, #tpu.memory_space<vmem>>
        %dma_wait3A_284 = arith.constant 0 : i32
        %dma_wait3A_285 = tpu.memref_slice %arg8[%add3A_278, %dma_wait3A_284] : memref<252x80xi32, #tpu.memory_space<vmem>> -> memref<1x80xi32, #tpu.memory_space<vmem>>
        %dma_wait3A_286 = tpu.memref_squeeze %dma_wait3A_285 : memref<1x80xi32, #tpu.memory_space<vmem>> -> memref<80xi32, #tpu.memory_space<vmem>>
        %dma_wait3A_287 = arith.constant 0 : i32
        %dma_wait3A_288 = arith.constant 0 : i32
        %dma_wait3A_289 = tpu.memref_slice %arg10[%dma_wait3A_287, %dma_wait3A_288] : memref<10008x64xf32, #tpu.memory_space<vmem_shared>> -> memref<10008x64xf32, #tpu.memory_space<vmem_shared>>
        tpu.wait_indirect_dma semaphore(%arg17 : memref<!tpu.dma_semaphore, #tpu.memory_space<semaphore_mem>>) src(%dma_wait3A_283 : memref<80x64xf32, #tpu.memory_space<vmem>>) dst(%dma_wait3A_289 : memref<10008x64xf32, #tpu.memory_space<vmem_shared>>)
        %add3A_290 = arith.constant 4 : i32
        %add3A_291 = arith.addi %mul3A_112, %add3A_290 : i32
        %add3A_292 = arith.constant 2 : i32
        %add3A_293 = arith.addi %add3A_291, %add3A_292 : i32
        %dma_start3A_294 = arith.constant 2 : i32
        %dma_start3A_295 = arith.constant 0 : i32
        %dma_start3A_296 = arith.constant 0 : i32
        %dma_start3A_297 = tpu.memref_slice %arg9[%dma_start3A_294, %dma_start3A_295, %dma_start3A_296] : memref<4x80x64xf32, #tpu.memory_space<vmem>> -> memref<1x80x64xf32, #tpu.memory_space<vmem>>
        %dma_start3A_298 = tpu.memref_squeeze %dma_start3A_297 : memref<1x80x64xf32, #tpu.memory_space<vmem>> -> memref<80x64xf32, #tpu.memory_space<vmem>>
        %dma_start3A_299 = arith.constant 0 : i32
        %dma_start3A_300 = tpu.memref_slice %arg7[%add3A_293, %dma_start3A_299] : memref<252x80xi32, #tpu.memory_space<vmem>> -> memref<1x80xi32, #tpu.memory_space<vmem>>
        %dma_start3A_301 = tpu.memref_squeeze %dma_start3A_300 : memref<1x80xi32, #tpu.memory_space<vmem>> -> memref<80xi32, #tpu.memory_space<vmem>>
        %dma_start3A_302 = arith.constant 0 : i32
        %dma_start3A_303 = arith.constant 0 : i32
        %dma_start3A_304 = tpu.memref_slice %arg2[%dma_start3A_302, %dma_start3A_303] : memref<20000x64xf32, #tpu.memory_space<hbm>> -> memref<20000x64xf32, #tpu.memory_space<hbm>>
        tpu.enqueue_indirect_dma source(%dma_start3A_304 : memref<20000x64xf32, #tpu.memory_space<hbm>>) target(%dma_start3A_298 : memref<80x64xf32, #tpu.memory_space<vmem>>) offsets(%dma_start3A_301 : memref<80xi32, #tpu.memory_space<vmem>>) semaphore(%arg13 : memref<!tpu.dma_semaphore, #tpu.memory_space<semaphore_mem>>)
        %add3A_305 = arith.constant 3 : i32
        %add3A_306 = arith.addi %mul3A_112, %add3A_305 : i32
        %dma_wait3A_307 = arith.constant 3 : i32
        %dma_wait3A_308 = arith.constant 0 : i32
        %dma_wait3A_309 = arith.constant 0 : i32
        %dma_wait3A_310 = tpu.memref_slice %arg9[%dma_wait3A_307, %dma_wait3A_308, %dma_wait3A_309] : memref<4x80x64xf32, #tpu.memory_space<vmem>> -> memref<1x80x64xf32, #tpu.memory_space<vmem>>
        %dma_wait3A_311 = tpu.memref_squeeze %dma_wait3A_310 : memref<1x80x64xf32, #tpu.memory_space<vmem>> -> memref<80x64xf32, #tpu.memory_space<vmem>>
        %dma_wait3A_312 = arith.constant 0 : i32
        %dma_wait3A_313 = tpu.memref_slice %arg8[%add3A_306, %dma_wait3A_312] : memref<252x80xi32, #tpu.memory_space<vmem>> -> memref<1x80xi32, #tpu.memory_space<vmem>>
        %dma_wait3A_314 = tpu.memref_squeeze %dma_wait3A_313 : memref<1x80xi32, #tpu.memory_space<vmem>> -> memref<80xi32, #tpu.memory_space<vmem>>
        %dma_wait3A_315 = arith.constant 0 : i32
        %dma_wait3A_316 = arith.constant 0 : i32
        %dma_wait3A_317 = tpu.memref_slice %arg10[%dma_wait3A_315, %dma_wait3A_316] : memref<10008x64xf32, #tpu.memory_space<vmem_shared>> -> memref<10008x64xf32, #tpu.memory_space<vmem_shared>>
        tpu.wait_indirect_dma semaphore(%arg18 : memref<!tpu.dma_semaphore, #tpu.memory_space<semaphore_mem>>) src(%dma_wait3A_311 : memref<80x64xf32, #tpu.memory_space<vmem>>) dst(%dma_wait3A_317 : memref<10008x64xf32, #tpu.memory_space<vmem_shared>>)
        %add3A_318 = arith.constant 4 : i32
        %add3A_319 = arith.addi %mul3A_112, %add3A_318 : i32
        %add3A_320 = arith.constant 3 : i32
        %add3A_321 = arith.addi %add3A_319, %add3A_320 : i32
        %dma_start3A_322 = arith.constant 3 : i32
        %dma_start3A_323 = arith.constant 0 : i32
        %dma_start3A_324 = arith.constant 0 : i32
        %dma_start3A_325 = tpu.memref_slice %arg9[%dma_start3A_322, %dma_start3A_323, %dma_start3A_324] : memref<4x80x64xf32, #tpu.memory_space<vmem>> -> memref<1x80x64xf32, #tpu.memory_space<vmem>>
        %dma_start3A_326 = tpu.memref_squeeze %dma_start3A_325 : memref<1x80x64xf32, #tpu.memory_space<vmem>> -> memref<80x64xf32, #tpu.memory_space<vmem>>
        %dma_start3A_327 = arith.constant 0 : i32
        %dma_start3A_328 = tpu.memref_slice %arg7[%add3A_321, %dma_start3A_327] : memref<252x80xi32, #tpu.memory_space<vmem>> -> memref<1x80xi32, #tpu.memory_space<vmem>>
        %dma_start3A_329 = tpu.memref_squeeze %dma_start3A_328 : memref<1x80xi32, #tpu.memory_space<vmem>> -> memref<80xi32, #tpu.memory_space<vmem>>
        %dma_start3A_330 = arith.constant 0 : i32
        %dma_start3A_331 = arith.constant 0 : i32
        %dma_start3A_332 = tpu.memref_slice %arg2[%dma_start3A_330, %dma_start3A_331] : memref<20000x64xf32, #tpu.memory_space<hbm>> -> memref<20000x64xf32, #tpu.memory_space<hbm>>
        tpu.enqueue_indirect_dma source(%dma_start3A_332 : memref<20000x64xf32, #tpu.memory_space<hbm>>) target(%dma_start3A_326 : memref<80x64xf32, #tpu.memory_space<vmem>>) offsets(%dma_start3A_329 : memref<80xi32, #tpu.memory_space<vmem>>) semaphore(%arg14 : memref<!tpu.dma_semaphore, #tpu.memory_space<semaphore_mem>>)
      } else {
      }
    }
    %scan3A_56 = arith.constant 63 : i32
    %dma_wait3A = arith.constant 0 : i32
    %dma_wait3A_57 = arith.constant 248 : i32
    %dma_wait3A_58 = arith.constant 0 : i32
    %dma_wait3A_59 = arith.constant 0 : i32
    %dma_wait3A_60 = tpu.memref_slice %arg9[%dma_wait3A, %dma_wait3A_58, %dma_wait3A_59] : memref<4x80x64xf32, #tpu.memory_space<vmem>> -> memref<1x80x64xf32, #tpu.memory_space<vmem>>
    %dma_wait3A_61 = tpu.memref_squeeze %dma_wait3A_60 : memref<1x80x64xf32, #tpu.memory_space<vmem>> -> memref<80x64xf32, #tpu.memory_space<vmem>>
    %dma_wait3A_62 = arith.constant 0 : i32
    %dma_wait3A_63 = tpu.memref_slice %arg8[%dma_wait3A_57, %dma_wait3A_62] : memref<252x80xi32, #tpu.memory_space<vmem>> -> memref<1x80xi32, #tpu.memory_space<vmem>>
    %dma_wait3A_64 = tpu.memref_squeeze %dma_wait3A_63 : memref<1x80xi32, #tpu.memory_space<vmem>> -> memref<80xi32, #tpu.memory_space<vmem>>
    %dma_wait3A_65 = arith.constant 0 : i32
    %dma_wait3A_66 = arith.constant 0 : i32
    %dma_wait3A_67 = tpu.memref_slice %arg10[%dma_wait3A_65, %dma_wait3A_66] : memref<10008x64xf32, #tpu.memory_space<vmem_shared>> -> memref<10008x64xf32, #tpu.memory_space<vmem_shared>>
    tpu.wait_indirect_dma semaphore(%arg15 : memref<!tpu.dma_semaphore, #tpu.memory_space<semaphore_mem>>) src(%dma_wait3A_61 : memref<80x64xf32, #tpu.memory_space<vmem>>) dst(%dma_wait3A_67 : memref<10008x64xf32, #tpu.memory_space<vmem_shared>>)
    %dma_wait3A_68 = arith.constant 1 : i32
    %dma_wait3A_69 = arith.constant 249 : i32
    %dma_wait3A_70 = arith.constant 0 : i32
    %dma_wait3A_71 = arith.constant 0 : i32
    %dma_wait3A_72 = tpu.memref_slice %arg9[%dma_wait3A_68, %dma_wait3A_70, %dma_wait3A_71] : memref<4x80x64xf32, #tpu.memory_space<vmem>> -> memref<1x80x64xf32, #tpu.memory_space<vmem>>
    %dma_wait3A_73 = tpu.memref_squeeze %dma_wait3A_72 : memref<1x80x64xf32, #tpu.memory_space<vmem>> -> memref<80x64xf32, #tpu.memory_space<vmem>>
    %dma_wait3A_74 = arith.constant 0 : i32
    %dma_wait3A_75 = tpu.memref_slice %arg8[%dma_wait3A_69, %dma_wait3A_74] : memref<252x80xi32, #tpu.memory_space<vmem>> -> memref<1x80xi32, #tpu.memory_space<vmem>>
    %dma_wait3A_76 = tpu.memref_squeeze %dma_wait3A_75 : memref<1x80xi32, #tpu.memory_space<vmem>> -> memref<80xi32, #tpu.memory_space<vmem>>
    %dma_wait3A_77 = arith.constant 0 : i32
    %dma_wait3A_78 = arith.constant 0 : i32
    %dma_wait3A_79 = tpu.memref_slice %arg10[%dma_wait3A_77, %dma_wait3A_78] : memref<10008x64xf32, #tpu.memory_space<vmem_shared>> -> memref<10008x64xf32, #tpu.memory_space<vmem_shared>>
    tpu.wait_indirect_dma semaphore(%arg16 : memref<!tpu.dma_semaphore, #tpu.memory_space<semaphore_mem>>) src(%dma_wait3A_73 : memref<80x64xf32, #tpu.memory_space<vmem>>) dst(%dma_wait3A_79 : memref<10008x64xf32, #tpu.memory_space<vmem_shared>>)
    %dma_wait3A_80 = arith.constant 2 : i32
    %dma_wait3A_81 = arith.constant 250 : i32
    %dma_wait3A_82 = arith.constant 0 : i32
    %dma_wait3A_83 = arith.constant 0 : i32
    %dma_wait3A_84 = tpu.memref_slice %arg9[%dma_wait3A_80, %dma_wait3A_82, %dma_wait3A_83] : memref<4x80x64xf32, #tpu.memory_space<vmem>> -> memref<1x80x64xf32, #tpu.memory_space<vmem>>
    %dma_wait3A_85 = tpu.memref_squeeze %dma_wait3A_84 : memref<1x80x64xf32, #tpu.memory_space<vmem>> -> memref<80x64xf32, #tpu.memory_space<vmem>>
    %dma_wait3A_86 = arith.constant 0 : i32
    %dma_wait3A_87 = tpu.memref_slice %arg8[%dma_wait3A_81, %dma_wait3A_86] : memref<252x80xi32, #tpu.memory_space<vmem>> -> memref<1x80xi32, #tpu.memory_space<vmem>>
    %dma_wait3A_88 = tpu.memref_squeeze %dma_wait3A_87 : memref<1x80xi32, #tpu.memory_space<vmem>> -> memref<80xi32, #tpu.memory_space<vmem>>
    %dma_wait3A_89 = arith.constant 0 : i32
    %dma_wait3A_90 = arith.constant 0 : i32
    %dma_wait3A_91 = tpu.memref_slice %arg10[%dma_wait3A_89, %dma_wait3A_90] : memref<10008x64xf32, #tpu.memory_space<vmem_shared>> -> memref<10008x64xf32, #tpu.memory_space<vmem_shared>>
    tpu.wait_indirect_dma semaphore(%arg17 : memref<!tpu.dma_semaphore, #tpu.memory_space<semaphore_mem>>) src(%dma_wait3A_85 : memref<80x64xf32, #tpu.memory_space<vmem>>) dst(%dma_wait3A_91 : memref<10008x64xf32, #tpu.memory_space<vmem_shared>>)
    %dma_wait3A_92 = arith.constant 3 : i32
    %dma_wait3A_93 = arith.constant 251 : i32
    %dma_wait3A_94 = arith.constant 0 : i32
    %dma_wait3A_95 = arith.constant 0 : i32
    %dma_wait3A_96 = tpu.memref_slice %arg9[%dma_wait3A_92, %dma_wait3A_94, %dma_wait3A_95] : memref<4x80x64xf32, #tpu.memory_space<vmem>> -> memref<1x80x64xf32, #tpu.memory_space<vmem>>
    %dma_wait3A_97 = tpu.memref_squeeze %dma_wait3A_96 : memref<1x80x64xf32, #tpu.memory_space<vmem>> -> memref<80x64xf32, #tpu.memory_space<vmem>>
    %dma_wait3A_98 = arith.constant 0 : i32
    %dma_wait3A_99 = tpu.memref_slice %arg8[%dma_wait3A_93, %dma_wait3A_98] : memref<252x80xi32, #tpu.memory_space<vmem>> -> memref<1x80xi32, #tpu.memory_space<vmem>>
    %dma_wait3A_100 = tpu.memref_squeeze %dma_wait3A_99 : memref<1x80xi32, #tpu.memory_space<vmem>> -> memref<80xi32, #tpu.memory_space<vmem>>
    %dma_wait3A_101 = arith.constant 0 : i32
    %dma_wait3A_102 = arith.constant 0 : i32
    %dma_wait3A_103 = tpu.memref_slice %arg10[%dma_wait3A_101, %dma_wait3A_102] : memref<10008x64xf32, #tpu.memory_space<vmem_shared>> -> memref<10008x64xf32, #tpu.memory_space<vmem_shared>>
    tpu.wait_indirect_dma semaphore(%arg18 : memref<!tpu.dma_semaphore, #tpu.memory_space<semaphore_mem>>) src(%dma_wait3A_97 : memref<80x64xf32, #tpu.memory_space<vmem>>) dst(%dma_wait3A_103 : memref<10008x64xf32, #tpu.memory_space<vmem_shared>>)
    %barrier3A_104 = arith.constant 0 : index
    tpu.barrier barrier_id(%barrier3A_104)
    "tpu.region"() ({
      %run_scoped3A = tpu.sem_alloc : memref<!tpu.dma_semaphore, #tpu.memory_space<semaphore_mem>>
      %dma_start3A_110 = arith.constant 0 : i32
      %dma_start3A_111 = tpu.memref_slice %arg6[%arg0, %mul3A_2, %dma_start3A_110] : memref<2x10000x64xf32, #tpu.memory_space<hbm>> -> memref<1x624x64xf32, #tpu.memory_space<hbm>>
      %dma_start3A_112 = tpu.memref_squeeze %dma_start3A_111 : memref<1x624x64xf32, #tpu.memory_space<hbm>> -> memref<624x64xf32, #tpu.memory_space<hbm>>
      %dma_start3A_113 = arith.constant 0 : i32
      %dma_start3A_114 = tpu.memref_slice %arg10[%mul3A_2, %dma_start3A_113] : memref<10008x64xf32, #tpu.memory_space<vmem_shared>> -> memref<624x64xf32, #tpu.memory_space<vmem_shared>>
      tpu.enqueue_dma source(%dma_start3A_114 : memref<624x64xf32, #tpu.memory_space<vmem_shared>>) target(%dma_start3A_112 : memref<624x64xf32, #tpu.memory_space<hbm>>) target_semaphore(%run_scoped3A : memref<!tpu.dma_semaphore, #tpu.memory_space<semaphore_mem>>)
      %dma_wait3A_115 = arith.constant 0 : i32
      %dma_wait3A_116 = tpu.memref_slice %arg6[%arg0, %mul3A_2, %dma_wait3A_115] : memref<2x10000x64xf32, #tpu.memory_space<hbm>> -> memref<1x624x64xf32, #tpu.memory_space<hbm>>
      %dma_wait3A_117 = tpu.memref_squeeze %dma_wait3A_116 : memref<1x624x64xf32, #tpu.memory_space<hbm>> -> memref<624x64xf32, #tpu.memory_space<hbm>>
      %dma_wait3A_118 = arith.constant 0 : i32
      %dma_wait3A_119 = tpu.memref_slice %arg10[%mul3A_2, %dma_wait3A_118] : memref<10008x64xf32, #tpu.memory_space<vmem_shared>> -> memref<624x64xf32, #tpu.memory_space<vmem_shared>>
      tpu.wait_dma2 semaphore(%run_scoped3A : memref<!tpu.dma_semaphore, #tpu.memory_space<semaphore_mem>>) src(%dma_wait3A_119 : memref<624x64xf32, #tpu.memory_space<vmem_shared>>) dst(%dma_wait3A_117 : memref<624x64xf32, #tpu.memory_space<hbm>>)
      tpu.yield
    }) : () -> ()
    %eq3A_105 = arith.constant 0 : i32
    %eq3A_106 = arith.cmpi eq, %arg1, %eq3A_105 : i32
    %convert_element_type3A_107 = arith.extui %eq3A_106 : i1 to i32
    %cond3A_108 = arith.constant 0 : i32
    %cond3A_109 = arith.cmpi ne, %convert_element_type3A_107, %cond3A_108 : i32
    scf.if %cond3A_109 {
      "tpu.region"() ({
        %run_scoped3A = tpu.sem_alloc : memref<!tpu.dma_semaphore, #tpu.memory_space<semaphore_mem>>
        %dma_start3A_110 = arith.constant 9984 : i32
        %dma_start3A_111 = arith.constant 0 : i32
        %dma_start3A_112 = tpu.memref_slice %arg6[%arg0, %dma_start3A_110, %dma_start3A_111] : memref<2x10000x64xf32, #tpu.memory_space<hbm>> -> memref<1x16x64xf32, #tpu.memory_space<hbm>>
        %dma_start3A_113 = tpu.memref_squeeze %dma_start3A_112 : memref<1x16x64xf32, #tpu.memory_space<hbm>> -> memref<16x64xf32, #tpu.memory_space<hbm>>
        %dma_start3A_114 = arith.constant 9984 : i32
        %dma_start3A_115 = arith.constant 0 : i32
        %dma_start3A_116 = tpu.memref_slice %arg10[%dma_start3A_114, %dma_start3A_115] : memref<10008x64xf32, #tpu.memory_space<vmem_shared>> -> memref<16x64xf32, #tpu.memory_space<vmem_shared>>
        tpu.enqueue_dma source(%dma_start3A_116 : memref<16x64xf32, #tpu.memory_space<vmem_shared>>) target(%dma_start3A_113 : memref<16x64xf32, #tpu.memory_space<hbm>>) target_semaphore(%run_scoped3A : memref<!tpu.dma_semaphore, #tpu.memory_space<semaphore_mem>>)
        %dma_wait3A_117 = arith.constant 9984 : i32
        %dma_wait3A_118 = arith.constant 0 : i32
        %dma_wait3A_119 = tpu.memref_slice %arg6[%arg0, %dma_wait3A_117, %dma_wait3A_118] : memref<2x10000x64xf32, #tpu.memory_space<hbm>> -> memref<1x16x64xf32, #tpu.memory_space<hbm>>
        %dma_wait3A_120 = tpu.memref_squeeze %dma_wait3A_119 : memref<1x16x64xf32, #tpu.memory_space<hbm>> -> memref<16x64xf32, #tpu.memory_space<hbm>>
        %dma_wait3A_121 = arith.constant 9984 : i32
        %dma_wait3A_122 = arith.constant 0 : i32
        %dma_wait3A_123 = tpu.memref_slice %arg10[%dma_wait3A_121, %dma_wait3A_122] : memref<10008x64xf32, #tpu.memory_space<vmem_shared>> -> memref<16x64xf32, #tpu.memory_space<vmem_shared>>
        tpu.wait_dma2 semaphore(%run_scoped3A : memref<!tpu.dma_semaphore, #tpu.memory_space<semaphore_mem>>) src(%dma_wait3A_123 : memref<16x64xf32, #tpu.memory_space<vmem_shared>>) dst(%dma_wait3A_120 : memref<16x64xf32, #tpu.memory_space<hbm>>)
        tpu.yield
      }) : () -> ()
    } else {
    }
    return
  }
}

#map = affine_map<(d0, d1) -> (0, 0)>
#map1 = affine_map<(d0, d1) -> (0, 0, 0)>
module attributes {stable_mosaic.version = 14 : i64} {
  func.func @prop(%arg0: i32, %arg1: i32, %arg2: memref<10000x64xf32, #tpu.memory_space<hbm>>, %arg3: memref<10000x64xf32, #tpu.memory_space<hbm>>, %arg4: memref<32x128x80xi32, #tpu.memory_space<hbm>>, %arg5: memref<32x128x80xi32, #tpu.memory_space<hbm>>, %arg6: memref<2x10000x64xf32, #tpu.memory_space<hbm>>, %arg7: memref<128x80xi32, #tpu.memory_space<vmem>>, %arg8: memref<128x80xi32, #tpu.memory_space<vmem>>, %arg9: memref<4x80x64xf32, #tpu.memory_space<vmem>>, %arg10: memref<10008x64xf32, #tpu.memory_space<vmem_shared>>, %arg11: memref<!tpu.dma_semaphore, #tpu.memory_space<semaphore_mem>>, %arg12: memref<!tpu.dma_semaphore, #tpu.memory_space<semaphore_mem>>, %arg13: memref<!tpu.dma_semaphore, #tpu.memory_space<semaphore_mem>>, %arg14: memref<!tpu.dma_semaphore, #tpu.memory_space<semaphore_mem>>, %arg15: memref<!tpu.dma_semaphore, #tpu.memory_space<semaphore_mem>>, %arg16: memref<!tpu.dma_semaphore, #tpu.memory_space<semaphore_mem>>, %arg17: memref<!tpu.dma_semaphore, #tpu.memory_space<semaphore_mem>>, %arg18: memref<!tpu.dma_semaphore, #tpu.memory_space<semaphore_mem>>) attributes {dimension_semantics = [#tpu.dimension_semantics<core_parallel>, #tpu.dimension_semantics<subcore_parallel>], iteration_bounds = array<i64: 2, 16>, scalar_prefetch = 0 : i64, scratch_operands = 12 : i64, tpu.core_type = #tpu.core_type<sc_vector_subcore>, window_params = [{transform_indices = #map}, {transform_indices = #map}, {transform_indices = #map1}, {transform_indices = #map1}, {transform_indices = #map1}]} {
    %mul3A = arith.constant 16 : i32
    %mul3A_0 = arith.muli %arg0, %mul3A : i32
    %add3A = arith.addi %mul3A_0, %arg1 : i32
    %mul3A_1 = arith.constant 624 : i32
    %mul3A_2 = arith.muli %arg1, %mul3A_1 : i32
    "tpu.region"() ({
      %run_scoped3A = tpu.sem_alloc : memref<!tpu.dma_semaphore, #tpu.memory_space<semaphore_mem>>
      %dma_start3A_110 = arith.constant 0 : i32
      %dma_start3A_111 = tpu.memref_slice %arg10[%mul3A_2, %dma_start3A_110] : memref<10008x64xf32, #tpu.memory_space<vmem_shared>> -> memref<624x64xf32, #tpu.memory_space<vmem_shared>>
      %dma_start3A_112 = arith.constant 0 : i32
      %dma_start3A_113 = tpu.memref_slice %arg3[%mul3A_2, %dma_start3A_112] : memref<10000x64xf32, #tpu.memory_space<hbm>> -> memref<624x64xf32, #tpu.memory_space<hbm>>
      tpu.enqueue_dma source(%dma_start3A_113 : memref<624x64xf32, #tpu.memory_space<hbm>>) target(%dma_start3A_111 : memref<624x64xf32, #tpu.memory_space<vmem_shared>>) target_semaphore(%run_scoped3A : memref<!tpu.dma_semaphore, #tpu.memory_space<semaphore_mem>>)
      %dma_wait3A_114 = arith.constant 0 : i32
      %dma_wait3A_115 = tpu.memref_slice %arg10[%mul3A_2, %dma_wait3A_114] : memref<10008x64xf32, #tpu.memory_space<vmem_shared>> -> memref<624x64xf32, #tpu.memory_space<vmem_shared>>
      %dma_wait3A_116 = arith.constant 0 : i32
      %dma_wait3A_117 = tpu.memref_slice %arg3[%mul3A_2, %dma_wait3A_116] : memref<10000x64xf32, #tpu.memory_space<hbm>> -> memref<624x64xf32, #tpu.memory_space<hbm>>
      tpu.wait_dma2 semaphore(%run_scoped3A : memref<!tpu.dma_semaphore, #tpu.memory_space<semaphore_mem>>) src(%dma_wait3A_117 : memref<624x64xf32, #tpu.memory_space<hbm>>) dst(%dma_wait3A_115 : memref<624x64xf32, #tpu.memory_space<vmem_shared>>)
      tpu.yield
    }) : () -> ()
    %eq3A = arith.constant 0 : i32
    %eq3A_3 = arith.cmpi eq, %arg1, %eq3A : i32
    %convert_element_type3A = arith.extui %eq3A_3 : i1 to i32
    %cond3A = arith.constant 0 : i32
    %cond3A_4 = arith.cmpi ne, %convert_element_type3A, %cond3A : i32
    scf.if %cond3A_4 {
      "tpu.region"() ({
        %run_scoped3A = tpu.sem_alloc : memref<!tpu.dma_semaphore, #tpu.memory_space<semaphore_mem>>
        %dma_start3A_110 = arith.constant 9984 : i32
        %dma_start3A_111 = arith.constant 0 : i32
        %dma_start3A_112 = tpu.memref_slice %arg10[%dma_start3A_110, %dma_start3A_111] : memref<10008x64xf32, #tpu.memory_space<vmem_shared>> -> memref<16x64xf32, #tpu.memory_space<vmem_shared>>
        %dma_start3A_113 = arith.constant 9984 : i32
        %dma_start3A_114 = arith.constant 0 : i32
        %dma_start3A_115 = tpu.memref_slice %arg3[%dma_start3A_113, %dma_start3A_114] : memref<10000x64xf32, #tpu.memory_space<hbm>> -> memref<16x64xf32, #tpu.memory_space<hbm>>
        tpu.enqueue_dma source(%dma_start3A_115 : memref<16x64xf32, #tpu.memory_space<hbm>>) target(%dma_start3A_112 : memref<16x64xf32, #tpu.memory_space<vmem_shared>>) target_semaphore(%run_scoped3A : memref<!tpu.dma_semaphore, #tpu.memory_space<semaphore_mem>>)
        %dma_wait3A_116 = arith.constant 9984 : i32
        %dma_wait3A_117 = arith.constant 0 : i32
        %dma_wait3A_118 = tpu.memref_slice %arg10[%dma_wait3A_116, %dma_wait3A_117] : memref<10008x64xf32, #tpu.memory_space<vmem_shared>> -> memref<16x64xf32, #tpu.memory_space<vmem_shared>>
        %dma_wait3A_119 = arith.constant 9984 : i32
        %dma_wait3A_120 = arith.constant 0 : i32
        %dma_wait3A_121 = tpu.memref_slice %arg3[%dma_wait3A_119, %dma_wait3A_120] : memref<10000x64xf32, #tpu.memory_space<hbm>> -> memref<16x64xf32, #tpu.memory_space<hbm>>
        tpu.wait_dma2 semaphore(%run_scoped3A : memref<!tpu.dma_semaphore, #tpu.memory_space<semaphore_mem>>) src(%dma_wait3A_121 : memref<16x64xf32, #tpu.memory_space<hbm>>) dst(%dma_wait3A_118 : memref<16x64xf32, #tpu.memory_space<vmem_shared>>)
        tpu.yield
      }) : () -> ()
    } else {
    }
    "tpu.region"() ({
      %run_scoped3A = tpu.sem_alloc : memref<!tpu.dma_semaphore, #tpu.memory_space<semaphore_mem>>
      %dma_start3A_110 = arith.constant 0 : i32
      %dma_start3A_111 = arith.constant 0 : i32
      %dma_start3A_112 = tpu.memref_slice %arg4[%add3A, %dma_start3A_110, %dma_start3A_111] : memref<32x128x80xi32, #tpu.memory_space<hbm>> -> memref<1x128x80xi32, #tpu.memory_space<hbm>>
      %dma_start3A_113 = tpu.memref_squeeze %dma_start3A_112 : memref<1x128x80xi32, #tpu.memory_space<hbm>> -> memref<128x80xi32, #tpu.memory_space<hbm>>
      %dma_start3A_114 = arith.constant 0 : i32
      %dma_start3A_115 = arith.constant 0 : i32
      %dma_start3A_116 = tpu.memref_slice %arg4[%add3A, %dma_start3A_114, %dma_start3A_115] : memref<32x128x80xi32, #tpu.memory_space<hbm>> -> memref<1x128x80xi32, #tpu.memory_space<hbm>>
      %dma_start3A_117 = tpu.memref_squeeze %dma_start3A_116 : memref<1x128x80xi32, #tpu.memory_space<hbm>> -> memref<128x80xi32, #tpu.memory_space<hbm>>
      tpu.enqueue_dma source(%dma_start3A_117 : memref<128x80xi32, #tpu.memory_space<hbm>>) target(%arg7 : memref<128x80xi32, #tpu.memory_space<vmem>>) target_semaphore(%run_scoped3A : memref<!tpu.dma_semaphore, #tpu.memory_space<semaphore_mem>>)
      %dma_wait3A_118 = arith.constant 0 : i32
      %dma_wait3A_119 = arith.constant 0 : i32
      %dma_wait3A_120 = tpu.memref_slice %arg4[%add3A, %dma_wait3A_118, %dma_wait3A_119] : memref<32x128x80xi32, #tpu.memory_space<hbm>> -> memref<1x128x80xi32, #tpu.memory_space<hbm>>
      %dma_wait3A_121 = tpu.memref_squeeze %dma_wait3A_120 : memref<1x128x80xi32, #tpu.memory_space<hbm>> -> memref<128x80xi32, #tpu.memory_space<hbm>>
      %dma_wait3A_122 = arith.constant 0 : i32
      %dma_wait3A_123 = arith.constant 0 : i32
      %dma_wait3A_124 = tpu.memref_slice %arg4[%add3A, %dma_wait3A_122, %dma_wait3A_123] : memref<32x128x80xi32, #tpu.memory_space<hbm>> -> memref<1x128x80xi32, #tpu.memory_space<hbm>>
      %dma_wait3A_125 = tpu.memref_squeeze %dma_wait3A_124 : memref<1x128x80xi32, #tpu.memory_space<hbm>> -> memref<128x80xi32, #tpu.memory_space<hbm>>
      tpu.wait_dma2 semaphore(%run_scoped3A : memref<!tpu.dma_semaphore, #tpu.memory_space<semaphore_mem>>) src(%dma_wait3A_125 : memref<128x80xi32, #tpu.memory_space<hbm>>) dst(%arg7 : memref<128x80xi32, #tpu.memory_space<vmem>>)
      tpu.yield
    }) : () -> ()
    "tpu.region"() ({
      %run_scoped3A = tpu.sem_alloc : memref<!tpu.dma_semaphore, #tpu.memory_space<semaphore_mem>>
      %dma_start3A_110 = arith.constant 0 : i32
      %dma_start3A_111 = arith.constant 0 : i32
      %dma_start3A_112 = tpu.memref_slice %arg5[%add3A, %dma_start3A_110, %dma_start3A_111] : memref<32x128x80xi32, #tpu.memory_space<hbm>> -> memref<1x128x80xi32, #tpu.memory_space<hbm>>
      %dma_start3A_113 = tpu.memref_squeeze %dma_start3A_112 : memref<1x128x80xi32, #tpu.memory_space<hbm>> -> memref<128x80xi32, #tpu.memory_space<hbm>>
      %dma_start3A_114 = arith.constant 0 : i32
      %dma_start3A_115 = arith.constant 0 : i32
      %dma_start3A_116 = tpu.memref_slice %arg5[%add3A, %dma_start3A_114, %dma_start3A_115] : memref<32x128x80xi32, #tpu.memory_space<hbm>> -> memref<1x128x80xi32, #tpu.memory_space<hbm>>
      %dma_start3A_117 = tpu.memref_squeeze %dma_start3A_116 : memref<1x128x80xi32, #tpu.memory_space<hbm>> -> memref<128x80xi32, #tpu.memory_space<hbm>>
      tpu.enqueue_dma source(%dma_start3A_117 : memref<128x80xi32, #tpu.memory_space<hbm>>) target(%arg8 : memref<128x80xi32, #tpu.memory_space<vmem>>) target_semaphore(%run_scoped3A : memref<!tpu.dma_semaphore, #tpu.memory_space<semaphore_mem>>)
      %dma_wait3A_118 = arith.constant 0 : i32
      %dma_wait3A_119 = arith.constant 0 : i32
      %dma_wait3A_120 = tpu.memref_slice %arg5[%add3A, %dma_wait3A_118, %dma_wait3A_119] : memref<32x128x80xi32, #tpu.memory_space<hbm>> -> memref<1x128x80xi32, #tpu.memory_space<hbm>>
      %dma_wait3A_121 = tpu.memref_squeeze %dma_wait3A_120 : memref<1x128x80xi32, #tpu.memory_space<hbm>> -> memref<128x80xi32, #tpu.memory_space<hbm>>
      %dma_wait3A_122 = arith.constant 0 : i32
      %dma_wait3A_123 = arith.constant 0 : i32
      %dma_wait3A_124 = tpu.memref_slice %arg5[%add3A, %dma_wait3A_122, %dma_wait3A_123] : memref<32x128x80xi32, #tpu.memory_space<hbm>> -> memref<1x128x80xi32, #tpu.memory_space<hbm>>
      %dma_wait3A_125 = tpu.memref_squeeze %dma_wait3A_124 : memref<1x128x80xi32, #tpu.memory_space<hbm>> -> memref<128x80xi32, #tpu.memory_space<hbm>>
      tpu.wait_dma2 semaphore(%run_scoped3A : memref<!tpu.dma_semaphore, #tpu.memory_space<semaphore_mem>>) src(%dma_wait3A_125 : memref<128x80xi32, #tpu.memory_space<hbm>>) dst(%arg8 : memref<128x80xi32, #tpu.memory_space<vmem>>)
      tpu.yield
    }) : () -> ()
    %barrier3A = arith.constant 0 : index
    tpu.barrier barrier_id(%barrier3A)
    %dma_start3A = arith.constant 0 : i32
    %dma_start3A_5 = arith.constant 0 : i32
    %dma_start3A_6 = arith.constant 0 : i32
    %dma_start3A_7 = arith.constant 0 : i32
    %dma_start3A_8 = tpu.memref_slice %arg9[%dma_start3A_5, %dma_start3A_6, %dma_start3A_7] : memref<4x80x64xf32, #tpu.memory_space<vmem>> -> memref<1x80x64xf32, #tpu.memory_space<vmem>>
    %dma_start3A_9 = tpu.memref_squeeze %dma_start3A_8 : memref<1x80x64xf32, #tpu.memory_space<vmem>> -> memref<80x64xf32, #tpu.memory_space<vmem>>
    %dma_start3A_10 = arith.constant 0 : i32
    %dma_start3A_11 = tpu.memref_slice %arg7[%dma_start3A, %dma_start3A_10] : memref<128x80xi32, #tpu.memory_space<vmem>> -> memref<1x80xi32, #tpu.memory_space<vmem>>
    %dma_start3A_12 = tpu.memref_squeeze %dma_start3A_11 : memref<1x80xi32, #tpu.memory_space<vmem>> -> memref<80xi32, #tpu.memory_space<vmem>>
    %dma_start3A_13 = arith.constant 0 : i32
    %dma_start3A_14 = arith.constant 0 : i32
    %dma_start3A_15 = tpu.memref_slice %arg2[%dma_start3A_13, %dma_start3A_14] : memref<10000x64xf32, #tpu.memory_space<hbm>> -> memref<10000x64xf32, #tpu.memory_space<hbm>>
    tpu.enqueue_indirect_dma source(%dma_start3A_15 : memref<10000x64xf32, #tpu.memory_space<hbm>>) target(%dma_start3A_9 : memref<80x64xf32, #tpu.memory_space<vmem>>) offsets(%dma_start3A_12 : memref<80xi32, #tpu.memory_space<vmem>>) semaphore(%arg11 : memref<!tpu.dma_semaphore, #tpu.memory_space<semaphore_mem>>)
    %dma_start3A_16 = arith.constant 1 : i32
    %dma_start3A_17 = arith.constant 1 : i32
    %dma_start3A_18 = arith.constant 0 : i32
    %dma_start3A_19 = arith.constant 0 : i32
    %dma_start3A_20 = tpu.memref_slice %arg9[%dma_start3A_17, %dma_start3A_18, %dma_start3A_19] : memref<4x80x64xf32, #tpu.memory_space<vmem>> -> memref<1x80x64xf32, #tpu.memory_space<vmem>>
    %dma_start3A_21 = tpu.memref_squeeze %dma_start3A_20 : memref<1x80x64xf32, #tpu.memory_space<vmem>> -> memref<80x64xf32, #tpu.memory_space<vmem>>
    %dma_start3A_22 = arith.constant 0 : i32
    %dma_start3A_23 = tpu.memref_slice %arg7[%dma_start3A_16, %dma_start3A_22] : memref<128x80xi32, #tpu.memory_space<vmem>> -> memref<1x80xi32, #tpu.memory_space<vmem>>
    %dma_start3A_24 = tpu.memref_squeeze %dma_start3A_23 : memref<1x80xi32, #tpu.memory_space<vmem>> -> memref<80xi32, #tpu.memory_space<vmem>>
    %dma_start3A_25 = arith.constant 0 : i32
    %dma_start3A_26 = arith.constant 0 : i32
    %dma_start3A_27 = tpu.memref_slice %arg2[%dma_start3A_25, %dma_start3A_26] : memref<10000x64xf32, #tpu.memory_space<hbm>> -> memref<10000x64xf32, #tpu.memory_space<hbm>>
    tpu.enqueue_indirect_dma source(%dma_start3A_27 : memref<10000x64xf32, #tpu.memory_space<hbm>>) target(%dma_start3A_21 : memref<80x64xf32, #tpu.memory_space<vmem>>) offsets(%dma_start3A_24 : memref<80xi32, #tpu.memory_space<vmem>>) semaphore(%arg12 : memref<!tpu.dma_semaphore, #tpu.memory_space<semaphore_mem>>)
    %dma_start3A_28 = arith.constant 2 : i32
    %dma_start3A_29 = arith.constant 2 : i32
    %dma_start3A_30 = arith.constant 0 : i32
    %dma_start3A_31 = arith.constant 0 : i32
    %dma_start3A_32 = tpu.memref_slice %arg9[%dma_start3A_29, %dma_start3A_30, %dma_start3A_31] : memref<4x80x64xf32, #tpu.memory_space<vmem>> -> memref<1x80x64xf32, #tpu.memory_space<vmem>>
    %dma_start3A_33 = tpu.memref_squeeze %dma_start3A_32 : memref<1x80x64xf32, #tpu.memory_space<vmem>> -> memref<80x64xf32, #tpu.memory_space<vmem>>
    %dma_start3A_34 = arith.constant 0 : i32
    %dma_start3A_35 = tpu.memref_slice %arg7[%dma_start3A_28, %dma_start3A_34] : memref<128x80xi32, #tpu.memory_space<vmem>> -> memref<1x80xi32, #tpu.memory_space<vmem>>
    %dma_start3A_36 = tpu.memref_squeeze %dma_start3A_35 : memref<1x80xi32, #tpu.memory_space<vmem>> -> memref<80xi32, #tpu.memory_space<vmem>>
    %dma_start3A_37 = arith.constant 0 : i32
    %dma_start3A_38 = arith.constant 0 : i32
    %dma_start3A_39 = tpu.memref_slice %arg2[%dma_start3A_37, %dma_start3A_38] : memref<10000x64xf32, #tpu.memory_space<hbm>> -> memref<10000x64xf32, #tpu.memory_space<hbm>>
    tpu.enqueue_indirect_dma source(%dma_start3A_39 : memref<10000x64xf32, #tpu.memory_space<hbm>>) target(%dma_start3A_33 : memref<80x64xf32, #tpu.memory_space<vmem>>) offsets(%dma_start3A_36 : memref<80xi32, #tpu.memory_space<vmem>>) semaphore(%arg13 : memref<!tpu.dma_semaphore, #tpu.memory_space<semaphore_mem>>)
    %dma_start3A_40 = arith.constant 3 : i32
    %dma_start3A_41 = arith.constant 3 : i32
    %dma_start3A_42 = arith.constant 0 : i32
    %dma_start3A_43 = arith.constant 0 : i32
    %dma_start3A_44 = tpu.memref_slice %arg9[%dma_start3A_41, %dma_start3A_42, %dma_start3A_43] : memref<4x80x64xf32, #tpu.memory_space<vmem>> -> memref<1x80x64xf32, #tpu.memory_space<vmem>>
    %dma_start3A_45 = tpu.memref_squeeze %dma_start3A_44 : memref<1x80x64xf32, #tpu.memory_space<vmem>> -> memref<80x64xf32, #tpu.memory_space<vmem>>
    %dma_start3A_46 = arith.constant 0 : i32
    %dma_start3A_47 = tpu.memref_slice %arg7[%dma_start3A_40, %dma_start3A_46] : memref<128x80xi32, #tpu.memory_space<vmem>> -> memref<1x80xi32, #tpu.memory_space<vmem>>
    %dma_start3A_48 = tpu.memref_squeeze %dma_start3A_47 : memref<1x80xi32, #tpu.memory_space<vmem>> -> memref<80xi32, #tpu.memory_space<vmem>>
    %dma_start3A_49 = arith.constant 0 : i32
    %dma_start3A_50 = arith.constant 0 : i32
    %dma_start3A_51 = tpu.memref_slice %arg2[%dma_start3A_49, %dma_start3A_50] : memref<10000x64xf32, #tpu.memory_space<hbm>> -> memref<10000x64xf32, #tpu.memory_space<hbm>>
    tpu.enqueue_indirect_dma source(%dma_start3A_51 : memref<10000x64xf32, #tpu.memory_space<hbm>>) target(%dma_start3A_45 : memref<80x64xf32, #tpu.memory_space<vmem>>) offsets(%dma_start3A_48 : memref<80xi32, #tpu.memory_space<vmem>>) semaphore(%arg14 : memref<!tpu.dma_semaphore, #tpu.memory_space<semaphore_mem>>)
    %scan3A = arith.constant 0 : i32
    %scan3A_52 = arith.constant 0 : i32
    %scan3A_53 = arith.constant 32 : i32
    %scan3A_54 = arith.addi %scan3A_52, %scan3A_53 : i32
    %scan3A_55 = arith.constant 1 : i32
    scf.for %scan3A_110 = %scan3A_52 to %scan3A_54 step %scan3A_55  : i32 {
      %mul3A_111 = arith.constant 4 : i32
      %mul3A_112 = arith.muli %scan3A_110, %mul3A_111 : i32
      %add3A_113 = arith.constant 0 : i32
      %add3A_114 = arith.addi %mul3A_112, %add3A_113 : i32
      %dma_wait3A_115 = arith.constant 0 : i32
      %dma_wait3A_116 = arith.constant 0 : i32
      %dma_wait3A_117 = arith.constant 0 : i32
      %dma_wait3A_118 = tpu.memref_slice %arg9[%dma_wait3A_115, %dma_wait3A_116, %dma_wait3A_117] : memref<4x80x64xf32, #tpu.memory_space<vmem>> -> memref<1x80x64xf32, #tpu.memory_space<vmem>>
      %dma_wait3A_119 = tpu.memref_squeeze %dma_wait3A_118 : memref<1x80x64xf32, #tpu.memory_space<vmem>> -> memref<80x64xf32, #tpu.memory_space<vmem>>
      %dma_wait3A_120 = arith.constant 0 : i32
      %dma_wait3A_121 = tpu.memref_slice %arg7[%add3A_114, %dma_wait3A_120] : memref<128x80xi32, #tpu.memory_space<vmem>> -> memref<1x80xi32, #tpu.memory_space<vmem>>
      %dma_wait3A_122 = tpu.memref_squeeze %dma_wait3A_121 : memref<1x80xi32, #tpu.memory_space<vmem>> -> memref<80xi32, #tpu.memory_space<vmem>>
      %dma_wait3A_123 = arith.constant 0 : i32
      %dma_wait3A_124 = arith.constant 0 : i32
      %dma_wait3A_125 = tpu.memref_slice %arg2[%dma_wait3A_123, %dma_wait3A_124] : memref<10000x64xf32, #tpu.memory_space<hbm>> -> memref<10000x64xf32, #tpu.memory_space<hbm>>
      tpu.wait_indirect_dma semaphore(%arg11 : memref<!tpu.dma_semaphore, #tpu.memory_space<semaphore_mem>>) src(%dma_wait3A_125 : memref<10000x64xf32, #tpu.memory_space<hbm>>) dst(%dma_wait3A_119 : memref<80x64xf32, #tpu.memory_space<vmem>>)
      %add3A_126 = arith.constant 0 : i32
      %add3A_127 = arith.addi %mul3A_112, %add3A_126 : i32
      %dma_start3A_128 = arith.constant 0 : i32
      %dma_start3A_129 = arith.constant 0 : i32
      %dma_start3A_130 = arith.constant 0 : i32
      %dma_start3A_131 = tpu.memref_slice %arg9[%dma_start3A_128, %dma_start3A_129, %dma_start3A_130] : memref<4x80x64xf32, #tpu.memory_space<vmem>> -> memref<1x80x64xf32, #tpu.memory_space<vmem>>
      %dma_start3A_132 = tpu.memref_squeeze %dma_start3A_131 : memref<1x80x64xf32, #tpu.memory_space<vmem>> -> memref<80x64xf32, #tpu.memory_space<vmem>>
      %dma_start3A_133 = arith.constant 0 : i32
      %dma_start3A_134 = tpu.memref_slice %arg8[%add3A_127, %dma_start3A_133] : memref<128x80xi32, #tpu.memory_space<vmem>> -> memref<1x80xi32, #tpu.memory_space<vmem>>
      %dma_start3A_135 = tpu.memref_squeeze %dma_start3A_134 : memref<1x80xi32, #tpu.memory_space<vmem>> -> memref<80xi32, #tpu.memory_space<vmem>>
      %dma_start3A_136 = arith.constant 0 : i32
      %dma_start3A_137 = arith.constant 0 : i32
      %dma_start3A_138 = tpu.memref_slice %arg10[%dma_start3A_136, %dma_start3A_137] : memref<10008x64xf32, #tpu.memory_space<vmem_shared>> -> memref<10008x64xf32, #tpu.memory_space<vmem_shared>>
      tpu.enqueue_indirect_dma source(%dma_start3A_132 : memref<80x64xf32, #tpu.memory_space<vmem>>) target(%dma_start3A_138 : memref<10008x64xf32, #tpu.memory_space<vmem_shared>>) offsets(%dma_start3A_135 : memref<80xi32, #tpu.memory_space<vmem>>) semaphore(%arg15 : memref<!tpu.dma_semaphore, #tpu.memory_space<semaphore_mem>>) {add = true}
      %add3A_139 = arith.constant 1 : i32
      %add3A_140 = arith.addi %mul3A_112, %add3A_139 : i32
      %dma_wait3A_141 = arith.constant 1 : i32
      %dma_wait3A_142 = arith.constant 0 : i32
      %dma_wait3A_143 = arith.constant 0 : i32
      %dma_wait3A_144 = tpu.memref_slice %arg9[%dma_wait3A_141, %dma_wait3A_142, %dma_wait3A_143] : memref<4x80x64xf32, #tpu.memory_space<vmem>> -> memref<1x80x64xf32, #tpu.memory_space<vmem>>
      %dma_wait3A_145 = tpu.memref_squeeze %dma_wait3A_144 : memref<1x80x64xf32, #tpu.memory_space<vmem>> -> memref<80x64xf32, #tpu.memory_space<vmem>>
      %dma_wait3A_146 = arith.constant 0 : i32
      %dma_wait3A_147 = tpu.memref_slice %arg7[%add3A_140, %dma_wait3A_146] : memref<128x80xi32, #tpu.memory_space<vmem>> -> memref<1x80xi32, #tpu.memory_space<vmem>>
      %dma_wait3A_148 = tpu.memref_squeeze %dma_wait3A_147 : memref<1x80xi32, #tpu.memory_space<vmem>> -> memref<80xi32, #tpu.memory_space<vmem>>
      %dma_wait3A_149 = arith.constant 0 : i32
      %dma_wait3A_150 = arith.constant 0 : i32
      %dma_wait3A_151 = tpu.memref_slice %arg2[%dma_wait3A_149, %dma_wait3A_150] : memref<10000x64xf32, #tpu.memory_space<hbm>> -> memref<10000x64xf32, #tpu.memory_space<hbm>>
      tpu.wait_indirect_dma semaphore(%arg12 : memref<!tpu.dma_semaphore, #tpu.memory_space<semaphore_mem>>) src(%dma_wait3A_151 : memref<10000x64xf32, #tpu.memory_space<hbm>>) dst(%dma_wait3A_145 : memref<80x64xf32, #tpu.memory_space<vmem>>)
      %add3A_152 = arith.constant 1 : i32
      %add3A_153 = arith.addi %mul3A_112, %add3A_152 : i32
      %dma_start3A_154 = arith.constant 1 : i32
      %dma_start3A_155 = arith.constant 0 : i32
      %dma_start3A_156 = arith.constant 0 : i32
      %dma_start3A_157 = tpu.memref_slice %arg9[%dma_start3A_154, %dma_start3A_155, %dma_start3A_156] : memref<4x80x64xf32, #tpu.memory_space<vmem>> -> memref<1x80x64xf32, #tpu.memory_space<vmem>>
      %dma_start3A_158 = tpu.memref_squeeze %dma_start3A_157 : memref<1x80x64xf32, #tpu.memory_space<vmem>> -> memref<80x64xf32, #tpu.memory_space<vmem>>
      %dma_start3A_159 = arith.constant 0 : i32
      %dma_start3A_160 = tpu.memref_slice %arg8[%add3A_153, %dma_start3A_159] : memref<128x80xi32, #tpu.memory_space<vmem>> -> memref<1x80xi32, #tpu.memory_space<vmem>>
      %dma_start3A_161 = tpu.memref_squeeze %dma_start3A_160 : memref<1x80xi32, #tpu.memory_space<vmem>> -> memref<80xi32, #tpu.memory_space<vmem>>
      %dma_start3A_162 = arith.constant 0 : i32
      %dma_start3A_163 = arith.constant 0 : i32
      %dma_start3A_164 = tpu.memref_slice %arg10[%dma_start3A_162, %dma_start3A_163] : memref<10008x64xf32, #tpu.memory_space<vmem_shared>> -> memref<10008x64xf32, #tpu.memory_space<vmem_shared>>
      tpu.enqueue_indirect_dma source(%dma_start3A_158 : memref<80x64xf32, #tpu.memory_space<vmem>>) target(%dma_start3A_164 : memref<10008x64xf32, #tpu.memory_space<vmem_shared>>) offsets(%dma_start3A_161 : memref<80xi32, #tpu.memory_space<vmem>>) semaphore(%arg16 : memref<!tpu.dma_semaphore, #tpu.memory_space<semaphore_mem>>) {add = true}
      %add3A_165 = arith.constant 2 : i32
      %add3A_166 = arith.addi %mul3A_112, %add3A_165 : i32
      %dma_wait3A_167 = arith.constant 2 : i32
      %dma_wait3A_168 = arith.constant 0 : i32
      %dma_wait3A_169 = arith.constant 0 : i32
      %dma_wait3A_170 = tpu.memref_slice %arg9[%dma_wait3A_167, %dma_wait3A_168, %dma_wait3A_169] : memref<4x80x64xf32, #tpu.memory_space<vmem>> -> memref<1x80x64xf32, #tpu.memory_space<vmem>>
      %dma_wait3A_171 = tpu.memref_squeeze %dma_wait3A_170 : memref<1x80x64xf32, #tpu.memory_space<vmem>> -> memref<80x64xf32, #tpu.memory_space<vmem>>
      %dma_wait3A_172 = arith.constant 0 : i32
      %dma_wait3A_173 = tpu.memref_slice %arg7[%add3A_166, %dma_wait3A_172] : memref<128x80xi32, #tpu.memory_space<vmem>> -> memref<1x80xi32, #tpu.memory_space<vmem>>
      %dma_wait3A_174 = tpu.memref_squeeze %dma_wait3A_173 : memref<1x80xi32, #tpu.memory_space<vmem>> -> memref<80xi32, #tpu.memory_space<vmem>>
      %dma_wait3A_175 = arith.constant 0 : i32
      %dma_wait3A_176 = arith.constant 0 : i32
      %dma_wait3A_177 = tpu.memref_slice %arg2[%dma_wait3A_175, %dma_wait3A_176] : memref<10000x64xf32, #tpu.memory_space<hbm>> -> memref<10000x64xf32, #tpu.memory_space<hbm>>
      tpu.wait_indirect_dma semaphore(%arg13 : memref<!tpu.dma_semaphore, #tpu.memory_space<semaphore_mem>>) src(%dma_wait3A_177 : memref<10000x64xf32, #tpu.memory_space<hbm>>) dst(%dma_wait3A_171 : memref<80x64xf32, #tpu.memory_space<vmem>>)
      %add3A_178 = arith.constant 2 : i32
      %add3A_179 = arith.addi %mul3A_112, %add3A_178 : i32
      %dma_start3A_180 = arith.constant 2 : i32
      %dma_start3A_181 = arith.constant 0 : i32
      %dma_start3A_182 = arith.constant 0 : i32
      %dma_start3A_183 = tpu.memref_slice %arg9[%dma_start3A_180, %dma_start3A_181, %dma_start3A_182] : memref<4x80x64xf32, #tpu.memory_space<vmem>> -> memref<1x80x64xf32, #tpu.memory_space<vmem>>
      %dma_start3A_184 = tpu.memref_squeeze %dma_start3A_183 : memref<1x80x64xf32, #tpu.memory_space<vmem>> -> memref<80x64xf32, #tpu.memory_space<vmem>>
      %dma_start3A_185 = arith.constant 0 : i32
      %dma_start3A_186 = tpu.memref_slice %arg8[%add3A_179, %dma_start3A_185] : memref<128x80xi32, #tpu.memory_space<vmem>> -> memref<1x80xi32, #tpu.memory_space<vmem>>
      %dma_start3A_187 = tpu.memref_squeeze %dma_start3A_186 : memref<1x80xi32, #tpu.memory_space<vmem>> -> memref<80xi32, #tpu.memory_space<vmem>>
      %dma_start3A_188 = arith.constant 0 : i32
      %dma_start3A_189 = arith.constant 0 : i32
      %dma_start3A_190 = tpu.memref_slice %arg10[%dma_start3A_188, %dma_start3A_189] : memref<10008x64xf32, #tpu.memory_space<vmem_shared>> -> memref<10008x64xf32, #tpu.memory_space<vmem_shared>>
      tpu.enqueue_indirect_dma source(%dma_start3A_184 : memref<80x64xf32, #tpu.memory_space<vmem>>) target(%dma_start3A_190 : memref<10008x64xf32, #tpu.memory_space<vmem_shared>>) offsets(%dma_start3A_187 : memref<80xi32, #tpu.memory_space<vmem>>) semaphore(%arg17 : memref<!tpu.dma_semaphore, #tpu.memory_space<semaphore_mem>>) {add = true}
      %add3A_191 = arith.constant 3 : i32
      %add3A_192 = arith.addi %mul3A_112, %add3A_191 : i32
      %dma_wait3A_193 = arith.constant 3 : i32
      %dma_wait3A_194 = arith.constant 0 : i32
      %dma_wait3A_195 = arith.constant 0 : i32
      %dma_wait3A_196 = tpu.memref_slice %arg9[%dma_wait3A_193, %dma_wait3A_194, %dma_wait3A_195] : memref<4x80x64xf32, #tpu.memory_space<vmem>> -> memref<1x80x64xf32, #tpu.memory_space<vmem>>
      %dma_wait3A_197 = tpu.memref_squeeze %dma_wait3A_196 : memref<1x80x64xf32, #tpu.memory_space<vmem>> -> memref<80x64xf32, #tpu.memory_space<vmem>>
      %dma_wait3A_198 = arith.constant 0 : i32
      %dma_wait3A_199 = tpu.memref_slice %arg7[%add3A_192, %dma_wait3A_198] : memref<128x80xi32, #tpu.memory_space<vmem>> -> memref<1x80xi32, #tpu.memory_space<vmem>>
      %dma_wait3A_200 = tpu.memref_squeeze %dma_wait3A_199 : memref<1x80xi32, #tpu.memory_space<vmem>> -> memref<80xi32, #tpu.memory_space<vmem>>
      %dma_wait3A_201 = arith.constant 0 : i32
      %dma_wait3A_202 = arith.constant 0 : i32
      %dma_wait3A_203 = tpu.memref_slice %arg2[%dma_wait3A_201, %dma_wait3A_202] : memref<10000x64xf32, #tpu.memory_space<hbm>> -> memref<10000x64xf32, #tpu.memory_space<hbm>>
      tpu.wait_indirect_dma semaphore(%arg14 : memref<!tpu.dma_semaphore, #tpu.memory_space<semaphore_mem>>) src(%dma_wait3A_203 : memref<10000x64xf32, #tpu.memory_space<hbm>>) dst(%dma_wait3A_197 : memref<80x64xf32, #tpu.memory_space<vmem>>)
      %add3A_204 = arith.constant 3 : i32
      %add3A_205 = arith.addi %mul3A_112, %add3A_204 : i32
      %dma_start3A_206 = arith.constant 3 : i32
      %dma_start3A_207 = arith.constant 0 : i32
      %dma_start3A_208 = arith.constant 0 : i32
      %dma_start3A_209 = tpu.memref_slice %arg9[%dma_start3A_206, %dma_start3A_207, %dma_start3A_208] : memref<4x80x64xf32, #tpu.memory_space<vmem>> -> memref<1x80x64xf32, #tpu.memory_space<vmem>>
      %dma_start3A_210 = tpu.memref_squeeze %dma_start3A_209 : memref<1x80x64xf32, #tpu.memory_space<vmem>> -> memref<80x64xf32, #tpu.memory_space<vmem>>
      %dma_start3A_211 = arith.constant 0 : i32
      %dma_start3A_212 = tpu.memref_slice %arg8[%add3A_205, %dma_start3A_211] : memref<128x80xi32, #tpu.memory_space<vmem>> -> memref<1x80xi32, #tpu.memory_space<vmem>>
      %dma_start3A_213 = tpu.memref_squeeze %dma_start3A_212 : memref<1x80xi32, #tpu.memory_space<vmem>> -> memref<80xi32, #tpu.memory_space<vmem>>
      %dma_start3A_214 = arith.constant 0 : i32
      %dma_start3A_215 = arith.constant 0 : i32
      %dma_start3A_216 = tpu.memref_slice %arg10[%dma_start3A_214, %dma_start3A_215] : memref<10008x64xf32, #tpu.memory_space<vmem_shared>> -> memref<10008x64xf32, #tpu.memory_space<vmem_shared>>
      tpu.enqueue_indirect_dma source(%dma_start3A_210 : memref<80x64xf32, #tpu.memory_space<vmem>>) target(%dma_start3A_216 : memref<10008x64xf32, #tpu.memory_space<vmem_shared>>) offsets(%dma_start3A_213 : memref<80xi32, #tpu.memory_space<vmem>>) semaphore(%arg18 : memref<!tpu.dma_semaphore, #tpu.memory_space<semaphore_mem>>) {add = true}
      %lt3A = arith.constant 31 : i32
      %lt3A_217 = arith.cmpi slt, %scan3A_110, %lt3A : i32
      %convert_element_type3A_218 = arith.extui %lt3A_217 : i1 to i32
      %cond3A_219 = arith.constant 0 : i32
      %cond3A_220 = arith.cmpi ne, %convert_element_type3A_218, %cond3A_219 : i32
      scf.if %cond3A_220 {
        %add3A_221 = arith.constant 0 : i32
        %add3A_222 = arith.addi %mul3A_112, %add3A_221 : i32
        %dma_wait3A_223 = arith.constant 0 : i32
        %dma_wait3A_224 = arith.constant 0 : i32
        %dma_wait3A_225 = arith.constant 0 : i32
        %dma_wait3A_226 = tpu.memref_slice %arg9[%dma_wait3A_223, %dma_wait3A_224, %dma_wait3A_225] : memref<4x80x64xf32, #tpu.memory_space<vmem>> -> memref<1x80x64xf32, #tpu.memory_space<vmem>>
        %dma_wait3A_227 = tpu.memref_squeeze %dma_wait3A_226 : memref<1x80x64xf32, #tpu.memory_space<vmem>> -> memref<80x64xf32, #tpu.memory_space<vmem>>
        %dma_wait3A_228 = arith.constant 0 : i32
        %dma_wait3A_229 = tpu.memref_slice %arg8[%add3A_222, %dma_wait3A_228] : memref<128x80xi32, #tpu.memory_space<vmem>> -> memref<1x80xi32, #tpu.memory_space<vmem>>
        %dma_wait3A_230 = tpu.memref_squeeze %dma_wait3A_229 : memref<1x80xi32, #tpu.memory_space<vmem>> -> memref<80xi32, #tpu.memory_space<vmem>>
        %dma_wait3A_231 = arith.constant 0 : i32
        %dma_wait3A_232 = arith.constant 0 : i32
        %dma_wait3A_233 = tpu.memref_slice %arg10[%dma_wait3A_231, %dma_wait3A_232] : memref<10008x64xf32, #tpu.memory_space<vmem_shared>> -> memref<10008x64xf32, #tpu.memory_space<vmem_shared>>
        tpu.wait_indirect_dma semaphore(%arg15 : memref<!tpu.dma_semaphore, #tpu.memory_space<semaphore_mem>>) src(%dma_wait3A_227 : memref<80x64xf32, #tpu.memory_space<vmem>>) dst(%dma_wait3A_233 : memref<10008x64xf32, #tpu.memory_space<vmem_shared>>)
        %add3A_234 = arith.constant 4 : i32
        %add3A_235 = arith.addi %mul3A_112, %add3A_234 : i32
        %add3A_236 = arith.constant 0 : i32
        %add3A_237 = arith.addi %add3A_235, %add3A_236 : i32
        %dma_start3A_238 = arith.constant 0 : i32
        %dma_start3A_239 = arith.constant 0 : i32
        %dma_start3A_240 = arith.constant 0 : i32
        %dma_start3A_241 = tpu.memref_slice %arg9[%dma_start3A_238, %dma_start3A_239, %dma_start3A_240] : memref<4x80x64xf32, #tpu.memory_space<vmem>> -> memref<1x80x64xf32, #tpu.memory_space<vmem>>
        %dma_start3A_242 = tpu.memref_squeeze %dma_start3A_241 : memref<1x80x64xf32, #tpu.memory_space<vmem>> -> memref<80x64xf32, #tpu.memory_space<vmem>>
        %dma_start3A_243 = arith.constant 0 : i32
        %dma_start3A_244 = tpu.memref_slice %arg7[%add3A_237, %dma_start3A_243] : memref<128x80xi32, #tpu.memory_space<vmem>> -> memref<1x80xi32, #tpu.memory_space<vmem>>
        %dma_start3A_245 = tpu.memref_squeeze %dma_start3A_244 : memref<1x80xi32, #tpu.memory_space<vmem>> -> memref<80xi32, #tpu.memory_space<vmem>>
        %dma_start3A_246 = arith.constant 0 : i32
        %dma_start3A_247 = arith.constant 0 : i32
        %dma_start3A_248 = tpu.memref_slice %arg2[%dma_start3A_246, %dma_start3A_247] : memref<10000x64xf32, #tpu.memory_space<hbm>> -> memref<10000x64xf32, #tpu.memory_space<hbm>>
        tpu.enqueue_indirect_dma source(%dma_start3A_248 : memref<10000x64xf32, #tpu.memory_space<hbm>>) target(%dma_start3A_242 : memref<80x64xf32, #tpu.memory_space<vmem>>) offsets(%dma_start3A_245 : memref<80xi32, #tpu.memory_space<vmem>>) semaphore(%arg11 : memref<!tpu.dma_semaphore, #tpu.memory_space<semaphore_mem>>)
        %add3A_249 = arith.constant 1 : i32
        %add3A_250 = arith.addi %mul3A_112, %add3A_249 : i32
        %dma_wait3A_251 = arith.constant 1 : i32
        %dma_wait3A_252 = arith.constant 0 : i32
        %dma_wait3A_253 = arith.constant 0 : i32
        %dma_wait3A_254 = tpu.memref_slice %arg9[%dma_wait3A_251, %dma_wait3A_252, %dma_wait3A_253] : memref<4x80x64xf32, #tpu.memory_space<vmem>> -> memref<1x80x64xf32, #tpu.memory_space<vmem>>
        %dma_wait3A_255 = tpu.memref_squeeze %dma_wait3A_254 : memref<1x80x64xf32, #tpu.memory_space<vmem>> -> memref<80x64xf32, #tpu.memory_space<vmem>>
        %dma_wait3A_256 = arith.constant 0 : i32
        %dma_wait3A_257 = tpu.memref_slice %arg8[%add3A_250, %dma_wait3A_256] : memref<128x80xi32, #tpu.memory_space<vmem>> -> memref<1x80xi32, #tpu.memory_space<vmem>>
        %dma_wait3A_258 = tpu.memref_squeeze %dma_wait3A_257 : memref<1x80xi32, #tpu.memory_space<vmem>> -> memref<80xi32, #tpu.memory_space<vmem>>
        %dma_wait3A_259 = arith.constant 0 : i32
        %dma_wait3A_260 = arith.constant 0 : i32
        %dma_wait3A_261 = tpu.memref_slice %arg10[%dma_wait3A_259, %dma_wait3A_260] : memref<10008x64xf32, #tpu.memory_space<vmem_shared>> -> memref<10008x64xf32, #tpu.memory_space<vmem_shared>>
        tpu.wait_indirect_dma semaphore(%arg16 : memref<!tpu.dma_semaphore, #tpu.memory_space<semaphore_mem>>) src(%dma_wait3A_255 : memref<80x64xf32, #tpu.memory_space<vmem>>) dst(%dma_wait3A_261 : memref<10008x64xf32, #tpu.memory_space<vmem_shared>>)
        %add3A_262 = arith.constant 4 : i32
        %add3A_263 = arith.addi %mul3A_112, %add3A_262 : i32
        %add3A_264 = arith.constant 1 : i32
        %add3A_265 = arith.addi %add3A_263, %add3A_264 : i32
        %dma_start3A_266 = arith.constant 1 : i32
        %dma_start3A_267 = arith.constant 0 : i32
        %dma_start3A_268 = arith.constant 0 : i32
        %dma_start3A_269 = tpu.memref_slice %arg9[%dma_start3A_266, %dma_start3A_267, %dma_start3A_268] : memref<4x80x64xf32, #tpu.memory_space<vmem>> -> memref<1x80x64xf32, #tpu.memory_space<vmem>>
        %dma_start3A_270 = tpu.memref_squeeze %dma_start3A_269 : memref<1x80x64xf32, #tpu.memory_space<vmem>> -> memref<80x64xf32, #tpu.memory_space<vmem>>
        %dma_start3A_271 = arith.constant 0 : i32
        %dma_start3A_272 = tpu.memref_slice %arg7[%add3A_265, %dma_start3A_271] : memref<128x80xi32, #tpu.memory_space<vmem>> -> memref<1x80xi32, #tpu.memory_space<vmem>>
        %dma_start3A_273 = tpu.memref_squeeze %dma_start3A_272 : memref<1x80xi32, #tpu.memory_space<vmem>> -> memref<80xi32, #tpu.memory_space<vmem>>
        %dma_start3A_274 = arith.constant 0 : i32
        %dma_start3A_275 = arith.constant 0 : i32
        %dma_start3A_276 = tpu.memref_slice %arg2[%dma_start3A_274, %dma_start3A_275] : memref<10000x64xf32, #tpu.memory_space<hbm>> -> memref<10000x64xf32, #tpu.memory_space<hbm>>
        tpu.enqueue_indirect_dma source(%dma_start3A_276 : memref<10000x64xf32, #tpu.memory_space<hbm>>) target(%dma_start3A_270 : memref<80x64xf32, #tpu.memory_space<vmem>>) offsets(%dma_start3A_273 : memref<80xi32, #tpu.memory_space<vmem>>) semaphore(%arg12 : memref<!tpu.dma_semaphore, #tpu.memory_space<semaphore_mem>>)
        %add3A_277 = arith.constant 2 : i32
        %add3A_278 = arith.addi %mul3A_112, %add3A_277 : i32
        %dma_wait3A_279 = arith.constant 2 : i32
        %dma_wait3A_280 = arith.constant 0 : i32
        %dma_wait3A_281 = arith.constant 0 : i32
        %dma_wait3A_282 = tpu.memref_slice %arg9[%dma_wait3A_279, %dma_wait3A_280, %dma_wait3A_281] : memref<4x80x64xf32, #tpu.memory_space<vmem>> -> memref<1x80x64xf32, #tpu.memory_space<vmem>>
        %dma_wait3A_283 = tpu.memref_squeeze %dma_wait3A_282 : memref<1x80x64xf32, #tpu.memory_space<vmem>> -> memref<80x64xf32, #tpu.memory_space<vmem>>
        %dma_wait3A_284 = arith.constant 0 : i32
        %dma_wait3A_285 = tpu.memref_slice %arg8[%add3A_278, %dma_wait3A_284] : memref<128x80xi32, #tpu.memory_space<vmem>> -> memref<1x80xi32, #tpu.memory_space<vmem>>
        %dma_wait3A_286 = tpu.memref_squeeze %dma_wait3A_285 : memref<1x80xi32, #tpu.memory_space<vmem>> -> memref<80xi32, #tpu.memory_space<vmem>>
        %dma_wait3A_287 = arith.constant 0 : i32
        %dma_wait3A_288 = arith.constant 0 : i32
        %dma_wait3A_289 = tpu.memref_slice %arg10[%dma_wait3A_287, %dma_wait3A_288] : memref<10008x64xf32, #tpu.memory_space<vmem_shared>> -> memref<10008x64xf32, #tpu.memory_space<vmem_shared>>
        tpu.wait_indirect_dma semaphore(%arg17 : memref<!tpu.dma_semaphore, #tpu.memory_space<semaphore_mem>>) src(%dma_wait3A_283 : memref<80x64xf32, #tpu.memory_space<vmem>>) dst(%dma_wait3A_289 : memref<10008x64xf32, #tpu.memory_space<vmem_shared>>)
        %add3A_290 = arith.constant 4 : i32
        %add3A_291 = arith.addi %mul3A_112, %add3A_290 : i32
        %add3A_292 = arith.constant 2 : i32
        %add3A_293 = arith.addi %add3A_291, %add3A_292 : i32
        %dma_start3A_294 = arith.constant 2 : i32
        %dma_start3A_295 = arith.constant 0 : i32
        %dma_start3A_296 = arith.constant 0 : i32
        %dma_start3A_297 = tpu.memref_slice %arg9[%dma_start3A_294, %dma_start3A_295, %dma_start3A_296] : memref<4x80x64xf32, #tpu.memory_space<vmem>> -> memref<1x80x64xf32, #tpu.memory_space<vmem>>
        %dma_start3A_298 = tpu.memref_squeeze %dma_start3A_297 : memref<1x80x64xf32, #tpu.memory_space<vmem>> -> memref<80x64xf32, #tpu.memory_space<vmem>>
        %dma_start3A_299 = arith.constant 0 : i32
        %dma_start3A_300 = tpu.memref_slice %arg7[%add3A_293, %dma_start3A_299] : memref<128x80xi32, #tpu.memory_space<vmem>> -> memref<1x80xi32, #tpu.memory_space<vmem>>
        %dma_start3A_301 = tpu.memref_squeeze %dma_start3A_300 : memref<1x80xi32, #tpu.memory_space<vmem>> -> memref<80xi32, #tpu.memory_space<vmem>>
        %dma_start3A_302 = arith.constant 0 : i32
        %dma_start3A_303 = arith.constant 0 : i32
        %dma_start3A_304 = tpu.memref_slice %arg2[%dma_start3A_302, %dma_start3A_303] : memref<10000x64xf32, #tpu.memory_space<hbm>> -> memref<10000x64xf32, #tpu.memory_space<hbm>>
        tpu.enqueue_indirect_dma source(%dma_start3A_304 : memref<10000x64xf32, #tpu.memory_space<hbm>>) target(%dma_start3A_298 : memref<80x64xf32, #tpu.memory_space<vmem>>) offsets(%dma_start3A_301 : memref<80xi32, #tpu.memory_space<vmem>>) semaphore(%arg13 : memref<!tpu.dma_semaphore, #tpu.memory_space<semaphore_mem>>)
        %add3A_305 = arith.constant 3 : i32
        %add3A_306 = arith.addi %mul3A_112, %add3A_305 : i32
        %dma_wait3A_307 = arith.constant 3 : i32
        %dma_wait3A_308 = arith.constant 0 : i32
        %dma_wait3A_309 = arith.constant 0 : i32
        %dma_wait3A_310 = tpu.memref_slice %arg9[%dma_wait3A_307, %dma_wait3A_308, %dma_wait3A_309] : memref<4x80x64xf32, #tpu.memory_space<vmem>> -> memref<1x80x64xf32, #tpu.memory_space<vmem>>
        %dma_wait3A_311 = tpu.memref_squeeze %dma_wait3A_310 : memref<1x80x64xf32, #tpu.memory_space<vmem>> -> memref<80x64xf32, #tpu.memory_space<vmem>>
        %dma_wait3A_312 = arith.constant 0 : i32
        %dma_wait3A_313 = tpu.memref_slice %arg8[%add3A_306, %dma_wait3A_312] : memref<128x80xi32, #tpu.memory_space<vmem>> -> memref<1x80xi32, #tpu.memory_space<vmem>>
        %dma_wait3A_314 = tpu.memref_squeeze %dma_wait3A_313 : memref<1x80xi32, #tpu.memory_space<vmem>> -> memref<80xi32, #tpu.memory_space<vmem>>
        %dma_wait3A_315 = arith.constant 0 : i32
        %dma_wait3A_316 = arith.constant 0 : i32
        %dma_wait3A_317 = tpu.memref_slice %arg10[%dma_wait3A_315, %dma_wait3A_316] : memref<10008x64xf32, #tpu.memory_space<vmem_shared>> -> memref<10008x64xf32, #tpu.memory_space<vmem_shared>>
        tpu.wait_indirect_dma semaphore(%arg18 : memref<!tpu.dma_semaphore, #tpu.memory_space<semaphore_mem>>) src(%dma_wait3A_311 : memref<80x64xf32, #tpu.memory_space<vmem>>) dst(%dma_wait3A_317 : memref<10008x64xf32, #tpu.memory_space<vmem_shared>>)
        %add3A_318 = arith.constant 4 : i32
        %add3A_319 = arith.addi %mul3A_112, %add3A_318 : i32
        %add3A_320 = arith.constant 3 : i32
        %add3A_321 = arith.addi %add3A_319, %add3A_320 : i32
        %dma_start3A_322 = arith.constant 3 : i32
        %dma_start3A_323 = arith.constant 0 : i32
        %dma_start3A_324 = arith.constant 0 : i32
        %dma_start3A_325 = tpu.memref_slice %arg9[%dma_start3A_322, %dma_start3A_323, %dma_start3A_324] : memref<4x80x64xf32, #tpu.memory_space<vmem>> -> memref<1x80x64xf32, #tpu.memory_space<vmem>>
        %dma_start3A_326 = tpu.memref_squeeze %dma_start3A_325 : memref<1x80x64xf32, #tpu.memory_space<vmem>> -> memref<80x64xf32, #tpu.memory_space<vmem>>
        %dma_start3A_327 = arith.constant 0 : i32
        %dma_start3A_328 = tpu.memref_slice %arg7[%add3A_321, %dma_start3A_327] : memref<128x80xi32, #tpu.memory_space<vmem>> -> memref<1x80xi32, #tpu.memory_space<vmem>>
        %dma_start3A_329 = tpu.memref_squeeze %dma_start3A_328 : memref<1x80xi32, #tpu.memory_space<vmem>> -> memref<80xi32, #tpu.memory_space<vmem>>
        %dma_start3A_330 = arith.constant 0 : i32
        %dma_start3A_331 = arith.constant 0 : i32
        %dma_start3A_332 = tpu.memref_slice %arg2[%dma_start3A_330, %dma_start3A_331] : memref<10000x64xf32, #tpu.memory_space<hbm>> -> memref<10000x64xf32, #tpu.memory_space<hbm>>
        tpu.enqueue_indirect_dma source(%dma_start3A_332 : memref<10000x64xf32, #tpu.memory_space<hbm>>) target(%dma_start3A_326 : memref<80x64xf32, #tpu.memory_space<vmem>>) offsets(%dma_start3A_329 : memref<80xi32, #tpu.memory_space<vmem>>) semaphore(%arg14 : memref<!tpu.dma_semaphore, #tpu.memory_space<semaphore_mem>>)
      } else {
      }
    }
    %scan3A_56 = arith.constant 32 : i32
    %dma_wait3A = arith.constant 0 : i32
    %dma_wait3A_57 = arith.constant 124 : i32
    %dma_wait3A_58 = arith.constant 0 : i32
    %dma_wait3A_59 = arith.constant 0 : i32
    %dma_wait3A_60 = tpu.memref_slice %arg9[%dma_wait3A, %dma_wait3A_58, %dma_wait3A_59] : memref<4x80x64xf32, #tpu.memory_space<vmem>> -> memref<1x80x64xf32, #tpu.memory_space<vmem>>
    %dma_wait3A_61 = tpu.memref_squeeze %dma_wait3A_60 : memref<1x80x64xf32, #tpu.memory_space<vmem>> -> memref<80x64xf32, #tpu.memory_space<vmem>>
    %dma_wait3A_62 = arith.constant 0 : i32
    %dma_wait3A_63 = tpu.memref_slice %arg8[%dma_wait3A_57, %dma_wait3A_62] : memref<128x80xi32, #tpu.memory_space<vmem>> -> memref<1x80xi32, #tpu.memory_space<vmem>>
    %dma_wait3A_64 = tpu.memref_squeeze %dma_wait3A_63 : memref<1x80xi32, #tpu.memory_space<vmem>> -> memref<80xi32, #tpu.memory_space<vmem>>
    %dma_wait3A_65 = arith.constant 0 : i32
    %dma_wait3A_66 = arith.constant 0 : i32
    %dma_wait3A_67 = tpu.memref_slice %arg10[%dma_wait3A_65, %dma_wait3A_66] : memref<10008x64xf32, #tpu.memory_space<vmem_shared>> -> memref<10008x64xf32, #tpu.memory_space<vmem_shared>>
    tpu.wait_indirect_dma semaphore(%arg15 : memref<!tpu.dma_semaphore, #tpu.memory_space<semaphore_mem>>) src(%dma_wait3A_61 : memref<80x64xf32, #tpu.memory_space<vmem>>) dst(%dma_wait3A_67 : memref<10008x64xf32, #tpu.memory_space<vmem_shared>>)
    %dma_wait3A_68 = arith.constant 1 : i32
    %dma_wait3A_69 = arith.constant 125 : i32
    %dma_wait3A_70 = arith.constant 0 : i32
    %dma_wait3A_71 = arith.constant 0 : i32
    %dma_wait3A_72 = tpu.memref_slice %arg9[%dma_wait3A_68, %dma_wait3A_70, %dma_wait3A_71] : memref<4x80x64xf32, #tpu.memory_space<vmem>> -> memref<1x80x64xf32, #tpu.memory_space<vmem>>
    %dma_wait3A_73 = tpu.memref_squeeze %dma_wait3A_72 : memref<1x80x64xf32, #tpu.memory_space<vmem>> -> memref<80x64xf32, #tpu.memory_space<vmem>>
    %dma_wait3A_74 = arith.constant 0 : i32
    %dma_wait3A_75 = tpu.memref_slice %arg8[%dma_wait3A_69, %dma_wait3A_74] : memref<128x80xi32, #tpu.memory_space<vmem>> -> memref<1x80xi32, #tpu.memory_space<vmem>>
    %dma_wait3A_76 = tpu.memref_squeeze %dma_wait3A_75 : memref<1x80xi32, #tpu.memory_space<vmem>> -> memref<80xi32, #tpu.memory_space<vmem>>
    %dma_wait3A_77 = arith.constant 0 : i32
    %dma_wait3A_78 = arith.constant 0 : i32
    %dma_wait3A_79 = tpu.memref_slice %arg10[%dma_wait3A_77, %dma_wait3A_78] : memref<10008x64xf32, #tpu.memory_space<vmem_shared>> -> memref<10008x64xf32, #tpu.memory_space<vmem_shared>>
    tpu.wait_indirect_dma semaphore(%arg16 : memref<!tpu.dma_semaphore, #tpu.memory_space<semaphore_mem>>) src(%dma_wait3A_73 : memref<80x64xf32, #tpu.memory_space<vmem>>) dst(%dma_wait3A_79 : memref<10008x64xf32, #tpu.memory_space<vmem_shared>>)
    %dma_wait3A_80 = arith.constant 2 : i32
    %dma_wait3A_81 = arith.constant 126 : i32
    %dma_wait3A_82 = arith.constant 0 : i32
    %dma_wait3A_83 = arith.constant 0 : i32
    %dma_wait3A_84 = tpu.memref_slice %arg9[%dma_wait3A_80, %dma_wait3A_82, %dma_wait3A_83] : memref<4x80x64xf32, #tpu.memory_space<vmem>> -> memref<1x80x64xf32, #tpu.memory_space<vmem>>
    %dma_wait3A_85 = tpu.memref_squeeze %dma_wait3A_84 : memref<1x80x64xf32, #tpu.memory_space<vmem>> -> memref<80x64xf32, #tpu.memory_space<vmem>>
    %dma_wait3A_86 = arith.constant 0 : i32
    %dma_wait3A_87 = tpu.memref_slice %arg8[%dma_wait3A_81, %dma_wait3A_86] : memref<128x80xi32, #tpu.memory_space<vmem>> -> memref<1x80xi32, #tpu.memory_space<vmem>>
    %dma_wait3A_88 = tpu.memref_squeeze %dma_wait3A_87 : memref<1x80xi32, #tpu.memory_space<vmem>> -> memref<80xi32, #tpu.memory_space<vmem>>
    %dma_wait3A_89 = arith.constant 0 : i32
    %dma_wait3A_90 = arith.constant 0 : i32
    %dma_wait3A_91 = tpu.memref_slice %arg10[%dma_wait3A_89, %dma_wait3A_90] : memref<10008x64xf32, #tpu.memory_space<vmem_shared>> -> memref<10008x64xf32, #tpu.memory_space<vmem_shared>>
    tpu.wait_indirect_dma semaphore(%arg17 : memref<!tpu.dma_semaphore, #tpu.memory_space<semaphore_mem>>) src(%dma_wait3A_85 : memref<80x64xf32, #tpu.memory_space<vmem>>) dst(%dma_wait3A_91 : memref<10008x64xf32, #tpu.memory_space<vmem_shared>>)
    %dma_wait3A_92 = arith.constant 3 : i32
    %dma_wait3A_93 = arith.constant 127 : i32
    %dma_wait3A_94 = arith.constant 0 : i32
    %dma_wait3A_95 = arith.constant 0 : i32
    %dma_wait3A_96 = tpu.memref_slice %arg9[%dma_wait3A_92, %dma_wait3A_94, %dma_wait3A_95] : memref<4x80x64xf32, #tpu.memory_space<vmem>> -> memref<1x80x64xf32, #tpu.memory_space<vmem>>
    %dma_wait3A_97 = tpu.memref_squeeze %dma_wait3A_96 : memref<1x80x64xf32, #tpu.memory_space<vmem>> -> memref<80x64xf32, #tpu.memory_space<vmem>>
    %dma_wait3A_98 = arith.constant 0 : i32
    %dma_wait3A_99 = tpu.memref_slice %arg8[%dma_wait3A_93, %dma_wait3A_98] : memref<128x80xi32, #tpu.memory_space<vmem>> -> memref<1x80xi32, #tpu.memory_space<vmem>>
    %dma_wait3A_100 = tpu.memref_squeeze %dma_wait3A_99 : memref<1x80xi32, #tpu.memory_space<vmem>> -> memref<80xi32, #tpu.memory_space<vmem>>
    %dma_wait3A_101 = arith.constant 0 : i32
    %dma_wait3A_102 = arith.constant 0 : i32
    %dma_wait3A_103 = tpu.memref_slice %arg10[%dma_wait3A_101, %dma_wait3A_102] : memref<10008x64xf32, #tpu.memory_space<vmem_shared>> -> memref<10008x64xf32, #tpu.memory_space<vmem_shared>>
    tpu.wait_indirect_dma semaphore(%arg18 : memref<!tpu.dma_semaphore, #tpu.memory_space<semaphore_mem>>) src(%dma_wait3A_97 : memref<80x64xf32, #tpu.memory_space<vmem>>) dst(%dma_wait3A_103 : memref<10008x64xf32, #tpu.memory_space<vmem_shared>>)
    %barrier3A_104 = arith.constant 0 : index
    tpu.barrier barrier_id(%barrier3A_104)
    "tpu.region"() ({
      %run_scoped3A = tpu.sem_alloc : memref<!tpu.dma_semaphore, #tpu.memory_space<semaphore_mem>>
      %dma_start3A_110 = arith.constant 0 : i32
      %dma_start3A_111 = tpu.memref_slice %arg6[%arg0, %mul3A_2, %dma_start3A_110] : memref<2x10000x64xf32, #tpu.memory_space<hbm>> -> memref<1x624x64xf32, #tpu.memory_space<hbm>>
      %dma_start3A_112 = tpu.memref_squeeze %dma_start3A_111 : memref<1x624x64xf32, #tpu.memory_space<hbm>> -> memref<624x64xf32, #tpu.memory_space<hbm>>
      %dma_start3A_113 = arith.constant 0 : i32
      %dma_start3A_114 = tpu.memref_slice %arg10[%mul3A_2, %dma_start3A_113] : memref<10008x64xf32, #tpu.memory_space<vmem_shared>> -> memref<624x64xf32, #tpu.memory_space<vmem_shared>>
      tpu.enqueue_dma source(%dma_start3A_114 : memref<624x64xf32, #tpu.memory_space<vmem_shared>>) target(%dma_start3A_112 : memref<624x64xf32, #tpu.memory_space<hbm>>) target_semaphore(%run_scoped3A : memref<!tpu.dma_semaphore, #tpu.memory_space<semaphore_mem>>)
      %dma_wait3A_115 = arith.constant 0 : i32
      %dma_wait3A_116 = tpu.memref_slice %arg6[%arg0, %mul3A_2, %dma_wait3A_115] : memref<2x10000x64xf32, #tpu.memory_space<hbm>> -> memref<1x624x64xf32, #tpu.memory_space<hbm>>
      %dma_wait3A_117 = tpu.memref_squeeze %dma_wait3A_116 : memref<1x624x64xf32, #tpu.memory_space<hbm>> -> memref<624x64xf32, #tpu.memory_space<hbm>>
      %dma_wait3A_118 = arith.constant 0 : i32
      %dma_wait3A_119 = tpu.memref_slice %arg10[%mul3A_2, %dma_wait3A_118] : memref<10008x64xf32, #tpu.memory_space<vmem_shared>> -> memref<624x64xf32, #tpu.memory_space<vmem_shared>>
      tpu.wait_dma2 semaphore(%run_scoped3A : memref<!tpu.dma_semaphore, #tpu.memory_space<semaphore_mem>>) src(%dma_wait3A_119 : memref<624x64xf32, #tpu.memory_space<vmem_shared>>) dst(%dma_wait3A_117 : memref<624x64xf32, #tpu.memory_space<hbm>>)
      tpu.yield
    }) : () -> ()
    %eq3A_105 = arith.constant 0 : i32
    %eq3A_106 = arith.cmpi eq, %arg1, %eq3A_105 : i32
    %convert_element_type3A_107 = arith.extui %eq3A_106 : i1 to i32
    %cond3A_108 = arith.constant 0 : i32
    %cond3A_109 = arith.cmpi ne, %convert_element_type3A_107, %cond3A_108 : i32
    scf.if %cond3A_109 {
      "tpu.region"() ({
        %run_scoped3A = tpu.sem_alloc : memref<!tpu.dma_semaphore, #tpu.memory_space<semaphore_mem>>
        %dma_start3A_110 = arith.constant 9984 : i32
        %dma_start3A_111 = arith.constant 0 : i32
        %dma_start3A_112 = tpu.memref_slice %arg6[%arg0, %dma_start3A_110, %dma_start3A_111] : memref<2x10000x64xf32, #tpu.memory_space<hbm>> -> memref<1x16x64xf32, #tpu.memory_space<hbm>>
        %dma_start3A_113 = tpu.memref_squeeze %dma_start3A_112 : memref<1x16x64xf32, #tpu.memory_space<hbm>> -> memref<16x64xf32, #tpu.memory_space<hbm>>
        %dma_start3A_114 = arith.constant 9984 : i32
        %dma_start3A_115 = arith.constant 0 : i32
        %dma_start3A_116 = tpu.memref_slice %arg10[%dma_start3A_114, %dma_start3A_115] : memref<10008x64xf32, #tpu.memory_space<vmem_shared>> -> memref<16x64xf32, #tpu.memory_space<vmem_shared>>
        tpu.enqueue_dma source(%dma_start3A_116 : memref<16x64xf32, #tpu.memory_space<vmem_shared>>) target(%dma_start3A_113 : memref<16x64xf32, #tpu.memory_space<hbm>>) target_semaphore(%run_scoped3A : memref<!tpu.dma_semaphore, #tpu.memory_space<semaphore_mem>>)
        %dma_wait3A_117 = arith.constant 9984 : i32
        %dma_wait3A_118 = arith.constant 0 : i32
        %dma_wait3A_119 = tpu.memref_slice %arg6[%arg0, %dma_wait3A_117, %dma_wait3A_118] : memref<2x10000x64xf32, #tpu.memory_space<hbm>> -> memref<1x16x64xf32, #tpu.memory_space<hbm>>
        %dma_wait3A_120 = tpu.memref_squeeze %dma_wait3A_119 : memref<1x16x64xf32, #tpu.memory_space<hbm>> -> memref<16x64xf32, #tpu.memory_space<hbm>>
        %dma_wait3A_121 = arith.constant 9984 : i32
        %dma_wait3A_122 = arith.constant 0 : i32
        %dma_wait3A_123 = tpu.memref_slice %arg10[%dma_wait3A_121, %dma_wait3A_122] : memref<10008x64xf32, #tpu.memory_space<vmem_shared>> -> memref<16x64xf32, #tpu.memory_space<vmem_shared>>
        tpu.wait_dma2 semaphore(%run_scoped3A : memref<!tpu.dma_semaphore, #tpu.memory_space<semaphore_mem>>) src(%dma_wait3A_123 : memref<16x64xf32, #tpu.memory_space<vmem_shared>>) dst(%dma_wait3A_120 : memref<16x64xf32, #tpu.memory_space<hbm>>)
        tpu.yield
      }) : () -> ()
    } else {
    }
    return
  }
}

module attributes {stable_mosaic.version = 14 : i64} {
  func.func @body(%arg0: i32, %arg1: memref<2x2000x16xf32, #tpu.memory_space<vmem>>, %arg2: memref<2000x128xf32, #tpu.memory_space<vmem>>, %arg3: memref<128x128xf32, #tpu.memory_space<vmem>>, %arg4: memref<1x128xf32, #tpu.memory_space<vmem>>, %arg5: memref<2000x1xf32, #tpu.memory_space<vmem>>, %arg6: memref<2x2000x64xf32, #tpu.memory_space<vmem>>, %arg7: memref<2000x128xf32, #tpu.memory_space<vmem>>) attributes {dimension_semantics = [#tpu.dimension_semantics<arbitrary>], iteration_bounds = array<i64: 5>, scalar_prefetch = 0 : i64, scratch_operands = 0 : i64, tpu.core_type = #tpu.core_type<tc>, window_params = [{transform_indices = @transform_0, window_bounds = array<i64: 2, 2000, 16>}, {transform_indices = @transform_1, window_bounds = array<i64: 2000, 128>}, {pipeline_mode = #tpu.pipeline_mode<synchronous>, transform_indices = @transform_2, window_bounds = array<i64: 128, 128>}, {pipeline_mode = #tpu.pipeline_mode<synchronous>, transform_indices = @transform_3, window_bounds = array<i64: 1, 128>}, {transform_indices = @transform_4, window_bounds = array<i64: 2000, 1>}, {transform_indices = @transform_5, window_bounds = array<i64: 2, 2000, 64>}, {transform_indices = @transform_6, window_bounds = array<i64: 2000, 128>}]} {
    %get3A = arith.constant 0 : index
    %get3A_0 = arith.constant 0 : index
    %get3A_1 = arith.constant 0 : index
    %get3A_2 = vector.load %arg1[%get3A, %get3A_0, %get3A_1] : memref<2x2000x16xf32, #tpu.memory_space<vmem>>, vector<1x2000x1xf32>
    %get3A_3 = vector.shape_cast %get3A_2 : vector<1x2000x1xf32> to vector<2000x1xf32>
    %get3A_4 = arith.constant 1 : index
    %get3A_5 = arith.constant 0 : index
    %get3A_6 = arith.constant 0 : index
    %get3A_7 = vector.load %arg1[%get3A_4, %get3A_5, %get3A_6] : memref<2x2000x16xf32, #tpu.memory_space<vmem>>, vector<1x2000x1xf32>
    %get3A_8 = vector.shape_cast %get3A_7 : vector<1x2000x1xf32> to vector<2000x1xf32>
    %add3A = arith.addf %get3A_3, %get3A_8 : vector<2000x1xf32>
    %add3A_9 = arith.constant 1.000000e+00 : f32
    %add3A_10 = vector.broadcast %add3A_9 : f32 to vector<2000x1xf32>
    %add3A_11 = arith.addf %add3A, %add3A_10 : vector<2000x1xf32>
    %rsqrt3A = math.rsqrt %add3A_11 : vector<2000x1xf32>
    %swap3A = arith.constant 0 : index
    %swap3A_12 = arith.constant 0 : index
    %swap3A_13 = vector.load %arg5[%swap3A, %swap3A_12] : memref<2000x1xf32, #tpu.memory_space<vmem>>, vector<2000x1xf32>
    tpu.vector_store %arg5[%swap3A, %swap3A_12], %rsqrt3A {strides = array<i32>} : memref<2000x1xf32, #tpu.memory_space<vmem>>, vector<2000x1xf32>,
    %get3A_14 = arith.constant 0 : index
    %get3A_15 = arith.constant 0 : index
    %get3A_16 = vector.load %arg2[%get3A_14, %get3A_15] : memref<2000x128xf32, #tpu.memory_space<vmem>>, vector<2000x128xf32>
    %mul3A = vector.broadcast %rsqrt3A : vector<2000x1xf32> to vector<2000x128xf32>
    %mul3A_17 = arith.mulf %get3A_16, %mul3A : vector<2000x128xf32>
    %slice3A = vector.extract_strided_slice %mul3A_17 {offsets = [0, 0], sizes = [2000, 64], strides = [1, 1]} : vector<2000x128xf32> to vector<2000x64xf32>
    %swap3A_18 = arith.constant 0 : index
    %swap3A_19 = arith.constant 0 : index
    %swap3A_20 = arith.constant 0 : index
    %swap3A_21 = vector.load %arg6[%swap3A_18, %swap3A_19, %swap3A_20] : memref<2x2000x64xf32, #tpu.memory_space<vmem>>, vector<1x2000x64xf32>
    %swap3A_22 = vector.shape_cast %swap3A_21 : vector<1x2000x64xf32> to vector<2000x64xf32>
    %swap3A_23 = vector.shape_cast %slice3A : vector<2000x64xf32> to vector<1x2000x64xf32>
    tpu.vector_store %arg6[%swap3A_18, %swap3A_19, %swap3A_20], %swap3A_23 {strides = array<i32>} : memref<2x2000x64xf32, #tpu.memory_space<vmem>>, vector<1x2000x64xf32>,
    %slice3A_24 = vector.extract_strided_slice %mul3A_17 {offsets = [0, 64], sizes = [2000, 64], strides = [1, 1]} : vector<2000x128xf32> to vector<2000x64xf32>
    %swap3A_25 = arith.constant 1 : index
    %swap3A_26 = arith.constant 0 : index
    %swap3A_27 = arith.constant 0 : index
    %swap3A_28 = vector.load %arg6[%swap3A_25, %swap3A_26, %swap3A_27] : memref<2x2000x64xf32, #tpu.memory_space<vmem>>, vector<1x2000x64xf32>
    %swap3A_29 = vector.shape_cast %swap3A_28 : vector<1x2000x64xf32> to vector<2000x64xf32>
    %swap3A_30 = vector.shape_cast %slice3A_24 : vector<2000x64xf32> to vector<1x2000x64xf32>
    tpu.vector_store %arg6[%swap3A_25, %swap3A_26, %swap3A_27], %swap3A_30 {strides = array<i32>} : memref<2x2000x64xf32, #tpu.memory_space<vmem>>, vector<1x2000x64xf32>,
    %get3A_31 = arith.constant 0 : index
    %get3A_32 = arith.constant 0 : index
    %get3A_33 = vector.load %arg2[%get3A_31, %get3A_32] : memref<2000x128xf32, #tpu.memory_space<vmem>>, vector<2000x128xf32>
    %get3A_34 = arith.constant 0 : index
    %get3A_35 = arith.constant 0 : index
    %get3A_36 = vector.load %arg3[%get3A_34, %get3A_35] : memref<128x128xf32, #tpu.memory_space<vmem>>, vector<128x128xf32>
    %dot_general3A = arith.constant dense<0.000000e+00> : vector<2000x128xf32>
    %dot_general3A_37 = tpu.matmul %get3A_33, %get3A_36, %dot_general3A {dimension_numbers = #tpu.dot_dimension_numbers<[1], [0], [0], [1], [0, 0, 1, 1], [], []>, transpose_lhs_hint = false} : vector<2000x128xf32>, vector<128x128xf32>, vector<2000x128xf32> -> vector<2000x128xf32>
    %get3A_38 = arith.constant 0 : index
    %get3A_39 = arith.constant 0 : index
    %get3A_40 = vector.load %arg4[%get3A_38, %get3A_39] : memref<1x128xf32, #tpu.memory_space<vmem>>, vector<1x128xf32>
    %add3A_41 = vector.broadcast %get3A_40 : vector<1x128xf32> to vector<2000x128xf32>
    %add3A_42 = arith.addf %dot_general3A_37, %add3A_41 : vector<2000x128xf32>
    %swap3A_43 = arith.constant 0 : index
    %swap3A_44 = arith.constant 0 : index
    %swap3A_45 = vector.load %arg7[%swap3A_43, %swap3A_44] : memref<2000x128xf32, #tpu.memory_space<vmem>>, vector<2000x128xf32>
    tpu.vector_store %arg7[%swap3A_43, %swap3A_44], %add3A_42 {strides = array<i32>} : memref<2000x128xf32, #tpu.memory_space<vmem>>, vector<2000x128xf32>,
    return
  }
  func.func @transform_0(%arg0: i32) -> (i32, i32, i32) {
    %c0_i32 = arith.constant 0 : i32
    %c0_i32_0 = arith.constant 0 : i32
    %c0_i32_1 = arith.constant 0 : i32
    return %c0_i32, %arg0, %c0_i32_0 : i32, i32, i32
  }
  func.func @transform_1(%arg0: i32) -> (i32, i32) {
    %c0_i32 = arith.constant 0 : i32
    %c0_i32_0 = arith.constant 0 : i32
    return %arg0, %c0_i32 : i32, i32
  }
  func.func @transform_2(%arg0: i32) -> (i32, i32) {
    %c0_i32 = arith.constant 0 : i32
    %c0_i32_0 = arith.constant 0 : i32
    %c0_i32_1 = arith.constant 0 : i32
    return %c0_i32, %c0_i32_0 : i32, i32
  }
  func.func @transform_3(%arg0: i32) -> (i32, i32) {
    %c0_i32 = arith.constant 0 : i32
    %c0_i32_0 = arith.constant 0 : i32
    %c0_i32_1 = arith.constant 0 : i32
    return %c0_i32, %c0_i32_0 : i32, i32
  }
  func.func @transform_4(%arg0: i32) -> (i32, i32) {
    %c0_i32 = arith.constant 0 : i32
    %c0_i32_0 = arith.constant 0 : i32
    return %arg0, %c0_i32 : i32, i32
  }
  func.func @transform_5(%arg0: i32) -> (i32, i32, i32) {
    %c0_i32 = arith.constant 0 : i32
    %c0_i32_0 = arith.constant 0 : i32
    %c0_i32_1 = arith.constant 0 : i32
    return %c0_i32, %arg0, %c0_i32_0 : i32, i32, i32
  }
  func.func @transform_6(%arg0: i32) -> (i32, i32) {
    %c0_i32 = arith.constant 0 : i32
    %c0_i32_0 = arith.constant 0 : i32
    return %arg0, %c0_i32 : i32, i32
  }
}

module attributes {stable_mosaic.version = 14 : i64} {
  func.func @body(%arg0: i32, %arg1: memref<2x2000x64xf32, #tpu.memory_space<vmem>>, %arg2: memref<2x2000x64xf32, #tpu.memory_space<vmem>>, %arg3: memref<2000x1xf32, #tpu.memory_space<vmem>>, %arg4: memref<2000x128xf32, #tpu.memory_space<vmem>>, %arg5: memref<2x2000x64xf32, #tpu.memory_space<vmem>>) attributes {dimension_semantics = [#tpu.dimension_semantics<arbitrary>], iteration_bounds = array<i64: 5>, scalar_prefetch = 0 : i64, scratch_operands = 0 : i64, tpu.core_type = #tpu.core_type<tc>, window_params = [{transform_indices = @transform_0, window_bounds = array<i64: 2, 2000, 64>}, {transform_indices = @transform_1, window_bounds = array<i64: 2, 2000, 64>}, {transform_indices = @transform_2, window_bounds = array<i64: 2000, 1>}, {transform_indices = @transform_3, window_bounds = array<i64: 2000, 128>}, {transform_indices = @transform_4, window_bounds = array<i64: 2, 2000, 64>}]} {
    %get3A = arith.constant 0 : index
    %get3A_0 = arith.constant 0 : index
    %get3A_1 = vector.load %arg3[%get3A, %get3A_0] : memref<2000x1xf32, #tpu.memory_space<vmem>>, vector<2000x1xf32>
    %get3A_2 = arith.constant 0 : index
    %get3A_3 = arith.constant 0 : index
    %get3A_4 = arith.constant 0 : index
    %get3A_5 = vector.load %arg1[%get3A_2, %get3A_3, %get3A_4] : memref<2x2000x64xf32, #tpu.memory_space<vmem>>, vector<1x2000x64xf32>
    %get3A_6 = vector.shape_cast %get3A_5 : vector<1x2000x64xf32> to vector<2000x64xf32>
    %get3A_7 = arith.constant 0 : index
    %get3A_8 = arith.constant 0 : index
    %get3A_9 = arith.constant 0 : index
    %get3A_10 = vector.load %arg2[%get3A_7, %get3A_8, %get3A_9] : memref<2x2000x64xf32, #tpu.memory_space<vmem>>, vector<1x2000x64xf32>
    %get3A_11 = vector.shape_cast %get3A_10 : vector<1x2000x64xf32> to vector<2000x64xf32>
    %add3A = arith.addf %get3A_6, %get3A_11 : vector<2000x64xf32>
    %get3A_12 = arith.constant 1 : index
    %get3A_13 = arith.constant 0 : index
    %get3A_14 = arith.constant 0 : index
    %get3A_15 = vector.load %arg1[%get3A_12, %get3A_13, %get3A_14] : memref<2x2000x64xf32, #tpu.memory_space<vmem>>, vector<1x2000x64xf32>
    %get3A_16 = vector.shape_cast %get3A_15 : vector<1x2000x64xf32> to vector<2000x64xf32>
    %get3A_17 = arith.constant 1 : index
    %get3A_18 = arith.constant 0 : index
    %get3A_19 = arith.constant 0 : index
    %get3A_20 = vector.load %arg2[%get3A_17, %get3A_18, %get3A_19] : memref<2x2000x64xf32, #tpu.memory_space<vmem>>, vector<1x2000x64xf32>
    %get3A_21 = vector.shape_cast %get3A_20 : vector<1x2000x64xf32> to vector<2000x64xf32>
    %add3A_22 = arith.addf %get3A_16, %get3A_21 : vector<2000x64xf32>
    %concatenate3A = tpu.concatenate %add3A, %add3A_22 in 1 : vector<2000x64xf32>, vector<2000x64xf32> -> vector<2000x128xf32>
    %mul3A = vector.broadcast %get3A_1 : vector<2000x1xf32> to vector<2000x128xf32>
    %mul3A_23 = arith.mulf %mul3A, %concatenate3A : vector<2000x128xf32>
    %swap3A = arith.constant 0 : index
    %swap3A_24 = arith.constant 0 : index
    %swap3A_25 = vector.load %arg4[%swap3A, %swap3A_24] : memref<2000x128xf32, #tpu.memory_space<vmem>>, vector<2000x128xf32>
    tpu.vector_store %arg4[%swap3A, %swap3A_24], %mul3A_23 {strides = array<i32>} : memref<2000x128xf32, #tpu.memory_space<vmem>>, vector<2000x128xf32>,
    %mul3A_26 = vector.broadcast %get3A_1 : vector<2000x1xf32> to vector<2000x128xf32>
    %mul3A_27 = arith.mulf %mul3A_26, %mul3A_23 : vector<2000x128xf32>
    %slice3A = vector.extract_strided_slice %mul3A_27 {offsets = [0, 0], sizes = [2000, 64], strides = [1, 1]} : vector<2000x128xf32> to vector<2000x64xf32>
    %swap3A_28 = arith.constant 0 : index
    %swap3A_29 = arith.constant 0 : index
    %swap3A_30 = arith.constant 0 : index
    %swap3A_31 = vector.load %arg5[%swap3A_28, %swap3A_29, %swap3A_30] : memref<2x2000x64xf32, #tpu.memory_space<vmem>>, vector<1x2000x64xf32>
    %swap3A_32 = vector.shape_cast %swap3A_31 : vector<1x2000x64xf32> to vector<2000x64xf32>
    %swap3A_33 = vector.shape_cast %slice3A : vector<2000x64xf32> to vector<1x2000x64xf32>
    tpu.vector_store %arg5[%swap3A_28, %swap3A_29, %swap3A_30], %swap3A_33 {strides = array<i32>} : memref<2x2000x64xf32, #tpu.memory_space<vmem>>, vector<1x2000x64xf32>,
    %slice3A_34 = vector.extract_strided_slice %mul3A_27 {offsets = [0, 64], sizes = [2000, 64], strides = [1, 1]} : vector<2000x128xf32> to vector<2000x64xf32>
    %swap3A_35 = arith.constant 1 : index
    %swap3A_36 = arith.constant 0 : index
    %swap3A_37 = arith.constant 0 : index
    %swap3A_38 = vector.load %arg5[%swap3A_35, %swap3A_36, %swap3A_37] : memref<2x2000x64xf32, #tpu.memory_space<vmem>>, vector<1x2000x64xf32>
    %swap3A_39 = vector.shape_cast %swap3A_38 : vector<1x2000x64xf32> to vector<2000x64xf32>
    %swap3A_40 = vector.shape_cast %slice3A_34 : vector<2000x64xf32> to vector<1x2000x64xf32>
    tpu.vector_store %arg5[%swap3A_35, %swap3A_36, %swap3A_37], %swap3A_40 {strides = array<i32>} : memref<2x2000x64xf32, #tpu.memory_space<vmem>>, vector<1x2000x64xf32>,
    return
  }
  func.func @transform_0(%arg0: i32) -> (i32, i32, i32) {
    %c0_i32 = arith.constant 0 : i32
    %c0_i32_0 = arith.constant 0 : i32
    %c0_i32_1 = arith.constant 0 : i32
    return %c0_i32, %arg0, %c0_i32_0 : i32, i32, i32
  }
  func.func @transform_1(%arg0: i32) -> (i32, i32, i32) {
    %c0_i32 = arith.constant 0 : i32
    %c0_i32_0 = arith.constant 0 : i32
    %c0_i32_1 = arith.constant 0 : i32
    return %c0_i32, %arg0, %c0_i32_0 : i32, i32, i32
  }
  func.func @transform_2(%arg0: i32) -> (i32, i32) {
    %c0_i32 = arith.constant 0 : i32
    %c0_i32_0 = arith.constant 0 : i32
    return %arg0, %c0_i32 : i32, i32
  }
  func.func @transform_3(%arg0: i32) -> (i32, i32) {
    %c0_i32 = arith.constant 0 : i32
    %c0_i32_0 = arith.constant 0 : i32
    return %arg0, %c0_i32 : i32, i32
  }
  func.func @transform_4(%arg0: i32) -> (i32, i32, i32) {
    %c0_i32 = arith.constant 0 : i32
    %c0_i32_0 = arith.constant 0 : i32
    %c0_i32_1 = arith.constant 0 : i32
    return %c0_i32, %arg0, %c0_i32_0 : i32, i32, i32
  }
}

module attributes {stable_mosaic.version = 14 : i64} {
  func.func @body(%arg0: i32, %arg1: memref<2x2000x64xf32, #tpu.memory_space<vmem>>, %arg2: memref<2x2000x64xf32, #tpu.memory_space<vmem>>, %arg3: memref<2000x1xf32, #tpu.memory_space<vmem>>, %arg4: memref<2000x128xf32, #tpu.memory_space<vmem>>, %arg5: memref<2000x128xf32, #tpu.memory_space<vmem>>, %arg6: memref<128x128xf32, #tpu.memory_space<vmem>>, %arg7: memref<1x128xf32, #tpu.memory_space<vmem>>, %arg8: memref<128x128xf32, #tpu.memory_space<vmem>>, %arg9: memref<1x128xf32, #tpu.memory_space<vmem>>, %arg10: memref<1x384xf32, #tpu.memory_space<vmem>>, %arg11: memref<1x384xf32, #tpu.memory_space<vmem>>, %arg12: memref<1x384xf32, #tpu.memory_space<vmem>>, %arg13: memref<1x384xf32, #tpu.memory_space<vmem>>, %arg14: memref<384x64xf32, #tpu.memory_space<vmem>>, %arg15: memref<1x64xf32, #tpu.memory_space<vmem>>, %arg16: memref<384x128xf32, #tpu.memory_space<vmem>>, %arg17: memref<2000x64xf32, #tpu.memory_space<vmem>>, %arg18: memref<2x2000x64xf32, #tpu.memory_space<vmem>>) attributes {dimension_semantics = [#tpu.dimension_semantics<arbitrary>], iteration_bounds = array<i64: 5>, scalar_prefetch = 0 : i64, scratch_operands = 0 : i64, tpu.core_type = #tpu.core_type<tc>, window_params = [{transform_indices = @transform_0, window_bounds = array<i64: 2, 2000, 64>}, {transform_indices = @transform_1, window_bounds = array<i64: 2, 2000, 64>}, {transform_indices = @transform_2, window_bounds = array<i64: 2000, 1>}, {transform_indices = @transform_3, window_bounds = array<i64: 2000, 128>}, {transform_indices = @transform_4, window_bounds = array<i64: 2000, 128>}, {pipeline_mode = #tpu.pipeline_mode<synchronous>, transform_indices = @transform_5, window_bounds = array<i64: 128, 128>}, {pipeline_mode = #tpu.pipeline_mode<synchronous>, transform_indices = @transform_6, window_bounds = array<i64: 1, 128>}, {pipeline_mode = #tpu.pipeline_mode<synchronous>, transform_indices = @transform_7, window_bounds = array<i64: 128, 128>}, {pipeline_mode = #tpu.pipeline_mode<synchronous>, transform_indices = @transform_8, window_bounds = array<i64: 1, 128>}, {pipeline_mode = #tpu.pipeline_mode<synchronous>, transform_indices = @transform_9, window_bounds = array<i64: 1, 384>}, {pipeline_mode = #tpu.pipeline_mode<synchronous>, transform_indices = @transform_10, window_bounds = array<i64: 1, 384>}, {pipeline_mode = #tpu.pipeline_mode<synchronous>, transform_indices = @transform_11, window_bounds = array<i64: 1, 384>}, {pipeline_mode = #tpu.pipeline_mode<synchronous>, transform_indices = @transform_12, window_bounds = array<i64: 1, 384>}, {pipeline_mode = #tpu.pipeline_mode<synchronous>, transform_indices = @transform_13, window_bounds = array<i64: 384, 64>}, {pipeline_mode = #tpu.pipeline_mode<synchronous>, transform_indices = @transform_14, window_bounds = array<i64: 1, 64>}, {pipeline_mode = #tpu.pipeline_mode<synchronous>, transform_indices = @transform_15, window_bounds = array<i64: 384, 128>}, {transform_indices = @transform_16, window_bounds = array<i64: 2000, 64>}, {transform_indices = @transform_17, window_bounds = array<i64: 2, 2000, 64>}]} {
    %get3A = arith.constant 0 : index
    %get3A_0 = arith.constant 0 : index
    %get3A_1 = vector.load %arg3[%get3A, %get3A_0] : memref<2000x1xf32, #tpu.memory_space<vmem>>, vector<2000x1xf32>
    %get3A_2 = arith.constant 0 : index
    %get3A_3 = arith.constant 0 : index
    %get3A_4 = arith.constant 0 : index
    %get3A_5 = vector.load %arg1[%get3A_2, %get3A_3, %get3A_4] : memref<2x2000x64xf32, #tpu.memory_space<vmem>>, vector<1x2000x64xf32>
    %get3A_6 = vector.shape_cast %get3A_5 : vector<1x2000x64xf32> to vector<2000x64xf32>
    %get3A_7 = arith.constant 0 : index
    %get3A_8 = arith.constant 0 : index
    %get3A_9 = arith.constant 0 : index
    %get3A_10 = vector.load %arg2[%get3A_7, %get3A_8, %get3A_9] : memref<2x2000x64xf32, #tpu.memory_space<vmem>>, vector<1x2000x64xf32>
    %get3A_11 = vector.shape_cast %get3A_10 : vector<1x2000x64xf32> to vector<2000x64xf32>
    %add3A = arith.addf %get3A_6, %get3A_11 : vector<2000x64xf32>
    %get3A_12 = arith.constant 1 : index
    %get3A_13 = arith.constant 0 : index
    %get3A_14 = arith.constant 0 : index
    %get3A_15 = vector.load %arg1[%get3A_12, %get3A_13, %get3A_14] : memref<2x2000x64xf32, #tpu.memory_space<vmem>>, vector<1x2000x64xf32>
    %get3A_16 = vector.shape_cast %get3A_15 : vector<1x2000x64xf32> to vector<2000x64xf32>
    %get3A_17 = arith.constant 1 : index
    %get3A_18 = arith.constant 0 : index
    %get3A_19 = arith.constant 0 : index
    %get3A_20 = vector.load %arg2[%get3A_17, %get3A_18, %get3A_19] : memref<2x2000x64xf32, #tpu.memory_space<vmem>>, vector<1x2000x64xf32>
    %get3A_21 = vector.shape_cast %get3A_20 : vector<1x2000x64xf32> to vector<2000x64xf32>
    %add3A_22 = arith.addf %get3A_16, %get3A_21 : vector<2000x64xf32>
    %concatenate3A = tpu.concatenate %add3A, %add3A_22 in 1 : vector<2000x64xf32>, vector<2000x64xf32> -> vector<2000x128xf32>
    %mul3A = vector.broadcast %get3A_1 : vector<2000x1xf32> to vector<2000x128xf32>
    %mul3A_23 = arith.mulf %mul3A, %concatenate3A : vector<2000x128xf32>
    %get3A_24 = arith.constant 0 : index
    %get3A_25 = arith.constant 0 : index
    %get3A_26 = vector.load %arg4[%get3A_24, %get3A_25] : memref<2000x128xf32, #tpu.memory_space<vmem>>, vector<2000x128xf32>
    %get3A_27 = arith.constant 0 : index
    %get3A_28 = arith.constant 0 : index
    %get3A_29 = vector.load %arg6[%get3A_27, %get3A_28] : memref<128x128xf32, #tpu.memory_space<vmem>>, vector<128x128xf32>
    %dot_general3A = arith.constant dense<0.000000e+00> : vector<2000x128xf32>
    %dot_general3A_30 = tpu.matmul %get3A_26, %get3A_29, %dot_general3A {dimension_numbers = #tpu.dot_dimension_numbers<[1], [0], [0], [1], [0, 0, 1, 1], [], []>, transpose_lhs_hint = false} : vector<2000x128xf32>, vector<128x128xf32>, vector<2000x128xf32> -> vector<2000x128xf32>
    %get3A_31 = arith.constant 0 : index
    %get3A_32 = arith.constant 0 : index
    %get3A_33 = vector.load %arg7[%get3A_31, %get3A_32] : memref<1x128xf32, #tpu.memory_space<vmem>>, vector<1x128xf32>
    %add3A_34 = vector.broadcast %get3A_33 : vector<1x128xf32> to vector<2000x128xf32>
    %add3A_35 = arith.addf %dot_general3A_30, %add3A_34 : vector<2000x128xf32>
    %get3A_36 = arith.constant 0 : index
    %get3A_37 = arith.constant 0 : index
    %get3A_38 = vector.load %arg8[%get3A_36, %get3A_37] : memref<128x128xf32, #tpu.memory_space<vmem>>, vector<128x128xf32>
    %dot_general3A_39 = arith.constant dense<0.000000e+00> : vector<2000x128xf32>
    %dot_general3A_40 = tpu.matmul %mul3A_23, %get3A_38, %dot_general3A_39 {dimension_numbers = #tpu.dot_dimension_numbers<[1], [0], [0], [1], [0, 0, 1, 1], [], []>, transpose_lhs_hint = false} : vector<2000x128xf32>, vector<128x128xf32>, vector<2000x128xf32> -> vector<2000x128xf32>
    %get3A_41 = arith.constant 0 : index
    %get3A_42 = arith.constant 0 : index
    %get3A_43 = vector.load %arg9[%get3A_41, %get3A_42] : memref<1x128xf32, #tpu.memory_space<vmem>>, vector<1x128xf32>
    %add3A_44 = vector.broadcast %get3A_43 : vector<1x128xf32> to vector<2000x128xf32>
    %add3A_45 = arith.addf %dot_general3A_40, %add3A_44 : vector<2000x128xf32>
    %get3A_46 = arith.constant 0 : index
    %get3A_47 = arith.constant 0 : index
    %get3A_48 = vector.load %arg5[%get3A_46, %get3A_47] : memref<2000x128xf32, #tpu.memory_space<vmem>>, vector<2000x128xf32>
    %concatenate3A_49 = tpu.concatenate %get3A_48, %add3A_35, %add3A_45 in 1 : vector<2000x128xf32>, vector<2000x128xf32>, vector<2000x128xf32> -> vector<2000x384xf32>
    %get3A_50 = arith.constant 0 : index
    %get3A_51 = arith.constant 0 : index
    %get3A_52 = vector.load %arg10[%get3A_50, %get3A_51] : memref<1x384xf32, #tpu.memory_space<vmem>>, vector<1x384xf32>
    %get3A_53 = arith.constant 0 : index
    %get3A_54 = arith.constant 0 : index
    %get3A_55 = vector.load %arg13[%get3A_53, %get3A_54] : memref<1x384xf32, #tpu.memory_space<vmem>>, vector<1x384xf32>
    %add3A_56 = arith.constant 9.99999974E-6 : f32
    %add3A_57 = vector.broadcast %add3A_56 : f32 to vector<1x384xf32>
    %add3A_58 = arith.addf %get3A_55, %add3A_57 : vector<1x384xf32>
    %rsqrt3A = math.rsqrt %add3A_58 : vector<1x384xf32>
    %mul3A_59 = arith.mulf %get3A_52, %rsqrt3A : vector<1x384xf32>
    %get3A_60 = arith.constant 0 : index
    %get3A_61 = arith.constant 0 : index
    %get3A_62 = vector.load %arg11[%get3A_60, %get3A_61] : memref<1x384xf32, #tpu.memory_space<vmem>>, vector<1x384xf32>
    %get3A_63 = arith.constant 0 : index
    %get3A_64 = arith.constant 0 : index
    %get3A_65 = vector.load %arg12[%get3A_63, %get3A_64] : memref<1x384xf32, #tpu.memory_space<vmem>>, vector<1x384xf32>
    %mul3A_66 = arith.mulf %get3A_65, %mul3A_59 : vector<1x384xf32>
    %sub3A = arith.subf %get3A_62, %mul3A_66 : vector<1x384xf32>
    %mul3A_67 = vector.broadcast %mul3A_59 : vector<1x384xf32> to vector<2000x384xf32>
    %mul3A_68 = arith.mulf %concatenate3A_49, %mul3A_67 : vector<2000x384xf32>
    %add3A_69 = vector.broadcast %sub3A : vector<1x384xf32> to vector<2000x384xf32>
    %add3A_70 = arith.addf %mul3A_68, %add3A_69 : vector<2000x384xf32>
    %max3A = arith.constant 0.000000e+00 : f32
    %max3A_71 = vector.broadcast %max3A : f32 to vector<2000x384xf32>
    %max3A_72 = arith.maximumf %add3A_70, %max3A_71 : vector<2000x384xf32>
    %get3A_73 = arith.constant 0 : index
    %get3A_74 = arith.constant 0 : index
    %get3A_75 = vector.load %arg14[%get3A_73, %get3A_74] : memref<384x64xf32, #tpu.memory_space<vmem>>, vector<384x64xf32>
    %dot_general3A_76 = arith.constant dense<0.000000e+00> : vector<2000x64xf32>
    %dot_general3A_77 = tpu.matmul %max3A_72, %get3A_75, %dot_general3A_76 {dimension_numbers = #tpu.dot_dimension_numbers<[1], [0], [0], [1], [0, 0, 1, 1], [], []>, transpose_lhs_hint = false} : vector<2000x384xf32>, vector<384x64xf32>, vector<2000x64xf32> -> vector<2000x64xf32>
    %get3A_78 = arith.constant 0 : index
    %get3A_79 = arith.constant 0 : index
    %get3A_80 = vector.load %arg15[%get3A_78, %get3A_79] : memref<1x64xf32, #tpu.memory_space<vmem>>, vector<1x64xf32>
    %add3A_81 = vector.broadcast %get3A_80 : vector<1x64xf32> to vector<2000x64xf32>
    %add3A_82 = arith.addf %dot_general3A_77, %add3A_81 : vector<2000x64xf32>
    %swap3A = arith.constant 0 : index
    %swap3A_83 = arith.constant 0 : index
    %swap3A_84 = vector.load %arg17[%swap3A, %swap3A_83] : memref<2000x64xf32, #tpu.memory_space<vmem>>, vector<2000x64xf32>
    tpu.vector_store %arg17[%swap3A, %swap3A_83], %add3A_82 {strides = array<i32>} : memref<2000x64xf32, #tpu.memory_space<vmem>>, vector<2000x64xf32>,
    %get3A_85 = arith.constant 0 : index
    %get3A_86 = arith.constant 0 : index
    %get3A_87 = vector.load %arg16[%get3A_85, %get3A_86] : memref<384x128xf32, #tpu.memory_space<vmem>>, vector<384x128xf32>
    %dot_general3A_88 = arith.constant dense<0.000000e+00> : vector<2000x128xf32>
    %dot_general3A_89 = tpu.matmul %max3A_72, %get3A_87, %dot_general3A_88 {dimension_numbers = #tpu.dot_dimension_numbers<[1], [0], [0], [1], [0, 0, 1, 1], [], []>, transpose_lhs_hint = false} : vector<2000x384xf32>, vector<384x128xf32>, vector<2000x128xf32> -> vector<2000x128xf32>
    %mul3A_90 = vector.broadcast %get3A_1 : vector<2000x1xf32> to vector<2000x128xf32>
    %mul3A_91 = arith.mulf %mul3A_90, %dot_general3A_89 : vector<2000x128xf32>
    %slice3A = vector.extract_strided_slice %mul3A_91 {offsets = [0, 0], sizes = [2000, 64], strides = [1, 1]} : vector<2000x128xf32> to vector<2000x64xf32>
    %swap3A_92 = arith.constant 0 : index
    %swap3A_93 = arith.constant 0 : index
    %swap3A_94 = arith.constant 0 : index
    %swap3A_95 = vector.load %arg18[%swap3A_92, %swap3A_93, %swap3A_94] : memref<2x2000x64xf32, #tpu.memory_space<vmem>>, vector<1x2000x64xf32>
    %swap3A_96 = vector.shape_cast %swap3A_95 : vector<1x2000x64xf32> to vector<2000x64xf32>
    %swap3A_97 = vector.shape_cast %slice3A : vector<2000x64xf32> to vector<1x2000x64xf32>
    tpu.vector_store %arg18[%swap3A_92, %swap3A_93, %swap3A_94], %swap3A_97 {strides = array<i32>} : memref<2x2000x64xf32, #tpu.memory_space<vmem>>, vector<1x2000x64xf32>,
    %slice3A_98 = vector.extract_strided_slice %mul3A_91 {offsets = [0, 64], sizes = [2000, 64], strides = [1, 1]} : vector<2000x128xf32> to vector<2000x64xf32>
    %swap3A_99 = arith.constant 1 : index
    %swap3A_100 = arith.constant 0 : index
    %swap3A_101 = arith.constant 0 : index
    %swap3A_102 = vector.load %arg18[%swap3A_99, %swap3A_100, %swap3A_101] : memref<2x2000x64xf32, #tpu.memory_space<vmem>>, vector<1x2000x64xf32>
    %swap3A_103 = vector.shape_cast %swap3A_102 : vector<1x2000x64xf32> to vector<2000x64xf32>
    %swap3A_104 = vector.shape_cast %slice3A_98 : vector<2000x64xf32> to vector<1x2000x64xf32>
    tpu.vector_store %arg18[%swap3A_99, %swap3A_100, %swap3A_101], %swap3A_104 {strides = array<i32>} : memref<2x2000x64xf32, #tpu.memory_space<vmem>>, vector<1x2000x64xf32>,
    return
  }
  func.func @transform_0(%arg0: i32) -> (i32, i32, i32) {
    %c0_i32 = arith.constant 0 : i32
    %c0_i32_0 = arith.constant 0 : i32
    %c0_i32_1 = arith.constant 0 : i32
    return %c0_i32, %arg0, %c0_i32_0 : i32, i32, i32
  }
  func.func @transform_1(%arg0: i32) -> (i32, i32, i32) {
    %c0_i32 = arith.constant 0 : i32
    %c0_i32_0 = arith.constant 0 : i32
    %c0_i32_1 = arith.constant 0 : i32
    return %c0_i32, %arg0, %c0_i32_0 : i32, i32, i32
  }
  func.func @transform_2(%arg0: i32) -> (i32, i32) {
    %c0_i32 = arith.constant 0 : i32
    %c0_i32_0 = arith.constant 0 : i32
    return %arg0, %c0_i32 : i32, i32
  }
  func.func @transform_3(%arg0: i32) -> (i32, i32) {
    %c0_i32 = arith.constant 0 : i32
    %c0_i32_0 = arith.constant 0 : i32
    return %arg0, %c0_i32 : i32, i32
  }
  func.func @transform_4(%arg0: i32) -> (i32, i32) {
    %c0_i32 = arith.constant 0 : i32
    %c0_i32_0 = arith.constant 0 : i32
    return %arg0, %c0_i32 : i32, i32
  }
  func.func @transform_5(%arg0: i32) -> (i32, i32) {
    %c0_i32 = arith.constant 0 : i32
    %c0_i32_0 = arith.constant 0 : i32
    %c0_i32_1 = arith.constant 0 : i32
    return %c0_i32, %c0_i32_0 : i32, i32
  }
  func.func @transform_6(%arg0: i32) -> (i32, i32) {
    %c0_i32 = arith.constant 0 : i32
    %c0_i32_0 = arith.constant 0 : i32
    %c0_i32_1 = arith.constant 0 : i32
    return %c0_i32, %c0_i32_0 : i32, i32
  }
  func.func @transform_7(%arg0: i32) -> (i32, i32) {
    %c0_i32 = arith.constant 0 : i32
    %c0_i32_0 = arith.constant 0 : i32
    %c0_i32_1 = arith.constant 0 : i32
    return %c0_i32, %c0_i32_0 : i32, i32
  }
  func.func @transform_8(%arg0: i32) -> (i32, i32) {
    %c0_i32 = arith.constant 0 : i32
    %c0_i32_0 = arith.constant 0 : i32
    %c0_i32_1 = arith.constant 0 : i32
    return %c0_i32, %c0_i32_0 : i32, i32
  }
  func.func @transform_9(%arg0: i32) -> (i32, i32) {
    %c0_i32 = arith.constant 0 : i32
    %c0_i32_0 = arith.constant 0 : i32
    %c0_i32_1 = arith.constant 0 : i32
    return %c0_i32, %c0_i32_0 : i32, i32
  }
  func.func @transform_10(%arg0: i32) -> (i32, i32) {
    %c0_i32 = arith.constant 0 : i32
    %c0_i32_0 = arith.constant 0 : i32
    %c0_i32_1 = arith.constant 0 : i32
    return %c0_i32, %c0_i32_0 : i32, i32
  }
  func.func @transform_11(%arg0: i32) -> (i32, i32) {
    %c0_i32 = arith.constant 0 : i32
    %c0_i32_0 = arith.constant 0 : i32
    %c0_i32_1 = arith.constant 0 : i32
    return %c0_i32, %c0_i32_0 : i32, i32
  }
  func.func @transform_12(%arg0: i32) -> (i32, i32) {
    %c0_i32 = arith.constant 0 : i32
    %c0_i32_0 = arith.constant 0 : i32
    %c0_i32_1 = arith.constant 0 : i32
    return %c0_i32, %c0_i32_0 : i32, i32
  }
  func.func @transform_13(%arg0: i32) -> (i32, i32) {
    %c0_i32 = arith.constant 0 : i32
    %c0_i32_0 = arith.constant 0 : i32
    %c0_i32_1 = arith.constant 0 : i32
    return %c0_i32, %c0_i32_0 : i32, i32
  }
  func.func @transform_14(%arg0: i32) -> (i32, i32) {
    %c0_i32 = arith.constant 0 : i32
    %c0_i32_0 = arith.constant 0 : i32
    %c0_i32_1 = arith.constant 0 : i32
    return %c0_i32, %c0_i32_0 : i32, i32
  }
  func.func @transform_15(%arg0: i32) -> (i32, i32) {
    %c0_i32 = arith.constant 0 : i32
    %c0_i32_0 = arith.constant 0 : i32
    %c0_i32_1 = arith.constant 0 : i32
    return %c0_i32, %c0_i32_0 : i32, i32
  }
  func.func @transform_16(%arg0: i32) -> (i32, i32) {
    %c0_i32 = arith.constant 0 : i32
    %c0_i32_0 = arith.constant 0 : i32
    return %arg0, %c0_i32 : i32, i32
  }
  func.func @transform_17(%arg0: i32) -> (i32, i32, i32) {
    %c0_i32 = arith.constant 0 : i32
    %c0_i32_0 = arith.constant 0 : i32
    %c0_i32_1 = arith.constant 0 : i32
    return %c0_i32, %arg0, %c0_i32_0 : i32, i32, i32
  }
}

module attributes {stable_mosaic.version = 14 : i64} {
  func.func @body(%arg0: i32, %arg1: memref<2x2000x64xf32, #tpu.memory_space<vmem>>, %arg2: memref<2x2000x64xf32, #tpu.memory_space<vmem>>, %arg3: memref<2000x1xf32, #tpu.memory_space<vmem>>, %arg4: memref<1x64xf32, #tpu.memory_space<vmem>>, %arg5: memref<2000x64xf32, #tpu.memory_space<vmem>>, %arg6: memref<2000x64xf32, #tpu.memory_space<vmem>>) attributes {dimension_semantics = [#tpu.dimension_semantics<arbitrary>], iteration_bounds = array<i64: 5>, scalar_prefetch = 0 : i64, scratch_operands = 0 : i64, tpu.core_type = #tpu.core_type<tc>, window_params = [{transform_indices = @transform_0, window_bounds = array<i64: 2, 2000, 64>}, {transform_indices = @transform_1, window_bounds = array<i64: 2, 2000, 64>}, {transform_indices = @transform_2, window_bounds = array<i64: 2000, 1>}, {pipeline_mode = #tpu.pipeline_mode<synchronous>, transform_indices = @transform_3, window_bounds = array<i64: 1, 64>}, {transform_indices = @transform_4, window_bounds = array<i64: 2000, 64>}, {transform_indices = @transform_5, window_bounds = array<i64: 2000, 64>}]} {
    %get3A = arith.constant 0 : index
    %get3A_0 = arith.constant 0 : index
    %get3A_1 = vector.load %arg3[%get3A, %get3A_0] : memref<2000x1xf32, #tpu.memory_space<vmem>>, vector<2000x1xf32>
    %get3A_2 = arith.constant 0 : index
    %get3A_3 = arith.constant 0 : index
    %get3A_4 = arith.constant 0 : index
    %get3A_5 = vector.load %arg1[%get3A_2, %get3A_3, %get3A_4] : memref<2x2000x64xf32, #tpu.memory_space<vmem>>, vector<1x2000x64xf32>
    %get3A_6 = vector.shape_cast %get3A_5 : vector<1x2000x64xf32> to vector<2000x64xf32>
    %get3A_7 = arith.constant 0 : index
    %get3A_8 = arith.constant 0 : index
    %get3A_9 = arith.constant 0 : index
    %get3A_10 = vector.load %arg2[%get3A_7, %get3A_8, %get3A_9] : memref<2x2000x64xf32, #tpu.memory_space<vmem>>, vector<1x2000x64xf32>
    %get3A_11 = vector.shape_cast %get3A_10 : vector<1x2000x64xf32> to vector<2000x64xf32>
    %add3A = arith.addf %get3A_6, %get3A_11 : vector<2000x64xf32>
    %mul3A = vector.broadcast %get3A_1 : vector<2000x1xf32> to vector<2000x64xf32>
    %mul3A_12 = arith.mulf %mul3A, %add3A : vector<2000x64xf32>
    %get3A_13 = arith.constant 0 : index
    %get3A_14 = arith.constant 0 : index
    %get3A_15 = vector.load %arg4[%get3A_13, %get3A_14] : memref<1x64xf32, #tpu.memory_space<vmem>>, vector<1x64xf32>
    %add3A_16 = vector.broadcast %get3A_15 : vector<1x64xf32> to vector<2000x64xf32>
    %add3A_17 = arith.addf %mul3A_12, %add3A_16 : vector<2000x64xf32>
    %swap3A = arith.constant 0 : index
    %swap3A_18 = arith.constant 0 : index
    %swap3A_19 = vector.load %arg5[%swap3A, %swap3A_18] : memref<2000x64xf32, #tpu.memory_space<vmem>>, vector<2000x64xf32>
    tpu.vector_store %arg5[%swap3A, %swap3A_18], %add3A_17 {strides = array<i32>} : memref<2000x64xf32, #tpu.memory_space<vmem>>, vector<2000x64xf32>,
    %get3A_20 = arith.constant 1 : index
    %get3A_21 = arith.constant 0 : index
    %get3A_22 = arith.constant 0 : index
    %get3A_23 = vector.load %arg1[%get3A_20, %get3A_21, %get3A_22] : memref<2x2000x64xf32, #tpu.memory_space<vmem>>, vector<1x2000x64xf32>
    %get3A_24 = vector.shape_cast %get3A_23 : vector<1x2000x64xf32> to vector<2000x64xf32>
    %get3A_25 = arith.constant 1 : index
    %get3A_26 = arith.constant 0 : index
    %get3A_27 = arith.constant 0 : index
    %get3A_28 = vector.load %arg2[%get3A_25, %get3A_26, %get3A_27] : memref<2x2000x64xf32, #tpu.memory_space<vmem>>, vector<1x2000x64xf32>
    %get3A_29 = vector.shape_cast %get3A_28 : vector<1x2000x64xf32> to vector<2000x64xf32>
    %add3A_30 = arith.addf %get3A_24, %get3A_29 : vector<2000x64xf32>
    %mul3A_31 = vector.broadcast %get3A_1 : vector<2000x1xf32> to vector<2000x64xf32>
    %mul3A_32 = arith.mulf %mul3A_31, %add3A_30 : vector<2000x64xf32>
    %mul3A_33 = vector.broadcast %get3A_1 : vector<2000x1xf32> to vector<2000x64xf32>
    %mul3A_34 = arith.mulf %mul3A_33, %mul3A_32 : vector<2000x64xf32>
    %swap3A_35 = arith.constant 0 : index
    %swap3A_36 = arith.constant 0 : index
    %swap3A_37 = vector.load %arg6[%swap3A_35, %swap3A_36] : memref<2000x64xf32, #tpu.memory_space<vmem>>, vector<2000x64xf32>
    tpu.vector_store %arg6[%swap3A_35, %swap3A_36], %mul3A_34 {strides = array<i32>} : memref<2000x64xf32, #tpu.memory_space<vmem>>, vector<2000x64xf32>,
    return
  }
  func.func @transform_0(%arg0: i32) -> (i32, i32, i32) {
    %c0_i32 = arith.constant 0 : i32
    %c0_i32_0 = arith.constant 0 : i32
    %c0_i32_1 = arith.constant 0 : i32
    return %c0_i32, %arg0, %c0_i32_0 : i32, i32, i32
  }
  func.func @transform_1(%arg0: i32) -> (i32, i32, i32) {
    %c0_i32 = arith.constant 0 : i32
    %c0_i32_0 = arith.constant 0 : i32
    %c0_i32_1 = arith.constant 0 : i32
    return %c0_i32, %arg0, %c0_i32_0 : i32, i32, i32
  }
  func.func @transform_2(%arg0: i32) -> (i32, i32) {
    %c0_i32 = arith.constant 0 : i32
    %c0_i32_0 = arith.constant 0 : i32
    return %arg0, %c0_i32 : i32, i32
  }
  func.func @transform_3(%arg0: i32) -> (i32, i32) {
    %c0_i32 = arith.constant 0 : i32
    %c0_i32_0 = arith.constant 0 : i32
    %c0_i32_1 = arith.constant 0 : i32
    return %c0_i32, %c0_i32_0 : i32, i32
  }
  func.func @transform_4(%arg0: i32) -> (i32, i32) {
    %c0_i32 = arith.constant 0 : i32
    %c0_i32_0 = arith.constant 0 : i32
    return %arg0, %c0_i32 : i32, i32
  }
  func.func @transform_5(%arg0: i32) -> (i32, i32) {
    %c0_i32 = arith.constant 0 : i32
    %c0_i32_0 = arith.constant 0 : i32
    return %arg0, %c0_i32 : i32, i32
  }
}

module attributes {stable_mosaic.version = 14 : i64} {
  func.func @body(%arg0: i32, %arg1: memref<2x2000x64xf32, #tpu.memory_space<vmem>>, %arg2: memref<2000x64xf32, #tpu.memory_space<vmem>>, %arg3: memref<2000x1xf32, #tpu.memory_space<vmem>>, %arg4: memref<2000x64xf32, #tpu.memory_space<vmem>>, %arg5: memref<2000x64xf32, #tpu.memory_space<vmem>>, %arg6: memref<1x64xf32, #tpu.memory_space<vmem>>, %arg7: memref<2000x192xf32, #tpu.memory_space<vmem>>) attributes {dimension_semantics = [#tpu.dimension_semantics<arbitrary>], iteration_bounds = array<i64: 5>, scalar_prefetch = 0 : i64, scratch_operands = 0 : i64, tpu.core_type = #tpu.core_type<tc>, window_params = [{transform_indices = @transform_0, window_bounds = array<i64: 2, 2000, 64>}, {transform_indices = @transform_1, window_bounds = array<i64: 2000, 64>}, {transform_indices = @transform_2, window_bounds = array<i64: 2000, 1>}, {transform_indices = @transform_3, window_bounds = array<i64: 2000, 64>}, {transform_indices = @transform_4, window_bounds = array<i64: 2000, 64>}, {pipeline_mode = #tpu.pipeline_mode<synchronous>, transform_indices = @transform_5, window_bounds = array<i64: 1, 64>}, {transform_indices = @transform_6, window_bounds = array<i64: 2000, 192>}]} {
    %get3A = arith.constant 0 : index
    %get3A_0 = arith.constant 0 : index
    %get3A_1 = vector.load %arg3[%get3A, %get3A_0] : memref<2000x1xf32, #tpu.memory_space<vmem>>, vector<2000x1xf32>
    %get3A_2 = arith.constant 0 : index
    %get3A_3 = arith.constant 0 : index
    %get3A_4 = arith.constant 0 : index
    %get3A_5 = vector.load %arg1[%get3A_2, %get3A_3, %get3A_4] : memref<2x2000x64xf32, #tpu.memory_space<vmem>>, vector<1x2000x64xf32>
    %get3A_6 = vector.shape_cast %get3A_5 : vector<1x2000x64xf32> to vector<2000x64xf32>
    %get3A_7 = arith.constant 1 : index
    %get3A_8 = arith.constant 0 : index
    %get3A_9 = arith.constant 0 : index
    %get3A_10 = vector.load %arg1[%get3A_7, %get3A_8, %get3A_9] : memref<2x2000x64xf32, #tpu.memory_space<vmem>>, vector<1x2000x64xf32>
    %get3A_11 = vector.shape_cast %get3A_10 : vector<1x2000x64xf32> to vector<2000x64xf32>
    %add3A = arith.addf %get3A_6, %get3A_11 : vector<2000x64xf32>
    %get3A_12 = arith.constant 0 : index
    %get3A_13 = arith.constant 0 : index
    %get3A_14 = vector.load %arg2[%get3A_12, %get3A_13] : memref<2000x64xf32, #tpu.memory_space<vmem>>, vector<2000x64xf32>
    %add3A_15 = arith.addf %add3A, %get3A_14 : vector<2000x64xf32>
    %mul3A = vector.broadcast %get3A_1 : vector<2000x1xf32> to vector<2000x64xf32>
    %mul3A_16 = arith.mulf %mul3A, %add3A_15 : vector<2000x64xf32>
    %get3A_17 = arith.constant 0 : index
    %get3A_18 = arith.constant 0 : index
    %get3A_19 = vector.load %arg6[%get3A_17, %get3A_18] : memref<1x64xf32, #tpu.memory_space<vmem>>, vector<1x64xf32>
    %add3A_20 = vector.broadcast %get3A_19 : vector<1x64xf32> to vector<2000x64xf32>
    %add3A_21 = arith.addf %mul3A_16, %add3A_20 : vector<2000x64xf32>
    %get3A_22 = arith.constant 0 : index
    %get3A_23 = arith.constant 0 : index
    %get3A_24 = vector.load %arg4[%get3A_22, %get3A_23] : memref<2000x64xf32, #tpu.memory_space<vmem>>, vector<2000x64xf32>
    %get3A_25 = arith.constant 0 : index
    %get3A_26 = arith.constant 0 : index
    %get3A_27 = vector.load %arg5[%get3A_25, %get3A_26] : memref<2000x64xf32, #tpu.memory_space<vmem>>, vector<2000x64xf32>
    %concatenate3A = tpu.concatenate %get3A_24, %get3A_27, %add3A_21 in 1 : vector<2000x64xf32>, vector<2000x64xf32>, vector<2000x64xf32> -> vector<2000x192xf32>
    %reduce_max3A = arith.constant dense<0xFF800000> : vector<2000xf32>
    %reduce_max3A_28 = vector.multi_reduction <maximumf>, %concatenate3A, %reduce_max3A [1] : vector<2000x192xf32> to vector<2000xf32>
    %broadcast_in_dim3A = vector.shape_cast %reduce_max3A_28 : vector<2000xf32> to vector<2000x1xf32>
    %sub3A = vector.broadcast %broadcast_in_dim3A : vector<2000x1xf32> to vector<2000x192xf32>
    %sub3A_29 = arith.subf %concatenate3A, %sub3A : vector<2000x192xf32>
    %exp3A = math.exp %sub3A_29 : vector<2000x192xf32>
    %reduce_sum3A = arith.constant dense<0.000000e+00> : vector<2000xf32>
    %reduce_sum3A_30 = vector.multi_reduction <add>, %exp3A, %reduce_sum3A [1] : vector<2000x192xf32> to vector<2000xf32>
    %broadcast_in_dim3A_31 = vector.shape_cast %reduce_sum3A_30 : vector<2000xf32> to vector<2000x1xf32>
    %sub3A_32 = vector.broadcast %broadcast_in_dim3A : vector<2000x1xf32> to vector<2000x192xf32>
    %sub3A_33 = arith.subf %concatenate3A, %sub3A_32 : vector<2000x192xf32>
    %log3A = math.log %broadcast_in_dim3A_31 : vector<2000x1xf32>
    %sub3A_34 = vector.broadcast %log3A : vector<2000x1xf32> to vector<2000x192xf32>
    %sub3A_35 = arith.subf %sub3A_33, %sub3A_34 : vector<2000x192xf32>
    %swap3A = arith.constant 0 : index
    %swap3A_36 = arith.constant 0 : index
    %swap3A_37 = vector.load %arg7[%swap3A, %swap3A_36] : memref<2000x192xf32, #tpu.memory_space<vmem>>, vector<2000x192xf32>
    tpu.vector_store %arg7[%swap3A, %swap3A_36], %sub3A_35 {strides = array<i32>} : memref<2000x192xf32, #tpu.memory_space<vmem>>, vector<2000x192xf32>,
    return
  }
  func.func @transform_0(%arg0: i32) -> (i32, i32, i32) {
    %c0_i32 = arith.constant 0 : i32
    %c0_i32_0 = arith.constant 0 : i32
    %c0_i32_1 = arith.constant 0 : i32
    return %c0_i32, %arg0, %c0_i32_0 : i32, i32, i32
  }
  func.func @transform_1(%arg0: i32) -> (i32, i32) {
    %c0_i32 = arith.constant 0 : i32
    %c0_i32_0 = arith.constant 0 : i32
    return %arg0, %c0_i32 : i32, i32
  }
  func.func @transform_2(%arg0: i32) -> (i32, i32) {
    %c0_i32 = arith.constant 0 : i32
    %c0_i32_0 = arith.constant 0 : i32
    return %arg0, %c0_i32 : i32, i32
  }
  func.func @transform_3(%arg0: i32) -> (i32, i32) {
    %c0_i32 = arith.constant 0 : i32
    %c0_i32_0 = arith.constant 0 : i32
    return %arg0, %c0_i32 : i32, i32
  }
  func.func @transform_4(%arg0: i32) -> (i32, i32) {
    %c0_i32 = arith.constant 0 : i32
    %c0_i32_0 = arith.constant 0 : i32
    return %arg0, %c0_i32 : i32, i32
  }
  func.func @transform_5(%arg0: i32) -> (i32, i32) {
    %c0_i32 = arith.constant 0 : i32
    %c0_i32_0 = arith.constant 0 : i32
    %c0_i32_1 = arith.constant 0 : i32
    return %c0_i32, %c0_i32_0 : i32, i32
  }
  func.func @transform_6(%arg0: i32) -> (i32, i32) {
    %c0_i32 = arith.constant 0 : i32
    %c0_i32_0 = arith.constant 0 : i32
    return %arg0, %c0_i32 : i32, i32
  }
}

</mosaic_0001>

<sc_bundles>
// kernel: kernel.12.cloned.1.call-start
scs
__scs_entry_jumppad:
0x0: {  	(pc) =	sbr.rel $0x88, $3  }
0x1: {  	(tag) =	ssettag $0x0;
	lr =	simm.s32 $0x1  }
0x2: {  	[smem:$0x3F8F] =	sst lr;
	_ =	strace $0xD0000000  }
0x3: {  	_ = 	snop  }
0x4: {  	_ = 	snop  }
0x5: {  	_ = 	snop  }
0x6: {  	_ = 	snop  }
0x7: {  	_ = 	snop  }
__scs_overlays_trampoline_lowered:
0x8: {  	[smem:$0x3F9E] =	sst s0  }
0x9: {  	[smem:$0x3F9F] =	sst s1  }
0xa: {  	[smem:$0x3FA0] =	sst s2  }
0xb: {  	[smem:$0x3FA1] =	sst s3  }
0xc: {  	[smem:$0x3FA2] =	sst s4  }
0xd: {  	[smem:$0x3FA3] =	sst s5  }
0xe: {  	[smem:$0x3FA4] =	sst s6  }
0xf: {  	[smem:$0x3FA5] =	sst s7  }
0x10: {  	[smem:$0x3FA6] =	sst s8  }
0x11: {  	[smem:$0x3FA7] =	sst s9;
	s0 =	simm.s32 @!p0 $0x0  }
0x12: {  	s1 =	sld [smem:$0x3F8D];
	s0 =	simm.s32 @p0 $0x1  }
0x13: {  	[smem:$0x3FA8] =	sst s0;
	s0 =	simm.s32 @!p1 $0x0  }
0x14: {  	s2 =	sld [smem:$0x3F8C];
	s0 =	simm.s32 @p1 $0x1  }
0x15: {  	[smem:$0x3FA9] =	sst s0;
	s0 =	simm.s32 @!p2 $0x0  }
0x16: {  	s3 =	sld [smem:$0x3FDB];
	s0 =	simm.s32 @p2 $0x1  }
0x17: {  	s4 =	simm.s32 $0x1BF5;
	[smem:$0x3FAB] =	sst s0  }
0x18: {  	s0 =	sld [smem:$0x3F8E];
	_ =	swait.ge [sflag:s4], $0x0  }
0x19: {  	s7 =	sld [smem:$0x3F8F]  }
0x1a: {  	s8 =	sadd.s32 $0xFFFFE003, lr  }
0x1b: {  	s9 =	sadd.s32 $0xFFFFFEF7, lr;
	s5 =	simm.s32 $0xFFFFFFFF;
	p2 =	slt.u32 s8, $0xFFFFF086  }
0x1c: {  	p1 =	slt.u32 s9, $0xF7A;
	s5 =	simm.s32 @!p2 $0x0  }
0x1d: {  	s5 =	simm.s32 @p1 $0x1;
	p0 =	seq.s32 s7, s2  }
0x1e: {  	s7 =	smul.u32 @!p0 $0xF7A, s2;
	p2 =	seq.s32 @!p0 s5, $0x0  }
0x1f: {  	s9 =	smul.u32 $0xF7A, s1;
	s8 =	simm.s32 @!p0 $0x1BF5;
	p2 =	por !p2, p0  }
0x20: {  	[sflag:s8] =	ssyncset.s32 @!p0 $0xFFFFF086;
	s6 =	sadd.s32 @!p0 s3, s7;
	s7 =	simm.s32 @!p0 $0x108  }
0x21: {  	s3 =	sadd.s32 s3, s9;
	s6 =	sadd.s32 @!p0 $0x88, s6;
	s7 =	simm.s32 @p2 $0x1082  }
0x22: {  	[simem:s7], [sflag:s8] =	dma.local @!p0 [hbm:s6], $0xF7A  }
0x23: {  	s9 =	sor.u32 $0xD0000000, s2;
	s6 =	simm.s32 $0x108;
	_ =	swait.ge @!p0 [sflag:s8], $0x0  }
0x24: {  	s3 =	sadd.s32 $0x88, s3;
	s6 =	simm.s32 @!p1 $0x1082;
	[sflag:s4] =	ssyncset.s32 $0xFFFFF086  }
0x25: {  	[simem:s6], [sflag:s4] =	dma.local [hbm:s3], $0xF7A  }
0x26: {  	[smem:$0x3F8F] =	sst s1;
	(tag) =	ssettag s2;
	_ =	strace s9  }
0x27: {  	s1 =	sld [smem:$0x3F9F]  }
0x28: {  	s2 =	sld [smem:$0x3FA0]  }
0x29: {  	s4 =	sld [smem:$0x3FA2]  }
0x2a: {  	p0 =	seq.s32 s5, $0x0;
	s5 =	sld [smem:$0x3FA3]  }
0x2b: {  	s6 =	sld [smem:$0x3FA4]  }
0x2c: {  	s7 =	sld [smem:$0x3FA5]  }
0x2d: {  	s3 =	simm.s32 $0x108;
	s8 =	sld [smem:$0x3FA6]  }
0x2e: {  	s3 =	simm.s32 @!p0 $0x1082;
	s9 =	sld [smem:$0x3FA7]  }
0x2f: {  	lr =	sadd.s32 s0, s3;
	s0 =	sld [smem:$0x3F9E]  }
0x30: {  	s3 =	sld [smem:$0x3FA1]  }
0x31: {  	[smem:$0x3FAA] =	sst s10  }
0x32: {  	s10 =	sld [smem:$0x3FA8];
	_ =	sdelay $0x3  }
0x33: {  	p0 =	seq.s32 s10, $0x1;
	s10 =	sld [smem:$0x3FAA];
	_ =	sdelay $0x3  }
0x34: {  	[smem:$0x3FAA] =	sst s10  }
0x35: {  	s10 =	sld [smem:$0x3FA9];
	_ =	sdelay $0x3  }
0x36: {  	p1 =	seq.s32 s10, $0x1;
	s10 =	sld [smem:$0x3FAA];
	_ =	sdelay $0x3  }
0x37: {  	[smem:$0x3FAA] =	sst s10  }
0x38: {  	s10 =	sld [smem:$0x3FAB]  }
0x39: {  	_ = 	snop;
	(pc) =	sbr.ind lr, $3  }
0x3a: {  	_ = 	snop  }
0x3b: {  	_ = 	snop  }
0x3c: {  	p2 =	seq.s32 s10, $0x1;
	s10 =	sld [smem:$0x3FAA]  }
0x3d: {  	_ =	shalt  }
0x3e: {  	_ =	shalt  }
0x3f: {  	_ =	shalt  }
0x40: {  	_ =	shalt  }
0x41: {  	_ =	shalt  }
0x42: {  	_ =	shalt  }
0x43: {  	_ =	shalt  }
0x44: {  	_ =	shalt  }
0x45: {  	_ =	shalt  }
0x46: {  	_ =	shalt  }
0x47: {  	_ =	shalt  }
0x48: {  	_ =	shalt  }
0x49: {  	_ =	shalt  }
0x4a: {  	_ =	shalt  }
0x4b: {  	_ =	shalt  }
0x4c: {  	_ =	shalt  }
0x4d: {  	_ =	shalt  }
0x4e: {  	_ =	shalt  }
0x4f: {  	_ =	shalt  }
0x50: {  	_ =	shalt  }
0x51: {  	_ =	shalt  }
0x52: {  	_ =	shalt  }
0x53: {  	_ =	shalt  }
0x54: {  	_ =	shalt  }
0x55: {  	_ =	shalt  }
0x56: {  	_ =	shalt  }
0x57: {  	_ =	shalt  }
0x58: {  	_ =	shalt  }
0x59: {  	_ =	shalt  }
0x5a: {  	_ =	shalt  }
0x5b: {  	_ =	shalt  }
0x5c: {  	_ =	shalt  }
0x5d: {  	_ =	shalt  }
0x5e: {  	_ =	shalt  }
0x5f: {  	_ =	shalt  }
0x60: {  	_ =	shalt  }
0x61: {  	_ =	shalt  }
0x62: {  	_ =	shalt  }
0x63: {  	_ =	shalt  }
0x64: {  	_ =	shalt  }
0x65: {  	_ =	shalt  }
0x66: {  	_ =	shalt  }
0x67: {  	_ =	shalt  }
0x68: {  	_ =	shalt  }
0x69: {  	_ =	shalt  }
0x6a: {  	_ =	shalt  }
0x6b: {  	_ =	shalt  }
0x6c: {  	_ =	shalt  }
0x6d: {  	_ =	shalt  }
0x6e: {  	_ =	shalt  }
0x6f: {  	_ =	shalt  }
0x70: {  	_ =	shalt  }
0x71: {  	_ =	shalt  }
0x72: {  	_ =	shalt  }
0x73: {  	_ =	shalt  }
0x74: {  	_ =	shalt  }
0x75: {  	_ =	shalt  }
0x76: {  	_ =	shalt  }
0x77: {  	_ =	shalt  }
0x78: {  	_ =	shalt  }
0x79: {  	_ =	shalt  }
0x7a: {  	_ =	shalt  }
0x7b: {  	_ =	shalt  }
0x7c: {  	_ =	shalt  }
0x7d: {  	_ =	shalt  }
0x7e: {  	_ =	shalt  }
0x7f: {  	_ =	shalt  }
0x80: {  	_ =	shalt  }
0x81: {  	_ =	shalt  }
0x82: {  	_ =	shalt  }
0x83: {  	_ =	shalt  }
0x84: {  	_ =	shalt  }
0x85: {  	_ =	shalt  }
0x86: {  	_ =	shalt  }
0x87: {  	_ =	shalt  }
.Lfunc_end0:
.L_simem_size_0:
called_computation_lowered:
.L_overlay_start_0:
0x88: {  	s2 =	sld [smem:$0x3FD9]  }
0x89: {  	s3 =	sld [smem:$0x3FFE];
	_ =	sdelay $0x1  }
0x8a: {  	s1 =	srdreg.scid  }
0x8b: {  	s0 =	sand.u32 $0x1, s1  }
0x8c: {  	s17 =	sshll.u32 s0, $0xA;
	s2 =	sadd.s32 s3, s2  }
0x8d: {  	s2 =	sadd.s32 s2, s17  }
0x8e: {  	[smem:$0x3FB6] =	sst s2  }
0x8f: {  	_ = 	snop  }
0x90: {  	s2 =	sld [smem:$0x3FD0];
	(tm) =	ssettm $0x1  }
0x91: {  	s18 =	sld [smem:$0x3FFB];
	_ =	sdelay $0x3  }
0x92: {  	_ =	strace s18  }
0x93: {  	s3 =	sld [smem:$0x3FFC];
	_ =	sdelay $0x3  }
0x94: {  	_ =	strace s3  }
0x95: {  	s3 =	sld [smem:$0x3FFD];
	_ =	sdelay $0x3  }
0x96: {  	_ =	strace s3  }
0x97: {  	_ =	strace $0x8FFFFFFF  }
0x98: {  	s19 =	sld [smem:$0x3FDB];
	_ =	sdelay $0x1  }
0x99: {  	s4 =	simm.s32 $_scs_section_size  }
0x9a: {  	s5 =	simm.s32 $_size__tile_overlayer_lowered;
	s6 =	simm.s32 $_tile_overlayer_lowered  }
0x9b: {  	s22 =	simm.s32 $0x1BFF;
	s21 =	sshll.u32 s6, $0x1;
	s3 =	sadd.s32 s4, s19  }
0x9c: {  	s7 =	simm.s32 $0x0;
	s20 =	sshll.u32 s5, $0x1;
	s5 =	sadd.s32 s21, s3  }
0x9d: {  	[timem:s7], [sflag:s22] =	dma.local [hbm:s5], s20  }
0x9e: {  	_ =	swait.ge [sflag:s22], s20  }
0x9f: {  	s4 =	ssub.s32 $0x0, s20;
	[sflag:s22] =	ssyncset.done $0x0  }
0xa0: {  	[sflag:s22] =	ssyncadd.s32 s4;
	_ =	sdelay $0x1  }
0xa1: {  	s23 =	simm.s32 $0x1B8B  }
0xa2: {  	_ =	swait.ge [sflag:s23], $0x1  }
0xa3: {  	[sflag:s23] =	ssyncset.done $0x0  }
0xa4: {  	s25 =	simm.s32 $0x1B8E;
	s24 =	sld [smem:$0x3FFE];
	[sflag:s23] =	ssyncadd.s32 $0xFFFFFFFF  }
0xa5: {  	s26 =	simm.s32 $execute0_lowered;
	[smem:$0x3FD2] =	sst s25  }
0xa6: {  	s5 =	sshll.u32 s26, $0x1;
	_ =	strace $0x80000046;
	[dreg:$0x1] =	wrdreg $0xFFFFFFFF  }
0xa7: {  	s28 =	simm.s32 $_size_execute0_lowered;
	s3 =	sadd.s32 s3, s5;
	[dreg:$0x0] =	wrdreg $0x0  }
0xa8: {  	s5 =	sshll.u32 s28, $0x1;
	[dreg:$0x2] =	wrdreg s3  }
0xa9: {  	[dreg:$0x3] =	wrdreg s5  }
0xaa: {  	[dreg:$0x4] =	wrdreg $0xC0  }
0xab: {  	_ =	task [dreg:s7], $0x5FFFF  }
0xac: {  	[dreg:$0x1] =	wrdreg $0xFFFFFFFF  }
0xad: {  	[dreg:$0x0] =	wrdreg $0x60  }
0xae: {  	[dreg:$0x2] =	wrdreg s24  }
0xaf: {  	[dreg:$0x3] =	wrdreg s2  }
0xb0: {  	[dreg:$0x4] =	wrdreg $0x2D000  }
0xb1: {  	[dreg:$0x5] =	wrdreg $0x9  }
0xb2: {  	_ =	task.clear_ibuf [dreg:s7], $0x6FFFF;
	_ =	strace $0x90000046  }
0xb3: {  	s29 =	simm.s32 $0x9;
	_ =	strace $0x80000048  }
0xb4: {  	_ =	swait.ge [sflag:s29], $0x1  }
0xb5: {  	[sflag:s29] =	ssyncadd.s32 $0xFFFFFFFF  }
0xb6: {  	_ =	strace $0x90000048  }
0xb7: {  	_ =	sfence  }
0xb8: {  	s30 =	sld [smem:$0x0];
	_ =	sdelay $0x2  }
0xb9: {  	s31 =	sshll.u32 s1, $0xD;
	s1 =	sshrl.u32 s1, $0x2  }
0xba: {  	s3 =	sand.u32 $0x4000, s31;
	s1 =	sadd.s32 s1, s30  }
0xbb: {  	s0 =	sor.u32 s3, s0;
	s1 =	sshll.u32 s1, $0x11  }
0xbc: {  	s0 =	sor.u32 s1, s0  }
0xbd: {  	s0 =	sadd.s32 $0x8F2B, s0  }
0xbe: {  	[sflag:s0] =	ssyncadd.remote.s32 $0x1  }
0xbf: {  	_ =	sfence.sel $0xFFFF  }
0xc0: {  	[dreg:$0x0] =	wrdreg $0xFFFFFFFF;
	(pc) =	sbr.abs _section_cstart, $3  }
0xc1: {  	[dreg:$0x1] =	wrdreg $0xFFFFFFFF  }
0xc2: {  	_ =	task.clear_ibuf [dreg:s7], $0x2FFFF;
	_ =	strace $0x9FFFFFFF  }
0xc3: {  	(tm) =	ssettm $0x7FFFFFFF  }
tec
execute0_lowered:
.L_overlay_start_1:
0x0: {  	(tag) =	ssettag $0x1  }
0x1: {  	s6 =	rddreg [dreg:$0x0]  }
0x2: {  	s8 =	rddreg [dreg:$0x1]  }
0x3: {  	s1 =	rddreg [dreg:$0x2]  }
0x4: {  	s2 =	srdreg.scid;
	s0 =	rddreg [dreg:$0x3]  }
0x5: {  	s11 =	stileid.u32;
	s16 =	simm.s32 $0x1;
	s17 =	simm.s32 $0x0  }
0x6: {  	s4 =	sand.u32 $0x1, s2;
	s2 =	simm.s32 $0x0;
	s7 =	smul.u32 $0x2700, s11  }
0x7: {  	s29 =	sshll.u32 s11, $0x6;
	s15 =	sadd.s32 $0x27000, s1;
	p0 =	sne.s32 s11, $0x0  }
0x8: {  	s3 =	sshll.u32 s4, $0x4;
	[smem:$0x7FF] =	sst s2;
	s10 =	ssub.s32 $0x2, s4  }
0x9: {  	s13 =	smul.u32 $0x27100, s4;
	s3 =	sor.u32 s11, s3;
	_ =	strace $0x80000047  }
0xa: {  	s9 =	sshrl.u32 s7, $0x3;
	s28 =	sshrl.u32 s10, $0x1;
	s14 =	sadd.s32 s7, s1  }
0xb: {  	s5 =	smul.u32 $0x500, s3;
	s3 =	sadd.s32 $0x13800, s6;
	s9 =	sadd.s32 s9, s6  }
0xc: {  	s10 =	ssub.s32 s10, s28;
	s7 =	sadd.s32 s7, s13;
	s30 =	sshrl.u32 s13, $0x3  }
0xd: {  	s11 =	sshrl.u32 s14, $0x3;
	s13 =	sshrl.u32 @!p0 s15, $0x3;
	s14 =	simm.s32 $0x2800  }
0xe: {  	s15 =	simm.s32 $0x50;
	s4 =	sadd.s32 $0xE800, s9;
	s31 =	sshrl.u32 s7, $0x3  }
0xf: {  	s9 =	sadd.s32 s8, s30;
	s10 =	smax.u32 s10, $0x1;
	s12 =	sadd.s32 s5, s6  }
0x10: {  	s5 =	sor.u32 $0x1C02, s29;
	s6 =	sadd.s32 $0x13600, s6;
	s8 =	sadd.s32 s8, s31  }
0x11: {  	s9 =	sadd.s32 $0x4E00, s9;
	s7 =	sadd.s32 $0x4800, s12;
	s12 =	simm.s32 $0x2  }
.LBB2_1:
0x12: {  	[spmem:s11], [sflag:s5] =	dma.local [hbm:s4], $0x4E0  }
0x13: {  	_ =	swait.ge [sflag:s12], $0x4E0  }
0x14: {  	[sflag:s12] =	ssyncset.done $0x0  }
0x15: {  	s18 =	simm.s32 @!p0 $0x2;
	[sflag:s12] =	ssyncadd.s32 $0xFFFFFB20  }
0x16: {  	[spmem:s13], [sflag:s5] =	dma.local @!p0 [hbm:s6], $0x20  }
0x17: {  	_ =	swait.ge @!p0 [sflag:s18], $0x20  }
0x18: {  	[sflag:s18] =	ssyncset.done @!p0 $0x0  }
0x19: {  	[sflag:s18] =	ssyncadd.s32 @!p0 $0xFFFFFFE0  }
0x1a: {  	[tilespmem:s14], [sflag:$0x2] =	stream.linear.gather [hbm4b:s3+s2], $0x500, $0x38;
	[tilespmem:$0x5418] =	vst v63  }
0x1b: {  	_ =	swait.ge [sflag:s12], $0x500  }
0x1c: {  	[sflag:s12] =	ssyncset.done $0x0  }
0x1d: {  	[sflag:s12] =	ssyncadd.s32 $0xFFFFFB00  }
0x1e: {  	[tilespmem:s2], [sflag:$0x2] =	stream.linear.gather [hbm4b:s7+s2], $0x2800, $0x38;
	[tilespmem:$0x5418] =	vst v63  }
0x1f: {  	_ =	swait.ge [sflag:s12], $0x2800  }
0x20: {  	[sflag:s12] =	ssyncset.done $0x0  }
0x21: {  	[sflag:s12] =	ssyncadd.s32 $0xFFFFD800  }
0x22: {  	s18 =	simm.s32 $0x0;
	[bflag:$0x0] =	sbarrier.arrive $0xFFFF  }
.LBB2_2:
0x23: {  	p1 =	sne.s32 s18, $0x9EC0  }
.Ltmp0:
0x24: {  	_ = 	snop;
	(pc) =	sbr.rel @p1 .LBB2_2-.Ltmp0, $3  }
0x25: {  	_ =	sdelay $0x1  }
0x26: {  	s19 =	sshra.s32 s18, $0x2;
	s18 =	sadd.s32 $0x140, s18  }
0x27: {  	[spmem:s1] =	stream.indirect.scatter.add.f32 [tilespmem:s14], [sflag:$0x1], $0x10, s19, s15, $0xb8;
	[tilespmem:$0x5418] =	vst v63  }
0x28: {  	_ =	swait.ge [sflag:s16], $0x500  }
0x29: {  	s18 =	simm.s32 $0x7F;
	[sflag:s16] =	ssyncset.done $0x0  }
.LBB2_4:
0x2a: {  	p1 =	sne.s32 s18, $0x1;
	s18 =	sadd.s32 $0xFFFFFFFF, s18;
	[sflag:s16] =	ssyncadd.s32 $0xFFFFFB00  }
.Ltmp1:
0x2b: {  	(pc) =	sbr.rel @p1 .LBB2_4-.Ltmp1, $3  }
0x2c: {  	_ =	sdelay $0x1  }
0x2d: {  	_ =	swait.ge [sflag:s16], $0x500  }
0x2e: {  	[sflag:s16] =	ssyncset.done $0x0  }
0x2f: {  	[sflag:s16] =	ssyncadd.s32 $0xFFFFFB00  }
0x30: {  	[bflag:$0x0] =	sbarrier.arrive $0xFFFF  }
0x31: {  	[hbm:s8], [sflag:s5] =	dma.local [spmem:s11], $0x4E0  }
0x32: {  	s17 =	sadd.s32 $0x1, s17;
	_ =	swait.ge [sflag:s12], $0x4E0  }
0x33: {  	p1 =	sne.s32 s17, s10;
	[sflag:s12] =	ssyncset.done $0x0  }
.Ltmp2:
0x34: {  	s18 =	simm.s32 @!p0 $0x2;
	[sflag:s12] =	ssyncadd.s32 $0xFFFFFB20;
	(pc) =	sbr.rel @p1 .LBB2_1-.Ltmp2, $4  }
0x35: {  	[hbm:s9], [sflag:s5] =	dma.local @!p0 [spmem:s13], $0x20  }
0x36: {  	_ =	swait.ge @!p0 [sflag:s18], $0x20  }
0x37: {  	[sflag:s18] =	ssyncset.done @!p0 $0x0  }
0x38: {  	[sflag:s18] =	ssyncadd.s32 @!p0 $0xFFFFFFE0  }
0x39: {  	_ =	sfence.sel $0x180000  }
0x3a: {  	[bflag:$0x0] =	sbarrier.arrive $0xFFFF  }
0x3b: {  	_ =	strace $0x90000047  }
0x3c: {  	s0 =	sadd.s32 @!p0 $0x100000, s0;
	[bflag:$0x2] =	sbarrier.arrive $0xFFFF  }
0x3d: {  	[sflag:s0] =	ssyncadd.tile.s32 @!p0 $0x1;
	_ =	shalt  }
.Lfunc_end2:
_tile_overlayer_lowered:
.L_overlay_start_2:
0x3e: {  	(tag) =	ssettag $0x2  }
0x3f: {  	s0 =	rddreg [dreg:$0x0];
	s2 =	stileid.u32  }
0x40: {  	s1 =	rddreg [dreg:$0x1];
	p0 =	sne.s32 s2, $0x0  }
0x41: {  	s3 =	rddreg [dreg:$0x2];
	[bflag:$0x3] =	sbarrier.arrive $0xFFFF;
	s2 =	simm.s32 @!p0 $0x1C02  }
0x42: {  	[timem:s3], [sflag:s2] =	dma.local @!p0 [hbm:s0], s1  }
0x43: {  	s0 =	simm.s32 @!p0 $0x2  }
0x44: {  	_ =	swait.ge @!p0 [sflag:s0], s1  }
0x45: {  	s1 =	ssub.s32 @!p0 $0x0, s1;
	[sflag:s0] =	ssyncset.done @!p0 $0x0  }
0x46: {  	[sflag:s0] =	ssyncadd.s32 @!p0 s1  }
0x47: {  	[bflag:$0x3] =	sbarrier.arrive $0xFFFF  }
0x48: {  	_ =	shalt  }

// kernel: kernel.15.cloned.1.call-start
scs
__scs_entry_jumppad:
0x0: {  	(pc) =	sbr.rel $0x88, $3  }
0x1: {  	(tag) =	ssettag $0x0;
	lr =	simm.s32 $0x1  }
0x2: {  	[smem:$0x3F8F] =	sst lr;
	_ =	strace $0xD0000000  }
0x3: {  	_ = 	snop  }
0x4: {  	_ = 	snop  }
0x5: {  	_ = 	snop  }
0x6: {  	_ = 	snop  }
0x7: {  	_ = 	snop  }
__scs_overlays_trampoline_lowered:
0x8: {  	[smem:$0x3F9E] =	sst s0  }
0x9: {  	[smem:$0x3F9F] =	sst s1  }
0xa: {  	[smem:$0x3FA0] =	sst s2  }
0xb: {  	[smem:$0x3FA1] =	sst s3  }
0xc: {  	[smem:$0x3FA2] =	sst s4  }
0xd: {  	[smem:$0x3FA3] =	sst s5  }
0xe: {  	[smem:$0x3FA4] =	sst s6  }
0xf: {  	[smem:$0x3FA5] =	sst s7  }
0x10: {  	[smem:$0x3FA6] =	sst s8  }
0x11: {  	[smem:$0x3FA7] =	sst s9;
	s0 =	simm.s32 @!p0 $0x0  }
0x12: {  	s1 =	sld [smem:$0x3F8D];
	s0 =	simm.s32 @p0 $0x1  }
0x13: {  	[smem:$0x3FA8] =	sst s0;
	s0 =	simm.s32 @!p1 $0x0  }
0x14: {  	s2 =	sld [smem:$0x3F8C];
	s0 =	simm.s32 @p1 $0x1  }
0x15: {  	[smem:$0x3FA9] =	sst s0;
	s0 =	simm.s32 @!p2 $0x0  }
0x16: {  	s3 =	sld [smem:$0x3FDB];
	s0 =	simm.s32 @p2 $0x1  }
0x17: {  	s4 =	simm.s32 $0x1BF5;
	[smem:$0x3FAB] =	sst s0  }
0x18: {  	s0 =	sld [smem:$0x3F8E];
	_ =	swait.ge [sflag:s4], $0x0  }
0x19: {  	s7 =	sld [smem:$0x3F8F]  }
0x1a: {  	s8 =	sadd.s32 $0xFFFFE003, lr  }
0x1b: {  	s9 =	sadd.s32 $0xFFFFFEF7, lr;
	s5 =	simm.s32 $0xFFFFFFFF;
	p2 =	slt.u32 s8, $0xFFFFF086  }
0x1c: {  	p1 =	slt.u32 s9, $0xF7A;
	s5 =	simm.s32 @!p2 $0x0  }
0x1d: {  	s5 =	simm.s32 @p1 $0x1;
	p0 =	seq.s32 s7, s2  }
0x1e: {  	s7 =	smul.u32 @!p0 $0xF7A, s2;
	p2 =	seq.s32 @!p0 s5, $0x0  }
0x1f: {  	s9 =	smul.u32 $0xF7A, s1;
	s8 =	simm.s32 @!p0 $0x1BF5;
	p2 =	por !p2, p0  }
0x20: {  	[sflag:s8] =	ssyncset.s32 @!p0 $0xFFFFF086;
	s6 =	sadd.s32 @!p0 s3, s7;
	s7 =	simm.s32 @!p0 $0x108  }
0x21: {  	s3 =	sadd.s32 s3, s9;
	s6 =	sadd.s32 @!p0 $0x88, s6;
	s7 =	simm.s32 @p2 $0x1082  }
0x22: {  	[simem:s7], [sflag:s8] =	dma.local @!p0 [hbm:s6], $0xF7A  }
0x23: {  	s9 =	sor.u32 $0xD0000000, s2;
	s6 =	simm.s32 $0x108;
	_ =	swait.ge @!p0 [sflag:s8], $0x0  }
0x24: {  	s3 =	sadd.s32 $0x88, s3;
	s6 =	simm.s32 @!p1 $0x1082;
	[sflag:s4] =	ssyncset.s32 $0xFFFFF086  }
0x25: {  	[simem:s6], [sflag:s4] =	dma.local [hbm:s3], $0xF7A  }
0x26: {  	[smem:$0x3F8F] =	sst s1;
	(tag) =	ssettag s2;
	_ =	strace s9  }
0x27: {  	s1 =	sld [smem:$0x3F9F]  }
0x28: {  	s2 =	sld [smem:$0x3FA0]  }
0x29: {  	s4 =	sld [smem:$0x3FA2]  }
0x2a: {  	p0 =	seq.s32 s5, $0x0;
	s5 =	sld [smem:$0x3FA3]  }
0x2b: {  	s6 =	sld [smem:$0x3FA4]  }
0x2c: {  	s7 =	sld [smem:$0x3FA5]  }
0x2d: {  	s3 =	simm.s32 $0x108;
	s8 =	sld [smem:$0x3FA6]  }
0x2e: {  	s3 =	simm.s32 @!p0 $0x1082;
	s9 =	sld [smem:$0x3FA7]  }
0x2f: {  	lr =	sadd.s32 s0, s3;
	s0 =	sld [smem:$0x3F9E]  }
0x30: {  	s3 =	sld [smem:$0x3FA1]  }
0x31: {  	[smem:$0x3FAA] =	sst s10  }
0x32: {  	s10 =	sld [smem:$0x3FA8];
	_ =	sdelay $0x3  }
0x33: {  	p0 =	seq.s32 s10, $0x1;
	s10 =	sld [smem:$0x3FAA];
	_ =	sdelay $0x3  }
0x34: {  	[smem:$0x3FAA] =	sst s10  }
0x35: {  	s10 =	sld [smem:$0x3FA9];
	_ =	sdelay $0x3  }
0x36: {  	p1 =	seq.s32 s10, $0x1;
	s10 =	sld [smem:$0x3FAA];
	_ =	sdelay $0x3  }
0x37: {  	[smem:$0x3FAA] =	sst s10  }
0x38: {  	s10 =	sld [smem:$0x3FAB]  }
0x39: {  	_ = 	snop;
	(pc) =	sbr.ind lr, $3  }
0x3a: {  	_ = 	snop  }
0x3b: {  	_ = 	snop  }
0x3c: {  	p2 =	seq.s32 s10, $0x1;
	s10 =	sld [smem:$0x3FAA]  }
0x3d: {  	_ =	shalt  }
0x3e: {  	_ =	shalt  }
0x3f: {  	_ =	shalt  }
0x40: {  	_ =	shalt  }
0x41: {  	_ =	shalt  }
0x42: {  	_ =	shalt  }
0x43: {  	_ =	shalt  }
0x44: {  	_ =	shalt  }
0x45: {  	_ =	shalt  }
0x46: {  	_ =	shalt  }
0x47: {  	_ =	shalt  }
0x48: {  	_ =	shalt  }
0x49: {  	_ =	shalt  }
0x4a: {  	_ =	shalt  }
0x4b: {  	_ =	shalt  }
0x4c: {  	_ =	shalt  }
0x4d: {  	_ =	shalt  }
0x4e: {  	_ =	shalt  }
0x4f: {  	_ =	shalt  }
0x50: {  	_ =	shalt  }
0x51: {  	_ =	shalt  }
0x52: {  	_ =	shalt  }
0x53: {  	_ =	shalt  }
0x54: {  	_ =	shalt  }
0x55: {  	_ =	shalt  }
0x56: {  	_ =	shalt  }
0x57: {  	_ =	shalt  }
0x58: {  	_ =	shalt  }
0x59: {  	_ =	shalt  }
0x5a: {  	_ =	shalt  }
0x5b: {  	_ =	shalt  }
0x5c: {  	_ =	shalt  }
0x5d: {  	_ =	shalt  }
0x5e: {  	_ =	shalt  }
0x5f: {  	_ =	shalt  }
0x60: {  	_ =	shalt  }
0x61: {  	_ =	shalt  }
0x62: {  	_ =	shalt  }
0x63: {  	_ =	shalt  }
0x64: {  	_ =	shalt  }
0x65: {  	_ =	shalt  }
0x66: {  	_ =	shalt  }
0x67: {  	_ =	shalt  }
0x68: {  	_ =	shalt  }
0x69: {  	_ =	shalt  }
0x6a: {  	_ =	shalt  }
0x6b: {  	_ =	shalt  }
0x6c: {  	_ =	shalt  }
0x6d: {  	_ =	shalt  }
0x6e: {  	_ =	shalt  }
0x6f: {  	_ =	shalt  }
0x70: {  	_ =	shalt  }
0x71: {  	_ =	shalt  }
0x72: {  	_ =	shalt  }
0x73: {  	_ =	shalt  }
0x74: {  	_ =	shalt  }
0x75: {  	_ =	shalt  }
0x76: {  	_ =	shalt  }
0x77: {  	_ =	shalt  }
0x78: {  	_ =	shalt  }
0x79: {  	_ =	shalt  }
0x7a: {  	_ =	shalt  }
0x7b: {  	_ =	shalt  }
0x7c: {  	_ =	shalt  }
0x7d: {  	_ =	shalt  }
0x7e: {  	_ =	shalt  }
0x7f: {  	_ =	shalt  }
0x80: {  	_ =	shalt  }
0x81: {  	_ =	shalt  }
0x82: {  	_ =	shalt  }
0x83: {  	_ =	shalt  }
0x84: {  	_ =	shalt  }
0x85: {  	_ =	shalt  }
0x86: {  	_ =	shalt  }
0x87: {  	_ =	shalt  }
.Lfunc_end0:
.L_simem_size_0:
called_computation.1_lowered:
.L_overlay_start_0:
0x88: {  	s2 =	sld [smem:$0x3FD9]  }
0x89: {  	s3 =	sld [smem:$0x3FFE];
	_ =	sdelay $0x1  }
0x8a: {  	s1 =	srdreg.scid  }
0x8b: {  	s0 =	sand.u32 $0x1, s1  }
0x8c: {  	s17 =	sshll.u32 s0, $0xA;
	s2 =	sadd.s32 s3, s2  }
0x8d: {  	s2 =	sadd.s32 s2, s17  }
0x8e: {  	[smem:$0x3FB6] =	sst s2  }
0x8f: {  	_ = 	snop  }
0x90: {  	s2 =	sld [smem:$0x3FD0];
	(tm) =	ssettm $0x1  }
0x91: {  	s18 =	sld [smem:$0x3FFB];
	_ =	sdelay $0x3  }
0x92: {  	_ =	strace s18  }
0x93: {  	s3 =	sld [smem:$0x3FFC];
	_ =	sdelay $0x3  }
0x94: {  	_ =	strace s3  }
0x95: {  	s3 =	sld [smem:$0x3FFD];
	_ =	sdelay $0x3  }
0x96: {  	_ =	strace s3  }
0x97: {  	_ =	strace $0x8FFFFFFF  }
0x98: {  	s19 =	sld [smem:$0x3FDB];
	_ =	sdelay $0x1  }
0x99: {  	s4 =	simm.s32 $_scs_section_size  }
0x9a: {  	s5 =	simm.s32 $_size__tile_overlayer_lowered;
	s6 =	simm.s32 $_tile_overlayer_lowered  }
0x9b: {  	s22 =	simm.s32 $0x1BFF;
	s21 =	sshll.u32 s6, $0x1;
	s3 =	sadd.s32 s4, s19  }
0x9c: {  	s7 =	simm.s32 $0x0;
	s20 =	sshll.u32 s5, $0x1;
	s5 =	sadd.s32 s21, s3  }
0x9d: {  	[timem:s7], [sflag:s22] =	dma.local [hbm:s5], s20  }
0x9e: {  	_ =	swait.ge [sflag:s22], s20  }
0x9f: {  	s4 =	ssub.s32 $0x0, s20;
	[sflag:s22] =	ssyncset.done $0x0  }
0xa0: {  	[sflag:s22] =	ssyncadd.s32 s4;
	_ =	sdelay $0x1  }
0xa1: {  	s23 =	simm.s32 $0x1B8B  }
0xa2: {  	_ =	swait.ge [sflag:s23], $0x1  }
0xa3: {  	[sflag:s23] =	ssyncset.done $0x0  }
0xa4: {  	s25 =	simm.s32 $0x1B8E;
	s24 =	sld [smem:$0x3FFE];
	[sflag:s23] =	ssyncadd.s32 $0xFFFFFFFF  }
0xa5: {  	s26 =	simm.s32 $execute0_lowered;
	[smem:$0x3FD2] =	sst s25  }
0xa6: {  	s5 =	sshll.u32 s26, $0x1;
	_ =	strace $0x80000049;
	[dreg:$0x1] =	wrdreg $0xFFFFFFFF  }
0xa7: {  	s28 =	simm.s32 $_size_execute0_lowered;
	s3 =	sadd.s32 s3, s5;
	[dreg:$0x0] =	wrdreg $0x0  }
0xa8: {  	s5 =	sshll.u32 s28, $0x1;
	[dreg:$0x2] =	wrdreg s3  }
0xa9: {  	[dreg:$0x3] =	wrdreg s5  }
0xaa: {  	[dreg:$0x4] =	wrdreg $0xC0  }
0xab: {  	_ =	task [dreg:s7], $0x5FFFF  }
0xac: {  	[dreg:$0x1] =	wrdreg $0xFFFFFFFF  }
0xad: {  	[dreg:$0x0] =	wrdreg $0x60  }
0xae: {  	[dreg:$0x2] =	wrdreg s2  }
0xaf: {  	[dreg:$0x3] =	wrdreg s24  }
0xb0: {  	[dreg:$0x4] =	wrdreg $0xED800  }
0xb1: {  	[dreg:$0x5] =	wrdreg $0x9  }
0xb2: {  	_ =	task.clear_ibuf [dreg:s7], $0x6FFFF;
	_ =	strace $0x90000049  }
0xb3: {  	s29 =	simm.s32 $0x9;
	_ =	strace $0x8000004B  }
0xb4: {  	_ =	swait.ge [sflag:s29], $0x1  }
0xb5: {  	[sflag:s29] =	ssyncadd.s32 $0xFFFFFFFF  }
0xb6: {  	_ =	strace $0x9000004B  }
0xb7: {  	_ =	sfence  }
0xb8: {  	s30 =	sld [smem:$0x0];
	_ =	sdelay $0x2  }
0xb9: {  	s31 =	sshll.u32 s1, $0xD;
	s1 =	sshrl.u32 s1, $0x2  }
0xba: {  	s3 =	sand.u32 $0x4000, s31;
	s1 =	sadd.s32 s1, s30  }
0xbb: {  	s0 =	sor.u32 s3, s0;
	s1 =	sshll.u32 s1, $0x11  }
0xbc: {  	s0 =	sor.u32 s1, s0  }
0xbd: {  	s0 =	sadd.s32 $0x8F2B, s0  }
0xbe: {  	[sflag:s0] =	ssyncadd.remote.s32 $0x1  }
0xbf: {  	_ =	sfence.sel $0xFFFF  }
0xc0: {  	[dreg:$0x0] =	wrdreg $0xFFFFFFFF;
	(pc) =	sbr.abs _section_cstart, $3  }
0xc1: {  	[dreg:$0x1] =	wrdreg $0xFFFFFFFF  }
0xc2: {  	_ =	task.clear_ibuf [dreg:s7], $0x2FFFF;
	_ =	strace $0x9FFFFFFF  }
0xc3: {  	(tm) =	ssettm $0x7FFFFFFF  }
tec
execute0_lowered:
.L_overlay_start_1:
0x0: {  	(tag) =	ssettag $0x1  }
0x1: {  	s0 =	rddreg [dreg:$0x0]  }
0x2: {  	s1 =	srdreg.scid;
	s6 =	rddreg [dreg:$0x1]  }
0x3: {  	s12 =	stileid.u32;
	s2 =	rddreg [dreg:$0x2];
	s3 =	simm.s32 $0x0  }
0x4: {  	s16 =	simm.s32 $0x50;
	s17 =	simm.s32 $0x9D80;
	s18 =	simm.s32 $0xB180  }
0x5: {  	s20 =	simm.s32 $0xC580;
	s22 =	simm.s32 $0xD980;
	s23 =	simm.s32 $0x1  }
0x6: {  	s28 =	simm.s32 $0x5;
	s29 =	simm.s32 $0x6;
	s30 =	simm.s32 $0x7  }
0x7: {  	s31 =	simm.s32 $0x8;
	s1 =	sand.u32 $0x1, s1;
	s7 =	smul.u32 $0x9C00, s12  }
0x8: {  	[smem:$0x7FF] =	sst s3;
	s10 =	sadd.s32 $0xD7600, s6;
	s25 =	sshll.u32 s12, $0x6  }
0x9: {  	s14 =	sadd.s32 $0x9C000, s2;
	p0 =	sne.s32 s12, $0x0;
	s4 =	sshll.u32 s1, $0x4  }
0xa: {  	_ =	strace $0x8000004A;
	s8 =	ssub.s32 $0x2, s1;
	s1 =	smul.u32 $0x9C400, s1  }
0xb: {  	s14 =	sshrl.u32 @!p0 s14, $0x3;
	s4 =	sor.u32 s12, s4;
	s5 =	sshrl.u32 s7, $0x3  }
0xc: {  	s24 =	sshrl.u32 s8, $0x1;
	s13 =	sadd.s32 s7, s2;
	s4 =	smul.u32 $0x9D8, s4  }
0xd: {  	s5 =	sadd.s32 s5, s6;
	s11 =	ssub.s32 s8, s24;
	s26 =	sadd.s32 s7, s1  }
0xe: {  	s1 =	sshrl.u32 s1, $0x3;
	s12 =	sshrl.u32 s13, $0x3;
	s13 =	simm.s32 $0x9  }
0xf: {  	s24 =	simm.s32 $0x2;
	s15 =	sshrl.u32 s26, $0x3;
	s1 =	sadd.s32 s10, s1  }
0x10: {  	s11 =	smax.u32 s11, $0x1;
	s26 =	simm.s32 $0x4;
	s9 =	sadd.s32 s4, s6  }
0x11: {  	s4 =	sadd.s32 $0x62400, s5;
	s5 =	sor.u32 $0x1C09, s25;
	s6 =	sadd.s32 $0x75C00, s6  }
0x12: {  	s25 =	simm.s32 $0x3;
	s7 =	sadd.s32 $0x13A00, s9;
	s8 =	sadd.s32 $0x27600, s9  }
0x13: {  	s9 =	sadd.s32 s10, s15;
	s10 =	sadd.s32 $0x13800, s1;
	s1 =	simm.s32 $0x0  }
.LBB2_1:
0x14: {  	[spmem:s12], [sflag:s5] =	dma.local [hbm:s4], $0x1380  }
0x15: {  	_ =	swait.ge [sflag:s13], $0x1380  }
0x16: {  	[sflag:s13] =	ssyncset.done $0x0  }
0x17: {  	s15 =	simm.s32 @!p0 $0x9;
	[sflag:s13] =	ssyncadd.s32 $0xFFFFEC80  }
0x18: {  	[spmem:s14], [sflag:s5] =	dma.local @!p0 [hbm:s6], $0x80  }
0x19: {  	_ =	swait.ge @!p0 [sflag:s15], $0x80  }
0x1a: {  	[sflag:s15] =	ssyncset.done @!p0 $0x0  }
0x1b: {  	[sflag:s15] =	ssyncadd.s32 @!p0 $0xFFFFFF80  }
0x1c: {  	[tilespmem:s3], [sflag:$0x9] =	stream.linear.gather [hbm4b:s7+s3], $0x4EC0, $0x38;
	[tilespmem:$0x189E0] =	vst v63  }
0x1d: {  	_ =	swait.ge [sflag:s13], $0x4EC0  }
0x1e: {  	[sflag:s13] =	ssyncset.done $0x0  }
0x1f: {  	s19 =	simm.s32 $0x4EC0;
	[sflag:s13] =	ssyncadd.s32 $0xFFFFB140  }
0x20: {  	[tilespmem:s19], [sflag:$0x9] =	stream.linear.gather [hbm4b:s8+s3], $0x4EC0, $0x38;
	[tilespmem:$0x189E0] =	vst v63  }
0x21: {  	_ =	swait.ge [sflag:s13], $0x4EC0  }
0x22: {  	[sflag:s13] =	ssyncset.done $0x0  }
0x23: {  	[sflag:s13] =	ssyncadd.s32 $0xFFFFB140  }
0x24: {  	[bflag:$0x0] =	sbarrier.arrive $0xFFFF  }
0x25: {  	[tilespmem:s17], [sflag:$0x1] =	stream.indirect.gather [hbm4b:s0+s16], $0x40, s3, s16, $0xb8;
	[tilespmem:$0x189E0] =	vst v63  }
0x26: {  	_ = 	snop  }
0x27: {  	[tilespmem:s18], [sflag:$0x2] =	stream.indirect.gather [hbm4b:s0+s16], $0x40, s16, s16, $0xb8;
	[tilespmem:$0x189E0] =	vst v63  }
0x28: {  	s21 =	simm.s32 $0xA0  }
0x29: {  	[tilespmem:s20], [sflag:$0x3] =	stream.indirect.gather [hbm4b:s0+s16], $0x40, s21, s16, $0xb8;
	[tilespmem:$0x189E0] =	vst v63  }
0x2a: {  	s19 =	simm.s32 $0xF0  }
0x2b: {  	[tilespmem:s22], [sflag:$0x4] =	stream.indirect.gather [hbm4b:s0+s16], $0x40, s19, s16, $0xb8;
	[tilespmem:$0x189E0] =	vst v63  }
0x2c: {  	_ =	swait.ge [sflag:s23], $0x1400  }
0x2d: {  	[sflag:s23] =	ssyncset.done $0x0  }
0x2e: {  	s21 =	simm.s32 $0x4EC0;
	[sflag:s23] =	ssyncadd.s32 $0xFFFFEC00  }
0x2f: {  	[spmem:s2] =	stream.indirect.scatter.add.f32 [tilespmem:s17], [sflag:$0x5], $0x40, s21, s16, $0xb8;
	[tilespmem:$0x189E0] =	vst v63  }
0x30: {  	_ =	swait.ge [sflag:s24], $0x1400  }
0x31: {  	[sflag:s24] =	ssyncset.done $0x0  }
0x32: {  	s19 =	simm.s32 $0x4F10;
	[sflag:s24] =	ssyncadd.s32 $0xFFFFEC00  }
0x33: {  	[spmem:s2] =	stream.indirect.scatter.add.f32 [tilespmem:s18], [sflag:$0x6], $0x40, s19, s16, $0xb8;
	[tilespmem:$0x189E0] =	vst v63  }
0x34: {  	_ =	swait.ge [sflag:s25], $0x1400  }
0x35: {  	[sflag:s25] =	ssyncset.done $0x0  }
0x36: {  	s21 =	simm.s32 $0x4F60;
	[sflag:s25] =	ssyncadd.s32 $0xFFFFEC00  }
0x37: {  	[spmem:s2] =	stream.indirect.scatter.add.f32 [tilespmem:s20], [sflag:$0x7], $0x40, s21, s16, $0xb8;
	[tilespmem:$0x189E0] =	vst v63  }
0x38: {  	_ =	swait.ge [sflag:s26], $0x1400  }
0x39: {  	[sflag:s26] =	ssyncset.done $0x0  }
0x3a: {  	s19 =	simm.s32 $0x4FB0;
	[sflag:s26] =	ssyncadd.s32 $0xFFFFEC00  }
0x3b: {  	[spmem:s2] =	stream.indirect.scatter.add.f32 [tilespmem:s22], [sflag:$0x8], $0x40, s19, s16, $0xb8;
	[tilespmem:$0x189E0] =	vst v63  }
0x3c: {  	_ =	swait.ge [sflag:s28], $0x1400  }
0x3d: {  	[sflag:s28] =	ssyncset.done $0x0  }
0x3e: {  	s21 =	simm.s32 $0x140;
	[sflag:s28] =	ssyncadd.s32 $0xFFFFEC00  }
0x3f: {  	[tilespmem:s17], [sflag:$0x1] =	stream.indirect.gather [hbm4b:s0+s16], $0x40, s21, s16, $0xb8;
	[tilespmem:$0x189E0] =	vst v63  }
0x40: {  	_ =	swait.ge [sflag:s29], $0x1400  }
0x41: {  	[sflag:s29] =	ssyncset.done $0x0  }
0x42: {  	s19 =	simm.s32 $0x190;
	[sflag:s29] =	ssyncadd.s32 $0xFFFFEC00  }
0x43: {  	[tilespmem:s18], [sflag:$0x2] =	stream.indirect.gather [hbm4b:s0+s16], $0x40, s19, s16, $0xb8;
	[tilespmem:$0x189E0] =	vst v63  }
0x44: {  	_ =	swait.ge [sflag:s30], $0x1400  }
0x45: {  	[sflag:s30] =	ssyncset.done $0x0  }
0x46: {  	s21 =	simm.s32 $0x1E0;
	[sflag:s30] =	ssyncadd.s32 $0xFFFFEC00  }
0x47: {  	[tilespmem:s20], [sflag:$0x3] =	stream.indirect.gather [hbm4b:s0+s16], $0x40, s21, s16, $0xb8;
	[tilespmem:$0x189E0] =	vst v63  }
0x48: {  	_ =	swait.ge [sflag:s31], $0x1400  }
0x49: {  	[sflag:s31] =	ssyncset.done $0x0  }
0x4a: {  	s15 =	simm.s32 $0x500;
	s19 =	simm.s32 $0x230;
	[sflag:s31] =	ssyncadd.s32 $0xFFFFEC00  }
.LBB2_2:
0x4b: {  	[tilespmem:s22], [sflag:$0x4] =	stream.indirect.gather [hbm4b:s0+s16], $0x40, s19, s16, $0xb8;
	[tilespmem:$0x189E0] =	vst v63  }
0x4c: {  	s19 =	smov.u32 s15  }
0x4d: {  	p1 =	sne.s32 s15, $0x13100;
	s15 =	sadd.s32 $0x500, s15;
	_ =	swait.ge [sflag:s23], $0x1400  }
0x4e: {  	s19 =	sshra.s32 s19, $0x2;
	[sflag:s23] =	ssyncset.done $0x0  }
0x4f: {  	s21 =	sadd.s32 $0x4EC0, s19;
	[sflag:s23] =	ssyncadd.s32 $0xFFFFEC00  }
0x50: {  	[spmem:s2] =	stream.indirect.scatter.add.f32 [tilespmem:s17], [sflag:$0x5], $0x40, s21, s16, $0xb8;
	[tilespmem:$0x189E0] =	vst v63  }
0x51: {  	_ =	swait.ge [sflag:s24], $0x1400  }
0x52: {  	[sflag:s24] =	ssyncset.done $0x0  }
0x53: {  	s21 =	sadd.s32 $0x4F10, s19;
	[sflag:s24] =	ssyncadd.s32 $0xFFFFEC00  }
0x54: {  	[spmem:s2] =	stream.indirect.scatter.add.f32 [tilespmem:s18], [sflag:$0x6], $0x40, s21, s16, $0xb8;
	[tilespmem:$0x189E0] =	vst v63  }
0x55: {  	_ =	swait.ge [sflag:s25], $0x1400  }
0x56: {  	[sflag:s25] =	ssyncset.done $0x0  }
0x57: {  	s21 =	sadd.s32 $0x4F60, s19;
	[sflag:s25] =	ssyncadd.s32 $0xFFFFEC00  }
0x58: {  	[spmem:s2] =	stream.indirect.scatter.add.f32 [tilespmem:s20], [sflag:$0x7], $0x40, s21, s16, $0xb8;
	[tilespmem:$0x189E0] =	vst v63  }
0x59: {  	_ =	swait.ge [sflag:s26], $0x1400  }
0x5a: {  	[sflag:s26] =	ssyncset.done $0x0  }
0x5b: {  	s21 =	sadd.s32 $0x4FB0, s19;
	[sflag:s26] =	ssyncadd.s32 $0xFFFFEC00  }
0x5c: {  	[spmem:s2] =	stream.indirect.scatter.add.f32 [tilespmem:s22], [sflag:$0x8], $0x40, s21, s16, $0xb8;
	[tilespmem:$0x189E0] =	vst v63  }
0x5d: {  	_ =	swait.ge [sflag:s28], $0x1400  }
0x5e: {  	[sflag:s28] =	ssyncset.done $0x0  }
0x5f: {  	s21 =	sadd.s32 $0x140, s19;
	[sflag:s28] =	ssyncadd.s32 $0xFFFFEC00  }
0x60: {  	[tilespmem:s17], [sflag:$0x1] =	stream.indirect.gather [hbm4b:s0+s16], $0x40, s21, s16, $0xb8;
	[tilespmem:$0x189E0] =	vst v63  }
0x61: {  	_ =	swait.ge [sflag:s29], $0x1400  }
0x62: {  	[sflag:s29] =	ssyncset.done $0x0  }
0x63: {  	s21 =	sadd.s32 $0x190, s19;
	[sflag:s29] =	ssyncadd.s32 $0xFFFFEC00  }
0x64: {  	[tilespmem:s18], [sflag:$0x2] =	stream.indirect.gather [hbm4b:s0+s16], $0x40, s21, s16, $0xb8;
	[tilespmem:$0x189E0] =	vst v63  }
0x65: {  	_ =	swait.ge [sflag:s30], $0x1400  }
0x66: {  	[sflag:s30] =	ssyncset.done $0x0  }
.Ltmp0:
0x67: {  	s21 =	sadd.s32 $0x1E0, s19;
	[sflag:s30] =	ssyncadd.s32 $0xFFFFEC00;
	(pc) =	sbr.rel @p1 .LBB2_2-.Ltmp0, $4  }
0x68: {  	[tilespmem:s20], [sflag:$0x3] =	stream.indirect.gather [hbm4b:s0+s16], $0x40, s21, s16, $0xb8;
	[tilespmem:$0x189E0] =	vst v63  }
0x69: {  	_ =	swait.ge [sflag:s31], $0x1400  }
0x6a: {  	[sflag:s31] =	ssyncset.done $0x0  }
0x6b: {  	s19 =	sadd.s32 $0x230, s19;
	[sflag:s31] =	ssyncadd.s32 $0xFFFFEC00  }
0x6c: {  	[tilespmem:s22], [sflag:$0x4] =	stream.indirect.gather [hbm4b:s0+s16], $0x40, s19, s16, $0xb8;
	[tilespmem:$0x189E0] =	vst v63  }
0x6d: {  	_ =	swait.ge [sflag:s23], $0x1400  }
0x6e: {  	[sflag:s23] =	ssyncset.done $0x0  }
0x6f: {  	s15 =	simm.s32 $0x9C40;
	[sflag:s23] =	ssyncadd.s32 $0xFFFFEC00  }
0x70: {  	[spmem:s2] =	stream.indirect.scatter.add.f32 [tilespmem:s17], [sflag:$0x5], $0x40, s15, s16, $0xb8;
	[tilespmem:$0x189E0] =	vst v63  }
0x71: {  	_ =	swait.ge [sflag:s24], $0x1400  }
0x72: {  	[sflag:s24] =	ssyncset.done $0x0  }
0x73: {  	s21 =	simm.s32 $0x9C90;
	[sflag:s24] =	ssyncadd.s32 $0xFFFFEC00  }
0x74: {  	[spmem:s2] =	stream.indirect.scatter.add.f32 [tilespmem:s18], [sflag:$0x6], $0x40, s21, s16, $0xb8;
	[tilespmem:$0x189E0] =	vst v63  }
0x75: {  	_ =	swait.ge [sflag:s25], $0x1400  }
0x76: {  	[sflag:s25] =	ssyncset.done $0x0  }
0x77: {  	s19 =	simm.s32 $0x9CE0;
	[sflag:s25] =	ssyncadd.s32 $0xFFFFEC00  }
0x78: {  	[spmem:s2] =	stream.indirect.scatter.add.f32 [tilespmem:s20], [sflag:$0x7], $0x40, s19, s16, $0xb8;
	[tilespmem:$0x189E0] =	vst v63  }
0x79: {  	_ =	swait.ge [sflag:s26], $0x1400  }
0x7a: {  	[sflag:s26] =	ssyncset.done $0x0  }
0x7b: {  	s21 =	simm.s32 $0x9D30;
	[sflag:s26] =	ssyncadd.s32 $0xFFFFEC00  }
0x7c: {  	[spmem:s2] =	stream.indirect.scatter.add.f32 [tilespmem:s22], [sflag:$0x8], $0x40, s21, s16, $0xb8;
	[tilespmem:$0x189E0] =	vst v63  }
0x7d: {  	_ =	swait.ge [sflag:s28], $0x1400  }
0x7e: {  	[sflag:s28] =	ssyncset.done $0x0  }
0x7f: {  	[sflag:s28] =	ssyncadd.s32 $0xFFFFEC00  }
0x80: {  	_ =	swait.ge [sflag:s29], $0x1400  }
0x81: {  	[sflag:s29] =	ssyncset.done $0x0  }
0x82: {  	[sflag:s29] =	ssyncadd.s32 $0xFFFFEC00  }
0x83: {  	_ =	swait.ge [sflag:s30], $0x1400  }
0x84: {  	[sflag:s30] =	ssyncset.done $0x0  }
0x85: {  	[sflag:s30] =	ssyncadd.s32 $0xFFFFEC00  }
0x86: {  	_ =	swait.ge [sflag:s31], $0x1400  }
0x87: {  	[sflag:s31] =	ssyncset.done $0x0  }
0x88: {  	[sflag:s31] =	ssyncadd.s32 $0xFFFFEC00  }
0x89: {  	[bflag:$0x0] =	sbarrier.arrive $0xFFFF  }
0x8a: {  	[hbm:s9], [sflag:s5] =	dma.local [spmem:s12], $0x1380  }
0x8b: {  	s1 =	sadd.s32 $0x1, s1;
	_ =	swait.ge [sflag:s13], $0x1380  }
0x8c: {  	p1 =	sne.s32 s1, s11;
	[sflag:s13] =	ssyncset.done $0x0  }
.Ltmp1:
0x8d: {  	s15 =	simm.s32 @!p0 $0x9;
	[sflag:s13] =	ssyncadd.s32 $0xFFFFEC80;
	(pc) =	sbr.rel @p1 .LBB2_1-.Ltmp1, $4  }
0x8e: {  	[hbm:s10], [sflag:s5] =	dma.local @!p0 [spmem:s14], $0x80  }
0x8f: {  	_ =	swait.ge @!p0 [sflag:s15], $0x80  }
0x90: {  	[sflag:s15] =	ssyncset.done @!p0 $0x0  }
0x91: {  	[sflag:s15] =	ssyncadd.s32 @!p0 $0xFFFFFF80  }
0x92: {  	_ =	sfence.sel $0x180000  }
0x93: {  	[bflag:$0x0] =	sbarrier.arrive $0xFFFF  }
0x94: {  	_ =	strace $0x9000004A  }
0x95: {  	[bflag:$0x2] =	sbarrier.arrive $0xFFFF  }
0x96: {  	s0 =	rddreg [dreg:$0x3]  }
0x97: {  	s0 =	sadd.s32 @!p0 $0x100000, s0  }
0x98: {  	[sflag:s0] =	ssyncadd.tile.s32 @!p0 $0x1;
	_ =	shalt  }
.Lfunc_end2:
_tile_overlayer_lowered:
.L_overlay_start_2:
0x99: {  	(tag) =	ssettag $0x2  }
0x9a: {  	s0 =	rddreg [dreg:$0x0];
	s2 =	stileid.u32  }
0x9b: {  	s1 =	rddreg [dreg:$0x1];
	p0 =	sne.s32 s2, $0x0  }
0x9c: {  	s3 =	rddreg [dreg:$0x2];
	[bflag:$0x3] =	sbarrier.arrive $0xFFFF;
	s2 =	simm.s32 @!p0 $0x1C09  }
0x9d: {  	[timem:s3], [sflag:s2] =	dma.local @!p0 [hbm:s0], s1  }
0x9e: {  	s0 =	simm.s32 @!p0 $0x9  }
0x9f: {  	_ =	swait.ge @!p0 [sflag:s0], s1  }
0xa0: {  	s1 =	ssub.s32 @!p0 $0x0, s1;
	[sflag:s0] =	ssyncset.done @!p0 $0x0  }
0xa1: {  	[sflag:s0] =	ssyncadd.s32 @!p0 s1  }
0xa2: {  	[bflag:$0x3] =	sbarrier.arrive $0xFFFF  }
0xa3: {  	_ =	shalt  }

// kernel: kernel.18.cloned.1.call-start
scs
__scs_entry_jumppad:
0x0: {  	(pc) =	sbr.rel $0x88, $3  }
0x1: {  	(tag) =	ssettag $0x0;
	lr =	simm.s32 $0x1  }
0x2: {  	[smem:$0x3F8F] =	sst lr;
	_ =	strace $0xD0000000  }
0x3: {  	_ = 	snop  }
0x4: {  	_ = 	snop  }
0x5: {  	_ = 	snop  }
0x6: {  	_ = 	snop  }
0x7: {  	_ = 	snop  }
__scs_overlays_trampoline_lowered:
0x8: {  	[smem:$0x3F9E] =	sst s0  }
0x9: {  	[smem:$0x3F9F] =	sst s1  }
0xa: {  	[smem:$0x3FA0] =	sst s2  }
0xb: {  	[smem:$0x3FA1] =	sst s3  }
0xc: {  	[smem:$0x3FA2] =	sst s4  }
0xd: {  	[smem:$0x3FA3] =	sst s5  }
0xe: {  	[smem:$0x3FA4] =	sst s6  }
0xf: {  	[smem:$0x3FA5] =	sst s7  }
0x10: {  	[smem:$0x3FA6] =	sst s8  }
0x11: {  	[smem:$0x3FA7] =	sst s9;
	s0 =	simm.s32 @!p0 $0x0  }
0x12: {  	s1 =	sld [smem:$0x3F8D];
	s0 =	simm.s32 @p0 $0x1  }
0x13: {  	[smem:$0x3FA8] =	sst s0;
	s0 =	simm.s32 @!p1 $0x0  }
0x14: {  	s2 =	sld [smem:$0x3F8C];
	s0 =	simm.s32 @p1 $0x1  }
0x15: {  	[smem:$0x3FA9] =	sst s0;
	s0 =	simm.s32 @!p2 $0x0  }
0x16: {  	s3 =	sld [smem:$0x3FDB];
	s0 =	simm.s32 @p2 $0x1  }
0x17: {  	s4 =	simm.s32 $0x1BF5;
	[smem:$0x3FAB] =	sst s0  }
0x18: {  	s0 =	sld [smem:$0x3F8E];
	_ =	swait.ge [sflag:s4], $0x0  }
0x19: {  	s7 =	sld [smem:$0x3F8F]  }
0x1a: {  	s8 =	sadd.s32 $0xFFFFE003, lr  }
0x1b: {  	s9 =	sadd.s32 $0xFFFFFEF7, lr;
	s5 =	simm.s32 $0xFFFFFFFF;
	p2 =	slt.u32 s8, $0xFFFFF086  }
0x1c: {  	p1 =	slt.u32 s9, $0xF7A;
	s5 =	simm.s32 @!p2 $0x0  }
0x1d: {  	s5 =	simm.s32 @p1 $0x1;
	p0 =	seq.s32 s7, s2  }
0x1e: {  	s7 =	smul.u32 @!p0 $0xF7A, s2;
	p2 =	seq.s32 @!p0 s5, $0x0  }
0x1f: {  	s9 =	smul.u32 $0xF7A, s1;
	s8 =	simm.s32 @!p0 $0x1BF5;
	p2 =	por !p2, p0  }
0x20: {  	[sflag:s8] =	ssyncset.s32 @!p0 $0xFFFFF086;
	s6 =	sadd.s32 @!p0 s3, s7;
	s7 =	simm.s32 @!p0 $0x108  }
0x21: {  	s3 =	sadd.s32 s3, s9;
	s6 =	sadd.s32 @!p0 $0x88, s6;
	s7 =	simm.s32 @p2 $0x1082  }
0x22: {  	[simem:s7], [sflag:s8] =	dma.local @!p0 [hbm:s6], $0xF7A  }
0x23: {  	s9 =	sor.u32 $0xD0000000, s2;
	s6 =	simm.s32 $0x108;
	_ =	swait.ge @!p0 [sflag:s8], $0x0  }
0x24: {  	s3 =	sadd.s32 $0x88, s3;
	s6 =	simm.s32 @!p1 $0x1082;
	[sflag:s4] =	ssyncset.s32 $0xFFFFF086  }
0x25: {  	[simem:s6], [sflag:s4] =	dma.local [hbm:s3], $0xF7A  }
0x26: {  	[smem:$0x3F8F] =	sst s1;
	(tag) =	ssettag s2;
	_ =	strace s9  }
0x27: {  	s1 =	sld [smem:$0x3F9F]  }
0x28: {  	s2 =	sld [smem:$0x3FA0]  }
0x29: {  	s4 =	sld [smem:$0x3FA2]  }
0x2a: {  	p0 =	seq.s32 s5, $0x0;
	s5 =	sld [smem:$0x3FA3]  }
0x2b: {  	s6 =	sld [smem:$0x3FA4]  }
0x2c: {  	s7 =	sld [smem:$0x3FA5]  }
0x2d: {  	s3 =	simm.s32 $0x108;
	s8 =	sld [smem:$0x3FA6]  }
0x2e: {  	s3 =	simm.s32 @!p0 $0x1082;
	s9 =	sld [smem:$0x3FA7]  }
0x2f: {  	lr =	sadd.s32 s0, s3;
	s0 =	sld [smem:$0x3F9E]  }
0x30: {  	s3 =	sld [smem:$0x3FA1]  }
0x31: {  	[smem:$0x3FAA] =	sst s10  }
0x32: {  	s10 =	sld [smem:$0x3FA8];
	_ =	sdelay $0x3  }
0x33: {  	p0 =	seq.s32 s10, $0x1;
	s10 =	sld [smem:$0x3FAA];
	_ =	sdelay $0x3  }
0x34: {  	[smem:$0x3FAA] =	sst s10  }
0x35: {  	s10 =	sld [smem:$0x3FA9];
	_ =	sdelay $0x3  }
0x36: {  	p1 =	seq.s32 s10, $0x1;
	s10 =	sld [smem:$0x3FAA];
	_ =	sdelay $0x3  }
0x37: {  	[smem:$0x3FAA] =	sst s10  }
0x38: {  	s10 =	sld [smem:$0x3FAB]  }
0x39: {  	_ = 	snop;
	(pc) =	sbr.ind lr, $3  }
0x3a: {  	_ = 	snop  }
0x3b: {  	_ = 	snop  }
0x3c: {  	p2 =	seq.s32 s10, $0x1;
	s10 =	sld [smem:$0x3FAA]  }
0x3d: {  	_ =	shalt  }
0x3e: {  	_ =	shalt  }
0x3f: {  	_ =	shalt  }
0x40: {  	_ =	shalt  }
0x41: {  	_ =	shalt  }
0x42: {  	_ =	shalt  }
0x43: {  	_ =	shalt  }
0x44: {  	_ =	shalt  }
0x45: {  	_ =	shalt  }
0x46: {  	_ =	shalt  }
0x47: {  	_ =	shalt  }
0x48: {  	_ =	shalt  }
0x49: {  	_ =	shalt  }
0x4a: {  	_ =	shalt  }
0x4b: {  	_ =	shalt  }
0x4c: {  	_ =	shalt  }
0x4d: {  	_ =	shalt  }
0x4e: {  	_ =	shalt  }
0x4f: {  	_ =	shalt  }
0x50: {  	_ =	shalt  }
0x51: {  	_ =	shalt  }
0x52: {  	_ =	shalt  }
0x53: {  	_ =	shalt  }
0x54: {  	_ =	shalt  }
0x55: {  	_ =	shalt  }
0x56: {  	_ =	shalt  }
0x57: {  	_ =	shalt  }
0x58: {  	_ =	shalt  }
0x59: {  	_ =	shalt  }
0x5a: {  	_ =	shalt  }
0x5b: {  	_ =	shalt  }
0x5c: {  	_ =	shalt  }
0x5d: {  	_ =	shalt  }
0x5e: {  	_ =	shalt  }
0x5f: {  	_ =	shalt  }
0x60: {  	_ =	shalt  }
0x61: {  	_ =	shalt  }
0x62: {  	_ =	shalt  }
0x63: {  	_ =	shalt  }
0x64: {  	_ =	shalt  }
0x65: {  	_ =	shalt  }
0x66: {  	_ =	shalt  }
0x67: {  	_ =	shalt  }
0x68: {  	_ =	shalt  }
0x69: {  	_ =	shalt  }
0x6a: {  	_ =	shalt  }
0x6b: {  	_ =	shalt  }
0x6c: {  	_ =	shalt  }
0x6d: {  	_ =	shalt  }
0x6e: {  	_ =	shalt  }
0x6f: {  	_ =	shalt  }
0x70: {  	_ =	shalt  }
0x71: {  	_ =	shalt  }
0x72: {  	_ =	shalt  }
0x73: {  	_ =	shalt  }
0x74: {  	_ =	shalt  }
0x75: {  	_ =	shalt  }
0x76: {  	_ =	shalt  }
0x77: {  	_ =	shalt  }
0x78: {  	_ =	shalt  }
0x79: {  	_ =	shalt  }
0x7a: {  	_ =	shalt  }
0x7b: {  	_ =	shalt  }
0x7c: {  	_ =	shalt  }
0x7d: {  	_ =	shalt  }
0x7e: {  	_ =	shalt  }
0x7f: {  	_ =	shalt  }
0x80: {  	_ =	shalt  }
0x81: {  	_ =	shalt  }
0x82: {  	_ =	shalt  }
0x83: {  	_ =	shalt  }
0x84: {  	_ =	shalt  }
0x85: {  	_ =	shalt  }
0x86: {  	_ =	shalt  }
0x87: {  	_ =	shalt  }
.Lfunc_end0:
.L_simem_size_0:
called_computation.2_lowered:
.L_overlay_start_0:
0x88: {  	s2 =	sld [smem:$0x3FD9]  }
0x89: {  	s3 =	sld [smem:$0x3FFE];
	_ =	sdelay $0x1  }
0x8a: {  	s1 =	srdreg.scid  }
0x8b: {  	s0 =	sand.u32 $0x1, s1  }
0x8c: {  	s17 =	sshll.u32 s0, $0xA;
	s2 =	sadd.s32 s3, s2  }
0x8d: {  	s2 =	sadd.s32 s2, s17  }
0x8e: {  	[smem:$0x3FB6] =	sst s2  }
0x8f: {  	_ = 	snop  }
0x90: {  	s2 =	sld [smem:$0x3FD0];
	(tm) =	ssettm $0x1  }
0x91: {  	s18 =	sld [smem:$0x3FFB];
	_ =	sdelay $0x3  }
0x92: {  	_ =	strace s18  }
0x93: {  	s3 =	sld [smem:$0x3FFC];
	_ =	sdelay $0x3  }
0x94: {  	_ =	strace s3  }
0x95: {  	s3 =	sld [smem:$0x3FFD];
	_ =	sdelay $0x3  }
0x96: {  	_ =	strace s3  }
0x97: {  	_ =	strace $0x8FFFFFFF  }
0x98: {  	s19 =	sld [smem:$0x3FDB];
	_ =	sdelay $0x1  }
0x99: {  	s4 =	simm.s32 $_scs_section_size  }
0x9a: {  	s5 =	simm.s32 $_size__tile_overlayer_lowered;
	s6 =	simm.s32 $_tile_overlayer_lowered  }
0x9b: {  	s22 =	simm.s32 $0x1BFF;
	s21 =	sshll.u32 s6, $0x1;
	s3 =	sadd.s32 s4, s19  }
0x9c: {  	s7 =	simm.s32 $0x0;
	s20 =	sshll.u32 s5, $0x1;
	s5 =	sadd.s32 s21, s3  }
0x9d: {  	[timem:s7], [sflag:s22] =	dma.local [hbm:s5], s20  }
0x9e: {  	_ =	swait.ge [sflag:s22], s20  }
0x9f: {  	s4 =	ssub.s32 $0x0, s20;
	[sflag:s22] =	ssyncset.done $0x0  }
0xa0: {  	[sflag:s22] =	ssyncadd.s32 s4;
	_ =	sdelay $0x1  }
0xa1: {  	s23 =	simm.s32 $0x1B8B  }
0xa2: {  	_ =	swait.ge [sflag:s23], $0x1  }
0xa3: {  	[sflag:s23] =	ssyncset.done $0x0  }
0xa4: {  	s25 =	simm.s32 $0x1B8E;
	s24 =	sld [smem:$0x3FFE];
	[sflag:s23] =	ssyncadd.s32 $0xFFFFFFFF  }
0xa5: {  	s26 =	simm.s32 $execute0_lowered;
	[smem:$0x3FD2] =	sst s25  }
0xa6: {  	s5 =	sshll.u32 s26, $0x1;
	_ =	strace $0x8000004C;
	[dreg:$0x1] =	wrdreg $0xFFFFFFFF  }
0xa7: {  	s28 =	simm.s32 $_size_execute0_lowered;
	s3 =	sadd.s32 s3, s5;
	[dreg:$0x0] =	wrdreg $0x0  }
0xa8: {  	s5 =	sshll.u32 s28, $0x1;
	[dreg:$0x2] =	wrdreg s3  }
0xa9: {  	[dreg:$0x3] =	wrdreg s5  }
0xaa: {  	[dreg:$0x4] =	wrdreg $0xC0  }
0xab: {  	_ =	task [dreg:s7], $0x5FFFF  }
0xac: {  	[dreg:$0x1] =	wrdreg $0xFFFFFFFF  }
0xad: {  	[dreg:$0x0] =	wrdreg $0x60  }
0xae: {  	[dreg:$0x2] =	wrdreg s2  }
0xaf: {  	[dreg:$0x3] =	wrdreg s24  }
0xb0: {  	[dreg:$0x4] =	wrdreg $0xED800  }
0xb1: {  	[dreg:$0x5] =	wrdreg $0x9  }
0xb2: {  	_ =	task.clear_ibuf [dreg:s7], $0x6FFFF;
	_ =	strace $0x9000004C  }
0xb3: {  	s29 =	simm.s32 $0x9;
	_ =	strace $0x8000004E  }
0xb4: {  	_ =	swait.ge [sflag:s29], $0x1  }
0xb5: {  	[sflag:s29] =	ssyncadd.s32 $0xFFFFFFFF  }
0xb6: {  	_ =	strace $0x9000004E  }
0xb7: {  	_ =	sfence  }
0xb8: {  	s30 =	sld [smem:$0x0];
	_ =	sdelay $0x2  }
0xb9: {  	s31 =	sshll.u32 s1, $0xD;
	s1 =	sshrl.u32 s1, $0x2  }
0xba: {  	s3 =	sand.u32 $0x4000, s31;
	s1 =	sadd.s32 s1, s30  }
0xbb: {  	s0 =	sor.u32 s3, s0;
	s1 =	sshll.u32 s1, $0x11  }
0xbc: {  	s0 =	sor.u32 s1, s0  }
0xbd: {  	s0 =	sadd.s32 $0x8F2B, s0  }
0xbe: {  	[sflag:s0] =	ssyncadd.remote.s32 $0x1  }
0xbf: {  	_ =	sfence.sel $0xFFFF  }
0xc0: {  	[dreg:$0x0] =	wrdreg $0xFFFFFFFF;
	(pc) =	sbr.abs _section_cstart, $3  }
0xc1: {  	[dreg:$0x1] =	wrdreg $0xFFFFFFFF  }
0xc2: {  	_ =	task.clear_ibuf [dreg:s7], $0x2FFFF;
	_ =	strace $0x9FFFFFFF  }
0xc3: {  	(tm) =	ssettm $0x7FFFFFFF  }
tec
execute0_lowered:
.L_overlay_start_1:
0x0: {  	(tag) =	ssettag $0x1  }
0x1: {  	s0 =	rddreg [dreg:$0x0]  }
0x2: {  	s1 =	srdreg.scid;
	s6 =	rddreg [dreg:$0x1]  }
0x3: {  	s12 =	stileid.u32;
	s2 =	rddreg [dreg:$0x2];
	s3 =	simm.s32 $0x0  }
0x4: {  	s16 =	simm.s32 $0x50;
	s17 =	simm.s32 $0x9D80;
	s18 =	simm.s32 $0xB180  }
0x5: {  	s20 =	simm.s32 $0xC580;
	s22 =	simm.s32 $0xD980;
	s23 =	simm.s32 $0x1  }
0x6: {  	s28 =	simm.s32 $0x5;
	s29 =	simm.s32 $0x6;
	s30 =	simm.s32 $0x7  }
0x7: {  	s31 =	simm.s32 $0x8;
	s1 =	sand.u32 $0x1, s1;
	s7 =	smul.u32 $0x9C00, s12  }
0x8: {  	[smem:$0x7FF] =	sst s3;
	s10 =	sadd.s32 $0xC4000, s6;
	s25 =	sshll.u32 s12, $0x6  }
0x9: {  	s14 =	sadd.s32 $0x9C000, s2;
	p0 =	sne.s32 s12, $0x0;
	s4 =	sshll.u32 s1, $0x4  }
0xa: {  	_ =	strace $0x8000004D;
	s8 =	ssub.s32 $0x2, s1;
	s1 =	smul.u32 $0x9C400, s1  }
0xb: {  	s14 =	sshrl.u32 @!p0 s14, $0x3;
	s4 =	sor.u32 s12, s4;
	s5 =	sshrl.u32 s7, $0x3  }
0xc: {  	s24 =	sshrl.u32 s8, $0x1;
	s13 =	sadd.s32 s7, s2;
	s4 =	smul.u32 $0x9D8, s4  }
0xd: {  	s5 =	sadd.s32 s5, s6;
	s11 =	ssub.s32 s8, s24;
	s26 =	sadd.s32 s7, s1  }
0xe: {  	s1 =	sshrl.u32 s1, $0x3;
	s12 =	sshrl.u32 s13, $0x3;
	s13 =	simm.s32 $0x9  }
0xf: {  	s24 =	simm.s32 $0x2;
	s15 =	sshrl.u32 s26, $0x3;
	s1 =	sadd.s32 s10, s1  }
0x10: {  	s11 =	smax.u32 s11, $0x1;
	s26 =	simm.s32 $0x4;
	s9 =	sadd.s32 s4, s6  }
0x11: {  	s4 =	sadd.s32 $0x62400, s5;
	s5 =	sor.u32 $0x1C09, s25;
	s6 =	sadd.s32 $0x75C00, s6  }
0x12: {  	s25 =	simm.s32 $0x3;
	s7 =	sadd.s32 $0x13A00, s9;
	s8 =	sadd.s32 $0x27600, s9  }
0x13: {  	s9 =	sadd.s32 s10, s15;
	s10 =	sadd.s32 $0x13800, s1;
	s1 =	simm.s32 $0x0  }
.LBB2_1:
0x14: {  	[spmem:s12], [sflag:s5] =	dma.local [hbm:s4], $0x1380  }
0x15: {  	_ =	swait.ge [sflag:s13], $0x1380  }
0x16: {  	[sflag:s13] =	ssyncset.done $0x0  }
0x17: {  	s15 =	simm.s32 @!p0 $0x9;
	[sflag:s13] =	ssyncadd.s32 $0xFFFFEC80  }
0x18: {  	[spmem:s14], [sflag:s5] =	dma.local @!p0 [hbm:s6], $0x80  }
0x19: {  	_ =	swait.ge @!p0 [sflag:s15], $0x80  }
0x1a: {  	[sflag:s15] =	ssyncset.done @!p0 $0x0  }
0x1b: {  	[sflag:s15] =	ssyncadd.s32 @!p0 $0xFFFFFF80  }
0x1c: {  	[tilespmem:s3], [sflag:$0x9] =	stream.linear.gather [hbm4b:s7+s3], $0x4EC0, $0x38;
	[tilespmem:$0x189E0] =	vst v63  }
0x1d: {  	_ =	swait.ge [sflag:s13], $0x4EC0  }
0x1e: {  	[sflag:s13] =	ssyncset.done $0x0  }
0x1f: {  	s19 =	simm.s32 $0x4EC0;
	[sflag:s13] =	ssyncadd.s32 $0xFFFFB140  }
0x20: {  	[tilespmem:s19], [sflag:$0x9] =	stream.linear.gather [hbm4b:s8+s3], $0x4EC0, $0x38;
	[tilespmem:$0x189E0] =	vst v63  }
0x21: {  	_ =	swait.ge [sflag:s13], $0x4EC0  }
0x22: {  	[sflag:s13] =	ssyncset.done $0x0  }
0x23: {  	[sflag:s13] =	ssyncadd.s32 $0xFFFFB140  }
0x24: {  	[bflag:$0x0] =	sbarrier.arrive $0xFFFF  }
0x25: {  	[tilespmem:s17], [sflag:$0x1] =	stream.indirect.gather [hbm4b:s0+s16], $0x40, s3, s16, $0xb8;
	[tilespmem:$0x189E0] =	vst v63  }
0x26: {  	_ = 	snop  }
0x27: {  	[tilespmem:s18], [sflag:$0x2] =	stream.indirect.gather [hbm4b:s0+s16], $0x40, s16, s16, $0xb8;
	[tilespmem:$0x189E0] =	vst v63  }
0x28: {  	s21 =	simm.s32 $0xA0  }
0x29: {  	[tilespmem:s20], [sflag:$0x3] =	stream.indirect.gather [hbm4b:s0+s16], $0x40, s21, s16, $0xb8;
	[tilespmem:$0x189E0] =	vst v63  }
0x2a: {  	s19 =	simm.s32 $0xF0  }
0x2b: {  	[tilespmem:s22], [sflag:$0x4] =	stream.indirect.gather [hbm4b:s0+s16], $0x40, s19, s16, $0xb8;
	[tilespmem:$0x189E0] =	vst v63  }
0x2c: {  	_ =	swait.ge [sflag:s23], $0x1400  }
0x2d: {  	[sflag:s23] =	ssyncset.done $0x0  }
0x2e: {  	s21 =	simm.s32 $0x4EC0;
	[sflag:s23] =	ssyncadd.s32 $0xFFFFEC00  }
0x2f: {  	[spmem:s2] =	stream.indirect.scatter.add.f32 [tilespmem:s17], [sflag:$0x5], $0x40, s21, s16, $0xb8;
	[tilespmem:$0x189E0] =	vst v63  }
0x30: {  	_ =	swait.ge [sflag:s24], $0x1400  }
0x31: {  	[sflag:s24] =	ssyncset.done $0x0  }
0x32: {  	s19 =	simm.s32 $0x4F10;
	[sflag:s24] =	ssyncadd.s32 $0xFFFFEC00  }
0x33: {  	[spmem:s2] =	stream.indirect.scatter.add.f32 [tilespmem:s18], [sflag:$0x6], $0x40, s19, s16, $0xb8;
	[tilespmem:$0x189E0] =	vst v63  }
0x34: {  	_ =	swait.ge [sflag:s25], $0x1400  }
0x35: {  	[sflag:s25] =	ssyncset.done $0x0  }
0x36: {  	s21 =	simm.s32 $0x4F60;
	[sflag:s25] =	ssyncadd.s32 $0xFFFFEC00  }
0x37: {  	[spmem:s2] =	stream.indirect.scatter.add.f32 [tilespmem:s20], [sflag:$0x7], $0x40, s21, s16, $0xb8;
	[tilespmem:$0x189E0] =	vst v63  }
0x38: {  	_ =	swait.ge [sflag:s26], $0x1400  }
0x39: {  	[sflag:s26] =	ssyncset.done $0x0  }
0x3a: {  	s19 =	simm.s32 $0x4FB0;
	[sflag:s26] =	ssyncadd.s32 $0xFFFFEC00  }
0x3b: {  	[spmem:s2] =	stream.indirect.scatter.add.f32 [tilespmem:s22], [sflag:$0x8], $0x40, s19, s16, $0xb8;
	[tilespmem:$0x189E0] =	vst v63  }
0x3c: {  	_ =	swait.ge [sflag:s28], $0x1400  }
0x3d: {  	[sflag:s28] =	ssyncset.done $0x0  }
0x3e: {  	s21 =	simm.s32 $0x140;
	[sflag:s28] =	ssyncadd.s32 $0xFFFFEC00  }
0x3f: {  	[tilespmem:s17], [sflag:$0x1] =	stream.indirect.gather [hbm4b:s0+s16], $0x40, s21, s16, $0xb8;
	[tilespmem:$0x189E0] =	vst v63  }
0x40: {  	_ =	swait.ge [sflag:s29], $0x1400  }
0x41: {  	[sflag:s29] =	ssyncset.done $0x0  }
0x42: {  	s19 =	simm.s32 $0x190;
	[sflag:s29] =	ssyncadd.s32 $0xFFFFEC00  }
0x43: {  	[tilespmem:s18], [sflag:$0x2] =	stream.indirect.gather [hbm4b:s0+s16], $0x40, s19, s16, $0xb8;
	[tilespmem:$0x189E0] =	vst v63  }
0x44: {  	_ =	swait.ge [sflag:s30], $0x1400  }
0x45: {  	[sflag:s30] =	ssyncset.done $0x0  }
0x46: {  	s21 =	simm.s32 $0x1E0;
	[sflag:s30] =	ssyncadd.s32 $0xFFFFEC00  }
0x47: {  	[tilespmem:s20], [sflag:$0x3] =	stream.indirect.gather [hbm4b:s0+s16], $0x40, s21, s16, $0xb8;
	[tilespmem:$0x189E0] =	vst v63  }
0x48: {  	_ =	swait.ge [sflag:s31], $0x1400  }
0x49: {  	[sflag:s31] =	ssyncset.done $0x0  }
0x4a: {  	s15 =	simm.s32 $0x500;
	s19 =	simm.s32 $0x230;
	[sflag:s31] =	ssyncadd.s32 $0xFFFFEC00  }
.LBB2_2:
0x4b: {  	[tilespmem:s22], [sflag:$0x4] =	stream.indirect.gather [hbm4b:s0+s16], $0x40, s19, s16, $0xb8;
	[tilespmem:$0x189E0] =	vst v63  }
0x4c: {  	s19 =	smov.u32 s15  }
0x4d: {  	p1 =	sne.s32 s15, $0x13100;
	s15 =	sadd.s32 $0x500, s15;
	_ =	swait.ge [sflag:s23], $0x1400  }
0x4e: {  	s19 =	sshra.s32 s19, $0x2;
	[sflag:s23] =	ssyncset.done $0x0  }
0x4f: {  	s21 =	sadd.s32 $0x4EC0, s19;
	[sflag:s23] =	ssyncadd.s32 $0xFFFFEC00  }
0x50: {  	[spmem:s2] =	stream.indirect.scatter.add.f32 [tilespmem:s17], [sflag:$0x5], $0x40, s21, s16, $0xb8;
	[tilespmem:$0x189E0] =	vst v63  }
0x51: {  	_ =	swait.ge [sflag:s24], $0x1400  }
0x52: {  	[sflag:s24] =	ssyncset.done $0x0  }
0x53: {  	s21 =	sadd.s32 $0x4F10, s19;
	[sflag:s24] =	ssyncadd.s32 $0xFFFFEC00  }
0x54: {  	[spmem:s2] =	stream.indirect.scatter.add.f32 [tilespmem:s18], [sflag:$0x6], $0x40, s21, s16, $0xb8;
	[tilespmem:$0x189E0] =	vst v63  }
0x55: {  	_ =	swait.ge [sflag:s25], $0x1400  }
0x56: {  	[sflag:s25] =	ssyncset.done $0x0  }
0x57: {  	s21 =	sadd.s32 $0x4F60, s19;
	[sflag:s25] =	ssyncadd.s32 $0xFFFFEC00  }
0x58: {  	[spmem:s2] =	stream.indirect.scatter.add.f32 [tilespmem:s20], [sflag:$0x7], $0x40, s21, s16, $0xb8;
	[tilespmem:$0x189E0] =	vst v63  }
0x59: {  	_ =	swait.ge [sflag:s26], $0x1400  }
0x5a: {  	[sflag:s26] =	ssyncset.done $0x0  }
0x5b: {  	s21 =	sadd.s32 $0x4FB0, s19;
	[sflag:s26] =	ssyncadd.s32 $0xFFFFEC00  }
0x5c: {  	[spmem:s2] =	stream.indirect.scatter.add.f32 [tilespmem:s22], [sflag:$0x8], $0x40, s21, s16, $0xb8;
	[tilespmem:$0x189E0] =	vst v63  }
0x5d: {  	_ =	swait.ge [sflag:s28], $0x1400  }
0x5e: {  	[sflag:s28] =	ssyncset.done $0x0  }
0x5f: {  	s21 =	sadd.s32 $0x140, s19;
	[sflag:s28] =	ssyncadd.s32 $0xFFFFEC00  }
0x60: {  	[tilespmem:s17], [sflag:$0x1] =	stream.indirect.gather [hbm4b:s0+s16], $0x40, s21, s16, $0xb8;
	[tilespmem:$0x189E0] =	vst v63  }
0x61: {  	_ =	swait.ge [sflag:s29], $0x1400  }
0x62: {  	[sflag:s29] =	ssyncset.done $0x0  }
0x63: {  	s21 =	sadd.s32 $0x190, s19;
	[sflag:s29] =	ssyncadd.s32 $0xFFFFEC00  }
0x64: {  	[tilespmem:s18], [sflag:$0x2] =	stream.indirect.gather [hbm4b:s0+s16], $0x40, s21, s16, $0xb8;
	[tilespmem:$0x189E0] =	vst v63  }
0x65: {  	_ =	swait.ge [sflag:s30], $0x1400  }
0x66: {  	[sflag:s30] =	ssyncset.done $0x0  }
.Ltmp0:
0x67: {  	s21 =	sadd.s32 $0x1E0, s19;
	[sflag:s30] =	ssyncadd.s32 $0xFFFFEC00;
	(pc) =	sbr.rel @p1 .LBB2_2-.Ltmp0, $4  }
0x68: {  	[tilespmem:s20], [sflag:$0x3] =	stream.indirect.gather [hbm4b:s0+s16], $0x40, s21, s16, $0xb8;
	[tilespmem:$0x189E0] =	vst v63  }
0x69: {  	_ =	swait.ge [sflag:s31], $0x1400  }
0x6a: {  	[sflag:s31] =	ssyncset.done $0x0  }
0x6b: {  	s19 =	sadd.s32 $0x230, s19;
	[sflag:s31] =	ssyncadd.s32 $0xFFFFEC00  }
0x6c: {  	[tilespmem:s22], [sflag:$0x4] =	stream.indirect.gather [hbm4b:s0+s16], $0x40, s19, s16, $0xb8;
	[tilespmem:$0x189E0] =	vst v63  }
0x6d: {  	_ =	swait.ge [sflag:s23], $0x1400  }
0x6e: {  	[sflag:s23] =	ssyncset.done $0x0  }
0x6f: {  	s15 =	simm.s32 $0x9C40;
	[sflag:s23] =	ssyncadd.s32 $0xFFFFEC00  }
0x70: {  	[spmem:s2] =	stream.indirect.scatter.add.f32 [tilespmem:s17], [sflag:$0x5], $0x40, s15, s16, $0xb8;
	[tilespmem:$0x189E0] =	vst v63  }
0x71: {  	_ =	swait.ge [sflag:s24], $0x1400  }
0x72: {  	[sflag:s24] =	ssyncset.done $0x0  }
0x73: {  	s21 =	simm.s32 $0x9C90;
	[sflag:s24] =	ssyncadd.s32 $0xFFFFEC00  }
0x74: {  	[spmem:s2] =	stream.indirect.scatter.add.f32 [tilespmem:s18], [sflag:$0x6], $0x40, s21, s16, $0xb8;
	[tilespmem:$0x189E0] =	vst v63  }
0x75: {  	_ =	swait.ge [sflag:s25], $0x1400  }
0x76: {  	[sflag:s25] =	ssyncset.done $0x0  }
0x77: {  	s19 =	simm.s32 $0x9CE0;
	[sflag:s25] =	ssyncadd.s32 $0xFFFFEC00  }
0x78: {  	[spmem:s2] =	stream.indirect.scatter.add.f32 [tilespmem:s20], [sflag:$0x7], $0x40, s19, s16, $0xb8;
	[tilespmem:$0x189E0] =	vst v63  }
0x79: {  	_ =	swait.ge [sflag:s26], $0x1400  }
0x7a: {  	[sflag:s26] =	ssyncset.done $0x0  }
0x7b: {  	s21 =	simm.s32 $0x9D30;
	[sflag:s26] =	ssyncadd.s32 $0xFFFFEC00  }
0x7c: {  	[spmem:s2] =	stream.indirect.scatter.add.f32 [tilespmem:s22], [sflag:$0x8], $0x40, s21, s16, $0xb8;
	[tilespmem:$0x189E0] =	vst v63  }
0x7d: {  	_ =	swait.ge [sflag:s28], $0x1400  }
0x7e: {  	[sflag:s28] =	ssyncset.done $0x0  }
0x7f: {  	[sflag:s28] =	ssyncadd.s32 $0xFFFFEC00  }
0x80: {  	_ =	swait.ge [sflag:s29], $0x1400  }
0x81: {  	[sflag:s29] =	ssyncset.done $0x0  }
0x82: {  	[sflag:s29] =	ssyncadd.s32 $0xFFFFEC00  }
0x83: {  	_ =	swait.ge [sflag:s30], $0x1400  }
0x84: {  	[sflag:s30] =	ssyncset.done $0x0  }
0x85: {  	[sflag:s30] =	ssyncadd.s32 $0xFFFFEC00  }
0x86: {  	_ =	swait.ge [sflag:s31], $0x1400  }
0x87: {  	[sflag:s31] =	ssyncset.done $0x0  }
0x88: {  	[sflag:s31] =	ssyncadd.s32 $0xFFFFEC00  }
0x89: {  	[bflag:$0x0] =	sbarrier.arrive $0xFFFF  }
0x8a: {  	[hbm:s9], [sflag:s5] =	dma.local [spmem:s12], $0x1380  }
0x8b: {  	s1 =	sadd.s32 $0x1, s1;
	_ =	swait.ge [sflag:s13], $0x1380  }
0x8c: {  	p1 =	sne.s32 s1, s11;
	[sflag:s13] =	ssyncset.done $0x0  }
.Ltmp1:
0x8d: {  	s15 =	simm.s32 @!p0 $0x9;
	[sflag:s13] =	ssyncadd.s32 $0xFFFFEC80;
	(pc) =	sbr.rel @p1 .LBB2_1-.Ltmp1, $4  }
0x8e: {  	[hbm:s10], [sflag:s5] =	dma.local @!p0 [spmem:s14], $0x80  }
0x8f: {  	_ =	swait.ge @!p0 [sflag:s15], $0x80  }
0x90: {  	[sflag:s15] =	ssyncset.done @!p0 $0x0  }
0x91: {  	[sflag:s15] =	ssyncadd.s32 @!p0 $0xFFFFFF80  }
0x92: {  	_ =	sfence.sel $0x180000  }
0x93: {  	[bflag:$0x0] =	sbarrier.arrive $0xFFFF  }
0x94: {  	_ =	strace $0x9000004D  }
0x95: {  	[bflag:$0x2] =	sbarrier.arrive $0xFFFF  }
0x96: {  	s0 =	rddreg [dreg:$0x3]  }
0x97: {  	s0 =	sadd.s32 @!p0 $0x100000, s0  }
0x98: {  	[sflag:s0] =	ssyncadd.tile.s32 @!p0 $0x1;
	_ =	shalt  }
.Lfunc_end2:
_tile_overlayer_lowered:
.L_overlay_start_2:
0x99: {  	(tag) =	ssettag $0x2  }
0x9a: {  	s0 =	rddreg [dreg:$0x0];
	s2 =	stileid.u32  }
0x9b: {  	s1 =	rddreg [dreg:$0x1];
	p0 =	sne.s32 s2, $0x0  }
0x9c: {  	s3 =	rddreg [dreg:$0x2];
	[bflag:$0x3] =	sbarrier.arrive $0xFFFF;
	s2 =	simm.s32 @!p0 $0x1C09  }
0x9d: {  	[timem:s3], [sflag:s2] =	dma.local @!p0 [hbm:s0], s1  }
0x9e: {  	s0 =	simm.s32 @!p0 $0x9  }
0x9f: {  	_ =	swait.ge @!p0 [sflag:s0], s1  }
0xa0: {  	s1 =	ssub.s32 @!p0 $0x0, s1;
	[sflag:s0] =	ssyncset.done @!p0 $0x0  }
0xa1: {  	[sflag:s0] =	ssyncadd.s32 @!p0 s1  }
0xa2: {  	[bflag:$0x3] =	sbarrier.arrive $0xFFFF  }
0xa3: {  	_ =	shalt  }

// kernel: kernel.21.cloned.1.call-start
scs
__scs_entry_jumppad:
0x0: {  	(pc) =	sbr.rel $0x88, $3  }
0x1: {  	(tag) =	ssettag $0x0;
	lr =	simm.s32 $0x1  }
0x2: {  	[smem:$0x3F8F] =	sst lr;
	_ =	strace $0xD0000000  }
0x3: {  	_ = 	snop  }
0x4: {  	_ = 	snop  }
0x5: {  	_ = 	snop  }
0x6: {  	_ = 	snop  }
0x7: {  	_ = 	snop  }
__scs_overlays_trampoline_lowered:
0x8: {  	[smem:$0x3F9E] =	sst s0  }
0x9: {  	[smem:$0x3F9F] =	sst s1  }
0xa: {  	[smem:$0x3FA0] =	sst s2  }
0xb: {  	[smem:$0x3FA1] =	sst s3  }
0xc: {  	[smem:$0x3FA2] =	sst s4  }
0xd: {  	[smem:$0x3FA3] =	sst s5  }
0xe: {  	[smem:$0x3FA4] =	sst s6  }
0xf: {  	[smem:$0x3FA5] =	sst s7  }
0x10: {  	[smem:$0x3FA6] =	sst s8  }
0x11: {  	[smem:$0x3FA7] =	sst s9;
	s0 =	simm.s32 @!p0 $0x0  }
0x12: {  	s1 =	sld [smem:$0x3F8D];
	s0 =	simm.s32 @p0 $0x1  }
0x13: {  	[smem:$0x3FA8] =	sst s0;
	s0 =	simm.s32 @!p1 $0x0  }
0x14: {  	s2 =	sld [smem:$0x3F8C];
	s0 =	simm.s32 @p1 $0x1  }
0x15: {  	[smem:$0x3FA9] =	sst s0;
	s0 =	simm.s32 @!p2 $0x0  }
0x16: {  	s3 =	sld [smem:$0x3FDB];
	s0 =	simm.s32 @p2 $0x1  }
0x17: {  	s4 =	simm.s32 $0x1BF5;
	[smem:$0x3FAB] =	sst s0  }
0x18: {  	s0 =	sld [smem:$0x3F8E];
	_ =	swait.ge [sflag:s4], $0x0  }
0x19: {  	s7 =	sld [smem:$0x3F8F]  }
0x1a: {  	s8 =	sadd.s32 $0xFFFFE003, lr  }
0x1b: {  	s9 =	sadd.s32 $0xFFFFFEF7, lr;
	s5 =	simm.s32 $0xFFFFFFFF;
	p2 =	slt.u32 s8, $0xFFFFF086  }
0x1c: {  	p1 =	slt.u32 s9, $0xF7A;
	s5 =	simm.s32 @!p2 $0x0  }
0x1d: {  	s5 =	simm.s32 @p1 $0x1;
	p0 =	seq.s32 s7, s2  }
0x1e: {  	s7 =	smul.u32 @!p0 $0xF7A, s2;
	p2 =	seq.s32 @!p0 s5, $0x0  }
0x1f: {  	s9 =	smul.u32 $0xF7A, s1;
	s8 =	simm.s32 @!p0 $0x1BF5;
	p2 =	por !p2, p0  }
0x20: {  	[sflag:s8] =	ssyncset.s32 @!p0 $0xFFFFF086;
	s6 =	sadd.s32 @!p0 s3, s7;
	s7 =	simm.s32 @!p0 $0x108  }
0x21: {  	s3 =	sadd.s32 s3, s9;
	s6 =	sadd.s32 @!p0 $0x88, s6;
	s7 =	simm.s32 @p2 $0x1082  }
0x22: {  	[simem:s7], [sflag:s8] =	dma.local @!p0 [hbm:s6], $0xF7A  }
0x23: {  	s9 =	sor.u32 $0xD0000000, s2;
	s6 =	simm.s32 $0x108;
	_ =	swait.ge @!p0 [sflag:s8], $0x0  }
0x24: {  	s3 =	sadd.s32 $0x88, s3;
	s6 =	simm.s32 @!p1 $0x1082;
	[sflag:s4] =	ssyncset.s32 $0xFFFFF086  }
0x25: {  	[simem:s6], [sflag:s4] =	dma.local [hbm:s3], $0xF7A  }
0x26: {  	[smem:$0x3F8F] =	sst s1;
	(tag) =	ssettag s2;
	_ =	strace s9  }
0x27: {  	s1 =	sld [smem:$0x3F9F]  }
0x28: {  	s2 =	sld [smem:$0x3FA0]  }
0x29: {  	s4 =	sld [smem:$0x3FA2]  }
0x2a: {  	p0 =	seq.s32 s5, $0x0;
	s5 =	sld [smem:$0x3FA3]  }
0x2b: {  	s6 =	sld [smem:$0x3FA4]  }
0x2c: {  	s7 =	sld [smem:$0x3FA5]  }
0x2d: {  	s3 =	simm.s32 $0x108;
	s8 =	sld [smem:$0x3FA6]  }
0x2e: {  	s3 =	simm.s32 @!p0 $0x1082;
	s9 =	sld [smem:$0x3FA7]  }
0x2f: {  	lr =	sadd.s32 s0, s3;
	s0 =	sld [smem:$0x3F9E]  }
0x30: {  	s3 =	sld [smem:$0x3FA1]  }
0x31: {  	[smem:$0x3FAA] =	sst s10  }
0x32: {  	s10 =	sld [smem:$0x3FA8];
	_ =	sdelay $0x3  }
0x33: {  	p0 =	seq.s32 s10, $0x1;
	s10 =	sld [smem:$0x3FAA];
	_ =	sdelay $0x3  }
0x34: {  	[smem:$0x3FAA] =	sst s10  }
0x35: {  	s10 =	sld [smem:$0x3FA9];
	_ =	sdelay $0x3  }
0x36: {  	p1 =	seq.s32 s10, $0x1;
	s10 =	sld [smem:$0x3FAA];
	_ =	sdelay $0x3  }
0x37: {  	[smem:$0x3FAA] =	sst s10  }
0x38: {  	s10 =	sld [smem:$0x3FAB]  }
0x39: {  	_ = 	snop;
	(pc) =	sbr.ind lr, $3  }
0x3a: {  	_ = 	snop  }
0x3b: {  	_ = 	snop  }
0x3c: {  	p2 =	seq.s32 s10, $0x1;
	s10 =	sld [smem:$0x3FAA]  }
0x3d: {  	_ =	shalt  }
0x3e: {  	_ =	shalt  }
0x3f: {  	_ =	shalt  }
0x40: {  	_ =	shalt  }
0x41: {  	_ =	shalt  }
0x42: {  	_ =	shalt  }
0x43: {  	_ =	shalt  }
0x44: {  	_ =	shalt  }
0x45: {  	_ =	shalt  }
0x46: {  	_ =	shalt  }
0x47: {  	_ =	shalt  }
0x48: {  	_ =	shalt  }
0x49: {  	_ =	shalt  }
0x4a: {  	_ =	shalt  }
0x4b: {  	_ =	shalt  }
0x4c: {  	_ =	shalt  }
0x4d: {  	_ =	shalt  }
0x4e: {  	_ =	shalt  }
0x4f: {  	_ =	shalt  }
0x50: {  	_ =	shalt  }
0x51: {  	_ =	shalt  }
0x52: {  	_ =	shalt  }
0x53: {  	_ =	shalt  }
0x54: {  	_ =	shalt  }
0x55: {  	_ =	shalt  }
0x56: {  	_ =	shalt  }
0x57: {  	_ =	shalt  }
0x58: {  	_ =	shalt  }
0x59: {  	_ =	shalt  }
0x5a: {  	_ =	shalt  }
0x5b: {  	_ =	shalt  }
0x5c: {  	_ =	shalt  }
0x5d: {  	_ =	shalt  }
0x5e: {  	_ =	shalt  }
0x5f: {  	_ =	shalt  }
0x60: {  	_ =	shalt  }
0x61: {  	_ =	shalt  }
0x62: {  	_ =	shalt  }
0x63: {  	_ =	shalt  }
0x64: {  	_ =	shalt  }
0x65: {  	_ =	shalt  }
0x66: {  	_ =	shalt  }
0x67: {  	_ =	shalt  }
0x68: {  	_ =	shalt  }
0x69: {  	_ =	shalt  }
0x6a: {  	_ =	shalt  }
0x6b: {  	_ =	shalt  }
0x6c: {  	_ =	shalt  }
0x6d: {  	_ =	shalt  }
0x6e: {  	_ =	shalt  }
0x6f: {  	_ =	shalt  }
0x70: {  	_ =	shalt  }
0x71: {  	_ =	shalt  }
0x72: {  	_ =	shalt  }
0x73: {  	_ =	shalt  }
0x74: {  	_ =	shalt  }
0x75: {  	_ =	shalt  }
0x76: {  	_ =	shalt  }
0x77: {  	_ =	shalt  }
0x78: {  	_ =	shalt  }
0x79: {  	_ =	shalt  }
0x7a: {  	_ =	shalt  }
0x7b: {  	_ =	shalt  }
0x7c: {  	_ =	shalt  }
0x7d: {  	_ =	shalt  }
0x7e: {  	_ =	shalt  }
0x7f: {  	_ =	shalt  }
0x80: {  	_ =	shalt  }
0x81: {  	_ =	shalt  }
0x82: {  	_ =	shalt  }
0x83: {  	_ =	shalt  }
0x84: {  	_ =	shalt  }
0x85: {  	_ =	shalt  }
0x86: {  	_ =	shalt  }
0x87: {  	_ =	shalt  }
.Lfunc_end0:
.L_simem_size_0:
called_computation.3_lowered:
.L_overlay_start_0:
0x88: {  	s2 =	sld [smem:$0x3FD9]  }
0x89: {  	s3 =	sld [smem:$0x3FFE];
	_ =	sdelay $0x1  }
0x8a: {  	s1 =	srdreg.scid  }
0x8b: {  	s0 =	sand.u32 $0x1, s1  }
0x8c: {  	s17 =	sshll.u32 s0, $0xA;
	s2 =	sadd.s32 s3, s2  }
0x8d: {  	s2 =	sadd.s32 s2, s17  }
0x8e: {  	[smem:$0x3FB6] =	sst s2  }
0x8f: {  	_ = 	snop  }
0x90: {  	s2 =	sld [smem:$0x3FD0];
	(tm) =	ssettm $0x1  }
0x91: {  	s18 =	sld [smem:$0x3FFB];
	_ =	sdelay $0x3  }
0x92: {  	_ =	strace s18  }
0x93: {  	s3 =	sld [smem:$0x3FFC];
	_ =	sdelay $0x3  }
0x94: {  	_ =	strace s3  }
0x95: {  	s3 =	sld [smem:$0x3FFD];
	_ =	sdelay $0x3  }
0x96: {  	_ =	strace s3  }
0x97: {  	_ =	strace $0x8FFFFFFF  }
0x98: {  	s19 =	sld [smem:$0x3FDB];
	_ =	sdelay $0x1  }
0x99: {  	s4 =	simm.s32 $_scs_section_size  }
0x9a: {  	s5 =	simm.s32 $_size__tile_overlayer_lowered;
	s6 =	simm.s32 $_tile_overlayer_lowered  }
0x9b: {  	s22 =	simm.s32 $0x1BFF;
	s21 =	sshll.u32 s6, $0x1;
	s3 =	sadd.s32 s4, s19  }
0x9c: {  	s7 =	simm.s32 $0x0;
	s20 =	sshll.u32 s5, $0x1;
	s5 =	sadd.s32 s21, s3  }
0x9d: {  	[timem:s7], [sflag:s22] =	dma.local [hbm:s5], s20  }
0x9e: {  	_ =	swait.ge [sflag:s22], s20  }
0x9f: {  	s4 =	ssub.s32 $0x0, s20;
	[sflag:s22] =	ssyncset.done $0x0  }
0xa0: {  	[sflag:s22] =	ssyncadd.s32 s4;
	_ =	sdelay $0x1  }
0xa1: {  	s23 =	simm.s32 $0x1B8B  }
0xa2: {  	_ =	swait.ge [sflag:s23], $0x1  }
0xa3: {  	[sflag:s23] =	ssyncset.done $0x0  }
0xa4: {  	s25 =	simm.s32 $0x1B8E;
	s24 =	sld [smem:$0x3FFE];
	[sflag:s23] =	ssyncadd.s32 $0xFFFFFFFF  }
0xa5: {  	s26 =	simm.s32 $execute0_lowered;
	[smem:$0x3FD2] =	sst s25  }
0xa6: {  	s5 =	sshll.u32 s26, $0x1;
	_ =	strace $0x8000004F;
	[dreg:$0x1] =	wrdreg $0xFFFFFFFF  }
0xa7: {  	s28 =	simm.s32 $_size_execute0_lowered;
	s3 =	sadd.s32 s3, s5;
	[dreg:$0x0] =	wrdreg $0x0  }
0xa8: {  	s5 =	sshll.u32 s28, $0x1;
	[dreg:$0x2] =	wrdreg s3  }
0xa9: {  	[dreg:$0x3] =	wrdreg s5  }
0xaa: {  	[dreg:$0x4] =	wrdreg $0xC0  }
0xab: {  	_ =	task [dreg:s7], $0x5FFFF  }
0xac: {  	[dreg:$0x1] =	wrdreg $0xFFFFFFFF  }
0xad: {  	[dreg:$0x0] =	wrdreg $0x60  }
0xae: {  	[dreg:$0x2] =	wrdreg s2  }
0xaf: {  	[dreg:$0x3] =	wrdreg s24  }
0xb0: {  	[dreg:$0x4] =	wrdreg $0xED800  }
0xb1: {  	[dreg:$0x5] =	wrdreg $0x9  }
0xb2: {  	_ =	task.clear_ibuf [dreg:s7], $0x6FFFF;
	_ =	strace $0x9000004F  }
0xb3: {  	s29 =	simm.s32 $0x9;
	_ =	strace $0x80000051  }
0xb4: {  	_ =	swait.ge [sflag:s29], $0x1  }
0xb5: {  	[sflag:s29] =	ssyncadd.s32 $0xFFFFFFFF  }
0xb6: {  	_ =	strace $0x90000051  }
0xb7: {  	_ =	sfence  }
0xb8: {  	s30 =	sld [smem:$0x0];
	_ =	sdelay $0x2  }
0xb9: {  	s31 =	sshll.u32 s1, $0xD;
	s1 =	sshrl.u32 s1, $0x2  }
0xba: {  	s3 =	sand.u32 $0x4000, s31;
	s1 =	sadd.s32 s1, s30  }
0xbb: {  	s0 =	sor.u32 s3, s0;
	s1 =	sshll.u32 s1, $0x11  }
0xbc: {  	s0 =	sor.u32 s1, s0  }
0xbd: {  	s0 =	sadd.s32 $0x8F2B, s0  }
0xbe: {  	[sflag:s0] =	ssyncadd.remote.s32 $0x1  }
0xbf: {  	_ =	sfence.sel $0xFFFF  }
0xc0: {  	[dreg:$0x0] =	wrdreg $0xFFFFFFFF;
	(pc) =	sbr.abs _section_cstart, $3  }
0xc1: {  	[dreg:$0x1] =	wrdreg $0xFFFFFFFF  }
0xc2: {  	_ =	task.clear_ibuf [dreg:s7], $0x2FFFF;
	_ =	strace $0x9FFFFFFF  }
0xc3: {  	(tm) =	ssettm $0x7FFFFFFF  }
tec
execute0_lowered:
.L_overlay_start_1:
0x0: {  	(tag) =	ssettag $0x1  }
0x1: {  	s0 =	rddreg [dreg:$0x0]  }
0x2: {  	s1 =	srdreg.scid;
	s6 =	rddreg [dreg:$0x1]  }
0x3: {  	s12 =	stileid.u32;
	s2 =	rddreg [dreg:$0x2];
	s3 =	simm.s32 $0x0  }
0x4: {  	s16 =	simm.s32 $0x50;
	s17 =	simm.s32 $0x9D80;
	s18 =	simm.s32 $0xB180  }
0x5: {  	s20 =	simm.s32 $0xC580;
	s22 =	simm.s32 $0xD980;
	s23 =	simm.s32 $0x1  }
0x6: {  	s28 =	simm.s32 $0x5;
	s29 =	simm.s32 $0x6;
	s30 =	simm.s32 $0x7  }
0x7: {  	s31 =	simm.s32 $0x8;
	s1 =	sand.u32 $0x1, s1;
	s7 =	smul.u32 $0x9C00, s12  }
0x8: {  	[smem:$0x7FF] =	sst s3;
	s10 =	sadd.s32 $0x3B200, s6;
	s25 =	sshll.u32 s12, $0x6  }
0x9: {  	s14 =	sadd.s32 $0x9C000, s2;
	p0 =	sne.s32 s12, $0x0;
	s4 =	sshll.u32 s1, $0x4  }
0xa: {  	_ =	strace $0x80000050;
	s8 =	ssub.s32 $0x2, s1;
	s1 =	smul.u32 $0x9C400, s1  }
0xb: {  	s14 =	sshrl.u32 @!p0 s14, $0x3;
	s4 =	sor.u32 s12, s4;
	s5 =	sshrl.u32 s7, $0x3  }
0xc: {  	s24 =	sshrl.u32 s8, $0x1;
	s13 =	sadd.s32 s7, s2;
	s4 =	smul.u32 $0x9D8, s4  }
0xd: {  	s5 =	sadd.s32 s5, s6;
	s11 =	ssub.s32 s8, s24;
	s26 =	sadd.s32 s7, s1  }
0xe: {  	s1 =	sshrl.u32 s1, $0x3;
	s12 =	sshrl.u32 s13, $0x3;
	s13 =	simm.s32 $0x9  }
0xf: {  	s24 =	simm.s32 $0x2;
	s15 =	sshrl.u32 s26, $0x3;
	s1 =	sadd.s32 s10, s1  }
0x10: {  	s11 =	smax.u32 s11, $0x1;
	s26 =	simm.s32 $0x4;
	s9 =	sadd.s32 s4, s6  }
0x11: {  	s4 =	sadd.s32 $0x62400, s5;
	s5 =	sor.u32 $0x1C09, s25;
	s6 =	sadd.s32 $0x75C00, s6  }
0x12: {  	s25 =	simm.s32 $0x3;
	s7 =	sadd.s32 $0x13A00, s9;
	s8 =	sadd.s32 $0x27600, s9  }
0x13: {  	s9 =	sadd.s32 s10, s15;
	s10 =	sadd.s32 $0x13800, s1;
	s1 =	simm.s32 $0x0  }
.LBB2_1:
0x14: {  	[spmem:s12], [sflag:s5] =	dma.local [hbm:s4], $0x1380  }
0x15: {  	_ =	swait.ge [sflag:s13], $0x1380  }
0x16: {  	[sflag:s13] =	ssyncset.done $0x0  }
0x17: {  	s15 =	simm.s32 @!p0 $0x9;
	[sflag:s13] =	ssyncadd.s32 $0xFFFFEC80  }
0x18: {  	[spmem:s14], [sflag:s5] =	dma.local @!p0 [hbm:s6], $0x80  }
0x19: {  	_ =	swait.ge @!p0 [sflag:s15], $0x80  }
0x1a: {  	[sflag:s15] =	ssyncset.done @!p0 $0x0  }
0x1b: {  	[sflag:s15] =	ssyncadd.s32 @!p0 $0xFFFFFF80  }
0x1c: {  	[tilespmem:s3], [sflag:$0x9] =	stream.linear.gather [hbm4b:s7+s3], $0x4EC0, $0x38;
	[tilespmem:$0x189E0] =	vst v63  }
0x1d: {  	_ =	swait.ge [sflag:s13], $0x4EC0  }
0x1e: {  	[sflag:s13] =	ssyncset.done $0x0  }
0x1f: {  	s19 =	simm.s32 $0x4EC0;
	[sflag:s13] =	ssyncadd.s32 $0xFFFFB140  }
0x20: {  	[tilespmem:s19], [sflag:$0x9] =	stream.linear.gather [hbm4b:s8+s3], $0x4EC0, $0x38;
	[tilespmem:$0x189E0] =	vst v63  }
0x21: {  	_ =	swait.ge [sflag:s13], $0x4EC0  }
0x22: {  	[sflag:s13] =	ssyncset.done $0x0  }
0x23: {  	[sflag:s13] =	ssyncadd.s32 $0xFFFFB140  }
0x24: {  	[bflag:$0x0] =	sbarrier.arrive $0xFFFF  }
0x25: {  	[tilespmem:s17], [sflag:$0x1] =	stream.indirect.gather [hbm4b:s0+s16], $0x40, s3, s16, $0xb8;
	[tilespmem:$0x189E0] =	vst v63  }
0x26: {  	_ = 	snop  }
0x27: {  	[tilespmem:s18], [sflag:$0x2] =	stream.indirect.gather [hbm4b:s0+s16], $0x40, s16, s16, $0xb8;
	[tilespmem:$0x189E0] =	vst v63  }
0x28: {  	s21 =	simm.s32 $0xA0  }
0x29: {  	[tilespmem:s20], [sflag:$0x3] =	stream.indirect.gather [hbm4b:s0+s16], $0x40, s21, s16, $0xb8;
	[tilespmem:$0x189E0] =	vst v63  }
0x2a: {  	s19 =	simm.s32 $0xF0  }
0x2b: {  	[tilespmem:s22], [sflag:$0x4] =	stream.indirect.gather [hbm4b:s0+s16], $0x40, s19, s16, $0xb8;
	[tilespmem:$0x189E0] =	vst v63  }
0x2c: {  	_ =	swait.ge [sflag:s23], $0x1400  }
0x2d: {  	[sflag:s23] =	ssyncset.done $0x0  }
0x2e: {  	s21 =	simm.s32 $0x4EC0;
	[sflag:s23] =	ssyncadd.s32 $0xFFFFEC00  }
0x2f: {  	[spmem:s2] =	stream.indirect.scatter.add.f32 [tilespmem:s17], [sflag:$0x5], $0x40, s21, s16, $0xb8;
	[tilespmem:$0x189E0] =	vst v63  }
0x30: {  	_ =	swait.ge [sflag:s24], $0x1400  }
0x31: {  	[sflag:s24] =	ssyncset.done $0x0  }
0x32: {  	s19 =	simm.s32 $0x4F10;
	[sflag:s24] =	ssyncadd.s32 $0xFFFFEC00  }
0x33: {  	[spmem:s2] =	stream.indirect.scatter.add.f32 [tilespmem:s18], [sflag:$0x6], $0x40, s19, s16, $0xb8;
	[tilespmem:$0x189E0] =	vst v63  }
0x34: {  	_ =	swait.ge [sflag:s25], $0x1400  }
0x35: {  	[sflag:s25] =	ssyncset.done $0x0  }
0x36: {  	s21 =	simm.s32 $0x4F60;
	[sflag:s25] =	ssyncadd.s32 $0xFFFFEC00  }
0x37: {  	[spmem:s2] =	stream.indirect.scatter.add.f32 [tilespmem:s20], [sflag:$0x7], $0x40, s21, s16, $0xb8;
	[tilespmem:$0x189E0] =	vst v63  }
0x38: {  	_ =	swait.ge [sflag:s26], $0x1400  }
0x39: {  	[sflag:s26] =	ssyncset.done $0x0  }
0x3a: {  	s19 =	simm.s32 $0x4FB0;
	[sflag:s26] =	ssyncadd.s32 $0xFFFFEC00  }
0x3b: {  	[spmem:s2] =	stream.indirect.scatter.add.f32 [tilespmem:s22], [sflag:$0x8], $0x40, s19, s16, $0xb8;
	[tilespmem:$0x189E0] =	vst v63  }
0x3c: {  	_ =	swait.ge [sflag:s28], $0x1400  }
0x3d: {  	[sflag:s28] =	ssyncset.done $0x0  }
0x3e: {  	s21 =	simm.s32 $0x140;
	[sflag:s28] =	ssyncadd.s32 $0xFFFFEC00  }
0x3f: {  	[tilespmem:s17], [sflag:$0x1] =	stream.indirect.gather [hbm4b:s0+s16], $0x40, s21, s16, $0xb8;
	[tilespmem:$0x189E0] =	vst v63  }
0x40: {  	_ =	swait.ge [sflag:s29], $0x1400  }
0x41: {  	[sflag:s29] =	ssyncset.done $0x0  }
0x42: {  	s19 =	simm.s32 $0x190;
	[sflag:s29] =	ssyncadd.s32 $0xFFFFEC00  }
0x43: {  	[tilespmem:s18], [sflag:$0x2] =	stream.indirect.gather [hbm4b:s0+s16], $0x40, s19, s16, $0xb8;
	[tilespmem:$0x189E0] =	vst v63  }
0x44: {  	_ =	swait.ge [sflag:s30], $0x1400  }
0x45: {  	[sflag:s30] =	ssyncset.done $0x0  }
0x46: {  	s21 =	simm.s32 $0x1E0;
	[sflag:s30] =	ssyncadd.s32 $0xFFFFEC00  }
0x47: {  	[tilespmem:s20], [sflag:$0x3] =	stream.indirect.gather [hbm4b:s0+s16], $0x40, s21, s16, $0xb8;
	[tilespmem:$0x189E0] =	vst v63  }
0x48: {  	_ =	swait.ge [sflag:s31], $0x1400  }
0x49: {  	[sflag:s31] =	ssyncset.done $0x0  }
0x4a: {  	s15 =	simm.s32 $0x500;
	s19 =	simm.s32 $0x230;
	[sflag:s31] =	ssyncadd.s32 $0xFFFFEC00  }
.LBB2_2:
0x4b: {  	[tilespmem:s22], [sflag:$0x4] =	stream.indirect.gather [hbm4b:s0+s16], $0x40, s19, s16, $0xb8;
	[tilespmem:$0x189E0] =	vst v63  }
0x4c: {  	s19 =	smov.u32 s15  }
0x4d: {  	p1 =	sne.s32 s15, $0x13100;
	s15 =	sadd.s32 $0x500, s15;
	_ =	swait.ge [sflag:s23], $0x1400  }
0x4e: {  	s19 =	sshra.s32 s19, $0x2;
	[sflag:s23] =	ssyncset.done $0x0  }
0x4f: {  	s21 =	sadd.s32 $0x4EC0, s19;
	[sflag:s23] =	ssyncadd.s32 $0xFFFFEC00  }
0x50: {  	[spmem:s2] =	stream.indirect.scatter.add.f32 [tilespmem:s17], [sflag:$0x5], $0x40, s21, s16, $0xb8;
	[tilespmem:$0x189E0] =	vst v63  }
0x51: {  	_ =	swait.ge [sflag:s24], $0x1400  }
0x52: {  	[sflag:s24] =	ssyncset.done $0x0  }
0x53: {  	s21 =	sadd.s32 $0x4F10, s19;
	[sflag:s24] =	ssyncadd.s32 $0xFFFFEC00  }
0x54: {  	[spmem:s2] =	stream.indirect.scatter.add.f32 [tilespmem:s18], [sflag:$0x6], $0x40, s21, s16, $0xb8;
	[tilespmem:$0x189E0] =	vst v63  }
0x55: {  	_ =	swait.ge [sflag:s25], $0x1400  }
0x56: {  	[sflag:s25] =	ssyncset.done $0x0  }
0x57: {  	s21 =	sadd.s32 $0x4F60, s19;
	[sflag:s25] =	ssyncadd.s32 $0xFFFFEC00  }
0x58: {  	[spmem:s2] =	stream.indirect.scatter.add.f32 [tilespmem:s20], [sflag:$0x7], $0x40, s21, s16, $0xb8;
	[tilespmem:$0x189E0] =	vst v63  }
0x59: {  	_ =	swait.ge [sflag:s26], $0x1400  }
0x5a: {  	[sflag:s26] =	ssyncset.done $0x0  }
0x5b: {  	s21 =	sadd.s32 $0x4FB0, s19;
	[sflag:s26] =	ssyncadd.s32 $0xFFFFEC00  }
0x5c: {  	[spmem:s2] =	stream.indirect.scatter.add.f32 [tilespmem:s22], [sflag:$0x8], $0x40, s21, s16, $0xb8;
	[tilespmem:$0x189E0] =	vst v63  }
0x5d: {  	_ =	swait.ge [sflag:s28], $0x1400  }
0x5e: {  	[sflag:s28] =	ssyncset.done $0x0  }
0x5f: {  	s21 =	sadd.s32 $0x140, s19;
	[sflag:s28] =	ssyncadd.s32 $0xFFFFEC00  }
0x60: {  	[tilespmem:s17], [sflag:$0x1] =	stream.indirect.gather [hbm4b:s0+s16], $0x40, s21, s16, $0xb8;
	[tilespmem:$0x189E0] =	vst v63  }
0x61: {  	_ =	swait.ge [sflag:s29], $0x1400  }
0x62: {  	[sflag:s29] =	ssyncset.done $0x0  }
0x63: {  	s21 =	sadd.s32 $0x190, s19;
	[sflag:s29] =	ssyncadd.s32 $0xFFFFEC00  }
0x64: {  	[tilespmem:s18], [sflag:$0x2] =	stream.indirect.gather [hbm4b:s0+s16], $0x40, s21, s16, $0xb8;
	[tilespmem:$0x189E0] =	vst v63  }
0x65: {  	_ =	swait.ge [sflag:s30], $0x1400  }
0x66: {  	[sflag:s30] =	ssyncset.done $0x0  }
.Ltmp0:
0x67: {  	s21 =	sadd.s32 $0x1E0, s19;
	[sflag:s30] =	ssyncadd.s32 $0xFFFFEC00;
	(pc) =	sbr.rel @p1 .LBB2_2-.Ltmp0, $4  }
0x68: {  	[tilespmem:s20], [sflag:$0x3] =	stream.indirect.gather [hbm4b:s0+s16], $0x40, s21, s16, $0xb8;
	[tilespmem:$0x189E0] =	vst v63  }
0x69: {  	_ =	swait.ge [sflag:s31], $0x1400  }
0x6a: {  	[sflag:s31] =	ssyncset.done $0x0  }
0x6b: {  	s19 =	sadd.s32 $0x230, s19;
	[sflag:s31] =	ssyncadd.s32 $0xFFFFEC00  }
0x6c: {  	[tilespmem:s22], [sflag:$0x4] =	stream.indirect.gather [hbm4b:s0+s16], $0x40, s19, s16, $0xb8;
	[tilespmem:$0x189E0] =	vst v63  }
0x6d: {  	_ =	swait.ge [sflag:s23], $0x1400  }
0x6e: {  	[sflag:s23] =	ssyncset.done $0x0  }
0x6f: {  	s15 =	simm.s32 $0x9C40;
	[sflag:s23] =	ssyncadd.s32 $0xFFFFEC00  }
0x70: {  	[spmem:s2] =	stream.indirect.scatter.add.f32 [tilespmem:s17], [sflag:$0x5], $0x40, s15, s16, $0xb8;
	[tilespmem:$0x189E0] =	vst v63  }
0x71: {  	_ =	swait.ge [sflag:s24], $0x1400  }
0x72: {  	[sflag:s24] =	ssyncset.done $0x0  }
0x73: {  	s21 =	simm.s32 $0x9C90;
	[sflag:s24] =	ssyncadd.s32 $0xFFFFEC00  }
0x74: {  	[spmem:s2] =	stream.indirect.scatter.add.f32 [tilespmem:s18], [sflag:$0x6], $0x40, s21, s16, $0xb8;
	[tilespmem:$0x189E0] =	vst v63  }
0x75: {  	_ =	swait.ge [sflag:s25], $0x1400  }
0x76: {  	[sflag:s25] =	ssyncset.done $0x0  }
0x77: {  	s19 =	simm.s32 $0x9CE0;
	[sflag:s25] =	ssyncadd.s32 $0xFFFFEC00  }
0x78: {  	[spmem:s2] =	stream.indirect.scatter.add.f32 [tilespmem:s20], [sflag:$0x7], $0x40, s19, s16, $0xb8;
	[tilespmem:$0x189E0] =	vst v63  }
0x79: {  	_ =	swait.ge [sflag:s26], $0x1400  }
0x7a: {  	[sflag:s26] =	ssyncset.done $0x0  }
0x7b: {  	s21 =	simm.s32 $0x9D30;
	[sflag:s26] =	ssyncadd.s32 $0xFFFFEC00  }
0x7c: {  	[spmem:s2] =	stream.indirect.scatter.add.f32 [tilespmem:s22], [sflag:$0x8], $0x40, s21, s16, $0xb8;
	[tilespmem:$0x189E0] =	vst v63  }
0x7d: {  	_ =	swait.ge [sflag:s28], $0x1400  }
0x7e: {  	[sflag:s28] =	ssyncset.done $0x0  }
0x7f: {  	[sflag:s28] =	ssyncadd.s32 $0xFFFFEC00  }
0x80: {  	_ =	swait.ge [sflag:s29], $0x1400  }
0x81: {  	[sflag:s29] =	ssyncset.done $0x0  }
0x82: {  	[sflag:s29] =	ssyncadd.s32 $0xFFFFEC00  }
0x83: {  	_ =	swait.ge [sflag:s30], $0x1400  }
0x84: {  	[sflag:s30] =	ssyncset.done $0x0  }
0x85: {  	[sflag:s30] =	ssyncadd.s32 $0xFFFFEC00  }
0x86: {  	_ =	swait.ge [sflag:s31], $0x1400  }
0x87: {  	[sflag:s31] =	ssyncset.done $0x0  }
0x88: {  	[sflag:s31] =	ssyncadd.s32 $0xFFFFEC00  }
0x89: {  	[bflag:$0x0] =	sbarrier.arrive $0xFFFF  }
0x8a: {  	[hbm:s9], [sflag:s5] =	dma.local [spmem:s12], $0x1380  }
0x8b: {  	s1 =	sadd.s32 $0x1, s1;
	_ =	swait.ge [sflag:s13], $0x1380  }
0x8c: {  	p1 =	sne.s32 s1, s11;
	[sflag:s13] =	ssyncset.done $0x0  }
.Ltmp1:
0x8d: {  	s15 =	simm.s32 @!p0 $0x9;
	[sflag:s13] =	ssyncadd.s32 $0xFFFFEC80;
	(pc) =	sbr.rel @p1 .LBB2_1-.Ltmp1, $4  }
0x8e: {  	[hbm:s10], [sflag:s5] =	dma.local @!p0 [spmem:s14], $0x80  }
0x8f: {  	_ =	swait.ge @!p0 [sflag:s15], $0x80  }
0x90: {  	[sflag:s15] =	ssyncset.done @!p0 $0x0  }
0x91: {  	[sflag:s15] =	ssyncadd.s32 @!p0 $0xFFFFFF80  }
0x92: {  	_ =	sfence.sel $0x180000  }
0x93: {  	[bflag:$0x0] =	sbarrier.arrive $0xFFFF  }
0x94: {  	_ =	strace $0x90000050  }
0x95: {  	[bflag:$0x2] =	sbarrier.arrive $0xFFFF  }
0x96: {  	s0 =	rddreg [dreg:$0x3]  }
0x97: {  	s0 =	sadd.s32 @!p0 $0x100000, s0  }
0x98: {  	[sflag:s0] =	ssyncadd.tile.s32 @!p0 $0x1;
	_ =	shalt  }
.Lfunc_end2:
_tile_overlayer_lowered:
.L_overlay_start_2:
0x99: {  	(tag) =	ssettag $0x2  }
0x9a: {  	s0 =	rddreg [dreg:$0x0];
	s2 =	stileid.u32  }
0x9b: {  	s1 =	rddreg [dreg:$0x1];
	p0 =	sne.s32 s2, $0x0  }
0x9c: {  	s3 =	rddreg [dreg:$0x2];
	[bflag:$0x3] =	sbarrier.arrive $0xFFFF;
	s2 =	simm.s32 @!p0 $0x1C09  }
0x9d: {  	[timem:s3], [sflag:s2] =	dma.local @!p0 [hbm:s0], s1  }
0x9e: {  	s0 =	simm.s32 @!p0 $0x9  }
0x9f: {  	_ =	swait.ge @!p0 [sflag:s0], s1  }
0xa0: {  	s1 =	ssub.s32 @!p0 $0x0, s1;
	[sflag:s0] =	ssyncset.done @!p0 $0x0  }
0xa1: {  	[sflag:s0] =	ssyncadd.s32 @!p0 s1  }
0xa2: {  	[bflag:$0x3] =	sbarrier.arrive $0xFFFF  }
0xa3: {  	_ =	shalt  }

// kernel: kernel.24.cloned.1.call-start
scs
__scs_entry_jumppad:
0x0: {  	(pc) =	sbr.rel $0x88, $3  }
0x1: {  	(tag) =	ssettag $0x0;
	lr =	simm.s32 $0x1  }
0x2: {  	[smem:$0x3F8F] =	sst lr;
	_ =	strace $0xD0000000  }
0x3: {  	_ = 	snop  }
0x4: {  	_ = 	snop  }
0x5: {  	_ = 	snop  }
0x6: {  	_ = 	snop  }
0x7: {  	_ = 	snop  }
__scs_overlays_trampoline_lowered:
0x8: {  	[smem:$0x3F9E] =	sst s0  }
0x9: {  	[smem:$0x3F9F] =	sst s1  }
0xa: {  	[smem:$0x3FA0] =	sst s2  }
0xb: {  	[smem:$0x3FA1] =	sst s3  }
0xc: {  	[smem:$0x3FA2] =	sst s4  }
0xd: {  	[smem:$0x3FA3] =	sst s5  }
0xe: {  	[smem:$0x3FA4] =	sst s6  }
0xf: {  	[smem:$0x3FA5] =	sst s7  }
0x10: {  	[smem:$0x3FA6] =	sst s8  }
0x11: {  	[smem:$0x3FA7] =	sst s9;
	s0 =	simm.s32 @!p0 $0x0  }
0x12: {  	s1 =	sld [smem:$0x3F8D];
	s0 =	simm.s32 @p0 $0x1  }
0x13: {  	[smem:$0x3FA8] =	sst s0;
	s0 =	simm.s32 @!p1 $0x0  }
0x14: {  	s2 =	sld [smem:$0x3F8C];
	s0 =	simm.s32 @p1 $0x1  }
0x15: {  	[smem:$0x3FA9] =	sst s0;
	s0 =	simm.s32 @!p2 $0x0  }
0x16: {  	s3 =	sld [smem:$0x3FDB];
	s0 =	simm.s32 @p2 $0x1  }
0x17: {  	s4 =	simm.s32 $0x1BF5;
	[smem:$0x3FAB] =	sst s0  }
0x18: {  	s0 =	sld [smem:$0x3F8E];
	_ =	swait.ge [sflag:s4], $0x0  }
0x19: {  	s7 =	sld [smem:$0x3F8F]  }
0x1a: {  	s8 =	sadd.s32 $0xFFFFE003, lr  }
0x1b: {  	s9 =	sadd.s32 $0xFFFFFEF7, lr;
	s5 =	simm.s32 $0xFFFFFFFF;
	p2 =	slt.u32 s8, $0xFFFFF086  }
0x1c: {  	p1 =	slt.u32 s9, $0xF7A;
	s5 =	simm.s32 @!p2 $0x0  }
0x1d: {  	s5 =	simm.s32 @p1 $0x1;
	p0 =	seq.s32 s7, s2  }
0x1e: {  	s7 =	smul.u32 @!p0 $0xF7A, s2;
	p2 =	seq.s32 @!p0 s5, $0x0  }
0x1f: {  	s9 =	smul.u32 $0xF7A, s1;
	s8 =	simm.s32 @!p0 $0x1BF5;
	p2 =	por !p2, p0  }
0x20: {  	[sflag:s8] =	ssyncset.s32 @!p0 $0xFFFFF086;
	s6 =	sadd.s32 @!p0 s3, s7;
	s7 =	simm.s32 @!p0 $0x108  }
0x21: {  	s3 =	sadd.s32 s3, s9;
	s6 =	sadd.s32 @!p0 $0x88, s6;
	s7 =	simm.s32 @p2 $0x1082  }
0x22: {  	[simem:s7], [sflag:s8] =	dma.local @!p0 [hbm:s6], $0xF7A  }
0x23: {  	s9 =	sor.u32 $0xD0000000, s2;
	s6 =	simm.s32 $0x108;
	_ =	swait.ge @!p0 [sflag:s8], $0x0  }
0x24: {  	s3 =	sadd.s32 $0x88, s3;
	s6 =	simm.s32 @!p1 $0x1082;
	[sflag:s4] =	ssyncset.s32 $0xFFFFF086  }
0x25: {  	[simem:s6], [sflag:s4] =	dma.local [hbm:s3], $0xF7A  }
0x26: {  	[smem:$0x3F8F] =	sst s1;
	(tag) =	ssettag s2;
	_ =	strace s9  }
0x27: {  	s1 =	sld [smem:$0x3F9F]  }
0x28: {  	s2 =	sld [smem:$0x3FA0]  }
0x29: {  	s4 =	sld [smem:$0x3FA2]  }
0x2a: {  	p0 =	seq.s32 s5, $0x0;
	s5 =	sld [smem:$0x3FA3]  }
0x2b: {  	s6 =	sld [smem:$0x3FA4]  }
0x2c: {  	s7 =	sld [smem:$0x3FA5]  }
0x2d: {  	s3 =	simm.s32 $0x108;
	s8 =	sld [smem:$0x3FA6]  }
0x2e: {  	s3 =	simm.s32 @!p0 $0x1082;
	s9 =	sld [smem:$0x3FA7]  }
0x2f: {  	lr =	sadd.s32 s0, s3;
	s0 =	sld [smem:$0x3F9E]  }
0x30: {  	s3 =	sld [smem:$0x3FA1]  }
0x31: {  	[smem:$0x3FAA] =	sst s10  }
0x32: {  	s10 =	sld [smem:$0x3FA8];
	_ =	sdelay $0x3  }
0x33: {  	p0 =	seq.s32 s10, $0x1;
	s10 =	sld [smem:$0x3FAA];
	_ =	sdelay $0x3  }
0x34: {  	[smem:$0x3FAA] =	sst s10  }
0x35: {  	s10 =	sld [smem:$0x3FA9];
	_ =	sdelay $0x3  }
0x36: {  	p1 =	seq.s32 s10, $0x1;
	s10 =	sld [smem:$0x3FAA];
	_ =	sdelay $0x3  }
0x37: {  	[smem:$0x3FAA] =	sst s10  }
0x38: {  	s10 =	sld [smem:$0x3FAB]  }
0x39: {  	_ = 	snop;
	(pc) =	sbr.ind lr, $3  }
0x3a: {  	_ = 	snop  }
0x3b: {  	_ = 	snop  }
0x3c: {  	p2 =	seq.s32 s10, $0x1;
	s10 =	sld [smem:$0x3FAA]  }
0x3d: {  	_ =	shalt  }
0x3e: {  	_ =	shalt  }
0x3f: {  	_ =	shalt  }
0x40: {  	_ =	shalt  }
0x41: {  	_ =	shalt  }
0x42: {  	_ =	shalt  }
0x43: {  	_ =	shalt  }
0x44: {  	_ =	shalt  }
0x45: {  	_ =	shalt  }
0x46: {  	_ =	shalt  }
0x47: {  	_ =	shalt  }
0x48: {  	_ =	shalt  }
0x49: {  	_ =	shalt  }
0x4a: {  	_ =	shalt  }
0x4b: {  	_ =	shalt  }
0x4c: {  	_ =	shalt  }
0x4d: {  	_ =	shalt  }
0x4e: {  	_ =	shalt  }
0x4f: {  	_ =	shalt  }
0x50: {  	_ =	shalt  }
0x51: {  	_ =	shalt  }
0x52: {  	_ =	shalt  }
0x53: {  	_ =	shalt  }
0x54: {  	_ =	shalt  }
0x55: {  	_ =	shalt  }
0x56: {  	_ =	shalt  }
0x57: {  	_ =	shalt  }
0x58: {  	_ =	shalt  }
0x59: {  	_ =	shalt  }
0x5a: {  	_ =	shalt  }
0x5b: {  	_ =	shalt  }
0x5c: {  	_ =	shalt  }
0x5d: {  	_ =	shalt  }
0x5e: {  	_ =	shalt  }
0x5f: {  	_ =	shalt  }
0x60: {  	_ =	shalt  }
0x61: {  	_ =	shalt  }
0x62: {  	_ =	shalt  }
0x63: {  	_ =	shalt  }
0x64: {  	_ =	shalt  }
0x65: {  	_ =	shalt  }
0x66: {  	_ =	shalt  }
0x67: {  	_ =	shalt  }
0x68: {  	_ =	shalt  }
0x69: {  	_ =	shalt  }
0x6a: {  	_ =	shalt  }
0x6b: {  	_ =	shalt  }
0x6c: {  	_ =	shalt  }
0x6d: {  	_ =	shalt  }
0x6e: {  	_ =	shalt  }
0x6f: {  	_ =	shalt  }
0x70: {  	_ =	shalt  }
0x71: {  	_ =	shalt  }
0x72: {  	_ =	shalt  }
0x73: {  	_ =	shalt  }
0x74: {  	_ =	shalt  }
0x75: {  	_ =	shalt  }
0x76: {  	_ =	shalt  }
0x77: {  	_ =	shalt  }
0x78: {  	_ =	shalt  }
0x79: {  	_ =	shalt  }
0x7a: {  	_ =	shalt  }
0x7b: {  	_ =	shalt  }
0x7c: {  	_ =	shalt  }
0x7d: {  	_ =	shalt  }
0x7e: {  	_ =	shalt  }
0x7f: {  	_ =	shalt  }
0x80: {  	_ =	shalt  }
0x81: {  	_ =	shalt  }
0x82: {  	_ =	shalt  }
0x83: {  	_ =	shalt  }
0x84: {  	_ =	shalt  }
0x85: {  	_ =	shalt  }
0x86: {  	_ =	shalt  }
0x87: {  	_ =	shalt  }
.Lfunc_end0:
.L_simem_size_0:
called_computation.4_lowered:
.L_overlay_start_0:
0x88: {  	s2 =	sld [smem:$0x3FD9]  }
0x89: {  	s3 =	sld [smem:$0x3FFE];
	_ =	sdelay $0x1  }
0x8a: {  	s1 =	srdreg.scid  }
0x8b: {  	s0 =	sand.u32 $0x1, s1  }
0x8c: {  	s17 =	sshll.u32 s0, $0xA;
	s2 =	sadd.s32 s3, s2  }
0x8d: {  	s2 =	sadd.s32 s2, s17  }
0x8e: {  	[smem:$0x3FB6] =	sst s2  }
0x8f: {  	_ = 	snop  }
0x90: {  	s2 =	sld [smem:$0x3FD0];
	(tm) =	ssettm $0x1  }
0x91: {  	s18 =	sld [smem:$0x3FFB];
	_ =	sdelay $0x3  }
0x92: {  	_ =	strace s18  }
0x93: {  	s3 =	sld [smem:$0x3FFC];
	_ =	sdelay $0x3  }
0x94: {  	_ =	strace s3  }
0x95: {  	s3 =	sld [smem:$0x3FFD];
	_ =	sdelay $0x3  }
0x96: {  	_ =	strace s3  }
0x97: {  	_ =	strace $0x8FFFFFFF  }
0x98: {  	s19 =	sld [smem:$0x3FDB];
	_ =	sdelay $0x1  }
0x99: {  	s4 =	simm.s32 $_scs_section_size  }
0x9a: {  	s5 =	simm.s32 $_size__tile_overlayer_lowered;
	s6 =	simm.s32 $_tile_overlayer_lowered  }
0x9b: {  	s22 =	simm.s32 $0x1BFF;
	s21 =	sshll.u32 s6, $0x1;
	s3 =	sadd.s32 s4, s19  }
0x9c: {  	s7 =	simm.s32 $0x0;
	s20 =	sshll.u32 s5, $0x1;
	s5 =	sadd.s32 s21, s3  }
0x9d: {  	[timem:s7], [sflag:s22] =	dma.local [hbm:s5], s20  }
0x9e: {  	_ =	swait.ge [sflag:s22], s20  }
0x9f: {  	s4 =	ssub.s32 $0x0, s20;
	[sflag:s22] =	ssyncset.done $0x0  }
0xa0: {  	[sflag:s22] =	ssyncadd.s32 s4;
	_ =	sdelay $0x1  }
0xa1: {  	s23 =	simm.s32 $0x1B8B  }
0xa2: {  	_ =	swait.ge [sflag:s23], $0x1  }
0xa3: {  	[sflag:s23] =	ssyncset.done $0x0  }
0xa4: {  	s25 =	simm.s32 $0x1B8E;
	s24 =	sld [smem:$0x3FFE];
	[sflag:s23] =	ssyncadd.s32 $0xFFFFFFFF  }
0xa5: {  	s26 =	simm.s32 $execute0_lowered;
	[smem:$0x3FD2] =	sst s25  }
0xa6: {  	s5 =	sshll.u32 s26, $0x1;
	_ =	strace $0x80000052;
	[dreg:$0x1] =	wrdreg $0xFFFFFFFF  }
0xa7: {  	s28 =	simm.s32 $_size_execute0_lowered;
	s3 =	sadd.s32 s3, s5;
	[dreg:$0x0] =	wrdreg $0x0  }
0xa8: {  	s5 =	sshll.u32 s28, $0x1;
	[dreg:$0x2] =	wrdreg s3  }
0xa9: {  	[dreg:$0x3] =	wrdreg s5  }
0xaa: {  	[dreg:$0x4] =	wrdreg $0xC0  }
0xab: {  	_ =	task [dreg:s7], $0x5FFFF  }
0xac: {  	[dreg:$0x1] =	wrdreg $0xFFFFFFFF  }
0xad: {  	[dreg:$0x0] =	wrdreg $0x60  }
0xae: {  	[dreg:$0x2] =	wrdreg s24  }
0xaf: {  	[dreg:$0x3] =	wrdreg s2  }
0xb0: {  	[dreg:$0x4] =	wrdreg $0xA0000  }
0xb1: {  	[dreg:$0x5] =	wrdreg $0x9  }
0xb2: {  	_ =	task.clear_ibuf [dreg:s7], $0x6FFFF;
	_ =	strace $0x90000052  }
0xb3: {  	s29 =	simm.s32 $0x9;
	_ =	strace $0x80000054  }
0xb4: {  	_ =	swait.ge [sflag:s29], $0x1  }
0xb5: {  	[sflag:s29] =	ssyncadd.s32 $0xFFFFFFFF  }
0xb6: {  	_ =	strace $0x90000054  }
0xb7: {  	_ =	sfence  }
0xb8: {  	s30 =	sld [smem:$0x0];
	_ =	sdelay $0x2  }
0xb9: {  	s31 =	sshll.u32 s1, $0xD;
	s1 =	sshrl.u32 s1, $0x2  }
0xba: {  	s3 =	sand.u32 $0x4000, s31;
	s1 =	sadd.s32 s1, s30  }
0xbb: {  	s0 =	sor.u32 s3, s0;
	s1 =	sshll.u32 s1, $0x11  }
0xbc: {  	s0 =	sor.u32 s1, s0  }
0xbd: {  	s0 =	sadd.s32 $0x8F2B, s0  }
0xbe: {  	[sflag:s0] =	ssyncadd.remote.s32 $0x1  }
0xbf: {  	_ =	sfence.sel $0xFFFF  }
0xc0: {  	[dreg:$0x0] =	wrdreg $0xFFFFFFFF;
	(pc) =	sbr.abs _section_cstart, $3  }
0xc1: {  	[dreg:$0x1] =	wrdreg $0xFFFFFFFF  }
0xc2: {  	_ =	task.clear_ibuf [dreg:s7], $0x2FFFF;
	_ =	strace $0x9FFFFFFF  }
0xc3: {  	(tm) =	ssettm $0x7FFFFFFF  }
tec
execute0_lowered:
.L_overlay_start_1:
0x0: {  	(tag) =	ssettag $0x1  }
0x1: {  	s0 =	rddreg [dreg:$0x0]  }
0x2: {  	s10 =	rddreg [dreg:$0x1]  }
0x3: {  	s1 =	rddreg [dreg:$0x2]  }
0x4: {  	s2 =	srdreg.scid;
	s12 =	stileid.u32;
	s16 =	simm.s32 $0x50  }
0x5: {  	s17 =	simm.s32 $0x5000;
	s18 =	simm.s32 $0x6400;
	s20 =	simm.s32 $0x7800  }
0x6: {  	s28 =	simm.s32 $0x5;
	s29 =	simm.s32 $0x6;
	s30 =	simm.s32 $0x7  }
0x7: {  	s31 =	simm.s32 $0x8;
	s4 =	sand.u32 $0x1, s2;
	s2 =	simm.s32 $0x0  }
0x8: {  	s7 =	smul.u32 $0x9C00, s12;
	s23 =	sshll.u32 s12, $0x6;
	s14 =	sadd.s32 $0x9C000, s1  }
0x9: {  	p0 =	sne.s32 s12, $0x0;
	s3 =	sshll.u32 s4, $0x4;
	[smem:$0x7FF] =	sst s2  }
0xa: {  	s8 =	ssub.s32 $0x2, s4;
	s24 =	smul.u32 $0x9C400, s4;
	s14 =	sshrl.u32 @!p0 s14, $0x3  }
0xb: {  	s3 =	sor.u32 s12, s3;
	_ =	strace $0x80000053;
	s6 =	sshrl.u32 s7, $0x3  }
0xc: {  	s22 =	sshrl.u32 s8, $0x1;
	s13 =	sadd.s32 s7, s1;
	s5 =	smul.u32 $0x500, s3  }
0xd: {  	s3 =	sadd.s32 $0xE800, s0;
	s6 =	sadd.s32 s6, s0;
	s11 =	ssub.s32 s8, s22  }
0xe: {  	s25 =	sadd.s32 s7, s24;
	s15 =	sshrl.u32 s24, $0x3;
	s12 =	sshrl.u32 s13, $0x3  }
0xf: {  	s13 =	simm.s32 $0x9;
	s22 =	simm.s32 $0x8C00;
	s24 =	simm.s32 $0x2  }
0x10: {  	s4 =	sadd.s32 $0x62400, s6;
	s6 =	sadd.s32 $0x75C00, s0;
	s26 =	sadd.s32 s10, s15  }
0x11: {  	s11 =	smax.u32 s11, $0x1;
	s9 =	sadd.s32 s5, s0;
	s5 =	sor.u32 $0x1C09, s23  }
0x12: {  	s0 =	sshrl.u32 s25, $0x3;
	s23 =	simm.s32 $0x1;
	s25 =	simm.s32 $0x3  }
0x13: {  	s7 =	sadd.s32 $0x75E00, s9;
	s8 =	sadd.s32 $0x4800, s9;
	s9 =	sadd.s32 s10, s0  }
0x14: {  	s10 =	sadd.s32 $0x13800, s26;
	s26 =	simm.s32 $0x4;
	s0 =	simm.s32 $0x0  }
.LBB2_1:
0x15: {  	[spmem:s12], [sflag:s5] =	dma.local [hbm:s4], $0x1380  }
0x16: {  	_ =	swait.ge [sflag:s13], $0x1380  }
0x17: {  	[sflag:s13] =	ssyncset.done $0x0  }
0x18: {  	s15 =	simm.s32 @!p0 $0x9;
	[sflag:s13] =	ssyncadd.s32 $0xFFFFEC80  }
0x19: {  	[spmem:s14], [sflag:s5] =	dma.local @!p0 [hbm:s6], $0x80  }
0x1a: {  	_ =	swait.ge @!p0 [sflag:s15], $0x80  }
0x1b: {  	[sflag:s15] =	ssyncset.done @!p0 $0x0  }
0x1c: {  	[sflag:s15] =	ssyncadd.s32 @!p0 $0xFFFFFF80  }
0x1d: {  	[tilespmem:s2], [sflag:$0x9] =	stream.linear.gather [hbm4b:s7+s2], $0x2800, $0x38;
	[tilespmem:$0x13C60] =	vst v63  }
0x1e: {  	_ =	swait.ge [sflag:s13], $0x2800  }
0x1f: {  	[sflag:s13] =	ssyncset.done $0x0  }
0x20: {  	s19 =	simm.s32 $0x2800;
	[sflag:s13] =	ssyncadd.s32 $0xFFFFD800  }
0x21: {  	[tilespmem:s19], [sflag:$0x9] =	stream.linear.gather [hbm4b:s8+s2], $0x2800, $0x38;
	[tilespmem:$0x13C60] =	vst v63  }
0x22: {  	_ =	swait.ge [sflag:s13], $0x2800  }
0x23: {  	[sflag:s13] =	ssyncset.done $0x0  }
0x24: {  	[sflag:s13] =	ssyncadd.s32 $0xFFFFD800  }
0x25: {  	[bflag:$0x0] =	sbarrier.arrive $0xFFFF  }
0x26: {  	[tilespmem:s17], [sflag:$0x1] =	stream.indirect.gather [hbm4b:s3+s16], $0x40, s2, s16, $0xb8;
	[tilespmem:$0x13C60] =	vst v63  }
0x27: {  	_ = 	snop  }
0x28: {  	[tilespmem:s18], [sflag:$0x2] =	stream.indirect.gather [hbm4b:s3+s16], $0x40, s16, s16, $0xb8;
	[tilespmem:$0x13C60] =	vst v63  }
0x29: {  	s21 =	simm.s32 $0xA0  }
0x2a: {  	[tilespmem:s20], [sflag:$0x3] =	stream.indirect.gather [hbm4b:s3+s16], $0x40, s21, s16, $0xb8;
	[tilespmem:$0x13C60] =	vst v63  }
0x2b: {  	s19 =	simm.s32 $0xF0  }
0x2c: {  	[tilespmem:s22], [sflag:$0x4] =	stream.indirect.gather [hbm4b:s3+s16], $0x40, s19, s16, $0xb8;
	[tilespmem:$0x13C60] =	vst v63  }
0x2d: {  	_ =	swait.ge [sflag:s23], $0x1400  }
0x2e: {  	[sflag:s23] =	ssyncset.done $0x0  }
0x2f: {  	s21 =	simm.s32 $0x2800;
	[sflag:s23] =	ssyncadd.s32 $0xFFFFEC00  }
0x30: {  	[spmem:s1] =	stream.indirect.scatter.add.f32 [tilespmem:s17], [sflag:$0x5], $0x40, s21, s16, $0xb8;
	[tilespmem:$0x13C60] =	vst v63  }
0x31: {  	_ =	swait.ge [sflag:s24], $0x1400  }
0x32: {  	[sflag:s24] =	ssyncset.done $0x0  }
0x33: {  	s19 =	simm.s32 $0x2850;
	[sflag:s24] =	ssyncadd.s32 $0xFFFFEC00  }
0x34: {  	[spmem:s1] =	stream.indirect.scatter.add.f32 [tilespmem:s18], [sflag:$0x6], $0x40, s19, s16, $0xb8;
	[tilespmem:$0x13C60] =	vst v63  }
0x35: {  	_ =	swait.ge [sflag:s25], $0x1400  }
0x36: {  	[sflag:s25] =	ssyncset.done $0x0  }
0x37: {  	s21 =	simm.s32 $0x28A0;
	[sflag:s25] =	ssyncadd.s32 $0xFFFFEC00  }
0x38: {  	[spmem:s1] =	stream.indirect.scatter.add.f32 [tilespmem:s20], [sflag:$0x7], $0x40, s21, s16, $0xb8;
	[tilespmem:$0x13C60] =	vst v63  }
0x39: {  	_ =	swait.ge [sflag:s26], $0x1400  }
0x3a: {  	[sflag:s26] =	ssyncset.done $0x0  }
0x3b: {  	s19 =	simm.s32 $0x28F0;
	[sflag:s26] =	ssyncadd.s32 $0xFFFFEC00  }
0x3c: {  	[spmem:s1] =	stream.indirect.scatter.add.f32 [tilespmem:s22], [sflag:$0x8], $0x40, s19, s16, $0xb8;
	[tilespmem:$0x13C60] =	vst v63  }
0x3d: {  	_ =	swait.ge [sflag:s28], $0x1400  }
0x3e: {  	[sflag:s28] =	ssyncset.done $0x0  }
0x3f: {  	s21 =	simm.s32 $0x140;
	[sflag:s28] =	ssyncadd.s32 $0xFFFFEC00  }
0x40: {  	[tilespmem:s17], [sflag:$0x1] =	stream.indirect.gather [hbm4b:s3+s16], $0x40, s21, s16, $0xb8;
	[tilespmem:$0x13C60] =	vst v63  }
0x41: {  	_ =	swait.ge [sflag:s29], $0x1400  }
0x42: {  	[sflag:s29] =	ssyncset.done $0x0  }
0x43: {  	s19 =	simm.s32 $0x190;
	[sflag:s29] =	ssyncadd.s32 $0xFFFFEC00  }
0x44: {  	[tilespmem:s18], [sflag:$0x2] =	stream.indirect.gather [hbm4b:s3+s16], $0x40, s19, s16, $0xb8;
	[tilespmem:$0x13C60] =	vst v63  }
0x45: {  	_ =	swait.ge [sflag:s30], $0x1400  }
0x46: {  	[sflag:s30] =	ssyncset.done $0x0  }
0x47: {  	s21 =	simm.s32 $0x1E0;
	[sflag:s30] =	ssyncadd.s32 $0xFFFFEC00  }
0x48: {  	[tilespmem:s20], [sflag:$0x3] =	stream.indirect.gather [hbm4b:s3+s16], $0x40, s21, s16, $0xb8;
	[tilespmem:$0x13C60] =	vst v63  }
0x49: {  	_ =	swait.ge [sflag:s31], $0x1400  }
0x4a: {  	[sflag:s31] =	ssyncset.done $0x0  }
0x4b: {  	s15 =	simm.s32 $0x500;
	s19 =	simm.s32 $0x230;
	[sflag:s31] =	ssyncadd.s32 $0xFFFFEC00  }
.LBB2_2:
0x4c: {  	[tilespmem:s22], [sflag:$0x4] =	stream.indirect.gather [hbm4b:s3+s16], $0x40, s19, s16, $0xb8;
	[tilespmem:$0x13C60] =	vst v63  }
0x4d: {  	s19 =	smov.u32 s15  }
0x4e: {  	p1 =	sne.s32 s15, $0x9600;
	s15 =	sadd.s32 $0x500, s15;
	_ =	swait.ge [sflag:s23], $0x1400  }
0x4f: {  	s19 =	sshra.s32 s19, $0x2;
	[sflag:s23] =	ssyncset.done $0x0  }
0x50: {  	s21 =	sadd.s32 $0x2800, s19;
	[sflag:s23] =	ssyncadd.s32 $0xFFFFEC00  }
0x51: {  	[spmem:s1] =	stream.indirect.scatter.add.f32 [tilespmem:s17], [sflag:$0x5], $0x40, s21, s16, $0xb8;
	[tilespmem:$0x13C60] =	vst v63  }
0x52: {  	_ =	swait.ge [sflag:s24], $0x1400  }
0x53: {  	[sflag:s24] =	ssyncset.done $0x0  }
0x54: {  	s21 =	sadd.s32 $0x2850, s19;
	[sflag:s24] =	ssyncadd.s32 $0xFFFFEC00  }
0x55: {  	[spmem:s1] =	stream.indirect.scatter.add.f32 [tilespmem:s18], [sflag:$0x6], $0x40, s21, s16, $0xb8;
	[tilespmem:$0x13C60] =	vst v63  }
0x56: {  	_ =	swait.ge [sflag:s25], $0x1400  }
0x57: {  	[sflag:s25] =	ssyncset.done $0x0  }
0x58: {  	s21 =	sadd.s32 $0x28A0, s19;
	[sflag:s25] =	ssyncadd.s32 $0xFFFFEC00  }
0x59: {  	[spmem:s1] =	stream.indirect.scatter.add.f32 [tilespmem:s20], [sflag:$0x7], $0x40, s21, s16, $0xb8;
	[tilespmem:$0x13C60] =	vst v63  }
0x5a: {  	_ =	swait.ge [sflag:s26], $0x1400  }
0x5b: {  	[sflag:s26] =	ssyncset.done $0x0  }
0x5c: {  	s21 =	sadd.s32 $0x28F0, s19;
	[sflag:s26] =	ssyncadd.s32 $0xFFFFEC00  }
0x5d: {  	[spmem:s1] =	stream.indirect.scatter.add.f32 [tilespmem:s22], [sflag:$0x8], $0x40, s21, s16, $0xb8;
	[tilespmem:$0x13C60] =	vst v63  }
0x5e: {  	_ =	swait.ge [sflag:s28], $0x1400  }
0x5f: {  	[sflag:s28] =	ssyncset.done $0x0  }
0x60: {  	s21 =	sadd.s32 $0x140, s19;
	[sflag:s28] =	ssyncadd.s32 $0xFFFFEC00  }
0x61: {  	[tilespmem:s17], [sflag:$0x1] =	stream.indirect.gather [hbm4b:s3+s16], $0x40, s21, s16, $0xb8;
	[tilespmem:$0x13C60] =	vst v63  }
0x62: {  	_ =	swait.ge [sflag:s29], $0x1400  }
0x63: {  	[sflag:s29] =	ssyncset.done $0x0  }
0x64: {  	s21 =	sadd.s32 $0x190, s19;
	[sflag:s29] =	ssyncadd.s32 $0xFFFFEC00  }
0x65: {  	[tilespmem:s18], [sflag:$0x2] =	stream.indirect.gather [hbm4b:s3+s16], $0x40, s21, s16, $0xb8;
	[tilespmem:$0x13C60] =	vst v63  }
0x66: {  	_ =	swait.ge [sflag:s30], $0x1400  }
0x67: {  	[sflag:s30] =	ssyncset.done $0x0  }
.Ltmp0:
0x68: {  	s21 =	sadd.s32 $0x1E0, s19;
	[sflag:s30] =	ssyncadd.s32 $0xFFFFEC00;
	(pc) =	sbr.rel @p1 .LBB2_2-.Ltmp0, $4  }
0x69: {  	[tilespmem:s20], [sflag:$0x3] =	stream.indirect.gather [hbm4b:s3+s16], $0x40, s21, s16, $0xb8;
	[tilespmem:$0x13C60] =	vst v63  }
0x6a: {  	_ =	swait.ge [sflag:s31], $0x1400  }
0x6b: {  	[sflag:s31] =	ssyncset.done $0x0  }
0x6c: {  	s19 =	sadd.s32 $0x230, s19;
	[sflag:s31] =	ssyncadd.s32 $0xFFFFEC00  }
0x6d: {  	[tilespmem:s22], [sflag:$0x4] =	stream.indirect.gather [hbm4b:s3+s16], $0x40, s19, s16, $0xb8;
	[tilespmem:$0x13C60] =	vst v63  }
0x6e: {  	_ =	swait.ge [sflag:s23], $0x1400  }
0x6f: {  	[sflag:s23] =	ssyncset.done $0x0  }
0x70: {  	s15 =	simm.s32 $0x4EC0;
	[sflag:s23] =	ssyncadd.s32 $0xFFFFEC00  }
0x71: {  	[spmem:s1] =	stream.indirect.scatter.add.f32 [tilespmem:s17], [sflag:$0x5], $0x40, s15, s16, $0xb8;
	[tilespmem:$0x13C60] =	vst v63  }
0x72: {  	_ =	swait.ge [sflag:s24], $0x1400  }
0x73: {  	[sflag:s24] =	ssyncset.done $0x0  }
0x74: {  	s21 =	simm.s32 $0x4F10;
	[sflag:s24] =	ssyncadd.s32 $0xFFFFEC00  }
0x75: {  	[spmem:s1] =	stream.indirect.scatter.add.f32 [tilespmem:s18], [sflag:$0x6], $0x40, s21, s16, $0xb8;
	[tilespmem:$0x13C60] =	vst v63  }
0x76: {  	_ =	swait.ge [sflag:s25], $0x1400  }
0x77: {  	[sflag:s25] =	ssyncset.done $0x0  }
0x78: {  	s19 =	simm.s32 $0x4F60;
	[sflag:s25] =	ssyncadd.s32 $0xFFFFEC00  }
0x79: {  	[spmem:s1] =	stream.indirect.scatter.add.f32 [tilespmem:s20], [sflag:$0x7], $0x40, s19, s16, $0xb8;
	[tilespmem:$0x13C60] =	vst v63  }
0x7a: {  	_ =	swait.ge [sflag:s26], $0x1400  }
0x7b: {  	[sflag:s26] =	ssyncset.done $0x0  }
0x7c: {  	s21 =	simm.s32 $0x4FB0;
	[sflag:s26] =	ssyncadd.s32 $0xFFFFEC00  }
0x7d: {  	[spmem:s1] =	stream.indirect.scatter.add.f32 [tilespmem:s22], [sflag:$0x8], $0x40, s21, s16, $0xb8;
	[tilespmem:$0x13C60] =	vst v63  }
0x7e: {  	_ =	swait.ge [sflag:s28], $0x1400  }
0x7f: {  	[sflag:s28] =	ssyncset.done $0x0  }
0x80: {  	[sflag:s28] =	ssyncadd.s32 $0xFFFFEC00  }
0x81: {  	_ =	swait.ge [sflag:s29], $0x1400  }
0x82: {  	[sflag:s29] =	ssyncset.done $0x0  }
0x83: {  	[sflag:s29] =	ssyncadd.s32 $0xFFFFEC00  }
0x84: {  	_ =	swait.ge [sflag:s30], $0x1400  }
0x85: {  	[sflag:s30] =	ssyncset.done $0x0  }
0x86: {  	[sflag:s30] =	ssyncadd.s32 $0xFFFFEC00  }
0x87: {  	_ =	swait.ge [sflag:s31], $0x1400  }
0x88: {  	[sflag:s31] =	ssyncset.done $0x0  }
0x89: {  	[sflag:s31] =	ssyncadd.s32 $0xFFFFEC00  }
0x8a: {  	[bflag:$0x0] =	sbarrier.arrive $0xFFFF  }
0x8b: {  	[hbm:s9], [sflag:s5] =	dma.local [spmem:s12], $0x1380  }
0x8c: {  	s0 =	sadd.s32 $0x1, s0;
	_ =	swait.ge [sflag:s13], $0x1380  }
0x8d: {  	p1 =	sne.s32 s0, s11;
	[sflag:s13] =	ssyncset.done $0x0  }
.Ltmp1:
0x8e: {  	s15 =	simm.s32 @!p0 $0x9;
	[sflag:s13] =	ssyncadd.s32 $0xFFFFEC80;
	(pc) =	sbr.rel @p1 .LBB2_1-.Ltmp1, $4  }
0x8f: {  	[hbm:s10], [sflag:s5] =	dma.local @!p0 [spmem:s14], $0x80  }
0x90: {  	_ =	swait.ge @!p0 [sflag:s15], $0x80  }
0x91: {  	[sflag:s15] =	ssyncset.done @!p0 $0x0  }
0x92: {  	[sflag:s15] =	ssyncadd.s32 @!p0 $0xFFFFFF80  }
0x93: {  	_ =	sfence.sel $0x180000  }
0x94: {  	[bflag:$0x0] =	sbarrier.arrive $0xFFFF  }
0x95: {  	_ =	strace $0x90000053  }
0x96: {  	[bflag:$0x2] =	sbarrier.arrive $0xFFFF  }
0x97: {  	s0 =	rddreg [dreg:$0x3]  }
0x98: {  	s0 =	sadd.s32 @!p0 $0x100000, s0  }
0x99: {  	[sflag:s0] =	ssyncadd.tile.s32 @!p0 $0x1;
	_ =	shalt  }
.Lfunc_end2:
_tile_overlayer_lowered:
.L_overlay_start_2:
0x9a: {  	(tag) =	ssettag $0x2  }
0x9b: {  	s0 =	rddreg [dreg:$0x0];
	s2 =	stileid.u32  }
0x9c: {  	s1 =	rddreg [dreg:$0x1];
	p0 =	sne.s32 s2, $0x0  }
0x9d: {  	s3 =	rddreg [dreg:$0x2];
	[bflag:$0x3] =	sbarrier.arrive $0xFFFF;
	s2 =	simm.s32 @!p0 $0x1C09  }
0x9e: {  	[timem:s3], [sflag:s2] =	dma.local @!p0 [hbm:s0], s1  }
0x9f: {  	s0 =	simm.s32 @!p0 $0x9  }
0xa0: {  	_ =	swait.ge @!p0 [sflag:s0], s1  }
0xa1: {  	s1 =	ssub.s32 @!p0 $0x0, s1;
	[sflag:s0] =	ssyncset.done @!p0 $0x0  }
0xa2: {  	[sflag:s0] =	ssyncadd.s32 @!p0 s1  }
0xa3: {  	[bflag:$0x3] =	sbarrier.arrive $0xFFFF  }
0xa4: {  	_ =	shalt  }

</sc_bundles>
